<compile_context>
chip_gen: v7x
topology: tpu7x:2x2x1
jax: 0.10.2.dev20260603
libtpu: 0.0.44.dev20260713+nightly
codegen_flags: <defaults>
</compile_context>

<pallas_src>
import jax
import jax.numpy as jnp
from jax.experimental import pallas as pl
from jax.experimental.pallas import tpu as pltpu

THRESHOLD = 0.05
WEIGHT = 1.0

B = 8
N = 16384
M = 2048
BN = 16384
NBLK = N // BN
CH = 256
NCH = BN // CH


def _loss_kernel(pg_ref, at_ref, c2l_ref, out_ref, s_ref, n_ref, p2s_ref):
    b = pl.program_id(0)
    i = pl.program_id(1)
    step = b * NBLK + i

    @pl.when(step == 0)
    def _init():
        s_ref[...] = jnp.zeros_like(s_ref)
        n_ref[...] = jnp.zeros_like(n_ref)

    pg = pg_ref[0]
    at = at_ref[0]
    c2l = c2l_ref[0]

    @pl.when(i == 0)
    def _batch_setup():
        p2 = jnp.sum(pg * pg, axis=1, keepdims=True)
        p2s_ref[...] = jnp.broadcast_to(p2, (M, CH))

    p2s = p2s_ref[...]

    svec = jnp.zeros((1, CH), jnp.float32)
    nvec = jnp.zeros((1, CH), jnp.float32)
    for q in range(NCH):
        atc = at[:, q * CH:(q + 1) * CH]
        e = jnp.dot(pg, atc, preferred_element_type=jnp.float32)
        e = e + p2s
        rows = M
        while rows > 8:
            half = rows // 2
            e = jnp.minimum(e[:half], e[half:rows])
            rows = half
        dminc = jnp.min(e, axis=0, keepdims=True)
        dminc = jnp.maximum(dminc + c2l[q:q + 1, :], 0.0)
        mask = dminc < THRESHOLD
        svec = svec + jnp.where(mask, dminc, 0.0)
        nvec = nvec + mask.astype(jnp.float32)

    s_ref[...] += svec
    n_ref[...] += nvec

    @pl.when(step == B * NBLK - 1)
    def _finish():
        s = jnp.sum(s_ref[...])
        mm = jnp.sum(n_ref[...])
        out_ref[0, 0] = jnp.where(mm > 0.0, s / (mm + 1e-6), 0.0)


@jax.jit
def kernel(completed, partial):
    ci = jnp.argsort(completed[..., 0], axis=1)
    completed = jnp.take_along_axis(completed, ci[..., None], axis=1)
    pi = jnp.argsort(partial[..., 0], axis=1)
    partial = jnp.take_along_axis(partial, pi[..., None], axis=1)
    pg = jnp.pad(partial, ((0, 0), (0, 0), (0, 5)))
    at = jnp.transpose(-2.0 * completed, (0, 2, 1))
    at = jnp.pad(at, ((0, 0), (0, 5), (0, 0)))
    c2 = jnp.sum(completed * completed, axis=-1)
    c2l = c2.reshape(B, N // CH, CH)

    out = pl.pallas_call(
        _loss_kernel,
        grid=(B, NBLK),
        in_specs=[
            pl.BlockSpec((1, M, 8), lambda b, i: (b, 0, 0)),
            pl.BlockSpec((1, 8, BN), lambda b, i: (b, 0, i)),
            pl.BlockSpec((1, BN // CH, CH), lambda b, i: (b, i, 0)),
        ],
        out_specs=pl.BlockSpec(memory_space=pltpu.SMEM),
        out_shape=jax.ShapeDtypeStruct((1, 1), jnp.float32),
        scratch_shapes=[
            pltpu.VMEM((1, CH), jnp.float32),
            pltpu.VMEM((1, CH), jnp.float32),
            pltpu.VMEM((M, CH), jnp.float32),
        ],
    )(pg, at, c2l)
    return WEIGHT * out[0, 0]

# --- scband reference (transcript-rebuilt; emitter-appended) ---
"""Pipeline reference for scband-partial-matching-loss-64991445123087 (READ-ONLY COPY).

The authoritative reference and input builder live on the scoring server;
editing this copy changes nothing except your own understanding.
"""

import jax, jax.numpy as jnp
import numpy as np

THRESHOLD = 0.05
WEIGHT = 1.0


def setup_inputs(seed: int = 0) -> dict:
    key = jax.random.key(seed)
    k1, k2 = jax.random.split(key)
    completed = jax.random.uniform(k1, (8, 16384, 3), dtype=jnp.float32)
    partial = jax.random.uniform(k2, (8, 2048, 3), dtype=jnp.float32)
    return {"completed": completed, "partial": partial}


def _min_sq_dist_per_batch(cp):
    # c: (N, 3), p: (M, 3) -> (N,) squared distance to nearest point in p
    c, p = cp
    c2 = jnp.sum(c * c, axis=-1)          # (N,)
    p2 = jnp.sum(p * p, axis=-1)          # (M,)
    cross = c @ p.T                        # (N, M)
    d = c2[:, None] + p2[None, :] - 2.0 * cross
    d = jnp.maximum(d, 0.0)
    return jnp.min(d, axis=-1)


def reference(completed, partial):
    # chamfer_3DDist(completed, partial)[0]: squared distance from each
    # point in `completed` to its nearest neighbor in `partial` -> (B, N)
    dist_complete_to_partial = jax.lax.map(
        _min_sq_dist_per_batch, (completed, partial)
    )
    mask = (dist_complete_to_partial < THRESHOLD).astype(jnp.float32)
    msum = jnp.sum(mask)
    loss = jnp.where(
        msum > 0,
        jnp.sum(dist_complete_to_partial * mask) / (msum + 1e-06),
        jnp.array(0.0, dtype=jnp.float32),
    )
    return WEIGHT * loss

if __name__ == "__main__":
    import jax
    _d = setup_inputs()
    print(jax.jit(kernel)(*tuple(_d.values())))

</pallas_src>

<mosaic_0001>
module attributes {stable_mosaic.version = 14 : i64} {
  func.func @_loss_kernel(%arg0: i32, %arg1: i32, %arg2: memref<1x2048x8xf32, #tpu.memory_space<vmem>>, %arg3: memref<1x8x16384xf32, #tpu.memory_space<vmem>>, %arg4: memref<1x64x256xf32, #tpu.memory_space<vmem>>, %arg5: memref<1x1xf32, #tpu.memory_space<smem>>, %arg6: memref<1x256xf32, #tpu.memory_space<vmem>>, %arg7: memref<1x256xf32, #tpu.memory_space<vmem>>, %arg8: memref<2048x256xf32, #tpu.memory_space<vmem>>) attributes {dimension_semantics = [#tpu.dimension_semantics<arbitrary>, #tpu.dimension_semantics<arbitrary>], iteration_bounds = array<i64: 8, 1>, scalar_prefetch = 0 : i64, scratch_operands = 3 : i64, tpu.core_type = #tpu.core_type<tc>, window_params = [{transform_indices = @transform_0, window_bounds = array<i64: 1, 2048, 8>}, {transform_indices = @transform_1, window_bounds = array<i64: 1, 8, 16384>}, {transform_indices = @transform_2, window_bounds = array<i64: 1, 64, 256>}, {transform_indices = @transform_3, window_bounds = array<i64: 1, 1>}]} {
    %mul3A = arith.constant 1 : i32
    %mul3A_0 = arith.muli %arg0, %mul3A : i32
    %add3A = arith.addi %mul3A_0, %arg1 : i32
    %eq3A = arith.constant 0 : i32
    %eq3A_1 = arith.cmpi eq, %add3A, %eq3A : i32
    %convert_element_type3A = arith.extui %eq3A_1 : i1 to i32
    %cond3A = arith.constant 0 : i32
    %cond3A_2 = arith.cmpi ne, %convert_element_type3A, %cond3A : i32
    scf.if %cond3A_2 {
      %broadcast_in_dim3A_2982 = arith.constant 0.000000e+00 : f32
      %broadcast_in_dim3A_2983 = vector.broadcast %broadcast_in_dim3A_2982 : f32 to vector<1x256xf32>
      %swap3A_2984 = arith.constant 0 : index
      %swap3A_2985 = arith.constant 0 : index
      %swap3A_2986 = vector.load %arg6[%swap3A_2984, %swap3A_2985] : memref<1x256xf32, #tpu.memory_space<vmem>>, vector<1x256xf32>
      tpu.vector_store %arg6[%swap3A_2984, %swap3A_2985], %broadcast_in_dim3A_2983 {strides = array<i32>} : memref<1x256xf32, #tpu.memory_space<vmem>>, vector<1x256xf32>,
      %broadcast_in_dim3A_2987 = arith.constant 0.000000e+00 : f32
      %broadcast_in_dim3A_2988 = vector.broadcast %broadcast_in_dim3A_2987 : f32 to vector<1x256xf32>
      %swap3A_2989 = arith.constant 0 : index
      %swap3A_2990 = arith.constant 0 : index
      %swap3A_2991 = vector.load %arg7[%swap3A_2989, %swap3A_2990] : memref<1x256xf32, #tpu.memory_space<vmem>>, vector<1x256xf32>
      tpu.vector_store %arg7[%swap3A_2989, %swap3A_2990], %broadcast_in_dim3A_2988 {strides = array<i32>} : memref<1x256xf32, #tpu.memory_space<vmem>>, vector<1x256xf32>,
    } else {
    }
    %get3A = arith.constant 0 : index
    %get3A_3 = arith.constant 0 : index
    %get3A_4 = arith.constant 0 : index
    %get3A_5 = vector.load %arg2[%get3A, %get3A_3, %get3A_4] : memref<1x2048x8xf32, #tpu.memory_space<vmem>>, vector<1x2048x8xf32>
    %get3A_6 = vector.shape_cast %get3A_5 : vector<1x2048x8xf32> to vector<2048x8xf32>
    %get3A_7 = arith.constant 0 : index
    %get3A_8 = arith.constant 0 : index
    %get3A_9 = arith.constant 0 : index
    %get3A_10 = vector.load %arg3[%get3A_7, %get3A_8, %get3A_9] : memref<1x8x16384xf32, #tpu.memory_space<vmem>>, vector<1x8x16384xf32>
    %get3A_11 = vector.shape_cast %get3A_10 : vector<1x8x16384xf32> to vector<8x16384xf32>
    %get3A_12 = arith.constant 0 : index
    %get3A_13 = arith.constant 0 : index
    %get3A_14 = arith.constant 0 : index
    %get3A_15 = vector.load %arg4[%get3A_12, %get3A_13, %get3A_14] : memref<1x64x256xf32, #tpu.memory_space<vmem>>, vector<1x64x256xf32>
    %get3A_16 = vector.shape_cast %get3A_15 : vector<1x64x256xf32> to vector<64x256xf32>
    %eq3A_17 = arith.constant 0 : i32
    %eq3A_18 = arith.cmpi eq, %arg1, %eq3A_17 : i32
    %convert_element_type3A_19 = arith.extui %eq3A_18 : i1 to i32
    %cond3A_20 = arith.constant 0 : i32
    %cond3A_21 = arith.cmpi ne, %convert_element_type3A_19, %cond3A_20 : i32
    scf.if %cond3A_21 {
      %mul3A_2982 = arith.mulf %get3A_6, %get3A_6 : vector<2048x8xf32>
      %reduce_sum3A = arith.constant dense<0.000000e+00> : vector<2048xf32>
      %reduce_sum3A_2983 = vector.multi_reduction <add>, %mul3A_2982, %reduce_sum3A [1] : vector<2048x8xf32> to vector<2048xf32>
      %broadcast_in_dim3A_2984 = vector.shape_cast %reduce_sum3A_2983 : vector<2048xf32> to vector<2048x1xf32>
      %broadcast_in_dim3A_2985 = vector.shape_cast %broadcast_in_dim3A_2984 : vector<2048x1xf32> to vector<2048x1xf32>
      %broadcast_in_dim3A_2986 = vector.broadcast %broadcast_in_dim3A_2985 : vector<2048x1xf32> to vector<2048x256xf32>
      %swap3A_2987 = arith.constant 0 : index
      %swap3A_2988 = arith.constant 0 : index
      %swap3A_2989 = vector.load %arg8[%swap3A_2987, %swap3A_2988] : memref<2048x256xf32, #tpu.memory_space<vmem>>, vector<2048x256xf32>
      tpu.vector_store %arg8[%swap3A_2987, %swap3A_2988], %broadcast_in_dim3A_2986 {strides = array<i32>} : memref<2048x256xf32, #tpu.memory_space<vmem>>, vector<2048x256xf32>,
    } else {
    }
    %get3A_22 = arith.constant 0 : index
    %get3A_23 = arith.constant 0 : index
    %get3A_24 = vector.load %arg8[%get3A_22, %get3A_23] : memref<2048x256xf32, #tpu.memory_space<vmem>>, vector<2048x256xf32>
    %broadcast_in_dim3A = arith.constant 0.000000e+00 : f32
    %broadcast_in_dim3A_25 = vector.broadcast %broadcast_in_dim3A : f32 to vector<1x256xf32>
    %broadcast_in_dim3A_26 = arith.constant 0.000000e+00 : f32
    %broadcast_in_dim3A_27 = vector.broadcast %broadcast_in_dim3A_26 : f32 to vector<1x256xf32>
    %slice3A = vector.extract_strided_slice %get3A_11 {offsets = [0, 0], sizes = [8, 256], strides = [1, 1]} : vector<8x16384xf32> to vector<8x256xf32>
    %dot_general3A = arith.constant dense<0.000000e+00> : vector<2048x256xf32>
    %dot_general3A_28 = tpu.matmul %get3A_6, %slice3A, %dot_general3A {dimension_numbers = #tpu.dot_dimension_numbers<[1], [0], [0], [1], [0, 0, 1, 1], [], []>, transpose_lhs_hint = false} : vector<2048x8xf32>, vector<8x256xf32>, vector<2048x256xf32> -> vector<2048x256xf32>
    %add3A_29 = arith.addf %dot_general3A_28, %get3A_24 : vector<2048x256xf32>
    %slice3A_30 = vector.extract_strided_slice %add3A_29 {offsets = [0, 0], sizes = [1024, 256], strides = [1, 1]} : vector<2048x256xf32> to vector<1024x256xf32>
    %slice3A_31 = vector.extract_strided_slice %add3A_29 {offsets = [1024, 0], sizes = [1024, 256], strides = [1, 1]} : vector<2048x256xf32> to vector<1024x256xf32>
    %min3A = arith.minimumf %slice3A_30, %slice3A_31 : vector<1024x256xf32>
    %slice3A_32 = vector.extract_strided_slice %min3A {offsets = [0, 0], sizes = [512, 256], strides = [1, 1]} : vector<1024x256xf32> to vector<512x256xf32>
    %slice3A_33 = vector.extract_strided_slice %min3A {offsets = [512, 0], sizes = [512, 256], strides = [1, 1]} : vector<1024x256xf32> to vector<512x256xf32>
    %min3A_34 = arith.minimumf %slice3A_32, %slice3A_33 : vector<512x256xf32>
    %slice3A_35 = vector.extract_strided_slice %min3A_34 {offsets = [0, 0], sizes = [256, 256], strides = [1, 1]} : vector<512x256xf32> to vector<256x256xf32>
    %slice3A_36 = vector.extract_strided_slice %min3A_34 {offsets = [256, 0], sizes = [256, 256], strides = [1, 1]} : vector<512x256xf32> to vector<256x256xf32>
    %min3A_37 = arith.minimumf %slice3A_35, %slice3A_36 : vector<256x256xf32>
    %slice3A_38 = vector.extract_strided_slice %min3A_37 {offsets = [0, 0], sizes = [128, 256], strides = [1, 1]} : vector<256x256xf32> to vector<128x256xf32>
    %slice3A_39 = vector.extract_strided_slice %min3A_37 {offsets = [128, 0], sizes = [128, 256], strides = [1, 1]} : vector<256x256xf32> to vector<128x256xf32>
    %min3A_40 = arith.minimumf %slice3A_38, %slice3A_39 : vector<128x256xf32>
    %slice3A_41 = vector.extract_strided_slice %min3A_40 {offsets = [0, 0], sizes = [64, 256], strides = [1, 1]} : vector<128x256xf32> to vector<64x256xf32>
    %slice3A_42 = vector.extract_strided_slice %min3A_40 {offsets = [64, 0], sizes = [64, 256], strides = [1, 1]} : vector<128x256xf32> to vector<64x256xf32>
    %min3A_43 = arith.minimumf %slice3A_41, %slice3A_42 : vector<64x256xf32>
    %slice3A_44 = vector.extract_strided_slice %min3A_43 {offsets = [0, 0], sizes = [32, 256], strides = [1, 1]} : vector<64x256xf32> to vector<32x256xf32>
    %slice3A_45 = vector.extract_strided_slice %min3A_43 {offsets = [32, 0], sizes = [32, 256], strides = [1, 1]} : vector<64x256xf32> to vector<32x256xf32>
    %min3A_46 = arith.minimumf %slice3A_44, %slice3A_45 : vector<32x256xf32>
    %slice3A_47 = vector.extract_strided_slice %min3A_46 {offsets = [0, 0], sizes = [16, 256], strides = [1, 1]} : vector<32x256xf32> to vector<16x256xf32>
    %slice3A_48 = vector.extract_strided_slice %min3A_46 {offsets = [16, 0], sizes = [16, 256], strides = [1, 1]} : vector<32x256xf32> to vector<16x256xf32>
    %min3A_49 = arith.minimumf %slice3A_47, %slice3A_48 : vector<16x256xf32>
    %slice3A_50 = vector.extract_strided_slice %min3A_49 {offsets = [0, 0], sizes = [8, 256], strides = [1, 1]} : vector<16x256xf32> to vector<8x256xf32>
    %slice3A_51 = vector.extract_strided_slice %min3A_49 {offsets = [8, 0], sizes = [8, 256], strides = [1, 1]} : vector<16x256xf32> to vector<8x256xf32>
    %min3A_52 = arith.minimumf %slice3A_50, %slice3A_51 : vector<8x256xf32>
    %reduce_min3A = arith.constant dense<0x7F800000> : vector<256xf32>
    %reduce_min3A_53 = vector.multi_reduction <minimumf>, %min3A_52, %reduce_min3A [0] : vector<8x256xf32> to vector<256xf32>
    %broadcast_in_dim3A_54 = vector.shape_cast %reduce_min3A_53 : vector<256xf32> to vector<1x256xf32>
    %slice3A_55 = vector.extract_strided_slice %get3A_16 {offsets = [0, 0], sizes = [1, 256], strides = [1, 1]} : vector<64x256xf32> to vector<1x256xf32>
    %add3A_56 = arith.addf %broadcast_in_dim3A_54, %slice3A_55 : vector<1x256xf32>
    %max3A = arith.constant 0.000000e+00 : f32
    %max3A_57 = vector.broadcast %max3A : f32 to vector<1x256xf32>
    %max3A_58 = arith.maximumf %add3A_56, %max3A_57 : vector<1x256xf32>
    %lt3A = arith.constant 5.000000e-02 : f32
    %lt3A_59 = vector.broadcast %lt3A : f32 to vector<1x256xf32>
    %lt3A_60 = arith.cmpf olt, %max3A_58, %lt3A_59 : vector<1x256xf32>
    %jit3A = arith.constant 0.000000e+00 : f32
    %broadcast_in_dim3A_61 = vector.broadcast %jit3A : f32 to vector<1x256xf32>
    %select_n3A = arith.select %lt3A_60, %max3A_58, %broadcast_in_dim3A_61 : vector<1x256xi1>, vector<1x256xf32>
    %add3A_62 = arith.addf %broadcast_in_dim3A_25, %select_n3A : vector<1x256xf32>
    %convert_element_type3A_63 = arith.extui %lt3A_60 : vector<1x256xi1> to vector<1x256xi32>
    %convert_element_type3A_64 = arith.sitofp %convert_element_type3A_63 : vector<1x256xi32> to vector<1x256xf32>
    %add3A_65 = arith.addf %broadcast_in_dim3A_27, %convert_element_type3A_64 : vector<1x256xf32>
    %slice3A_66 = vector.extract_strided_slice %get3A_11 {offsets = [0, 256], sizes = [8, 256], strides = [1, 1]} : vector<8x16384xf32> to vector<8x256xf32>
    %dot_general3A_67 = arith.constant dense<0.000000e+00> : vector<2048x256xf32>
    %dot_general3A_68 = tpu.matmul %get3A_6, %slice3A_66, %dot_general3A_67 {dimension_numbers = #tpu.dot_dimension_numbers<[1], [0], [0], [1], [0, 0, 1, 1], [], []>, transpose_lhs_hint = false} : vector<2048x8xf32>, vector<8x256xf32>, vector<2048x256xf32> -> vector<2048x256xf32>
    %add3A_69 = arith.addf %dot_general3A_68, %get3A_24 : vector<2048x256xf32>
    %slice3A_70 = vector.extract_strided_slice %add3A_69 {offsets = [0, 0], sizes = [1024, 256], strides = [1, 1]} : vector<2048x256xf32> to vector<1024x256xf32>
    %slice3A_71 = vector.extract_strided_slice %add3A_69 {offsets = [1024, 0], sizes = [1024, 256], strides = [1, 1]} : vector<2048x256xf32> to vector<1024x256xf32>
    %min3A_72 = arith.minimumf %slice3A_70, %slice3A_71 : vector<1024x256xf32>
    %slice3A_73 = vector.extract_strided_slice %min3A_72 {offsets = [0, 0], sizes = [512, 256], strides = [1, 1]} : vector<1024x256xf32> to vector<512x256xf32>
    %slice3A_74 = vector.extract_strided_slice %min3A_72 {offsets = [512, 0], sizes = [512, 256], strides = [1, 1]} : vector<1024x256xf32> to vector<512x256xf32>
    %min3A_75 = arith.minimumf %slice3A_73, %slice3A_74 : vector<512x256xf32>
    %slice3A_76 = vector.extract_strided_slice %min3A_75 {offsets = [0, 0], sizes = [256, 256], strides = [1, 1]} : vector<512x256xf32> to vector<256x256xf32>
    %slice3A_77 = vector.extract_strided_slice %min3A_75 {offsets = [256, 0], sizes = [256, 256], strides = [1, 1]} : vector<512x256xf32> to vector<256x256xf32>
    %min3A_78 = arith.minimumf %slice3A_76, %slice3A_77 : vector<256x256xf32>
    %slice3A_79 = vector.extract_strided_slice %min3A_78 {offsets = [0, 0], sizes = [128, 256], strides = [1, 1]} : vector<256x256xf32> to vector<128x256xf32>
    %slice3A_80 = vector.extract_strided_slice %min3A_78 {offsets = [128, 0], sizes = [128, 256], strides = [1, 1]} : vector<256x256xf32> to vector<128x256xf32>
    %min3A_81 = arith.minimumf %slice3A_79, %slice3A_80 : vector<128x256xf32>
    %slice3A_82 = vector.extract_strided_slice %min3A_81 {offsets = [0, 0], sizes = [64, 256], strides = [1, 1]} : vector<128x256xf32> to vector<64x256xf32>
    %slice3A_83 = vector.extract_strided_slice %min3A_81 {offsets = [64, 0], sizes = [64, 256], strides = [1, 1]} : vector<128x256xf32> to vector<64x256xf32>
    %min3A_84 = arith.minimumf %slice3A_82, %slice3A_83 : vector<64x256xf32>
    %slice3A_85 = vector.extract_strided_slice %min3A_84 {offsets = [0, 0], sizes = [32, 256], strides = [1, 1]} : vector<64x256xf32> to vector<32x256xf32>
    %slice3A_86 = vector.extract_strided_slice %min3A_84 {offsets = [32, 0], sizes = [32, 256], strides = [1, 1]} : vector<64x256xf32> to vector<32x256xf32>
    %min3A_87 = arith.minimumf %slice3A_85, %slice3A_86 : vector<32x256xf32>
    %slice3A_88 = vector.extract_strided_slice %min3A_87 {offsets = [0, 0], sizes = [16, 256], strides = [1, 1]} : vector<32x256xf32> to vector<16x256xf32>
    %slice3A_89 = vector.extract_strided_slice %min3A_87 {offsets = [16, 0], sizes = [16, 256], strides = [1, 1]} : vector<32x256xf32> to vector<16x256xf32>
    %min3A_90 = arith.minimumf %slice3A_88, %slice3A_89 : vector<16x256xf32>
    %slice3A_91 = vector.extract_strided_slice %min3A_90 {offsets = [0, 0], sizes = [8, 256], strides = [1, 1]} : vector<16x256xf32> to vector<8x256xf32>
    %slice3A_92 = vector.extract_strided_slice %min3A_90 {offsets = [8, 0], sizes = [8, 256], strides = [1, 1]} : vector<16x256xf32> to vector<8x256xf32>
    %min3A_93 = arith.minimumf %slice3A_91, %slice3A_92 : vector<8x256xf32>
    %reduce_min3A_94 = arith.constant dense<0x7F800000> : vector<256xf32>
    %reduce_min3A_95 = vector.multi_reduction <minimumf>, %min3A_93, %reduce_min3A_94 [0] : vector<8x256xf32> to vector<256xf32>
    %broadcast_in_dim3A_96 = vector.shape_cast %reduce_min3A_95 : vector<256xf32> to vector<1x256xf32>
    %slice3A_97 = vector.extract_strided_slice %get3A_16 {offsets = [1, 0], sizes = [1, 256], strides = [1, 1]} : vector<64x256xf32> to vector<1x256xf32>
    %add3A_98 = arith.addf %broadcast_in_dim3A_96, %slice3A_97 : vector<1x256xf32>
    %max3A_99 = arith.constant 0.000000e+00 : f32
    %max3A_100 = vector.broadcast %max3A_99 : f32 to vector<1x256xf32>
    %max3A_101 = arith.maximumf %add3A_98, %max3A_100 : vector<1x256xf32>
    %lt3A_102 = arith.constant 5.000000e-02 : f32
    %lt3A_103 = vector.broadcast %lt3A_102 : f32 to vector<1x256xf32>
    %lt3A_104 = arith.cmpf olt, %max3A_101, %lt3A_103 : vector<1x256xf32>
    %jit3A_105 = arith.constant 0.000000e+00 : f32
    %broadcast_in_dim3A_106 = vector.broadcast %jit3A_105 : f32 to vector<1x256xf32>
    %select_n3A_107 = arith.select %lt3A_104, %max3A_101, %broadcast_in_dim3A_106 : vector<1x256xi1>, vector<1x256xf32>
    %add3A_108 = arith.addf %add3A_62, %select_n3A_107 : vector<1x256xf32>
    %convert_element_type3A_109 = arith.extui %lt3A_104 : vector<1x256xi1> to vector<1x256xi32>
    %convert_element_type3A_110 = arith.sitofp %convert_element_type3A_109 : vector<1x256xi32> to vector<1x256xf32>
    %add3A_111 = arith.addf %add3A_65, %convert_element_type3A_110 : vector<1x256xf32>
    %slice3A_112 = vector.extract_strided_slice %get3A_11 {offsets = [0, 512], sizes = [8, 256], strides = [1, 1]} : vector<8x16384xf32> to vector<8x256xf32>
    %dot_general3A_113 = arith.constant dense<0.000000e+00> : vector<2048x256xf32>
    %dot_general3A_114 = tpu.matmul %get3A_6, %slice3A_112, %dot_general3A_113 {dimension_numbers = #tpu.dot_dimension_numbers<[1], [0], [0], [1], [0, 0, 1, 1], [], []>, transpose_lhs_hint = false} : vector<2048x8xf32>, vector<8x256xf32>, vector<2048x256xf32> -> vector<2048x256xf32>
    %add3A_115 = arith.addf %dot_general3A_114, %get3A_24 : vector<2048x256xf32>
    %slice3A_116 = vector.extract_strided_slice %add3A_115 {offsets = [0, 0], sizes = [1024, 256], strides = [1, 1]} : vector<2048x256xf32> to vector<1024x256xf32>
    %slice3A_117 = vector.extract_strided_slice %add3A_115 {offsets = [1024, 0], sizes = [1024, 256], strides = [1, 1]} : vector<2048x256xf32> to vector<1024x256xf32>
    %min3A_118 = arith.minimumf %slice3A_116, %slice3A_117 : vector<1024x256xf32>
    %slice3A_119 = vector.extract_strided_slice %min3A_118 {offsets = [0, 0], sizes = [512, 256], strides = [1, 1]} : vector<1024x256xf32> to vector<512x256xf32>
    %slice3A_120 = vector.extract_strided_slice %min3A_118 {offsets = [512, 0], sizes = [512, 256], strides = [1, 1]} : vector<1024x256xf32> to vector<512x256xf32>
    %min3A_121 = arith.minimumf %slice3A_119, %slice3A_120 : vector<512x256xf32>
    %slice3A_122 = vector.extract_strided_slice %min3A_121 {offsets = [0, 0], sizes = [256, 256], strides = [1, 1]} : vector<512x256xf32> to vector<256x256xf32>
    %slice3A_123 = vector.extract_strided_slice %min3A_121 {offsets = [256, 0], sizes = [256, 256], strides = [1, 1]} : vector<512x256xf32> to vector<256x256xf32>
    %min3A_124 = arith.minimumf %slice3A_122, %slice3A_123 : vector<256x256xf32>
    %slice3A_125 = vector.extract_strided_slice %min3A_124 {offsets = [0, 0], sizes = [128, 256], strides = [1, 1]} : vector<256x256xf32> to vector<128x256xf32>
    %slice3A_126 = vector.extract_strided_slice %min3A_124 {offsets = [128, 0], sizes = [128, 256], strides = [1, 1]} : vector<256x256xf32> to vector<128x256xf32>
    %min3A_127 = arith.minimumf %slice3A_125, %slice3A_126 : vector<128x256xf32>
    %slice3A_128 = vector.extract_strided_slice %min3A_127 {offsets = [0, 0], sizes = [64, 256], strides = [1, 1]} : vector<128x256xf32> to vector<64x256xf32>
    %slice3A_129 = vector.extract_strided_slice %min3A_127 {offsets = [64, 0], sizes = [64, 256], strides = [1, 1]} : vector<128x256xf32> to vector<64x256xf32>
    %min3A_130 = arith.minimumf %slice3A_128, %slice3A_129 : vector<64x256xf32>
    %slice3A_131 = vector.extract_strided_slice %min3A_130 {offsets = [0, 0], sizes = [32, 256], strides = [1, 1]} : vector<64x256xf32> to vector<32x256xf32>
    %slice3A_132 = vector.extract_strided_slice %min3A_130 {offsets = [32, 0], sizes = [32, 256], strides = [1, 1]} : vector<64x256xf32> to vector<32x256xf32>
    %min3A_133 = arith.minimumf %slice3A_131, %slice3A_132 : vector<32x256xf32>
    %slice3A_134 = vector.extract_strided_slice %min3A_133 {offsets = [0, 0], sizes = [16, 256], strides = [1, 1]} : vector<32x256xf32> to vector<16x256xf32>
    %slice3A_135 = vector.extract_strided_slice %min3A_133 {offsets = [16, 0], sizes = [16, 256], strides = [1, 1]} : vector<32x256xf32> to vector<16x256xf32>
    %min3A_136 = arith.minimumf %slice3A_134, %slice3A_135 : vector<16x256xf32>
    %slice3A_137 = vector.extract_strided_slice %min3A_136 {offsets = [0, 0], sizes = [8, 256], strides = [1, 1]} : vector<16x256xf32> to vector<8x256xf32>
    %slice3A_138 = vector.extract_strided_slice %min3A_136 {offsets = [8, 0], sizes = [8, 256], strides = [1, 1]} : vector<16x256xf32> to vector<8x256xf32>
    %min3A_139 = arith.minimumf %slice3A_137, %slice3A_138 : vector<8x256xf32>
    %reduce_min3A_140 = arith.constant dense<0x7F800000> : vector<256xf32>
    %reduce_min3A_141 = vector.multi_reduction <minimumf>, %min3A_139, %reduce_min3A_140 [0] : vector<8x256xf32> to vector<256xf32>
    %broadcast_in_dim3A_142 = vector.shape_cast %reduce_min3A_141 : vector<256xf32> to vector<1x256xf32>
    %slice3A_143 = vector.extract_strided_slice %get3A_16 {offsets = [2, 0], sizes = [1, 256], strides = [1, 1]} : vector<64x256xf32> to vector<1x256xf32>
    %add3A_144 = arith.addf %broadcast_in_dim3A_142, %slice3A_143 : vector<1x256xf32>
    %max3A_145 = arith.constant 0.000000e+00 : f32
    %max3A_146 = vector.broadcast %max3A_145 : f32 to vector<1x256xf32>
    %max3A_147 = arith.maximumf %add3A_144, %max3A_146 : vector<1x256xf32>
    %lt3A_148 = arith.constant 5.000000e-02 : f32
    %lt3A_149 = vector.broadcast %lt3A_148 : f32 to vector<1x256xf32>
    %lt3A_150 = arith.cmpf olt, %max3A_147, %lt3A_149 : vector<1x256xf32>
    %jit3A_151 = arith.constant 0.000000e+00 : f32
    %broadcast_in_dim3A_152 = vector.broadcast %jit3A_151 : f32 to vector<1x256xf32>
    %select_n3A_153 = arith.select %lt3A_150, %max3A_147, %broadcast_in_dim3A_152 : vector<1x256xi1>, vector<1x256xf32>
    %add3A_154 = arith.addf %add3A_108, %select_n3A_153 : vector<1x256xf32>
    %convert_element_type3A_155 = arith.extui %lt3A_150 : vector<1x256xi1> to vector<1x256xi32>
    %convert_element_type3A_156 = arith.sitofp %convert_element_type3A_155 : vector<1x256xi32> to vector<1x256xf32>
    %add3A_157 = arith.addf %add3A_111, %convert_element_type3A_156 : vector<1x256xf32>
    %slice3A_158 = vector.extract_strided_slice %get3A_11 {offsets = [0, 768], sizes = [8, 256], strides = [1, 1]} : vector<8x16384xf32> to vector<8x256xf32>
    %dot_general3A_159 = arith.constant dense<0.000000e+00> : vector<2048x256xf32>
    %dot_general3A_160 = tpu.matmul %get3A_6, %slice3A_158, %dot_general3A_159 {dimension_numbers = #tpu.dot_dimension_numbers<[1], [0], [0], [1], [0, 0, 1, 1], [], []>, transpose_lhs_hint = false} : vector<2048x8xf32>, vector<8x256xf32>, vector<2048x256xf32> -> vector<2048x256xf32>
    %add3A_161 = arith.addf %dot_general3A_160, %get3A_24 : vector<2048x256xf32>
    %slice3A_162 = vector.extract_strided_slice %add3A_161 {offsets = [0, 0], sizes = [1024, 256], strides = [1, 1]} : vector<2048x256xf32> to vector<1024x256xf32>
    %slice3A_163 = vector.extract_strided_slice %add3A_161 {offsets = [1024, 0], sizes = [1024, 256], strides = [1, 1]} : vector<2048x256xf32> to vector<1024x256xf32>
    %min3A_164 = arith.minimumf %slice3A_162, %slice3A_163 : vector<1024x256xf32>
    %slice3A_165 = vector.extract_strided_slice %min3A_164 {offsets = [0, 0], sizes = [512, 256], strides = [1, 1]} : vector<1024x256xf32> to vector<512x256xf32>
    %slice3A_166 = vector.extract_strided_slice %min3A_164 {offsets = [512, 0], sizes = [512, 256], strides = [1, 1]} : vector<1024x256xf32> to vector<512x256xf32>
    %min3A_167 = arith.minimumf %slice3A_165, %slice3A_166 : vector<512x256xf32>
    %slice3A_168 = vector.extract_strided_slice %min3A_167 {offsets = [0, 0], sizes = [256, 256], strides = [1, 1]} : vector<512x256xf32> to vector<256x256xf32>
    %slice3A_169 = vector.extract_strided_slice %min3A_167 {offsets = [256, 0], sizes = [256, 256], strides = [1, 1]} : vector<512x256xf32> to vector<256x256xf32>
    %min3A_170 = arith.minimumf %slice3A_168, %slice3A_169 : vector<256x256xf32>
    %slice3A_171 = vector.extract_strided_slice %min3A_170 {offsets = [0, 0], sizes = [128, 256], strides = [1, 1]} : vector<256x256xf32> to vector<128x256xf32>
    %slice3A_172 = vector.extract_strided_slice %min3A_170 {offsets = [128, 0], sizes = [128, 256], strides = [1, 1]} : vector<256x256xf32> to vector<128x256xf32>
    %min3A_173 = arith.minimumf %slice3A_171, %slice3A_172 : vector<128x256xf32>
    %slice3A_174 = vector.extract_strided_slice %min3A_173 {offsets = [0, 0], sizes = [64, 256], strides = [1, 1]} : vector<128x256xf32> to vector<64x256xf32>
    %slice3A_175 = vector.extract_strided_slice %min3A_173 {offsets = [64, 0], sizes = [64, 256], strides = [1, 1]} : vector<128x256xf32> to vector<64x256xf32>
    %min3A_176 = arith.minimumf %slice3A_174, %slice3A_175 : vector<64x256xf32>
    %slice3A_177 = vector.extract_strided_slice %min3A_176 {offsets = [0, 0], sizes = [32, 256], strides = [1, 1]} : vector<64x256xf32> to vector<32x256xf32>
    %slice3A_178 = vector.extract_strided_slice %min3A_176 {offsets = [32, 0], sizes = [32, 256], strides = [1, 1]} : vector<64x256xf32> to vector<32x256xf32>
    %min3A_179 = arith.minimumf %slice3A_177, %slice3A_178 : vector<32x256xf32>
    %slice3A_180 = vector.extract_strided_slice %min3A_179 {offsets = [0, 0], sizes = [16, 256], strides = [1, 1]} : vector<32x256xf32> to vector<16x256xf32>
    %slice3A_181 = vector.extract_strided_slice %min3A_179 {offsets = [16, 0], sizes = [16, 256], strides = [1, 1]} : vector<32x256xf32> to vector<16x256xf32>
    %min3A_182 = arith.minimumf %slice3A_180, %slice3A_181 : vector<16x256xf32>
    %slice3A_183 = vector.extract_strided_slice %min3A_182 {offsets = [0, 0], sizes = [8, 256], strides = [1, 1]} : vector<16x256xf32> to vector<8x256xf32>
    %slice3A_184 = vector.extract_strided_slice %min3A_182 {offsets = [8, 0], sizes = [8, 256], strides = [1, 1]} : vector<16x256xf32> to vector<8x256xf32>
    %min3A_185 = arith.minimumf %slice3A_183, %slice3A_184 : vector<8x256xf32>
    %reduce_min3A_186 = arith.constant dense<0x7F800000> : vector<256xf32>
    %reduce_min3A_187 = vector.multi_reduction <minimumf>, %min3A_185, %reduce_min3A_186 [0] : vector<8x256xf32> to vector<256xf32>
    %broadcast_in_dim3A_188 = vector.shape_cast %reduce_min3A_187 : vector<256xf32> to vector<1x256xf32>
    %slice3A_189 = vector.extract_strided_slice %get3A_16 {offsets = [3, 0], sizes = [1, 256], strides = [1, 1]} : vector<64x256xf32> to vector<1x256xf32>
    %add3A_190 = arith.addf %broadcast_in_dim3A_188, %slice3A_189 : vector<1x256xf32>
    %max3A_191 = arith.constant 0.000000e+00 : f32
    %max3A_192 = vector.broadcast %max3A_191 : f32 to vector<1x256xf32>
    %max3A_193 = arith.maximumf %add3A_190, %max3A_192 : vector<1x256xf32>
    %lt3A_194 = arith.constant 5.000000e-02 : f32
    %lt3A_195 = vector.broadcast %lt3A_194 : f32 to vector<1x256xf32>
    %lt3A_196 = arith.cmpf olt, %max3A_193, %lt3A_195 : vector<1x256xf32>
    %jit3A_197 = arith.constant 0.000000e+00 : f32
    %broadcast_in_dim3A_198 = vector.broadcast %jit3A_197 : f32 to vector<1x256xf32>
    %select_n3A_199 = arith.select %lt3A_196, %max3A_193, %broadcast_in_dim3A_198 : vector<1x256xi1>, vector<1x256xf32>
    %add3A_200 = arith.addf %add3A_154, %select_n3A_199 : vector<1x256xf32>
    %convert_element_type3A_201 = arith.extui %lt3A_196 : vector<1x256xi1> to vector<1x256xi32>
    %convert_element_type3A_202 = arith.sitofp %convert_element_type3A_201 : vector<1x256xi32> to vector<1x256xf32>
    %add3A_203 = arith.addf %add3A_157, %convert_element_type3A_202 : vector<1x256xf32>
    %slice3A_204 = vector.extract_strided_slice %get3A_11 {offsets = [0, 1024], sizes = [8, 256], strides = [1, 1]} : vector<8x16384xf32> to vector<8x256xf32>
    %dot_general3A_205 = arith.constant dense<0.000000e+00> : vector<2048x256xf32>
    %dot_general3A_206 = tpu.matmul %get3A_6, %slice3A_204, %dot_general3A_205 {dimension_numbers = #tpu.dot_dimension_numbers<[1], [0], [0], [1], [0, 0, 1, 1], [], []>, transpose_lhs_hint = false} : vector<2048x8xf32>, vector<8x256xf32>, vector<2048x256xf32> -> vector<2048x256xf32>
    %add3A_207 = arith.addf %dot_general3A_206, %get3A_24 : vector<2048x256xf32>
    %slice3A_208 = vector.extract_strided_slice %add3A_207 {offsets = [0, 0], sizes = [1024, 256], strides = [1, 1]} : vector<2048x256xf32> to vector<1024x256xf32>
    %slice3A_209 = vector.extract_strided_slice %add3A_207 {offsets = [1024, 0], sizes = [1024, 256], strides = [1, 1]} : vector<2048x256xf32> to vector<1024x256xf32>
    %min3A_210 = arith.minimumf %slice3A_208, %slice3A_209 : vector<1024x256xf32>
    %slice3A_211 = vector.extract_strided_slice %min3A_210 {offsets = [0, 0], sizes = [512, 256], strides = [1, 1]} : vector<1024x256xf32> to vector<512x256xf32>
    %slice3A_212 = vector.extract_strided_slice %min3A_210 {offsets = [512, 0], sizes = [512, 256], strides = [1, 1]} : vector<1024x256xf32> to vector<512x256xf32>
    %min3A_213 = arith.minimumf %slice3A_211, %slice3A_212 : vector<512x256xf32>
    %slice3A_214 = vector.extract_strided_slice %min3A_213 {offsets = [0, 0], sizes = [256, 256], strides = [1, 1]} : vector<512x256xf32> to vector<256x256xf32>
    %slice3A_215 = vector.extract_strided_slice %min3A_213 {offsets = [256, 0], sizes = [256, 256], strides = [1, 1]} : vector<512x256xf32> to vector<256x256xf32>
    %min3A_216 = arith.minimumf %slice3A_214, %slice3A_215 : vector<256x256xf32>
    %slice3A_217 = vector.extract_strided_slice %min3A_216 {offsets = [0, 0], sizes = [128, 256], strides = [1, 1]} : vector<256x256xf32> to vector<128x256xf32>
    %slice3A_218 = vector.extract_strided_slice %min3A_216 {offsets = [128, 0], sizes = [128, 256], strides = [1, 1]} : vector<256x256xf32> to vector<128x256xf32>
    %min3A_219 = arith.minimumf %slice3A_217, %slice3A_218 : vector<128x256xf32>
    %slice3A_220 = vector.extract_strided_slice %min3A_219 {offsets = [0, 0], sizes = [64, 256], strides = [1, 1]} : vector<128x256xf32> to vector<64x256xf32>
    %slice3A_221 = vector.extract_strided_slice %min3A_219 {offsets = [64, 0], sizes = [64, 256], strides = [1, 1]} : vector<128x256xf32> to vector<64x256xf32>
    %min3A_222 = arith.minimumf %slice3A_220, %slice3A_221 : vector<64x256xf32>
    %slice3A_223 = vector.extract_strided_slice %min3A_222 {offsets = [0, 0], sizes = [32, 256], strides = [1, 1]} : vector<64x256xf32> to vector<32x256xf32>
    %slice3A_224 = vector.extract_strided_slice %min3A_222 {offsets = [32, 0], sizes = [32, 256], strides = [1, 1]} : vector<64x256xf32> to vector<32x256xf32>
    %min3A_225 = arith.minimumf %slice3A_223, %slice3A_224 : vector<32x256xf32>
    %slice3A_226 = vector.extract_strided_slice %min3A_225 {offsets = [0, 0], sizes = [16, 256], strides = [1, 1]} : vector<32x256xf32> to vector<16x256xf32>
    %slice3A_227 = vector.extract_strided_slice %min3A_225 {offsets = [16, 0], sizes = [16, 256], strides = [1, 1]} : vector<32x256xf32> to vector<16x256xf32>
    %min3A_228 = arith.minimumf %slice3A_226, %slice3A_227 : vector<16x256xf32>
    %slice3A_229 = vector.extract_strided_slice %min3A_228 {offsets = [0, 0], sizes = [8, 256], strides = [1, 1]} : vector<16x256xf32> to vector<8x256xf32>
    %slice3A_230 = vector.extract_strided_slice %min3A_228 {offsets = [8, 0], sizes = [8, 256], strides = [1, 1]} : vector<16x256xf32> to vector<8x256xf32>
    %min3A_231 = arith.minimumf %slice3A_229, %slice3A_230 : vector<8x256xf32>
    %reduce_min3A_232 = arith.constant dense<0x7F800000> : vector<256xf32>
    %reduce_min3A_233 = vector.multi_reduction <minimumf>, %min3A_231, %reduce_min3A_232 [0] : vector<8x256xf32> to vector<256xf32>
    %broadcast_in_dim3A_234 = vector.shape_cast %reduce_min3A_233 : vector<256xf32> to vector<1x256xf32>
    %slice3A_235 = vector.extract_strided_slice %get3A_16 {offsets = [4, 0], sizes = [1, 256], strides = [1, 1]} : vector<64x256xf32> to vector<1x256xf32>
    %add3A_236 = arith.addf %broadcast_in_dim3A_234, %slice3A_235 : vector<1x256xf32>
    %max3A_237 = arith.constant 0.000000e+00 : f32
    %max3A_238 = vector.broadcast %max3A_237 : f32 to vector<1x256xf32>
    %max3A_239 = arith.maximumf %add3A_236, %max3A_238 : vector<1x256xf32>
    %lt3A_240 = arith.constant 5.000000e-02 : f32
    %lt3A_241 = vector.broadcast %lt3A_240 : f32 to vector<1x256xf32>
    %lt3A_242 = arith.cmpf olt, %max3A_239, %lt3A_241 : vector<1x256xf32>
    %jit3A_243 = arith.constant 0.000000e+00 : f32
    %broadcast_in_dim3A_244 = vector.broadcast %jit3A_243 : f32 to vector<1x256xf32>
    %select_n3A_245 = arith.select %lt3A_242, %max3A_239, %broadcast_in_dim3A_244 : vector<1x256xi1>, vector<1x256xf32>
    %add3A_246 = arith.addf %add3A_200, %select_n3A_245 : vector<1x256xf32>
    %convert_element_type3A_247 = arith.extui %lt3A_242 : vector<1x256xi1> to vector<1x256xi32>
    %convert_element_type3A_248 = arith.sitofp %convert_element_type3A_247 : vector<1x256xi32> to vector<1x256xf32>
    %add3A_249 = arith.addf %add3A_203, %convert_element_type3A_248 : vector<1x256xf32>
    %slice3A_250 = vector.extract_strided_slice %get3A_11 {offsets = [0, 1280], sizes = [8, 256], strides = [1, 1]} : vector<8x16384xf32> to vector<8x256xf32>
    %dot_general3A_251 = arith.constant dense<0.000000e+00> : vector<2048x256xf32>
    %dot_general3A_252 = tpu.matmul %get3A_6, %slice3A_250, %dot_general3A_251 {dimension_numbers = #tpu.dot_dimension_numbers<[1], [0], [0], [1], [0, 0, 1, 1], [], []>, transpose_lhs_hint = false} : vector<2048x8xf32>, vector<8x256xf32>, vector<2048x256xf32> -> vector<2048x256xf32>
    %add3A_253 = arith.addf %dot_general3A_252, %get3A_24 : vector<2048x256xf32>
    %slice3A_254 = vector.extract_strided_slice %add3A_253 {offsets = [0, 0], sizes = [1024, 256], strides = [1, 1]} : vector<2048x256xf32> to vector<1024x256xf32>
    %slice3A_255 = vector.extract_strided_slice %add3A_253 {offsets = [1024, 0], sizes = [1024, 256], strides = [1, 1]} : vector<2048x256xf32> to vector<1024x256xf32>
    %min3A_256 = arith.minimumf %slice3A_254, %slice3A_255 : vector<1024x256xf32>
    %slice3A_257 = vector.extract_strided_slice %min3A_256 {offsets = [0, 0], sizes = [512, 256], strides = [1, 1]} : vector<1024x256xf32> to vector<512x256xf32>
    %slice3A_258 = vector.extract_strided_slice %min3A_256 {offsets = [512, 0], sizes = [512, 256], strides = [1, 1]} : vector<1024x256xf32> to vector<512x256xf32>
    %min3A_259 = arith.minimumf %slice3A_257, %slice3A_258 : vector<512x256xf32>
    %slice3A_260 = vector.extract_strided_slice %min3A_259 {offsets = [0, 0], sizes = [256, 256], strides = [1, 1]} : vector<512x256xf32> to vector<256x256xf32>
    %slice3A_261 = vector.extract_strided_slice %min3A_259 {offsets = [256, 0], sizes = [256, 256], strides = [1, 1]} : vector<512x256xf32> to vector<256x256xf32>
    %min3A_262 = arith.minimumf %slice3A_260, %slice3A_261 : vector<256x256xf32>
    %slice3A_263 = vector.extract_strided_slice %min3A_262 {offsets = [0, 0], sizes = [128, 256], strides = [1, 1]} : vector<256x256xf32> to vector<128x256xf32>
    %slice3A_264 = vector.extract_strided_slice %min3A_262 {offsets = [128, 0], sizes = [128, 256], strides = [1, 1]} : vector<256x256xf32> to vector<128x256xf32>
    %min3A_265 = arith.minimumf %slice3A_263, %slice3A_264 : vector<128x256xf32>
    %slice3A_266 = vector.extract_strided_slice %min3A_265 {offsets = [0, 0], sizes = [64, 256], strides = [1, 1]} : vector<128x256xf32> to vector<64x256xf32>
    %slice3A_267 = vector.extract_strided_slice %min3A_265 {offsets = [64, 0], sizes = [64, 256], strides = [1, 1]} : vector<128x256xf32> to vector<64x256xf32>
    %min3A_268 = arith.minimumf %slice3A_266, %slice3A_267 : vector<64x256xf32>
    %slice3A_269 = vector.extract_strided_slice %min3A_268 {offsets = [0, 0], sizes = [32, 256], strides = [1, 1]} : vector<64x256xf32> to vector<32x256xf32>
    %slice3A_270 = vector.extract_strided_slice %min3A_268 {offsets = [32, 0], sizes = [32, 256], strides = [1, 1]} : vector<64x256xf32> to vector<32x256xf32>
    %min3A_271 = arith.minimumf %slice3A_269, %slice3A_270 : vector<32x256xf32>
    %slice3A_272 = vector.extract_strided_slice %min3A_271 {offsets = [0, 0], sizes = [16, 256], strides = [1, 1]} : vector<32x256xf32> to vector<16x256xf32>
    %slice3A_273 = vector.extract_strided_slice %min3A_271 {offsets = [16, 0], sizes = [16, 256], strides = [1, 1]} : vector<32x256xf32> to vector<16x256xf32>
    %min3A_274 = arith.minimumf %slice3A_272, %slice3A_273 : vector<16x256xf32>
    %slice3A_275 = vector.extract_strided_slice %min3A_274 {offsets = [0, 0], sizes = [8, 256], strides = [1, 1]} : vector<16x256xf32> to vector<8x256xf32>
    %slice3A_276 = vector.extract_strided_slice %min3A_274 {offsets = [8, 0], sizes = [8, 256], strides = [1, 1]} : vector<16x256xf32> to vector<8x256xf32>
    %min3A_277 = arith.minimumf %slice3A_275, %slice3A_276 : vector<8x256xf32>
    %reduce_min3A_278 = arith.constant dense<0x7F800000> : vector<256xf32>
    %reduce_min3A_279 = vector.multi_reduction <minimumf>, %min3A_277, %reduce_min3A_278 [0] : vector<8x256xf32> to vector<256xf32>
    %broadcast_in_dim3A_280 = vector.shape_cast %reduce_min3A_279 : vector<256xf32> to vector<1x256xf32>
    %slice3A_281 = vector.extract_strided_slice %get3A_16 {offsets = [5, 0], sizes = [1, 256], strides = [1, 1]} : vector<64x256xf32> to vector<1x256xf32>
    %add3A_282 = arith.addf %broadcast_in_dim3A_280, %slice3A_281 : vector<1x256xf32>
    %max3A_283 = arith.constant 0.000000e+00 : f32
    %max3A_284 = vector.broadcast %max3A_283 : f32 to vector<1x256xf32>
    %max3A_285 = arith.maximumf %add3A_282, %max3A_284 : vector<1x256xf32>
    %lt3A_286 = arith.constant 5.000000e-02 : f32
    %lt3A_287 = vector.broadcast %lt3A_286 : f32 to vector<1x256xf32>
    %lt3A_288 = arith.cmpf olt, %max3A_285, %lt3A_287 : vector<1x256xf32>
    %jit3A_289 = arith.constant 0.000000e+00 : f32
    %broadcast_in_dim3A_290 = vector.broadcast %jit3A_289 : f32 to vector<1x256xf32>
    %select_n3A_291 = arith.select %lt3A_288, %max3A_285, %broadcast_in_dim3A_290 : vector<1x256xi1>, vector<1x256xf32>
    %add3A_292 = arith.addf %add3A_246, %select_n3A_291 : vector<1x256xf32>
    %convert_element_type3A_293 = arith.extui %lt3A_288 : vector<1x256xi1> to vector<1x256xi32>
    %convert_element_type3A_294 = arith.sitofp %convert_element_type3A_293 : vector<1x256xi32> to vector<1x256xf32>
    %add3A_295 = arith.addf %add3A_249, %convert_element_type3A_294 : vector<1x256xf32>
    %slice3A_296 = vector.extract_strided_slice %get3A_11 {offsets = [0, 1536], sizes = [8, 256], strides = [1, 1]} : vector<8x16384xf32> to vector<8x256xf32>
    %dot_general3A_297 = arith.constant dense<0.000000e+00> : vector<2048x256xf32>
    %dot_general3A_298 = tpu.matmul %get3A_6, %slice3A_296, %dot_general3A_297 {dimension_numbers = #tpu.dot_dimension_numbers<[1], [0], [0], [1], [0, 0, 1, 1], [], []>, transpose_lhs_hint = false} : vector<2048x8xf32>, vector<8x256xf32>, vector<2048x256xf32> -> vector<2048x256xf32>
    %add3A_299 = arith.addf %dot_general3A_298, %get3A_24 : vector<2048x256xf32>
    %slice3A_300 = vector.extract_strided_slice %add3A_299 {offsets = [0, 0], sizes = [1024, 256], strides = [1, 1]} : vector<2048x256xf32> to vector<1024x256xf32>
    %slice3A_301 = vector.extract_strided_slice %add3A_299 {offsets = [1024, 0], sizes = [1024, 256], strides = [1, 1]} : vector<2048x256xf32> to vector<1024x256xf32>
    %min3A_302 = arith.minimumf %slice3A_300, %slice3A_301 : vector<1024x256xf32>
    %slice3A_303 = vector.extract_strided_slice %min3A_302 {offsets = [0, 0], sizes = [512, 256], strides = [1, 1]} : vector<1024x256xf32> to vector<512x256xf32>
    %slice3A_304 = vector.extract_strided_slice %min3A_302 {offsets = [512, 0], sizes = [512, 256], strides = [1, 1]} : vector<1024x256xf32> to vector<512x256xf32>
    %min3A_305 = arith.minimumf %slice3A_303, %slice3A_304 : vector<512x256xf32>
    %slice3A_306 = vector.extract_strided_slice %min3A_305 {offsets = [0, 0], sizes = [256, 256], strides = [1, 1]} : vector<512x256xf32> to vector<256x256xf32>
    %slice3A_307 = vector.extract_strided_slice %min3A_305 {offsets = [256, 0], sizes = [256, 256], strides = [1, 1]} : vector<512x256xf32> to vector<256x256xf32>
    %min3A_308 = arith.minimumf %slice3A_306, %slice3A_307 : vector<256x256xf32>
    %slice3A_309 = vector.extract_strided_slice %min3A_308 {offsets = [0, 0], sizes = [128, 256], strides = [1, 1]} : vector<256x256xf32> to vector<128x256xf32>
    %slice3A_310 = vector.extract_strided_slice %min3A_308 {offsets = [128, 0], sizes = [128, 256], strides = [1, 1]} : vector<256x256xf32> to vector<128x256xf32>
    %min3A_311 = arith.minimumf %slice3A_309, %slice3A_310 : vector<128x256xf32>
    %slice3A_312 = vector.extract_strided_slice %min3A_311 {offsets = [0, 0], sizes = [64, 256], strides = [1, 1]} : vector<128x256xf32> to vector<64x256xf32>
    %slice3A_313 = vector.extract_strided_slice %min3A_311 {offsets = [64, 0], sizes = [64, 256], strides = [1, 1]} : vector<128x256xf32> to vector<64x256xf32>
    %min3A_314 = arith.minimumf %slice3A_312, %slice3A_313 : vector<64x256xf32>
    %slice3A_315 = vector.extract_strided_slice %min3A_314 {offsets = [0, 0], sizes = [32, 256], strides = [1, 1]} : vector<64x256xf32> to vector<32x256xf32>
    %slice3A_316 = vector.extract_strided_slice %min3A_314 {offsets = [32, 0], sizes = [32, 256], strides = [1, 1]} : vector<64x256xf32> to vector<32x256xf32>
    %min3A_317 = arith.minimumf %slice3A_315, %slice3A_316 : vector<32x256xf32>
    %slice3A_318 = vector.extract_strided_slice %min3A_317 {offsets = [0, 0], sizes = [16, 256], strides = [1, 1]} : vector<32x256xf32> to vector<16x256xf32>
    %slice3A_319 = vector.extract_strided_slice %min3A_317 {offsets = [16, 0], sizes = [16, 256], strides = [1, 1]} : vector<32x256xf32> to vector<16x256xf32>
    %min3A_320 = arith.minimumf %slice3A_318, %slice3A_319 : vector<16x256xf32>
    %slice3A_321 = vector.extract_strided_slice %min3A_320 {offsets = [0, 0], sizes = [8, 256], strides = [1, 1]} : vector<16x256xf32> to vector<8x256xf32>
    %slice3A_322 = vector.extract_strided_slice %min3A_320 {offsets = [8, 0], sizes = [8, 256], strides = [1, 1]} : vector<16x256xf32> to vector<8x256xf32>
    %min3A_323 = arith.minimumf %slice3A_321, %slice3A_322 : vector<8x256xf32>
    %reduce_min3A_324 = arith.constant dense<0x7F800000> : vector<256xf32>
    %reduce_min3A_325 = vector.multi_reduction <minimumf>, %min3A_323, %reduce_min3A_324 [0] : vector<8x256xf32> to vector<256xf32>
    %broadcast_in_dim3A_326 = vector.shape_cast %reduce_min3A_325 : vector<256xf32> to vector<1x256xf32>
    %slice3A_327 = vector.extract_strided_slice %get3A_16 {offsets = [6, 0], sizes = [1, 256], strides = [1, 1]} : vector<64x256xf32> to vector<1x256xf32>
    %add3A_328 = arith.addf %broadcast_in_dim3A_326, %slice3A_327 : vector<1x256xf32>
    %max3A_329 = arith.constant 0.000000e+00 : f32
    %max3A_330 = vector.broadcast %max3A_329 : f32 to vector<1x256xf32>
    %max3A_331 = arith.maximumf %add3A_328, %max3A_330 : vector<1x256xf32>
    %lt3A_332 = arith.constant 5.000000e-02 : f32
    %lt3A_333 = vector.broadcast %lt3A_332 : f32 to vector<1x256xf32>
    %lt3A_334 = arith.cmpf olt, %max3A_331, %lt3A_333 : vector<1x256xf32>
    %jit3A_335 = arith.constant 0.000000e+00 : f32
    %broadcast_in_dim3A_336 = vector.broadcast %jit3A_335 : f32 to vector<1x256xf32>
    %select_n3A_337 = arith.select %lt3A_334, %max3A_331, %broadcast_in_dim3A_336 : vector<1x256xi1>, vector<1x256xf32>
    %add3A_338 = arith.addf %add3A_292, %select_n3A_337 : vector<1x256xf32>
    %convert_element_type3A_339 = arith.extui %lt3A_334 : vector<1x256xi1> to vector<1x256xi32>
    %convert_element_type3A_340 = arith.sitofp %convert_element_type3A_339 : vector<1x256xi32> to vector<1x256xf32>
    %add3A_341 = arith.addf %add3A_295, %convert_element_type3A_340 : vector<1x256xf32>
    %slice3A_342 = vector.extract_strided_slice %get3A_11 {offsets = [0, 1792], sizes = [8, 256], strides = [1, 1]} : vector<8x16384xf32> to vector<8x256xf32>
    %dot_general3A_343 = arith.constant dense<0.000000e+00> : vector<2048x256xf32>
    %dot_general3A_344 = tpu.matmul %get3A_6, %slice3A_342, %dot_general3A_343 {dimension_numbers = #tpu.dot_dimension_numbers<[1], [0], [0], [1], [0, 0, 1, 1], [], []>, transpose_lhs_hint = false} : vector<2048x8xf32>, vector<8x256xf32>, vector<2048x256xf32> -> vector<2048x256xf32>
    %add3A_345 = arith.addf %dot_general3A_344, %get3A_24 : vector<2048x256xf32>
    %slice3A_346 = vector.extract_strided_slice %add3A_345 {offsets = [0, 0], sizes = [1024, 256], strides = [1, 1]} : vector<2048x256xf32> to vector<1024x256xf32>
    %slice3A_347 = vector.extract_strided_slice %add3A_345 {offsets = [1024, 0], sizes = [1024, 256], strides = [1, 1]} : vector<2048x256xf32> to vector<1024x256xf32>
    %min3A_348 = arith.minimumf %slice3A_346, %slice3A_347 : vector<1024x256xf32>
    %slice3A_349 = vector.extract_strided_slice %min3A_348 {offsets = [0, 0], sizes = [512, 256], strides = [1, 1]} : vector<1024x256xf32> to vector<512x256xf32>
    %slice3A_350 = vector.extract_strided_slice %min3A_348 {offsets = [512, 0], sizes = [512, 256], strides = [1, 1]} : vector<1024x256xf32> to vector<512x256xf32>
    %min3A_351 = arith.minimumf %slice3A_349, %slice3A_350 : vector<512x256xf32>
    %slice3A_352 = vector.extract_strided_slice %min3A_351 {offsets = [0, 0], sizes = [256, 256], strides = [1, 1]} : vector<512x256xf32> to vector<256x256xf32>
    %slice3A_353 = vector.extract_strided_slice %min3A_351 {offsets = [256, 0], sizes = [256, 256], strides = [1, 1]} : vector<512x256xf32> to vector<256x256xf32>
    %min3A_354 = arith.minimumf %slice3A_352, %slice3A_353 : vector<256x256xf32>
    %slice3A_355 = vector.extract_strided_slice %min3A_354 {offsets = [0, 0], sizes = [128, 256], strides = [1, 1]} : vector<256x256xf32> to vector<128x256xf32>
    %slice3A_356 = vector.extract_strided_slice %min3A_354 {offsets = [128, 0], sizes = [128, 256], strides = [1, 1]} : vector<256x256xf32> to vector<128x256xf32>
    %min3A_357 = arith.minimumf %slice3A_355, %slice3A_356 : vector<128x256xf32>
    %slice3A_358 = vector.extract_strided_slice %min3A_357 {offsets = [0, 0], sizes = [64, 256], strides = [1, 1]} : vector<128x256xf32> to vector<64x256xf32>
    %slice3A_359 = vector.extract_strided_slice %min3A_357 {offsets = [64, 0], sizes = [64, 256], strides = [1, 1]} : vector<128x256xf32> to vector<64x256xf32>
    %min3A_360 = arith.minimumf %slice3A_358, %slice3A_359 : vector<64x256xf32>
    %slice3A_361 = vector.extract_strided_slice %min3A_360 {offsets = [0, 0], sizes = [32, 256], strides = [1, 1]} : vector<64x256xf32> to vector<32x256xf32>
    %slice3A_362 = vector.extract_strided_slice %min3A_360 {offsets = [32, 0], sizes = [32, 256], strides = [1, 1]} : vector<64x256xf32> to vector<32x256xf32>
    %min3A_363 = arith.minimumf %slice3A_361, %slice3A_362 : vector<32x256xf32>
    %slice3A_364 = vector.extract_strided_slice %min3A_363 {offsets = [0, 0], sizes = [16, 256], strides = [1, 1]} : vector<32x256xf32> to vector<16x256xf32>
    %slice3A_365 = vector.extract_strided_slice %min3A_363 {offsets = [16, 0], sizes = [16, 256], strides = [1, 1]} : vector<32x256xf32> to vector<16x256xf32>
    %min3A_366 = arith.minimumf %slice3A_364, %slice3A_365 : vector<16x256xf32>
    %slice3A_367 = vector.extract_strided_slice %min3A_366 {offsets = [0, 0], sizes = [8, 256], strides = [1, 1]} : vector<16x256xf32> to vector<8x256xf32>
    %slice3A_368 = vector.extract_strided_slice %min3A_366 {offsets = [8, 0], sizes = [8, 256], strides = [1, 1]} : vector<16x256xf32> to vector<8x256xf32>
    %min3A_369 = arith.minimumf %slice3A_367, %slice3A_368 : vector<8x256xf32>
    %reduce_min3A_370 = arith.constant dense<0x7F800000> : vector<256xf32>
    %reduce_min3A_371 = vector.multi_reduction <minimumf>, %min3A_369, %reduce_min3A_370 [0] : vector<8x256xf32> to vector<256xf32>
    %broadcast_in_dim3A_372 = vector.shape_cast %reduce_min3A_371 : vector<256xf32> to vector<1x256xf32>
    %slice3A_373 = vector.extract_strided_slice %get3A_16 {offsets = [7, 0], sizes = [1, 256], strides = [1, 1]} : vector<64x256xf32> to vector<1x256xf32>
    %add3A_374 = arith.addf %broadcast_in_dim3A_372, %slice3A_373 : vector<1x256xf32>
    %max3A_375 = arith.constant 0.000000e+00 : f32
    %max3A_376 = vector.broadcast %max3A_375 : f32 to vector<1x256xf32>
    %max3A_377 = arith.maximumf %add3A_374, %max3A_376 : vector<1x256xf32>
    %lt3A_378 = arith.constant 5.000000e-02 : f32
    %lt3A_379 = vector.broadcast %lt3A_378 : f32 to vector<1x256xf32>
    %lt3A_380 = arith.cmpf olt, %max3A_377, %lt3A_379 : vector<1x256xf32>
    %jit3A_381 = arith.constant 0.000000e+00 : f32
    %broadcast_in_dim3A_382 = vector.broadcast %jit3A_381 : f32 to vector<1x256xf32>
    %select_n3A_383 = arith.select %lt3A_380, %max3A_377, %broadcast_in_dim3A_382 : vector<1x256xi1>, vector<1x256xf32>
    %add3A_384 = arith.addf %add3A_338, %select_n3A_383 : vector<1x256xf32>
    %convert_element_type3A_385 = arith.extui %lt3A_380 : vector<1x256xi1> to vector<1x256xi32>
    %convert_element_type3A_386 = arith.sitofp %convert_element_type3A_385 : vector<1x256xi32> to vector<1x256xf32>
    %add3A_387 = arith.addf %add3A_341, %convert_element_type3A_386 : vector<1x256xf32>
    %slice3A_388 = vector.extract_strided_slice %get3A_11 {offsets = [0, 2048], sizes = [8, 256], strides = [1, 1]} : vector<8x16384xf32> to vector<8x256xf32>
    %dot_general3A_389 = arith.constant dense<0.000000e+00> : vector<2048x256xf32>
    %dot_general3A_390 = tpu.matmul %get3A_6, %slice3A_388, %dot_general3A_389 {dimension_numbers = #tpu.dot_dimension_numbers<[1], [0], [0], [1], [0, 0, 1, 1], [], []>, transpose_lhs_hint = false} : vector<2048x8xf32>, vector<8x256xf32>, vector<2048x256xf32> -> vector<2048x256xf32>
    %add3A_391 = arith.addf %dot_general3A_390, %get3A_24 : vector<2048x256xf32>
    %slice3A_392 = vector.extract_strided_slice %add3A_391 {offsets = [0, 0], sizes = [1024, 256], strides = [1, 1]} : vector<2048x256xf32> to vector<1024x256xf32>
    %slice3A_393 = vector.extract_strided_slice %add3A_391 {offsets = [1024, 0], sizes = [1024, 256], strides = [1, 1]} : vector<2048x256xf32> to vector<1024x256xf32>
    %min3A_394 = arith.minimumf %slice3A_392, %slice3A_393 : vector<1024x256xf32>
    %slice3A_395 = vector.extract_strided_slice %min3A_394 {offsets = [0, 0], sizes = [512, 256], strides = [1, 1]} : vector<1024x256xf32> to vector<512x256xf32>
    %slice3A_396 = vector.extract_strided_slice %min3A_394 {offsets = [512, 0], sizes = [512, 256], strides = [1, 1]} : vector<1024x256xf32> to vector<512x256xf32>
    %min3A_397 = arith.minimumf %slice3A_395, %slice3A_396 : vector<512x256xf32>
    %slice3A_398 = vector.extract_strided_slice %min3A_397 {offsets = [0, 0], sizes = [256, 256], strides = [1, 1]} : vector<512x256xf32> to vector<256x256xf32>
    %slice3A_399 = vector.extract_strided_slice %min3A_397 {offsets = [256, 0], sizes = [256, 256], strides = [1, 1]} : vector<512x256xf32> to vector<256x256xf32>
    %min3A_400 = arith.minimumf %slice3A_398, %slice3A_399 : vector<256x256xf32>
    %slice3A_401 = vector.extract_strided_slice %min3A_400 {offsets = [0, 0], sizes = [128, 256], strides = [1, 1]} : vector<256x256xf32> to vector<128x256xf32>
    %slice3A_402 = vector.extract_strided_slice %min3A_400 {offsets = [128, 0], sizes = [128, 256], strides = [1, 1]} : vector<256x256xf32> to vector<128x256xf32>
    %min3A_403 = arith.minimumf %slice3A_401, %slice3A_402 : vector<128x256xf32>
    %slice3A_404 = vector.extract_strided_slice %min3A_403 {offsets = [0, 0], sizes = [64, 256], strides = [1, 1]} : vector<128x256xf32> to vector<64x256xf32>
    %slice3A_405 = vector.extract_strided_slice %min3A_403 {offsets = [64, 0], sizes = [64, 256], strides = [1, 1]} : vector<128x256xf32> to vector<64x256xf32>
    %min3A_406 = arith.minimumf %slice3A_404, %slice3A_405 : vector<64x256xf32>
    %slice3A_407 = vector.extract_strided_slice %min3A_406 {offsets = [0, 0], sizes = [32, 256], strides = [1, 1]} : vector<64x256xf32> to vector<32x256xf32>
    %slice3A_408 = vector.extract_strided_slice %min3A_406 {offsets = [32, 0], sizes = [32, 256], strides = [1, 1]} : vector<64x256xf32> to vector<32x256xf32>
    %min3A_409 = arith.minimumf %slice3A_407, %slice3A_408 : vector<32x256xf32>
    %slice3A_410 = vector.extract_strided_slice %min3A_409 {offsets = [0, 0], sizes = [16, 256], strides = [1, 1]} : vector<32x256xf32> to vector<16x256xf32>
    %slice3A_411 = vector.extract_strided_slice %min3A_409 {offsets = [16, 0], sizes = [16, 256], strides = [1, 1]} : vector<32x256xf32> to vector<16x256xf32>
    %min3A_412 = arith.minimumf %slice3A_410, %slice3A_411 : vector<16x256xf32>
    %slice3A_413 = vector.extract_strided_slice %min3A_412 {offsets = [0, 0], sizes = [8, 256], strides = [1, 1]} : vector<16x256xf32> to vector<8x256xf32>
    %slice3A_414 = vector.extract_strided_slice %min3A_412 {offsets = [8, 0], sizes = [8, 256], strides = [1, 1]} : vector<16x256xf32> to vector<8x256xf32>
    %min3A_415 = arith.minimumf %slice3A_413, %slice3A_414 : vector<8x256xf32>
    %reduce_min3A_416 = arith.constant dense<0x7F800000> : vector<256xf32>
    %reduce_min3A_417 = vector.multi_reduction <minimumf>, %min3A_415, %reduce_min3A_416 [0] : vector<8x256xf32> to vector<256xf32>
    %broadcast_in_dim3A_418 = vector.shape_cast %reduce_min3A_417 : vector<256xf32> to vector<1x256xf32>
    %slice3A_419 = vector.extract_strided_slice %get3A_16 {offsets = [8, 0], sizes = [1, 256], strides = [1, 1]} : vector<64x256xf32> to vector<1x256xf32>
    %add3A_420 = arith.addf %broadcast_in_dim3A_418, %slice3A_419 : vector<1x256xf32>
    %max3A_421 = arith.constant 0.000000e+00 : f32
    %max3A_422 = vector.broadcast %max3A_421 : f32 to vector<1x256xf32>
    %max3A_423 = arith.maximumf %add3A_420, %max3A_422 : vector<1x256xf32>
    %lt3A_424 = arith.constant 5.000000e-02 : f32
    %lt3A_425 = vector.broadcast %lt3A_424 : f32 to vector<1x256xf32>
    %lt3A_426 = arith.cmpf olt, %max3A_423, %lt3A_425 : vector<1x256xf32>
    %jit3A_427 = arith.constant 0.000000e+00 : f32
    %broadcast_in_dim3A_428 = vector.broadcast %jit3A_427 : f32 to vector<1x256xf32>
    %select_n3A_429 = arith.select %lt3A_426, %max3A_423, %broadcast_in_dim3A_428 : vector<1x256xi1>, vector<1x256xf32>
    %add3A_430 = arith.addf %add3A_384, %select_n3A_429 : vector<1x256xf32>
    %convert_element_type3A_431 = arith.extui %lt3A_426 : vector<1x256xi1> to vector<1x256xi32>
    %convert_element_type3A_432 = arith.sitofp %convert_element_type3A_431 : vector<1x256xi32> to vector<1x256xf32>
    %add3A_433 = arith.addf %add3A_387, %convert_element_type3A_432 : vector<1x256xf32>
    %slice3A_434 = vector.extract_strided_slice %get3A_11 {offsets = [0, 2304], sizes = [8, 256], strides = [1, 1]} : vector<8x16384xf32> to vector<8x256xf32>
    %dot_general3A_435 = arith.constant dense<0.000000e+00> : vector<2048x256xf32>
    %dot_general3A_436 = tpu.matmul %get3A_6, %slice3A_434, %dot_general3A_435 {dimension_numbers = #tpu.dot_dimension_numbers<[1], [0], [0], [1], [0, 0, 1, 1], [], []>, transpose_lhs_hint = false} : vector<2048x8xf32>, vector<8x256xf32>, vector<2048x256xf32> -> vector<2048x256xf32>
    %add3A_437 = arith.addf %dot_general3A_436, %get3A_24 : vector<2048x256xf32>
    %slice3A_438 = vector.extract_strided_slice %add3A_437 {offsets = [0, 0], sizes = [1024, 256], strides = [1, 1]} : vector<2048x256xf32> to vector<1024x256xf32>
    %slice3A_439 = vector.extract_strided_slice %add3A_437 {offsets = [1024, 0], sizes = [1024, 256], strides = [1, 1]} : vector<2048x256xf32> to vector<1024x256xf32>
    %min3A_440 = arith.minimumf %slice3A_438, %slice3A_439 : vector<1024x256xf32>
    %slice3A_441 = vector.extract_strided_slice %min3A_440 {offsets = [0, 0], sizes = [512, 256], strides = [1, 1]} : vector<1024x256xf32> to vector<512x256xf32>
    %slice3A_442 = vector.extract_strided_slice %min3A_440 {offsets = [512, 0], sizes = [512, 256], strides = [1, 1]} : vector<1024x256xf32> to vector<512x256xf32>
    %min3A_443 = arith.minimumf %slice3A_441, %slice3A_442 : vector<512x256xf32>
    %slice3A_444 = vector.extract_strided_slice %min3A_443 {offsets = [0, 0], sizes = [256, 256], strides = [1, 1]} : vector<512x256xf32> to vector<256x256xf32>
    %slice3A_445 = vector.extract_strided_slice %min3A_443 {offsets = [256, 0], sizes = [256, 256], strides = [1, 1]} : vector<512x256xf32> to vector<256x256xf32>
    %min3A_446 = arith.minimumf %slice3A_444, %slice3A_445 : vector<256x256xf32>
    %slice3A_447 = vector.extract_strided_slice %min3A_446 {offsets = [0, 0], sizes = [128, 256], strides = [1, 1]} : vector<256x256xf32> to vector<128x256xf32>
    %slice3A_448 = vector.extract_strided_slice %min3A_446 {offsets = [128, 0], sizes = [128, 256], strides = [1, 1]} : vector<256x256xf32> to vector<128x256xf32>
    %min3A_449 = arith.minimumf %slice3A_447, %slice3A_448 : vector<128x256xf32>
    %slice3A_450 = vector.extract_strided_slice %min3A_449 {offsets = [0, 0], sizes = [64, 256], strides = [1, 1]} : vector<128x256xf32> to vector<64x256xf32>
    %slice3A_451 = vector.extract_strided_slice %min3A_449 {offsets = [64, 0], sizes = [64, 256], strides = [1, 1]} : vector<128x256xf32> to vector<64x256xf32>
    %min3A_452 = arith.minimumf %slice3A_450, %slice3A_451 : vector<64x256xf32>
    %slice3A_453 = vector.extract_strided_slice %min3A_452 {offsets = [0, 0], sizes = [32, 256], strides = [1, 1]} : vector<64x256xf32> to vector<32x256xf32>
    %slice3A_454 = vector.extract_strided_slice %min3A_452 {offsets = [32, 0], sizes = [32, 256], strides = [1, 1]} : vector<64x256xf32> to vector<32x256xf32>
    %min3A_455 = arith.minimumf %slice3A_453, %slice3A_454 : vector<32x256xf32>
    %slice3A_456 = vector.extract_strided_slice %min3A_455 {offsets = [0, 0], sizes = [16, 256], strides = [1, 1]} : vector<32x256xf32> to vector<16x256xf32>
    %slice3A_457 = vector.extract_strided_slice %min3A_455 {offsets = [16, 0], sizes = [16, 256], strides = [1, 1]} : vector<32x256xf32> to vector<16x256xf32>
    %min3A_458 = arith.minimumf %slice3A_456, %slice3A_457 : vector<16x256xf32>
    %slice3A_459 = vector.extract_strided_slice %min3A_458 {offsets = [0, 0], sizes = [8, 256], strides = [1, 1]} : vector<16x256xf32> to vector<8x256xf32>
    %slice3A_460 = vector.extract_strided_slice %min3A_458 {offsets = [8, 0], sizes = [8, 256], strides = [1, 1]} : vector<16x256xf32> to vector<8x256xf32>
    %min3A_461 = arith.minimumf %slice3A_459, %slice3A_460 : vector<8x256xf32>
    %reduce_min3A_462 = arith.constant dense<0x7F800000> : vector<256xf32>
    %reduce_min3A_463 = vector.multi_reduction <minimumf>, %min3A_461, %reduce_min3A_462 [0] : vector<8x256xf32> to vector<256xf32>
    %broadcast_in_dim3A_464 = vector.shape_cast %reduce_min3A_463 : vector<256xf32> to vector<1x256xf32>
    %slice3A_465 = vector.extract_strided_slice %get3A_16 {offsets = [9, 0], sizes = [1, 256], strides = [1, 1]} : vector<64x256xf32> to vector<1x256xf32>
    %add3A_466 = arith.addf %broadcast_in_dim3A_464, %slice3A_465 : vector<1x256xf32>
    %max3A_467 = arith.constant 0.000000e+00 : f32
    %max3A_468 = vector.broadcast %max3A_467 : f32 to vector<1x256xf32>
    %max3A_469 = arith.maximumf %add3A_466, %max3A_468 : vector<1x256xf32>
    %lt3A_470 = arith.constant 5.000000e-02 : f32
    %lt3A_471 = vector.broadcast %lt3A_470 : f32 to vector<1x256xf32>
    %lt3A_472 = arith.cmpf olt, %max3A_469, %lt3A_471 : vector<1x256xf32>
    %jit3A_473 = arith.constant 0.000000e+00 : f32
    %broadcast_in_dim3A_474 = vector.broadcast %jit3A_473 : f32 to vector<1x256xf32>
    %select_n3A_475 = arith.select %lt3A_472, %max3A_469, %broadcast_in_dim3A_474 : vector<1x256xi1>, vector<1x256xf32>
    %add3A_476 = arith.addf %add3A_430, %select_n3A_475 : vector<1x256xf32>
    %convert_element_type3A_477 = arith.extui %lt3A_472 : vector<1x256xi1> to vector<1x256xi32>
    %convert_element_type3A_478 = arith.sitofp %convert_element_type3A_477 : vector<1x256xi32> to vector<1x256xf32>
    %add3A_479 = arith.addf %add3A_433, %convert_element_type3A_478 : vector<1x256xf32>
    %slice3A_480 = vector.extract_strided_slice %get3A_11 {offsets = [0, 2560], sizes = [8, 256], strides = [1, 1]} : vector<8x16384xf32> to vector<8x256xf32>
    %dot_general3A_481 = arith.constant dense<0.000000e+00> : vector<2048x256xf32>
    %dot_general3A_482 = tpu.matmul %get3A_6, %slice3A_480, %dot_general3A_481 {dimension_numbers = #tpu.dot_dimension_numbers<[1], [0], [0], [1], [0, 0, 1, 1], [], []>, transpose_lhs_hint = false} : vector<2048x8xf32>, vector<8x256xf32>, vector<2048x256xf32> -> vector<2048x256xf32>
    %add3A_483 = arith.addf %dot_general3A_482, %get3A_24 : vector<2048x256xf32>
    %slice3A_484 = vector.extract_strided_slice %add3A_483 {offsets = [0, 0], sizes = [1024, 256], strides = [1, 1]} : vector<2048x256xf32> to vector<1024x256xf32>
    %slice3A_485 = vector.extract_strided_slice %add3A_483 {offsets = [1024, 0], sizes = [1024, 256], strides = [1, 1]} : vector<2048x256xf32> to vector<1024x256xf32>
    %min3A_486 = arith.minimumf %slice3A_484, %slice3A_485 : vector<1024x256xf32>
    %slice3A_487 = vector.extract_strided_slice %min3A_486 {offsets = [0, 0], sizes = [512, 256], strides = [1, 1]} : vector<1024x256xf32> to vector<512x256xf32>
    %slice3A_488 = vector.extract_strided_slice %min3A_486 {offsets = [512, 0], sizes = [512, 256], strides = [1, 1]} : vector<1024x256xf32> to vector<512x256xf32>
    %min3A_489 = arith.minimumf %slice3A_487, %slice3A_488 : vector<512x256xf32>
    %slice3A_490 = vector.extract_strided_slice %min3A_489 {offsets = [0, 0], sizes = [256, 256], strides = [1, 1]} : vector<512x256xf32> to vector<256x256xf32>
    %slice3A_491 = vector.extract_strided_slice %min3A_489 {offsets = [256, 0], sizes = [256, 256], strides = [1, 1]} : vector<512x256xf32> to vector<256x256xf32>
    %min3A_492 = arith.minimumf %slice3A_490, %slice3A_491 : vector<256x256xf32>
    %slice3A_493 = vector.extract_strided_slice %min3A_492 {offsets = [0, 0], sizes = [128, 256], strides = [1, 1]} : vector<256x256xf32> to vector<128x256xf32>
    %slice3A_494 = vector.extract_strided_slice %min3A_492 {offsets = [128, 0], sizes = [128, 256], strides = [1, 1]} : vector<256x256xf32> to vector<128x256xf32>
    %min3A_495 = arith.minimumf %slice3A_493, %slice3A_494 : vector<128x256xf32>
    %slice3A_496 = vector.extract_strided_slice %min3A_495 {offsets = [0, 0], sizes = [64, 256], strides = [1, 1]} : vector<128x256xf32> to vector<64x256xf32>
    %slice3A_497 = vector.extract_strided_slice %min3A_495 {offsets = [64, 0], sizes = [64, 256], strides = [1, 1]} : vector<128x256xf32> to vector<64x256xf32>
    %min3A_498 = arith.minimumf %slice3A_496, %slice3A_497 : vector<64x256xf32>
    %slice3A_499 = vector.extract_strided_slice %min3A_498 {offsets = [0, 0], sizes = [32, 256], strides = [1, 1]} : vector<64x256xf32> to vector<32x256xf32>
    %slice3A_500 = vector.extract_strided_slice %min3A_498 {offsets = [32, 0], sizes = [32, 256], strides = [1, 1]} : vector<64x256xf32> to vector<32x256xf32>
    %min3A_501 = arith.minimumf %slice3A_499, %slice3A_500 : vector<32x256xf32>
    %slice3A_502 = vector.extract_strided_slice %min3A_501 {offsets = [0, 0], sizes = [16, 256], strides = [1, 1]} : vector<32x256xf32> to vector<16x256xf32>
    %slice3A_503 = vector.extract_strided_slice %min3A_501 {offsets = [16, 0], sizes = [16, 256], strides = [1, 1]} : vector<32x256xf32> to vector<16x256xf32>
    %min3A_504 = arith.minimumf %slice3A_502, %slice3A_503 : vector<16x256xf32>
    %slice3A_505 = vector.extract_strided_slice %min3A_504 {offsets = [0, 0], sizes = [8, 256], strides = [1, 1]} : vector<16x256xf32> to vector<8x256xf32>
    %slice3A_506 = vector.extract_strided_slice %min3A_504 {offsets = [8, 0], sizes = [8, 256], strides = [1, 1]} : vector<16x256xf32> to vector<8x256xf32>
    %min3A_507 = arith.minimumf %slice3A_505, %slice3A_506 : vector<8x256xf32>
    %reduce_min3A_508 = arith.constant dense<0x7F800000> : vector<256xf32>
    %reduce_min3A_509 = vector.multi_reduction <minimumf>, %min3A_507, %reduce_min3A_508 [0] : vector<8x256xf32> to vector<256xf32>
    %broadcast_in_dim3A_510 = vector.shape_cast %reduce_min3A_509 : vector<256xf32> to vector<1x256xf32>
    %slice3A_511 = vector.extract_strided_slice %get3A_16 {offsets = [10, 0], sizes = [1, 256], strides = [1, 1]} : vector<64x256xf32> to vector<1x256xf32>
    %add3A_512 = arith.addf %broadcast_in_dim3A_510, %slice3A_511 : vector<1x256xf32>
    %max3A_513 = arith.constant 0.000000e+00 : f32
    %max3A_514 = vector.broadcast %max3A_513 : f32 to vector<1x256xf32>
    %max3A_515 = arith.maximumf %add3A_512, %max3A_514 : vector<1x256xf32>
    %lt3A_516 = arith.constant 5.000000e-02 : f32
    %lt3A_517 = vector.broadcast %lt3A_516 : f32 to vector<1x256xf32>
    %lt3A_518 = arith.cmpf olt, %max3A_515, %lt3A_517 : vector<1x256xf32>
    %jit3A_519 = arith.constant 0.000000e+00 : f32
    %broadcast_in_dim3A_520 = vector.broadcast %jit3A_519 : f32 to vector<1x256xf32>
    %select_n3A_521 = arith.select %lt3A_518, %max3A_515, %broadcast_in_dim3A_520 : vector<1x256xi1>, vector<1x256xf32>
    %add3A_522 = arith.addf %add3A_476, %select_n3A_521 : vector<1x256xf32>
    %convert_element_type3A_523 = arith.extui %lt3A_518 : vector<1x256xi1> to vector<1x256xi32>
    %convert_element_type3A_524 = arith.sitofp %convert_element_type3A_523 : vector<1x256xi32> to vector<1x256xf32>
    %add3A_525 = arith.addf %add3A_479, %convert_element_type3A_524 : vector<1x256xf32>
    %slice3A_526 = vector.extract_strided_slice %get3A_11 {offsets = [0, 2816], sizes = [8, 256], strides = [1, 1]} : vector<8x16384xf32> to vector<8x256xf32>
    %dot_general3A_527 = arith.constant dense<0.000000e+00> : vector<2048x256xf32>
    %dot_general3A_528 = tpu.matmul %get3A_6, %slice3A_526, %dot_general3A_527 {dimension_numbers = #tpu.dot_dimension_numbers<[1], [0], [0], [1], [0, 0, 1, 1], [], []>, transpose_lhs_hint = false} : vector<2048x8xf32>, vector<8x256xf32>, vector<2048x256xf32> -> vector<2048x256xf32>
    %add3A_529 = arith.addf %dot_general3A_528, %get3A_24 : vector<2048x256xf32>
    %slice3A_530 = vector.extract_strided_slice %add3A_529 {offsets = [0, 0], sizes = [1024, 256], strides = [1, 1]} : vector<2048x256xf32> to vector<1024x256xf32>
    %slice3A_531 = vector.extract_strided_slice %add3A_529 {offsets = [1024, 0], sizes = [1024, 256], strides = [1, 1]} : vector<2048x256xf32> to vector<1024x256xf32>
    %min3A_532 = arith.minimumf %slice3A_530, %slice3A_531 : vector<1024x256xf32>
    %slice3A_533 = vector.extract_strided_slice %min3A_532 {offsets = [0, 0], sizes = [512, 256], strides = [1, 1]} : vector<1024x256xf32> to vector<512x256xf32>
    %slice3A_534 = vector.extract_strided_slice %min3A_532 {offsets = [512, 0], sizes = [512, 256], strides = [1, 1]} : vector<1024x256xf32> to vector<512x256xf32>
    %min3A_535 = arith.minimumf %slice3A_533, %slice3A_534 : vector<512x256xf32>
    %slice3A_536 = vector.extract_strided_slice %min3A_535 {offsets = [0, 0], sizes = [256, 256], strides = [1, 1]} : vector<512x256xf32> to vector<256x256xf32>
    %slice3A_537 = vector.extract_strided_slice %min3A_535 {offsets = [256, 0], sizes = [256, 256], strides = [1, 1]} : vector<512x256xf32> to vector<256x256xf32>
    %min3A_538 = arith.minimumf %slice3A_536, %slice3A_537 : vector<256x256xf32>
    %slice3A_539 = vector.extract_strided_slice %min3A_538 {offsets = [0, 0], sizes = [128, 256], strides = [1, 1]} : vector<256x256xf32> to vector<128x256xf32>
    %slice3A_540 = vector.extract_strided_slice %min3A_538 {offsets = [128, 0], sizes = [128, 256], strides = [1, 1]} : vector<256x256xf32> to vector<128x256xf32>
    %min3A_541 = arith.minimumf %slice3A_539, %slice3A_540 : vector<128x256xf32>
    %slice3A_542 = vector.extract_strided_slice %min3A_541 {offsets = [0, 0], sizes = [64, 256], strides = [1, 1]} : vector<128x256xf32> to vector<64x256xf32>
    %slice3A_543 = vector.extract_strided_slice %min3A_541 {offsets = [64, 0], sizes = [64, 256], strides = [1, 1]} : vector<128x256xf32> to vector<64x256xf32>
    %min3A_544 = arith.minimumf %slice3A_542, %slice3A_543 : vector<64x256xf32>
    %slice3A_545 = vector.extract_strided_slice %min3A_544 {offsets = [0, 0], sizes = [32, 256], strides = [1, 1]} : vector<64x256xf32> to vector<32x256xf32>
    %slice3A_546 = vector.extract_strided_slice %min3A_544 {offsets = [32, 0], sizes = [32, 256], strides = [1, 1]} : vector<64x256xf32> to vector<32x256xf32>
    %min3A_547 = arith.minimumf %slice3A_545, %slice3A_546 : vector<32x256xf32>
    %slice3A_548 = vector.extract_strided_slice %min3A_547 {offsets = [0, 0], sizes = [16, 256], strides = [1, 1]} : vector<32x256xf32> to vector<16x256xf32>
    %slice3A_549 = vector.extract_strided_slice %min3A_547 {offsets = [16, 0], sizes = [16, 256], strides = [1, 1]} : vector<32x256xf32> to vector<16x256xf32>
    %min3A_550 = arith.minimumf %slice3A_548, %slice3A_549 : vector<16x256xf32>
    %slice3A_551 = vector.extract_strided_slice %min3A_550 {offsets = [0, 0], sizes = [8, 256], strides = [1, 1]} : vector<16x256xf32> to vector<8x256xf32>
    %slice3A_552 = vector.extract_strided_slice %min3A_550 {offsets = [8, 0], sizes = [8, 256], strides = [1, 1]} : vector<16x256xf32> to vector<8x256xf32>
    %min3A_553 = arith.minimumf %slice3A_551, %slice3A_552 : vector<8x256xf32>
    %reduce_min3A_554 = arith.constant dense<0x7F800000> : vector<256xf32>
    %reduce_min3A_555 = vector.multi_reduction <minimumf>, %min3A_553, %reduce_min3A_554 [0] : vector<8x256xf32> to vector<256xf32>
    %broadcast_in_dim3A_556 = vector.shape_cast %reduce_min3A_555 : vector<256xf32> to vector<1x256xf32>
    %slice3A_557 = vector.extract_strided_slice %get3A_16 {offsets = [11, 0], sizes = [1, 256], strides = [1, 1]} : vector<64x256xf32> to vector<1x256xf32>
    %add3A_558 = arith.addf %broadcast_in_dim3A_556, %slice3A_557 : vector<1x256xf32>
    %max3A_559 = arith.constant 0.000000e+00 : f32
    %max3A_560 = vector.broadcast %max3A_559 : f32 to vector<1x256xf32>
    %max3A_561 = arith.maximumf %add3A_558, %max3A_560 : vector<1x256xf32>
    %lt3A_562 = arith.constant 5.000000e-02 : f32
    %lt3A_563 = vector.broadcast %lt3A_562 : f32 to vector<1x256xf32>
    %lt3A_564 = arith.cmpf olt, %max3A_561, %lt3A_563 : vector<1x256xf32>
    %jit3A_565 = arith.constant 0.000000e+00 : f32
    %broadcast_in_dim3A_566 = vector.broadcast %jit3A_565 : f32 to vector<1x256xf32>
    %select_n3A_567 = arith.select %lt3A_564, %max3A_561, %broadcast_in_dim3A_566 : vector<1x256xi1>, vector<1x256xf32>
    %add3A_568 = arith.addf %add3A_522, %select_n3A_567 : vector<1x256xf32>
    %convert_element_type3A_569 = arith.extui %lt3A_564 : vector<1x256xi1> to vector<1x256xi32>
    %convert_element_type3A_570 = arith.sitofp %convert_element_type3A_569 : vector<1x256xi32> to vector<1x256xf32>
    %add3A_571 = arith.addf %add3A_525, %convert_element_type3A_570 : vector<1x256xf32>
    %slice3A_572 = vector.extract_strided_slice %get3A_11 {offsets = [0, 3072], sizes = [8, 256], strides = [1, 1]} : vector<8x16384xf32> to vector<8x256xf32>
    %dot_general3A_573 = arith.constant dense<0.000000e+00> : vector<2048x256xf32>
    %dot_general3A_574 = tpu.matmul %get3A_6, %slice3A_572, %dot_general3A_573 {dimension_numbers = #tpu.dot_dimension_numbers<[1], [0], [0], [1], [0, 0, 1, 1], [], []>, transpose_lhs_hint = false} : vector<2048x8xf32>, vector<8x256xf32>, vector<2048x256xf32> -> vector<2048x256xf32>
    %add3A_575 = arith.addf %dot_general3A_574, %get3A_24 : vector<2048x256xf32>
    %slice3A_576 = vector.extract_strided_slice %add3A_575 {offsets = [0, 0], sizes = [1024, 256], strides = [1, 1]} : vector<2048x256xf32> to vector<1024x256xf32>
    %slice3A_577 = vector.extract_strided_slice %add3A_575 {offsets = [1024, 0], sizes = [1024, 256], strides = [1, 1]} : vector<2048x256xf32> to vector<1024x256xf32>
    %min3A_578 = arith.minimumf %slice3A_576, %slice3A_577 : vector<1024x256xf32>
    %slice3A_579 = vector.extract_strided_slice %min3A_578 {offsets = [0, 0], sizes = [512, 256], strides = [1, 1]} : vector<1024x256xf32> to vector<512x256xf32>
    %slice3A_580 = vector.extract_strided_slice %min3A_578 {offsets = [512, 0], sizes = [512, 256], strides = [1, 1]} : vector<1024x256xf32> to vector<512x256xf32>
    %min3A_581 = arith.minimumf %slice3A_579, %slice3A_580 : vector<512x256xf32>
    %slice3A_582 = vector.extract_strided_slice %min3A_581 {offsets = [0, 0], sizes = [256, 256], strides = [1, 1]} : vector<512x256xf32> to vector<256x256xf32>
    %slice3A_583 = vector.extract_strided_slice %min3A_581 {offsets = [256, 0], sizes = [256, 256], strides = [1, 1]} : vector<512x256xf32> to vector<256x256xf32>
    %min3A_584 = arith.minimumf %slice3A_582, %slice3A_583 : vector<256x256xf32>
    %slice3A_585 = vector.extract_strided_slice %min3A_584 {offsets = [0, 0], sizes = [128, 256], strides = [1, 1]} : vector<256x256xf32> to vector<128x256xf32>
    %slice3A_586 = vector.extract_strided_slice %min3A_584 {offsets = [128, 0], sizes = [128, 256], strides = [1, 1]} : vector<256x256xf32> to vector<128x256xf32>
    %min3A_587 = arith.minimumf %slice3A_585, %slice3A_586 : vector<128x256xf32>
    %slice3A_588 = vector.extract_strided_slice %min3A_587 {offsets = [0, 0], sizes = [64, 256], strides = [1, 1]} : vector<128x256xf32> to vector<64x256xf32>
    %slice3A_589 = vector.extract_strided_slice %min3A_587 {offsets = [64, 0], sizes = [64, 256], strides = [1, 1]} : vector<128x256xf32> to vector<64x256xf32>
    %min3A_590 = arith.minimumf %slice3A_588, %slice3A_589 : vector<64x256xf32>
    %slice3A_591 = vector.extract_strided_slice %min3A_590 {offsets = [0, 0], sizes = [32, 256], strides = [1, 1]} : vector<64x256xf32> to vector<32x256xf32>
    %slice3A_592 = vector.extract_strided_slice %min3A_590 {offsets = [32, 0], sizes = [32, 256], strides = [1, 1]} : vector<64x256xf32> to vector<32x256xf32>
    %min3A_593 = arith.minimumf %slice3A_591, %slice3A_592 : vector<32x256xf32>
    %slice3A_594 = vector.extract_strided_slice %min3A_593 {offsets = [0, 0], sizes = [16, 256], strides = [1, 1]} : vector<32x256xf32> to vector<16x256xf32>
    %slice3A_595 = vector.extract_strided_slice %min3A_593 {offsets = [16, 0], sizes = [16, 256], strides = [1, 1]} : vector<32x256xf32> to vector<16x256xf32>
    %min3A_596 = arith.minimumf %slice3A_594, %slice3A_595 : vector<16x256xf32>
    %slice3A_597 = vector.extract_strided_slice %min3A_596 {offsets = [0, 0], sizes = [8, 256], strides = [1, 1]} : vector<16x256xf32> to vector<8x256xf32>
    %slice3A_598 = vector.extract_strided_slice %min3A_596 {offsets = [8, 0], sizes = [8, 256], strides = [1, 1]} : vector<16x256xf32> to vector<8x256xf32>
    %min3A_599 = arith.minimumf %slice3A_597, %slice3A_598 : vector<8x256xf32>
    %reduce_min3A_600 = arith.constant dense<0x7F800000> : vector<256xf32>
    %reduce_min3A_601 = vector.multi_reduction <minimumf>, %min3A_599, %reduce_min3A_600 [0] : vector<8x256xf32> to vector<256xf32>
    %broadcast_in_dim3A_602 = vector.shape_cast %reduce_min3A_601 : vector<256xf32> to vector<1x256xf32>
    %slice3A_603 = vector.extract_strided_slice %get3A_16 {offsets = [12, 0], sizes = [1, 256], strides = [1, 1]} : vector<64x256xf32> to vector<1x256xf32>
    %add3A_604 = arith.addf %broadcast_in_dim3A_602, %slice3A_603 : vector<1x256xf32>
    %max3A_605 = arith.constant 0.000000e+00 : f32
    %max3A_606 = vector.broadcast %max3A_605 : f32 to vector<1x256xf32>
    %max3A_607 = arith.maximumf %add3A_604, %max3A_606 : vector<1x256xf32>
    %lt3A_608 = arith.constant 5.000000e-02 : f32
    %lt3A_609 = vector.broadcast %lt3A_608 : f32 to vector<1x256xf32>
    %lt3A_610 = arith.cmpf olt, %max3A_607, %lt3A_609 : vector<1x256xf32>
    %jit3A_611 = arith.constant 0.000000e+00 : f32
    %broadcast_in_dim3A_612 = vector.broadcast %jit3A_611 : f32 to vector<1x256xf32>
    %select_n3A_613 = arith.select %lt3A_610, %max3A_607, %broadcast_in_dim3A_612 : vector<1x256xi1>, vector<1x256xf32>
    %add3A_614 = arith.addf %add3A_568, %select_n3A_613 : vector<1x256xf32>
    %convert_element_type3A_615 = arith.extui %lt3A_610 : vector<1x256xi1> to vector<1x256xi32>
    %convert_element_type3A_616 = arith.sitofp %convert_element_type3A_615 : vector<1x256xi32> to vector<1x256xf32>
    %add3A_617 = arith.addf %add3A_571, %convert_element_type3A_616 : vector<1x256xf32>
    %slice3A_618 = vector.extract_strided_slice %get3A_11 {offsets = [0, 3328], sizes = [8, 256], strides = [1, 1]} : vector<8x16384xf32> to vector<8x256xf32>
    %dot_general3A_619 = arith.constant dense<0.000000e+00> : vector<2048x256xf32>
    %dot_general3A_620 = tpu.matmul %get3A_6, %slice3A_618, %dot_general3A_619 {dimension_numbers = #tpu.dot_dimension_numbers<[1], [0], [0], [1], [0, 0, 1, 1], [], []>, transpose_lhs_hint = false} : vector<2048x8xf32>, vector<8x256xf32>, vector<2048x256xf32> -> vector<2048x256xf32>
    %add3A_621 = arith.addf %dot_general3A_620, %get3A_24 : vector<2048x256xf32>
    %slice3A_622 = vector.extract_strided_slice %add3A_621 {offsets = [0, 0], sizes = [1024, 256], strides = [1, 1]} : vector<2048x256xf32> to vector<1024x256xf32>
    %slice3A_623 = vector.extract_strided_slice %add3A_621 {offsets = [1024, 0], sizes = [1024, 256], strides = [1, 1]} : vector<2048x256xf32> to vector<1024x256xf32>
    %min3A_624 = arith.minimumf %slice3A_622, %slice3A_623 : vector<1024x256xf32>
    %slice3A_625 = vector.extract_strided_slice %min3A_624 {offsets = [0, 0], sizes = [512, 256], strides = [1, 1]} : vector<1024x256xf32> to vector<512x256xf32>
    %slice3A_626 = vector.extract_strided_slice %min3A_624 {offsets = [512, 0], sizes = [512, 256], strides = [1, 1]} : vector<1024x256xf32> to vector<512x256xf32>
    %min3A_627 = arith.minimumf %slice3A_625, %slice3A_626 : vector<512x256xf32>
    %slice3A_628 = vector.extract_strided_slice %min3A_627 {offsets = [0, 0], sizes = [256, 256], strides = [1, 1]} : vector<512x256xf32> to vector<256x256xf32>
    %slice3A_629 = vector.extract_strided_slice %min3A_627 {offsets = [256, 0], sizes = [256, 256], strides = [1, 1]} : vector<512x256xf32> to vector<256x256xf32>
    %min3A_630 = arith.minimumf %slice3A_628, %slice3A_629 : vector<256x256xf32>
    %slice3A_631 = vector.extract_strided_slice %min3A_630 {offsets = [0, 0], sizes = [128, 256], strides = [1, 1]} : vector<256x256xf32> to vector<128x256xf32>
    %slice3A_632 = vector.extract_strided_slice %min3A_630 {offsets = [128, 0], sizes = [128, 256], strides = [1, 1]} : vector<256x256xf32> to vector<128x256xf32>
    %min3A_633 = arith.minimumf %slice3A_631, %slice3A_632 : vector<128x256xf32>
    %slice3A_634 = vector.extract_strided_slice %min3A_633 {offsets = [0, 0], sizes = [64, 256], strides = [1, 1]} : vector<128x256xf32> to vector<64x256xf32>
    %slice3A_635 = vector.extract_strided_slice %min3A_633 {offsets = [64, 0], sizes = [64, 256], strides = [1, 1]} : vector<128x256xf32> to vector<64x256xf32>
    %min3A_636 = arith.minimumf %slice3A_634, %slice3A_635 : vector<64x256xf32>
    %slice3A_637 = vector.extract_strided_slice %min3A_636 {offsets = [0, 0], sizes = [32, 256], strides = [1, 1]} : vector<64x256xf32> to vector<32x256xf32>
    %slice3A_638 = vector.extract_strided_slice %min3A_636 {offsets = [32, 0], sizes = [32, 256], strides = [1, 1]} : vector<64x256xf32> to vector<32x256xf32>
    %min3A_639 = arith.minimumf %slice3A_637, %slice3A_638 : vector<32x256xf32>
    %slice3A_640 = vector.extract_strided_slice %min3A_639 {offsets = [0, 0], sizes = [16, 256], strides = [1, 1]} : vector<32x256xf32> to vector<16x256xf32>
    %slice3A_641 = vector.extract_strided_slice %min3A_639 {offsets = [16, 0], sizes = [16, 256], strides = [1, 1]} : vector<32x256xf32> to vector<16x256xf32>
    %min3A_642 = arith.minimumf %slice3A_640, %slice3A_641 : vector<16x256xf32>
    %slice3A_643 = vector.extract_strided_slice %min3A_642 {offsets = [0, 0], sizes = [8, 256], strides = [1, 1]} : vector<16x256xf32> to vector<8x256xf32>
    %slice3A_644 = vector.extract_strided_slice %min3A_642 {offsets = [8, 0], sizes = [8, 256], strides = [1, 1]} : vector<16x256xf32> to vector<8x256xf32>
    %min3A_645 = arith.minimumf %slice3A_643, %slice3A_644 : vector<8x256xf32>
    %reduce_min3A_646 = arith.constant dense<0x7F800000> : vector<256xf32>
    %reduce_min3A_647 = vector.multi_reduction <minimumf>, %min3A_645, %reduce_min3A_646 [0] : vector<8x256xf32> to vector<256xf32>
    %broadcast_in_dim3A_648 = vector.shape_cast %reduce_min3A_647 : vector<256xf32> to vector<1x256xf32>
    %slice3A_649 = vector.extract_strided_slice %get3A_16 {offsets = [13, 0], sizes = [1, 256], strides = [1, 1]} : vector<64x256xf32> to vector<1x256xf32>
    %add3A_650 = arith.addf %broadcast_in_dim3A_648, %slice3A_649 : vector<1x256xf32>
    %max3A_651 = arith.constant 0.000000e+00 : f32
    %max3A_652 = vector.broadcast %max3A_651 : f32 to vector<1x256xf32>
    %max3A_653 = arith.maximumf %add3A_650, %max3A_652 : vector<1x256xf32>
    %lt3A_654 = arith.constant 5.000000e-02 : f32
    %lt3A_655 = vector.broadcast %lt3A_654 : f32 to vector<1x256xf32>
    %lt3A_656 = arith.cmpf olt, %max3A_653, %lt3A_655 : vector<1x256xf32>
    %jit3A_657 = arith.constant 0.000000e+00 : f32
    %broadcast_in_dim3A_658 = vector.broadcast %jit3A_657 : f32 to vector<1x256xf32>
    %select_n3A_659 = arith.select %lt3A_656, %max3A_653, %broadcast_in_dim3A_658 : vector<1x256xi1>, vector<1x256xf32>
    %add3A_660 = arith.addf %add3A_614, %select_n3A_659 : vector<1x256xf32>
    %convert_element_type3A_661 = arith.extui %lt3A_656 : vector<1x256xi1> to vector<1x256xi32>
    %convert_element_type3A_662 = arith.sitofp %convert_element_type3A_661 : vector<1x256xi32> to vector<1x256xf32>
    %add3A_663 = arith.addf %add3A_617, %convert_element_type3A_662 : vector<1x256xf32>
    %slice3A_664 = vector.extract_strided_slice %get3A_11 {offsets = [0, 3584], sizes = [8, 256], strides = [1, 1]} : vector<8x16384xf32> to vector<8x256xf32>
    %dot_general3A_665 = arith.constant dense<0.000000e+00> : vector<2048x256xf32>
    %dot_general3A_666 = tpu.matmul %get3A_6, %slice3A_664, %dot_general3A_665 {dimension_numbers = #tpu.dot_dimension_numbers<[1], [0], [0], [1], [0, 0, 1, 1], [], []>, transpose_lhs_hint = false} : vector<2048x8xf32>, vector<8x256xf32>, vector<2048x256xf32> -> vector<2048x256xf32>
    %add3A_667 = arith.addf %dot_general3A_666, %get3A_24 : vector<2048x256xf32>
    %slice3A_668 = vector.extract_strided_slice %add3A_667 {offsets = [0, 0], sizes = [1024, 256], strides = [1, 1]} : vector<2048x256xf32> to vector<1024x256xf32>
    %slice3A_669 = vector.extract_strided_slice %add3A_667 {offsets = [1024, 0], sizes = [1024, 256], strides = [1, 1]} : vector<2048x256xf32> to vector<1024x256xf32>
    %min3A_670 = arith.minimumf %slice3A_668, %slice3A_669 : vector<1024x256xf32>
    %slice3A_671 = vector.extract_strided_slice %min3A_670 {offsets = [0, 0], sizes = [512, 256], strides = [1, 1]} : vector<1024x256xf32> to vector<512x256xf32>
    %slice3A_672 = vector.extract_strided_slice %min3A_670 {offsets = [512, 0], sizes = [512, 256], strides = [1, 1]} : vector<1024x256xf32> to vector<512x256xf32>
    %min3A_673 = arith.minimumf %slice3A_671, %slice3A_672 : vector<512x256xf32>
    %slice3A_674 = vector.extract_strided_slice %min3A_673 {offsets = [0, 0], sizes = [256, 256], strides = [1, 1]} : vector<512x256xf32> to vector<256x256xf32>
    %slice3A_675 = vector.extract_strided_slice %min3A_673 {offsets = [256, 0], sizes = [256, 256], strides = [1, 1]} : vector<512x256xf32> to vector<256x256xf32>
    %min3A_676 = arith.minimumf %slice3A_674, %slice3A_675 : vector<256x256xf32>
    %slice3A_677 = vector.extract_strided_slice %min3A_676 {offsets = [0, 0], sizes = [128, 256], strides = [1, 1]} : vector<256x256xf32> to vector<128x256xf32>
    %slice3A_678 = vector.extract_strided_slice %min3A_676 {offsets = [128, 0], sizes = [128, 256], strides = [1, 1]} : vector<256x256xf32> to vector<128x256xf32>
    %min3A_679 = arith.minimumf %slice3A_677, %slice3A_678 : vector<128x256xf32>
    %slice3A_680 = vector.extract_strided_slice %min3A_679 {offsets = [0, 0], sizes = [64, 256], strides = [1, 1]} : vector<128x256xf32> to vector<64x256xf32>
    %slice3A_681 = vector.extract_strided_slice %min3A_679 {offsets = [64, 0], sizes = [64, 256], strides = [1, 1]} : vector<128x256xf32> to vector<64x256xf32>
    %min3A_682 = arith.minimumf %slice3A_680, %slice3A_681 : vector<64x256xf32>
    %slice3A_683 = vector.extract_strided_slice %min3A_682 {offsets = [0, 0], sizes = [32, 256], strides = [1, 1]} : vector<64x256xf32> to vector<32x256xf32>
    %slice3A_684 = vector.extract_strided_slice %min3A_682 {offsets = [32, 0], sizes = [32, 256], strides = [1, 1]} : vector<64x256xf32> to vector<32x256xf32>
    %min3A_685 = arith.minimumf %slice3A_683, %slice3A_684 : vector<32x256xf32>
    %slice3A_686 = vector.extract_strided_slice %min3A_685 {offsets = [0, 0], sizes = [16, 256], strides = [1, 1]} : vector<32x256xf32> to vector<16x256xf32>
    %slice3A_687 = vector.extract_strided_slice %min3A_685 {offsets = [16, 0], sizes = [16, 256], strides = [1, 1]} : vector<32x256xf32> to vector<16x256xf32>
    %min3A_688 = arith.minimumf %slice3A_686, %slice3A_687 : vector<16x256xf32>
    %slice3A_689 = vector.extract_strided_slice %min3A_688 {offsets = [0, 0], sizes = [8, 256], strides = [1, 1]} : vector<16x256xf32> to vector<8x256xf32>
    %slice3A_690 = vector.extract_strided_slice %min3A_688 {offsets = [8, 0], sizes = [8, 256], strides = [1, 1]} : vector<16x256xf32> to vector<8x256xf32>
    %min3A_691 = arith.minimumf %slice3A_689, %slice3A_690 : vector<8x256xf32>
    %reduce_min3A_692 = arith.constant dense<0x7F800000> : vector<256xf32>
    %reduce_min3A_693 = vector.multi_reduction <minimumf>, %min3A_691, %reduce_min3A_692 [0] : vector<8x256xf32> to vector<256xf32>
    %broadcast_in_dim3A_694 = vector.shape_cast %reduce_min3A_693 : vector<256xf32> to vector<1x256xf32>
    %slice3A_695 = vector.extract_strided_slice %get3A_16 {offsets = [14, 0], sizes = [1, 256], strides = [1, 1]} : vector<64x256xf32> to vector<1x256xf32>
    %add3A_696 = arith.addf %broadcast_in_dim3A_694, %slice3A_695 : vector<1x256xf32>
    %max3A_697 = arith.constant 0.000000e+00 : f32
    %max3A_698 = vector.broadcast %max3A_697 : f32 to vector<1x256xf32>
    %max3A_699 = arith.maximumf %add3A_696, %max3A_698 : vector<1x256xf32>
    %lt3A_700 = arith.constant 5.000000e-02 : f32
    %lt3A_701 = vector.broadcast %lt3A_700 : f32 to vector<1x256xf32>
    %lt3A_702 = arith.cmpf olt, %max3A_699, %lt3A_701 : vector<1x256xf32>
    %jit3A_703 = arith.constant 0.000000e+00 : f32
    %broadcast_in_dim3A_704 = vector.broadcast %jit3A_703 : f32 to vector<1x256xf32>
    %select_n3A_705 = arith.select %lt3A_702, %max3A_699, %broadcast_in_dim3A_704 : vector<1x256xi1>, vector<1x256xf32>
    %add3A_706 = arith.addf %add3A_660, %select_n3A_705 : vector<1x256xf32>
    %convert_element_type3A_707 = arith.extui %lt3A_702 : vector<1x256xi1> to vector<1x256xi32>
    %convert_element_type3A_708 = arith.sitofp %convert_element_type3A_707 : vector<1x256xi32> to vector<1x256xf32>
    %add3A_709 = arith.addf %add3A_663, %convert_element_type3A_708 : vector<1x256xf32>
    %slice3A_710 = vector.extract_strided_slice %get3A_11 {offsets = [0, 3840], sizes = [8, 256], strides = [1, 1]} : vector<8x16384xf32> to vector<8x256xf32>
    %dot_general3A_711 = arith.constant dense<0.000000e+00> : vector<2048x256xf32>
    %dot_general3A_712 = tpu.matmul %get3A_6, %slice3A_710, %dot_general3A_711 {dimension_numbers = #tpu.dot_dimension_numbers<[1], [0], [0], [1], [0, 0, 1, 1], [], []>, transpose_lhs_hint = false} : vector<2048x8xf32>, vector<8x256xf32>, vector<2048x256xf32> -> vector<2048x256xf32>
    %add3A_713 = arith.addf %dot_general3A_712, %get3A_24 : vector<2048x256xf32>
    %slice3A_714 = vector.extract_strided_slice %add3A_713 {offsets = [0, 0], sizes = [1024, 256], strides = [1, 1]} : vector<2048x256xf32> to vector<1024x256xf32>
    %slice3A_715 = vector.extract_strided_slice %add3A_713 {offsets = [1024, 0], sizes = [1024, 256], strides = [1, 1]} : vector<2048x256xf32> to vector<1024x256xf32>
    %min3A_716 = arith.minimumf %slice3A_714, %slice3A_715 : vector<1024x256xf32>
    %slice3A_717 = vector.extract_strided_slice %min3A_716 {offsets = [0, 0], sizes = [512, 256], strides = [1, 1]} : vector<1024x256xf32> to vector<512x256xf32>
    %slice3A_718 = vector.extract_strided_slice %min3A_716 {offsets = [512, 0], sizes = [512, 256], strides = [1, 1]} : vector<1024x256xf32> to vector<512x256xf32>
    %min3A_719 = arith.minimumf %slice3A_717, %slice3A_718 : vector<512x256xf32>
    %slice3A_720 = vector.extract_strided_slice %min3A_719 {offsets = [0, 0], sizes = [256, 256], strides = [1, 1]} : vector<512x256xf32> to vector<256x256xf32>
    %slice3A_721 = vector.extract_strided_slice %min3A_719 {offsets = [256, 0], sizes = [256, 256], strides = [1, 1]} : vector<512x256xf32> to vector<256x256xf32>
    %min3A_722 = arith.minimumf %slice3A_720, %slice3A_721 : vector<256x256xf32>
    %slice3A_723 = vector.extract_strided_slice %min3A_722 {offsets = [0, 0], sizes = [128, 256], strides = [1, 1]} : vector<256x256xf32> to vector<128x256xf32>
    %slice3A_724 = vector.extract_strided_slice %min3A_722 {offsets = [128, 0], sizes = [128, 256], strides = [1, 1]} : vector<256x256xf32> to vector<128x256xf32>
    %min3A_725 = arith.minimumf %slice3A_723, %slice3A_724 : vector<128x256xf32>
    %slice3A_726 = vector.extract_strided_slice %min3A_725 {offsets = [0, 0], sizes = [64, 256], strides = [1, 1]} : vector<128x256xf32> to vector<64x256xf32>
    %slice3A_727 = vector.extract_strided_slice %min3A_725 {offsets = [64, 0], sizes = [64, 256], strides = [1, 1]} : vector<128x256xf32> to vector<64x256xf32>
    %min3A_728 = arith.minimumf %slice3A_726, %slice3A_727 : vector<64x256xf32>
    %slice3A_729 = vector.extract_strided_slice %min3A_728 {offsets = [0, 0], sizes = [32, 256], strides = [1, 1]} : vector<64x256xf32> to vector<32x256xf32>
    %slice3A_730 = vector.extract_strided_slice %min3A_728 {offsets = [32, 0], sizes = [32, 256], strides = [1, 1]} : vector<64x256xf32> to vector<32x256xf32>
    %min3A_731 = arith.minimumf %slice3A_729, %slice3A_730 : vector<32x256xf32>
    %slice3A_732 = vector.extract_strided_slice %min3A_731 {offsets = [0, 0], sizes = [16, 256], strides = [1, 1]} : vector<32x256xf32> to vector<16x256xf32>
    %slice3A_733 = vector.extract_strided_slice %min3A_731 {offsets = [16, 0], sizes = [16, 256], strides = [1, 1]} : vector<32x256xf32> to vector<16x256xf32>
    %min3A_734 = arith.minimumf %slice3A_732, %slice3A_733 : vector<16x256xf32>
    %slice3A_735 = vector.extract_strided_slice %min3A_734 {offsets = [0, 0], sizes = [8, 256], strides = [1, 1]} : vector<16x256xf32> to vector<8x256xf32>
    %slice3A_736 = vector.extract_strided_slice %min3A_734 {offsets = [8, 0], sizes = [8, 256], strides = [1, 1]} : vector<16x256xf32> to vector<8x256xf32>
    %min3A_737 = arith.minimumf %slice3A_735, %slice3A_736 : vector<8x256xf32>
    %reduce_min3A_738 = arith.constant dense<0x7F800000> : vector<256xf32>
    %reduce_min3A_739 = vector.multi_reduction <minimumf>, %min3A_737, %reduce_min3A_738 [0] : vector<8x256xf32> to vector<256xf32>
    %broadcast_in_dim3A_740 = vector.shape_cast %reduce_min3A_739 : vector<256xf32> to vector<1x256xf32>
    %slice3A_741 = vector.extract_strided_slice %get3A_16 {offsets = [15, 0], sizes = [1, 256], strides = [1, 1]} : vector<64x256xf32> to vector<1x256xf32>
    %add3A_742 = arith.addf %broadcast_in_dim3A_740, %slice3A_741 : vector<1x256xf32>
    %max3A_743 = arith.constant 0.000000e+00 : f32
    %max3A_744 = vector.broadcast %max3A_743 : f32 to vector<1x256xf32>
    %max3A_745 = arith.maximumf %add3A_742, %max3A_744 : vector<1x256xf32>
    %lt3A_746 = arith.constant 5.000000e-02 : f32
    %lt3A_747 = vector.broadcast %lt3A_746 : f32 to vector<1x256xf32>
    %lt3A_748 = arith.cmpf olt, %max3A_745, %lt3A_747 : vector<1x256xf32>
    %jit3A_749 = arith.constant 0.000000e+00 : f32
    %broadcast_in_dim3A_750 = vector.broadcast %jit3A_749 : f32 to vector<1x256xf32>
    %select_n3A_751 = arith.select %lt3A_748, %max3A_745, %broadcast_in_dim3A_750 : vector<1x256xi1>, vector<1x256xf32>
    %add3A_752 = arith.addf %add3A_706, %select_n3A_751 : vector<1x256xf32>
    %convert_element_type3A_753 = arith.extui %lt3A_748 : vector<1x256xi1> to vector<1x256xi32>
    %convert_element_type3A_754 = arith.sitofp %convert_element_type3A_753 : vector<1x256xi32> to vector<1x256xf32>
    %add3A_755 = arith.addf %add3A_709, %convert_element_type3A_754 : vector<1x256xf32>
    %slice3A_756 = vector.extract_strided_slice %get3A_11 {offsets = [0, 4096], sizes = [8, 256], strides = [1, 1]} : vector<8x16384xf32> to vector<8x256xf32>
    %dot_general3A_757 = arith.constant dense<0.000000e+00> : vector<2048x256xf32>
    %dot_general3A_758 = tpu.matmul %get3A_6, %slice3A_756, %dot_general3A_757 {dimension_numbers = #tpu.dot_dimension_numbers<[1], [0], [0], [1], [0, 0, 1, 1], [], []>, transpose_lhs_hint = false} : vector<2048x8xf32>, vector<8x256xf32>, vector<2048x256xf32> -> vector<2048x256xf32>
    %add3A_759 = arith.addf %dot_general3A_758, %get3A_24 : vector<2048x256xf32>
    %slice3A_760 = vector.extract_strided_slice %add3A_759 {offsets = [0, 0], sizes = [1024, 256], strides = [1, 1]} : vector<2048x256xf32> to vector<1024x256xf32>
    %slice3A_761 = vector.extract_strided_slice %add3A_759 {offsets = [1024, 0], sizes = [1024, 256], strides = [1, 1]} : vector<2048x256xf32> to vector<1024x256xf32>
    %min3A_762 = arith.minimumf %slice3A_760, %slice3A_761 : vector<1024x256xf32>
    %slice3A_763 = vector.extract_strided_slice %min3A_762 {offsets = [0, 0], sizes = [512, 256], strides = [1, 1]} : vector<1024x256xf32> to vector<512x256xf32>
    %slice3A_764 = vector.extract_strided_slice %min3A_762 {offsets = [512, 0], sizes = [512, 256], strides = [1, 1]} : vector<1024x256xf32> to vector<512x256xf32>
    %min3A_765 = arith.minimumf %slice3A_763, %slice3A_764 : vector<512x256xf32>
    %slice3A_766 = vector.extract_strided_slice %min3A_765 {offsets = [0, 0], sizes = [256, 256], strides = [1, 1]} : vector<512x256xf32> to vector<256x256xf32>
    %slice3A_767 = vector.extract_strided_slice %min3A_765 {offsets = [256, 0], sizes = [256, 256], strides = [1, 1]} : vector<512x256xf32> to vector<256x256xf32>
    %min3A_768 = arith.minimumf %slice3A_766, %slice3A_767 : vector<256x256xf32>
    %slice3A_769 = vector.extract_strided_slice %min3A_768 {offsets = [0, 0], sizes = [128, 256], strides = [1, 1]} : vector<256x256xf32> to vector<128x256xf32>
    %slice3A_770 = vector.extract_strided_slice %min3A_768 {offsets = [128, 0], sizes = [128, 256], strides = [1, 1]} : vector<256x256xf32> to vector<128x256xf32>
    %min3A_771 = arith.minimumf %slice3A_769, %slice3A_770 : vector<128x256xf32>
    %slice3A_772 = vector.extract_strided_slice %min3A_771 {offsets = [0, 0], sizes = [64, 256], strides = [1, 1]} : vector<128x256xf32> to vector<64x256xf32>
    %slice3A_773 = vector.extract_strided_slice %min3A_771 {offsets = [64, 0], sizes = [64, 256], strides = [1, 1]} : vector<128x256xf32> to vector<64x256xf32>
    %min3A_774 = arith.minimumf %slice3A_772, %slice3A_773 : vector<64x256xf32>
    %slice3A_775 = vector.extract_strided_slice %min3A_774 {offsets = [0, 0], sizes = [32, 256], strides = [1, 1]} : vector<64x256xf32> to vector<32x256xf32>
    %slice3A_776 = vector.extract_strided_slice %min3A_774 {offsets = [32, 0], sizes = [32, 256], strides = [1, 1]} : vector<64x256xf32> to vector<32x256xf32>
    %min3A_777 = arith.minimumf %slice3A_775, %slice3A_776 : vector<32x256xf32>
    %slice3A_778 = vector.extract_strided_slice %min3A_777 {offsets = [0, 0], sizes = [16, 256], strides = [1, 1]} : vector<32x256xf32> to vector<16x256xf32>
    %slice3A_779 = vector.extract_strided_slice %min3A_777 {offsets = [16, 0], sizes = [16, 256], strides = [1, 1]} : vector<32x256xf32> to vector<16x256xf32>
    %min3A_780 = arith.minimumf %slice3A_778, %slice3A_779 : vector<16x256xf32>
    %slice3A_781 = vector.extract_strided_slice %min3A_780 {offsets = [0, 0], sizes = [8, 256], strides = [1, 1]} : vector<16x256xf32> to vector<8x256xf32>
    %slice3A_782 = vector.extract_strided_slice %min3A_780 {offsets = [8, 0], sizes = [8, 256], strides = [1, 1]} : vector<16x256xf32> to vector<8x256xf32>
    %min3A_783 = arith.minimumf %slice3A_781, %slice3A_782 : vector<8x256xf32>
    %reduce_min3A_784 = arith.constant dense<0x7F800000> : vector<256xf32>
    %reduce_min3A_785 = vector.multi_reduction <minimumf>, %min3A_783, %reduce_min3A_784 [0] : vector<8x256xf32> to vector<256xf32>
    %broadcast_in_dim3A_786 = vector.shape_cast %reduce_min3A_785 : vector<256xf32> to vector<1x256xf32>
    %slice3A_787 = vector.extract_strided_slice %get3A_16 {offsets = [16, 0], sizes = [1, 256], strides = [1, 1]} : vector<64x256xf32> to vector<1x256xf32>
    %add3A_788 = arith.addf %broadcast_in_dim3A_786, %slice3A_787 : vector<1x256xf32>
    %max3A_789 = arith.constant 0.000000e+00 : f32
    %max3A_790 = vector.broadcast %max3A_789 : f32 to vector<1x256xf32>
    %max3A_791 = arith.maximumf %add3A_788, %max3A_790 : vector<1x256xf32>
    %lt3A_792 = arith.constant 5.000000e-02 : f32
    %lt3A_793 = vector.broadcast %lt3A_792 : f32 to vector<1x256xf32>
    %lt3A_794 = arith.cmpf olt, %max3A_791, %lt3A_793 : vector<1x256xf32>
    %jit3A_795 = arith.constant 0.000000e+00 : f32
    %broadcast_in_dim3A_796 = vector.broadcast %jit3A_795 : f32 to vector<1x256xf32>
    %select_n3A_797 = arith.select %lt3A_794, %max3A_791, %broadcast_in_dim3A_796 : vector<1x256xi1>, vector<1x256xf32>
    %add3A_798 = arith.addf %add3A_752, %select_n3A_797 : vector<1x256xf32>
    %convert_element_type3A_799 = arith.extui %lt3A_794 : vector<1x256xi1> to vector<1x256xi32>
    %convert_element_type3A_800 = arith.sitofp %convert_element_type3A_799 : vector<1x256xi32> to vector<1x256xf32>
    %add3A_801 = arith.addf %add3A_755, %convert_element_type3A_800 : vector<1x256xf32>
    %slice3A_802 = vector.extract_strided_slice %get3A_11 {offsets = [0, 4352], sizes = [8, 256], strides = [1, 1]} : vector<8x16384xf32> to vector<8x256xf32>
    %dot_general3A_803 = arith.constant dense<0.000000e+00> : vector<2048x256xf32>
    %dot_general3A_804 = tpu.matmul %get3A_6, %slice3A_802, %dot_general3A_803 {dimension_numbers = #tpu.dot_dimension_numbers<[1], [0], [0], [1], [0, 0, 1, 1], [], []>, transpose_lhs_hint = false} : vector<2048x8xf32>, vector<8x256xf32>, vector<2048x256xf32> -> vector<2048x256xf32>
    %add3A_805 = arith.addf %dot_general3A_804, %get3A_24 : vector<2048x256xf32>
    %slice3A_806 = vector.extract_strided_slice %add3A_805 {offsets = [0, 0], sizes = [1024, 256], strides = [1, 1]} : vector<2048x256xf32> to vector<1024x256xf32>
    %slice3A_807 = vector.extract_strided_slice %add3A_805 {offsets = [1024, 0], sizes = [1024, 256], strides = [1, 1]} : vector<2048x256xf32> to vector<1024x256xf32>
    %min3A_808 = arith.minimumf %slice3A_806, %slice3A_807 : vector<1024x256xf32>
    %slice3A_809 = vector.extract_strided_slice %min3A_808 {offsets = [0, 0], sizes = [512, 256], strides = [1, 1]} : vector<1024x256xf32> to vector<512x256xf32>
    %slice3A_810 = vector.extract_strided_slice %min3A_808 {offsets = [512, 0], sizes = [512, 256], strides = [1, 1]} : vector<1024x256xf32> to vector<512x256xf32>
    %min3A_811 = arith.minimumf %slice3A_809, %slice3A_810 : vector<512x256xf32>
    %slice3A_812 = vector.extract_strided_slice %min3A_811 {offsets = [0, 0], sizes = [256, 256], strides = [1, 1]} : vector<512x256xf32> to vector<256x256xf32>
    %slice3A_813 = vector.extract_strided_slice %min3A_811 {offsets = [256, 0], sizes = [256, 256], strides = [1, 1]} : vector<512x256xf32> to vector<256x256xf32>
    %min3A_814 = arith.minimumf %slice3A_812, %slice3A_813 : vector<256x256xf32>
    %slice3A_815 = vector.extract_strided_slice %min3A_814 {offsets = [0, 0], sizes = [128, 256], strides = [1, 1]} : vector<256x256xf32> to vector<128x256xf32>
    %slice3A_816 = vector.extract_strided_slice %min3A_814 {offsets = [128, 0], sizes = [128, 256], strides = [1, 1]} : vector<256x256xf32> to vector<128x256xf32>
    %min3A_817 = arith.minimumf %slice3A_815, %slice3A_816 : vector<128x256xf32>
    %slice3A_818 = vector.extract_strided_slice %min3A_817 {offsets = [0, 0], sizes = [64, 256], strides = [1, 1]} : vector<128x256xf32> to vector<64x256xf32>
    %slice3A_819 = vector.extract_strided_slice %min3A_817 {offsets = [64, 0], sizes = [64, 256], strides = [1, 1]} : vector<128x256xf32> to vector<64x256xf32>
    %min3A_820 = arith.minimumf %slice3A_818, %slice3A_819 : vector<64x256xf32>
    %slice3A_821 = vector.extract_strided_slice %min3A_820 {offsets = [0, 0], sizes = [32, 256], strides = [1, 1]} : vector<64x256xf32> to vector<32x256xf32>
    %slice3A_822 = vector.extract_strided_slice %min3A_820 {offsets = [32, 0], sizes = [32, 256], strides = [1, 1]} : vector<64x256xf32> to vector<32x256xf32>
    %min3A_823 = arith.minimumf %slice3A_821, %slice3A_822 : vector<32x256xf32>
    %slice3A_824 = vector.extract_strided_slice %min3A_823 {offsets = [0, 0], sizes = [16, 256], strides = [1, 1]} : vector<32x256xf32> to vector<16x256xf32>
    %slice3A_825 = vector.extract_strided_slice %min3A_823 {offsets = [16, 0], sizes = [16, 256], strides = [1, 1]} : vector<32x256xf32> to vector<16x256xf32>
    %min3A_826 = arith.minimumf %slice3A_824, %slice3A_825 : vector<16x256xf32>
    %slice3A_827 = vector.extract_strided_slice %min3A_826 {offsets = [0, 0], sizes = [8, 256], strides = [1, 1]} : vector<16x256xf32> to vector<8x256xf32>
    %slice3A_828 = vector.extract_strided_slice %min3A_826 {offsets = [8, 0], sizes = [8, 256], strides = [1, 1]} : vector<16x256xf32> to vector<8x256xf32>
    %min3A_829 = arith.minimumf %slice3A_827, %slice3A_828 : vector<8x256xf32>
    %reduce_min3A_830 = arith.constant dense<0x7F800000> : vector<256xf32>
    %reduce_min3A_831 = vector.multi_reduction <minimumf>, %min3A_829, %reduce_min3A_830 [0] : vector<8x256xf32> to vector<256xf32>
    %broadcast_in_dim3A_832 = vector.shape_cast %reduce_min3A_831 : vector<256xf32> to vector<1x256xf32>
    %slice3A_833 = vector.extract_strided_slice %get3A_16 {offsets = [17, 0], sizes = [1, 256], strides = [1, 1]} : vector<64x256xf32> to vector<1x256xf32>
    %add3A_834 = arith.addf %broadcast_in_dim3A_832, %slice3A_833 : vector<1x256xf32>
    %max3A_835 = arith.constant 0.000000e+00 : f32
    %max3A_836 = vector.broadcast %max3A_835 : f32 to vector<1x256xf32>
    %max3A_837 = arith.maximumf %add3A_834, %max3A_836 : vector<1x256xf32>
    %lt3A_838 = arith.constant 5.000000e-02 : f32
    %lt3A_839 = vector.broadcast %lt3A_838 : f32 to vector<1x256xf32>
    %lt3A_840 = arith.cmpf olt, %max3A_837, %lt3A_839 : vector<1x256xf32>
    %jit3A_841 = arith.constant 0.000000e+00 : f32
    %broadcast_in_dim3A_842 = vector.broadcast %jit3A_841 : f32 to vector<1x256xf32>
    %select_n3A_843 = arith.select %lt3A_840, %max3A_837, %broadcast_in_dim3A_842 : vector<1x256xi1>, vector<1x256xf32>
    %add3A_844 = arith.addf %add3A_798, %select_n3A_843 : vector<1x256xf32>
    %convert_element_type3A_845 = arith.extui %lt3A_840 : vector<1x256xi1> to vector<1x256xi32>
    %convert_element_type3A_846 = arith.sitofp %convert_element_type3A_845 : vector<1x256xi32> to vector<1x256xf32>
    %add3A_847 = arith.addf %add3A_801, %convert_element_type3A_846 : vector<1x256xf32>
    %slice3A_848 = vector.extract_strided_slice %get3A_11 {offsets = [0, 4608], sizes = [8, 256], strides = [1, 1]} : vector<8x16384xf32> to vector<8x256xf32>
    %dot_general3A_849 = arith.constant dense<0.000000e+00> : vector<2048x256xf32>
    %dot_general3A_850 = tpu.matmul %get3A_6, %slice3A_848, %dot_general3A_849 {dimension_numbers = #tpu.dot_dimension_numbers<[1], [0], [0], [1], [0, 0, 1, 1], [], []>, transpose_lhs_hint = false} : vector<2048x8xf32>, vector<8x256xf32>, vector<2048x256xf32> -> vector<2048x256xf32>
    %add3A_851 = arith.addf %dot_general3A_850, %get3A_24 : vector<2048x256xf32>
    %slice3A_852 = vector.extract_strided_slice %add3A_851 {offsets = [0, 0], sizes = [1024, 256], strides = [1, 1]} : vector<2048x256xf32> to vector<1024x256xf32>
    %slice3A_853 = vector.extract_strided_slice %add3A_851 {offsets = [1024, 0], sizes = [1024, 256], strides = [1, 1]} : vector<2048x256xf32> to vector<1024x256xf32>
    %min3A_854 = arith.minimumf %slice3A_852, %slice3A_853 : vector<1024x256xf32>
    %slice3A_855 = vector.extract_strided_slice %min3A_854 {offsets = [0, 0], sizes = [512, 256], strides = [1, 1]} : vector<1024x256xf32> to vector<512x256xf32>
    %slice3A_856 = vector.extract_strided_slice %min3A_854 {offsets = [512, 0], sizes = [512, 256], strides = [1, 1]} : vector<1024x256xf32> to vector<512x256xf32>
    %min3A_857 = arith.minimumf %slice3A_855, %slice3A_856 : vector<512x256xf32>
    %slice3A_858 = vector.extract_strided_slice %min3A_857 {offsets = [0, 0], sizes = [256, 256], strides = [1, 1]} : vector<512x256xf32> to vector<256x256xf32>
    %slice3A_859 = vector.extract_strided_slice %min3A_857 {offsets = [256, 0], sizes = [256, 256], strides = [1, 1]} : vector<512x256xf32> to vector<256x256xf32>
    %min3A_860 = arith.minimumf %slice3A_858, %slice3A_859 : vector<256x256xf32>
    %slice3A_861 = vector.extract_strided_slice %min3A_860 {offsets = [0, 0], sizes = [128, 256], strides = [1, 1]} : vector<256x256xf32> to vector<128x256xf32>
    %slice3A_862 = vector.extract_strided_slice %min3A_860 {offsets = [128, 0], sizes = [128, 256], strides = [1, 1]} : vector<256x256xf32> to vector<128x256xf32>
    %min3A_863 = arith.minimumf %slice3A_861, %slice3A_862 : vector<128x256xf32>
    %slice3A_864 = vector.extract_strided_slice %min3A_863 {offsets = [0, 0], sizes = [64, 256], strides = [1, 1]} : vector<128x256xf32> to vector<64x256xf32>
    %slice3A_865 = vector.extract_strided_slice %min3A_863 {offsets = [64, 0], sizes = [64, 256], strides = [1, 1]} : vector<128x256xf32> to vector<64x256xf32>
    %min3A_866 = arith.minimumf %slice3A_864, %slice3A_865 : vector<64x256xf32>
    %slice3A_867 = vector.extract_strided_slice %min3A_866 {offsets = [0, 0], sizes = [32, 256], strides = [1, 1]} : vector<64x256xf32> to vector<32x256xf32>
    %slice3A_868 = vector.extract_strided_slice %min3A_866 {offsets = [32, 0], sizes = [32, 256], strides = [1, 1]} : vector<64x256xf32> to vector<32x256xf32>
    %min3A_869 = arith.minimumf %slice3A_867, %slice3A_868 : vector<32x256xf32>
    %slice3A_870 = vector.extract_strided_slice %min3A_869 {offsets = [0, 0], sizes = [16, 256], strides = [1, 1]} : vector<32x256xf32> to vector<16x256xf32>
    %slice3A_871 = vector.extract_strided_slice %min3A_869 {offsets = [16, 0], sizes = [16, 256], strides = [1, 1]} : vector<32x256xf32> to vector<16x256xf32>
    %min3A_872 = arith.minimumf %slice3A_870, %slice3A_871 : vector<16x256xf32>
    %slice3A_873 = vector.extract_strided_slice %min3A_872 {offsets = [0, 0], sizes = [8, 256], strides = [1, 1]} : vector<16x256xf32> to vector<8x256xf32>
    %slice3A_874 = vector.extract_strided_slice %min3A_872 {offsets = [8, 0], sizes = [8, 256], strides = [1, 1]} : vector<16x256xf32> to vector<8x256xf32>
    %min3A_875 = arith.minimumf %slice3A_873, %slice3A_874 : vector<8x256xf32>
    %reduce_min3A_876 = arith.constant dense<0x7F800000> : vector<256xf32>
    %reduce_min3A_877 = vector.multi_reduction <minimumf>, %min3A_875, %reduce_min3A_876 [0] : vector<8x256xf32> to vector<256xf32>
    %broadcast_in_dim3A_878 = vector.shape_cast %reduce_min3A_877 : vector<256xf32> to vector<1x256xf32>
    %slice3A_879 = vector.extract_strided_slice %get3A_16 {offsets = [18, 0], sizes = [1, 256], strides = [1, 1]} : vector<64x256xf32> to vector<1x256xf32>
    %add3A_880 = arith.addf %broadcast_in_dim3A_878, %slice3A_879 : vector<1x256xf32>
    %max3A_881 = arith.constant 0.000000e+00 : f32
    %max3A_882 = vector.broadcast %max3A_881 : f32 to vector<1x256xf32>
    %max3A_883 = arith.maximumf %add3A_880, %max3A_882 : vector<1x256xf32>
    %lt3A_884 = arith.constant 5.000000e-02 : f32
    %lt3A_885 = vector.broadcast %lt3A_884 : f32 to vector<1x256xf32>
    %lt3A_886 = arith.cmpf olt, %max3A_883, %lt3A_885 : vector<1x256xf32>
    %jit3A_887 = arith.constant 0.000000e+00 : f32
    %broadcast_in_dim3A_888 = vector.broadcast %jit3A_887 : f32 to vector<1x256xf32>
    %select_n3A_889 = arith.select %lt3A_886, %max3A_883, %broadcast_in_dim3A_888 : vector<1x256xi1>, vector<1x256xf32>
    %add3A_890 = arith.addf %add3A_844, %select_n3A_889 : vector<1x256xf32>
    %convert_element_type3A_891 = arith.extui %lt3A_886 : vector<1x256xi1> to vector<1x256xi32>
    %convert_element_type3A_892 = arith.sitofp %convert_element_type3A_891 : vector<1x256xi32> to vector<1x256xf32>
    %add3A_893 = arith.addf %add3A_847, %convert_element_type3A_892 : vector<1x256xf32>
    %slice3A_894 = vector.extract_strided_slice %get3A_11 {offsets = [0, 4864], sizes = [8, 256], strides = [1, 1]} : vector<8x16384xf32> to vector<8x256xf32>
    %dot_general3A_895 = arith.constant dense<0.000000e+00> : vector<2048x256xf32>
    %dot_general3A_896 = tpu.matmul %get3A_6, %slice3A_894, %dot_general3A_895 {dimension_numbers = #tpu.dot_dimension_numbers<[1], [0], [0], [1], [0, 0, 1, 1], [], []>, transpose_lhs_hint = false} : vector<2048x8xf32>, vector<8x256xf32>, vector<2048x256xf32> -> vector<2048x256xf32>
    %add3A_897 = arith.addf %dot_general3A_896, %get3A_24 : vector<2048x256xf32>
    %slice3A_898 = vector.extract_strided_slice %add3A_897 {offsets = [0, 0], sizes = [1024, 256], strides = [1, 1]} : vector<2048x256xf32> to vector<1024x256xf32>
    %slice3A_899 = vector.extract_strided_slice %add3A_897 {offsets = [1024, 0], sizes = [1024, 256], strides = [1, 1]} : vector<2048x256xf32> to vector<1024x256xf32>
    %min3A_900 = arith.minimumf %slice3A_898, %slice3A_899 : vector<1024x256xf32>
    %slice3A_901 = vector.extract_strided_slice %min3A_900 {offsets = [0, 0], sizes = [512, 256], strides = [1, 1]} : vector<1024x256xf32> to vector<512x256xf32>
    %slice3A_902 = vector.extract_strided_slice %min3A_900 {offsets = [512, 0], sizes = [512, 256], strides = [1, 1]} : vector<1024x256xf32> to vector<512x256xf32>
    %min3A_903 = arith.minimumf %slice3A_901, %slice3A_902 : vector<512x256xf32>
    %slice3A_904 = vector.extract_strided_slice %min3A_903 {offsets = [0, 0], sizes = [256, 256], strides = [1, 1]} : vector<512x256xf32> to vector<256x256xf32>
    %slice3A_905 = vector.extract_strided_slice %min3A_903 {offsets = [256, 0], sizes = [256, 256], strides = [1, 1]} : vector<512x256xf32> to vector<256x256xf32>
    %min3A_906 = arith.minimumf %slice3A_904, %slice3A_905 : vector<256x256xf32>
    %slice3A_907 = vector.extract_strided_slice %min3A_906 {offsets = [0, 0], sizes = [128, 256], strides = [1, 1]} : vector<256x256xf32> to vector<128x256xf32>
    %slice3A_908 = vector.extract_strided_slice %min3A_906 {offsets = [128, 0], sizes = [128, 256], strides = [1, 1]} : vector<256x256xf32> to vector<128x256xf32>
    %min3A_909 = arith.minimumf %slice3A_907, %slice3A_908 : vector<128x256xf32>
    %slice3A_910 = vector.extract_strided_slice %min3A_909 {offsets = [0, 0], sizes = [64, 256], strides = [1, 1]} : vector<128x256xf32> to vector<64x256xf32>
    %slice3A_911 = vector.extract_strided_slice %min3A_909 {offsets = [64, 0], sizes = [64, 256], strides = [1, 1]} : vector<128x256xf32> to vector<64x256xf32>
    %min3A_912 = arith.minimumf %slice3A_910, %slice3A_911 : vector<64x256xf32>
    %slice3A_913 = vector.extract_strided_slice %min3A_912 {offsets = [0, 0], sizes = [32, 256], strides = [1, 1]} : vector<64x256xf32> to vector<32x256xf32>
    %slice3A_914 = vector.extract_strided_slice %min3A_912 {offsets = [32, 0], sizes = [32, 256], strides = [1, 1]} : vector<64x256xf32> to vector<32x256xf32>
    %min3A_915 = arith.minimumf %slice3A_913, %slice3A_914 : vector<32x256xf32>
    %slice3A_916 = vector.extract_strided_slice %min3A_915 {offsets = [0, 0], sizes = [16, 256], strides = [1, 1]} : vector<32x256xf32> to vector<16x256xf32>
    %slice3A_917 = vector.extract_strided_slice %min3A_915 {offsets = [16, 0], sizes = [16, 256], strides = [1, 1]} : vector<32x256xf32> to vector<16x256xf32>
    %min3A_918 = arith.minimumf %slice3A_916, %slice3A_917 : vector<16x256xf32>
    %slice3A_919 = vector.extract_strided_slice %min3A_918 {offsets = [0, 0], sizes = [8, 256], strides = [1, 1]} : vector<16x256xf32> to vector<8x256xf32>
    %slice3A_920 = vector.extract_strided_slice %min3A_918 {offsets = [8, 0], sizes = [8, 256], strides = [1, 1]} : vector<16x256xf32> to vector<8x256xf32>
    %min3A_921 = arith.minimumf %slice3A_919, %slice3A_920 : vector<8x256xf32>
    %reduce_min3A_922 = arith.constant dense<0x7F800000> : vector<256xf32>
    %reduce_min3A_923 = vector.multi_reduction <minimumf>, %min3A_921, %reduce_min3A_922 [0] : vector<8x256xf32> to vector<256xf32>
    %broadcast_in_dim3A_924 = vector.shape_cast %reduce_min3A_923 : vector<256xf32> to vector<1x256xf32>
    %slice3A_925 = vector.extract_strided_slice %get3A_16 {offsets = [19, 0], sizes = [1, 256], strides = [1, 1]} : vector<64x256xf32> to vector<1x256xf32>
    %add3A_926 = arith.addf %broadcast_in_dim3A_924, %slice3A_925 : vector<1x256xf32>
    %max3A_927 = arith.constant 0.000000e+00 : f32
    %max3A_928 = vector.broadcast %max3A_927 : f32 to vector<1x256xf32>
    %max3A_929 = arith.maximumf %add3A_926, %max3A_928 : vector<1x256xf32>
    %lt3A_930 = arith.constant 5.000000e-02 : f32
    %lt3A_931 = vector.broadcast %lt3A_930 : f32 to vector<1x256xf32>
    %lt3A_932 = arith.cmpf olt, %max3A_929, %lt3A_931 : vector<1x256xf32>
    %jit3A_933 = arith.constant 0.000000e+00 : f32
    %broadcast_in_dim3A_934 = vector.broadcast %jit3A_933 : f32 to vector<1x256xf32>
    %select_n3A_935 = arith.select %lt3A_932, %max3A_929, %broadcast_in_dim3A_934 : vector<1x256xi1>, vector<1x256xf32>
    %add3A_936 = arith.addf %add3A_890, %select_n3A_935 : vector<1x256xf32>
    %convert_element_type3A_937 = arith.extui %lt3A_932 : vector<1x256xi1> to vector<1x256xi32>
    %convert_element_type3A_938 = arith.sitofp %convert_element_type3A_937 : vector<1x256xi32> to vector<1x256xf32>
    %add3A_939 = arith.addf %add3A_893, %convert_element_type3A_938 : vector<1x256xf32>
    %slice3A_940 = vector.extract_strided_slice %get3A_11 {offsets = [0, 5120], sizes = [8, 256], strides = [1, 1]} : vector<8x16384xf32> to vector<8x256xf32>
    %dot_general3A_941 = arith.constant dense<0.000000e+00> : vector<2048x256xf32>
    %dot_general3A_942 = tpu.matmul %get3A_6, %slice3A_940, %dot_general3A_941 {dimension_numbers = #tpu.dot_dimension_numbers<[1], [0], [0], [1], [0, 0, 1, 1], [], []>, transpose_lhs_hint = false} : vector<2048x8xf32>, vector<8x256xf32>, vector<2048x256xf32> -> vector<2048x256xf32>
    %add3A_943 = arith.addf %dot_general3A_942, %get3A_24 : vector<2048x256xf32>
    %slice3A_944 = vector.extract_strided_slice %add3A_943 {offsets = [0, 0], sizes = [1024, 256], strides = [1, 1]} : vector<2048x256xf32> to vector<1024x256xf32>
    %slice3A_945 = vector.extract_strided_slice %add3A_943 {offsets = [1024, 0], sizes = [1024, 256], strides = [1, 1]} : vector<2048x256xf32> to vector<1024x256xf32>
    %min3A_946 = arith.minimumf %slice3A_944, %slice3A_945 : vector<1024x256xf32>
    %slice3A_947 = vector.extract_strided_slice %min3A_946 {offsets = [0, 0], sizes = [512, 256], strides = [1, 1]} : vector<1024x256xf32> to vector<512x256xf32>
    %slice3A_948 = vector.extract_strided_slice %min3A_946 {offsets = [512, 0], sizes = [512, 256], strides = [1, 1]} : vector<1024x256xf32> to vector<512x256xf32>
    %min3A_949 = arith.minimumf %slice3A_947, %slice3A_948 : vector<512x256xf32>
    %slice3A_950 = vector.extract_strided_slice %min3A_949 {offsets = [0, 0], sizes = [256, 256], strides = [1, 1]} : vector<512x256xf32> to vector<256x256xf32>
    %slice3A_951 = vector.extract_strided_slice %min3A_949 {offsets = [256, 0], sizes = [256, 256], strides = [1, 1]} : vector<512x256xf32> to vector<256x256xf32>
    %min3A_952 = arith.minimumf %slice3A_950, %slice3A_951 : vector<256x256xf32>
    %slice3A_953 = vector.extract_strided_slice %min3A_952 {offsets = [0, 0], sizes = [128, 256], strides = [1, 1]} : vector<256x256xf32> to vector<128x256xf32>
    %slice3A_954 = vector.extract_strided_slice %min3A_952 {offsets = [128, 0], sizes = [128, 256], strides = [1, 1]} : vector<256x256xf32> to vector<128x256xf32>
    %min3A_955 = arith.minimumf %slice3A_953, %slice3A_954 : vector<128x256xf32>
    %slice3A_956 = vector.extract_strided_slice %min3A_955 {offsets = [0, 0], sizes = [64, 256], strides = [1, 1]} : vector<128x256xf32> to vector<64x256xf32>
    %slice3A_957 = vector.extract_strided_slice %min3A_955 {offsets = [64, 0], sizes = [64, 256], strides = [1, 1]} : vector<128x256xf32> to vector<64x256xf32>
    %min3A_958 = arith.minimumf %slice3A_956, %slice3A_957 : vector<64x256xf32>
    %slice3A_959 = vector.extract_strided_slice %min3A_958 {offsets = [0, 0], sizes = [32, 256], strides = [1, 1]} : vector<64x256xf32> to vector<32x256xf32>
    %slice3A_960 = vector.extract_strided_slice %min3A_958 {offsets = [32, 0], sizes = [32, 256], strides = [1, 1]} : vector<64x256xf32> to vector<32x256xf32>
    %min3A_961 = arith.minimumf %slice3A_959, %slice3A_960 : vector<32x256xf32>
    %slice3A_962 = vector.extract_strided_slice %min3A_961 {offsets = [0, 0], sizes = [16, 256], strides = [1, 1]} : vector<32x256xf32> to vector<16x256xf32>
    %slice3A_963 = vector.extract_strided_slice %min3A_961 {offsets = [16, 0], sizes = [16, 256], strides = [1, 1]} : vector<32x256xf32> to vector<16x256xf32>
    %min3A_964 = arith.minimumf %slice3A_962, %slice3A_963 : vector<16x256xf32>
    %slice3A_965 = vector.extract_strided_slice %min3A_964 {offsets = [0, 0], sizes = [8, 256], strides = [1, 1]} : vector<16x256xf32> to vector<8x256xf32>
    %slice3A_966 = vector.extract_strided_slice %min3A_964 {offsets = [8, 0], sizes = [8, 256], strides = [1, 1]} : vector<16x256xf32> to vector<8x256xf32>
    %min3A_967 = arith.minimumf %slice3A_965, %slice3A_966 : vector<8x256xf32>
    %reduce_min3A_968 = arith.constant dense<0x7F800000> : vector<256xf32>
    %reduce_min3A_969 = vector.multi_reduction <minimumf>, %min3A_967, %reduce_min3A_968 [0] : vector<8x256xf32> to vector<256xf32>
    %broadcast_in_dim3A_970 = vector.shape_cast %reduce_min3A_969 : vector<256xf32> to vector<1x256xf32>
    %slice3A_971 = vector.extract_strided_slice %get3A_16 {offsets = [20, 0], sizes = [1, 256], strides = [1, 1]} : vector<64x256xf32> to vector<1x256xf32>
    %add3A_972 = arith.addf %broadcast_in_dim3A_970, %slice3A_971 : vector<1x256xf32>
    %max3A_973 = arith.constant 0.000000e+00 : f32
    %max3A_974 = vector.broadcast %max3A_973 : f32 to vector<1x256xf32>
    %max3A_975 = arith.maximumf %add3A_972, %max3A_974 : vector<1x256xf32>
    %lt3A_976 = arith.constant 5.000000e-02 : f32
    %lt3A_977 = vector.broadcast %lt3A_976 : f32 to vector<1x256xf32>
    %lt3A_978 = arith.cmpf olt, %max3A_975, %lt3A_977 : vector<1x256xf32>
    %jit3A_979 = arith.constant 0.000000e+00 : f32
    %broadcast_in_dim3A_980 = vector.broadcast %jit3A_979 : f32 to vector<1x256xf32>
    %select_n3A_981 = arith.select %lt3A_978, %max3A_975, %broadcast_in_dim3A_980 : vector<1x256xi1>, vector<1x256xf32>
    %add3A_982 = arith.addf %add3A_936, %select_n3A_981 : vector<1x256xf32>
    %convert_element_type3A_983 = arith.extui %lt3A_978 : vector<1x256xi1> to vector<1x256xi32>
    %convert_element_type3A_984 = arith.sitofp %convert_element_type3A_983 : vector<1x256xi32> to vector<1x256xf32>
    %add3A_985 = arith.addf %add3A_939, %convert_element_type3A_984 : vector<1x256xf32>
    %slice3A_986 = vector.extract_strided_slice %get3A_11 {offsets = [0, 5376], sizes = [8, 256], strides = [1, 1]} : vector<8x16384xf32> to vector<8x256xf32>
    %dot_general3A_987 = arith.constant dense<0.000000e+00> : vector<2048x256xf32>
    %dot_general3A_988 = tpu.matmul %get3A_6, %slice3A_986, %dot_general3A_987 {dimension_numbers = #tpu.dot_dimension_numbers<[1], [0], [0], [1], [0, 0, 1, 1], [], []>, transpose_lhs_hint = false} : vector<2048x8xf32>, vector<8x256xf32>, vector<2048x256xf32> -> vector<2048x256xf32>
    %add3A_989 = arith.addf %dot_general3A_988, %get3A_24 : vector<2048x256xf32>
    %slice3A_990 = vector.extract_strided_slice %add3A_989 {offsets = [0, 0], sizes = [1024, 256], strides = [1, 1]} : vector<2048x256xf32> to vector<1024x256xf32>
    %slice3A_991 = vector.extract_strided_slice %add3A_989 {offsets = [1024, 0], sizes = [1024, 256], strides = [1, 1]} : vector<2048x256xf32> to vector<1024x256xf32>
    %min3A_992 = arith.minimumf %slice3A_990, %slice3A_991 : vector<1024x256xf32>
    %slice3A_993 = vector.extract_strided_slice %min3A_992 {offsets = [0, 0], sizes = [512, 256], strides = [1, 1]} : vector<1024x256xf32> to vector<512x256xf32>
    %slice3A_994 = vector.extract_strided_slice %min3A_992 {offsets = [512, 0], sizes = [512, 256], strides = [1, 1]} : vector<1024x256xf32> to vector<512x256xf32>
    %min3A_995 = arith.minimumf %slice3A_993, %slice3A_994 : vector<512x256xf32>
    %slice3A_996 = vector.extract_strided_slice %min3A_995 {offsets = [0, 0], sizes = [256, 256], strides = [1, 1]} : vector<512x256xf32> to vector<256x256xf32>
    %slice3A_997 = vector.extract_strided_slice %min3A_995 {offsets = [256, 0], sizes = [256, 256], strides = [1, 1]} : vector<512x256xf32> to vector<256x256xf32>
    %min3A_998 = arith.minimumf %slice3A_996, %slice3A_997 : vector<256x256xf32>
    %slice3A_999 = vector.extract_strided_slice %min3A_998 {offsets = [0, 0], sizes = [128, 256], strides = [1, 1]} : vector<256x256xf32> to vector<128x256xf32>
    %slice3A_1000 = vector.extract_strided_slice %min3A_998 {offsets = [128, 0], sizes = [128, 256], strides = [1, 1]} : vector<256x256xf32> to vector<128x256xf32>
    %min3A_1001 = arith.minimumf %slice3A_999, %slice3A_1000 : vector<128x256xf32>
    %slice3A_1002 = vector.extract_strided_slice %min3A_1001 {offsets = [0, 0], sizes = [64, 256], strides = [1, 1]} : vector<128x256xf32> to vector<64x256xf32>
    %slice3A_1003 = vector.extract_strided_slice %min3A_1001 {offsets = [64, 0], sizes = [64, 256], strides = [1, 1]} : vector<128x256xf32> to vector<64x256xf32>
    %min3A_1004 = arith.minimumf %slice3A_1002, %slice3A_1003 : vector<64x256xf32>
    %slice3A_1005 = vector.extract_strided_slice %min3A_1004 {offsets = [0, 0], sizes = [32, 256], strides = [1, 1]} : vector<64x256xf32> to vector<32x256xf32>
    %slice3A_1006 = vector.extract_strided_slice %min3A_1004 {offsets = [32, 0], sizes = [32, 256], strides = [1, 1]} : vector<64x256xf32> to vector<32x256xf32>
    %min3A_1007 = arith.minimumf %slice3A_1005, %slice3A_1006 : vector<32x256xf32>
    %slice3A_1008 = vector.extract_strided_slice %min3A_1007 {offsets = [0, 0], sizes = [16, 256], strides = [1, 1]} : vector<32x256xf32> to vector<16x256xf32>
    %slice3A_1009 = vector.extract_strided_slice %min3A_1007 {offsets = [16, 0], sizes = [16, 256], strides = [1, 1]} : vector<32x256xf32> to vector<16x256xf32>
    %min3A_1010 = arith.minimumf %slice3A_1008, %slice3A_1009 : vector<16x256xf32>
    %slice3A_1011 = vector.extract_strided_slice %min3A_1010 {offsets = [0, 0], sizes = [8, 256], strides = [1, 1]} : vector<16x256xf32> to vector<8x256xf32>
    %slice3A_1012 = vector.extract_strided_slice %min3A_1010 {offsets = [8, 0], sizes = [8, 256], strides = [1, 1]} : vector<16x256xf32> to vector<8x256xf32>
    %min3A_1013 = arith.minimumf %slice3A_1011, %slice3A_1012 : vector<8x256xf32>
    %reduce_min3A_1014 = arith.constant dense<0x7F800000> : vector<256xf32>
    %reduce_min3A_1015 = vector.multi_reduction <minimumf>, %min3A_1013, %reduce_min3A_1014 [0] : vector<8x256xf32> to vector<256xf32>
    %broadcast_in_dim3A_1016 = vector.shape_cast %reduce_min3A_1015 : vector<256xf32> to vector<1x256xf32>
    %slice3A_1017 = vector.extract_strided_slice %get3A_16 {offsets = [21, 0], sizes = [1, 256], strides = [1, 1]} : vector<64x256xf32> to vector<1x256xf32>
    %add3A_1018 = arith.addf %broadcast_in_dim3A_1016, %slice3A_1017 : vector<1x256xf32>
    %max3A_1019 = arith.constant 0.000000e+00 : f32
    %max3A_1020 = vector.broadcast %max3A_1019 : f32 to vector<1x256xf32>
    %max3A_1021 = arith.maximumf %add3A_1018, %max3A_1020 : vector<1x256xf32>
    %lt3A_1022 = arith.constant 5.000000e-02 : f32
    %lt3A_1023 = vector.broadcast %lt3A_1022 : f32 to vector<1x256xf32>
    %lt3A_1024 = arith.cmpf olt, %max3A_1021, %lt3A_1023 : vector<1x256xf32>
    %jit3A_1025 = arith.constant 0.000000e+00 : f32
    %broadcast_in_dim3A_1026 = vector.broadcast %jit3A_1025 : f32 to vector<1x256xf32>
    %select_n3A_1027 = arith.select %lt3A_1024, %max3A_1021, %broadcast_in_dim3A_1026 : vector<1x256xi1>, vector<1x256xf32>
    %add3A_1028 = arith.addf %add3A_982, %select_n3A_1027 : vector<1x256xf32>
    %convert_element_type3A_1029 = arith.extui %lt3A_1024 : vector<1x256xi1> to vector<1x256xi32>
    %convert_element_type3A_1030 = arith.sitofp %convert_element_type3A_1029 : vector<1x256xi32> to vector<1x256xf32>
    %add3A_1031 = arith.addf %add3A_985, %convert_element_type3A_1030 : vector<1x256xf32>
    %slice3A_1032 = vector.extract_strided_slice %get3A_11 {offsets = [0, 5632], sizes = [8, 256], strides = [1, 1]} : vector<8x16384xf32> to vector<8x256xf32>
    %dot_general3A_1033 = arith.constant dense<0.000000e+00> : vector<2048x256xf32>
    %dot_general3A_1034 = tpu.matmul %get3A_6, %slice3A_1032, %dot_general3A_1033 {dimension_numbers = #tpu.dot_dimension_numbers<[1], [0], [0], [1], [0, 0, 1, 1], [], []>, transpose_lhs_hint = false} : vector<2048x8xf32>, vector<8x256xf32>, vector<2048x256xf32> -> vector<2048x256xf32>
    %add3A_1035 = arith.addf %dot_general3A_1034, %get3A_24 : vector<2048x256xf32>
    %slice3A_1036 = vector.extract_strided_slice %add3A_1035 {offsets = [0, 0], sizes = [1024, 256], strides = [1, 1]} : vector<2048x256xf32> to vector<1024x256xf32>
    %slice3A_1037 = vector.extract_strided_slice %add3A_1035 {offsets = [1024, 0], sizes = [1024, 256], strides = [1, 1]} : vector<2048x256xf32> to vector<1024x256xf32>
    %min3A_1038 = arith.minimumf %slice3A_1036, %slice3A_1037 : vector<1024x256xf32>
    %slice3A_1039 = vector.extract_strided_slice %min3A_1038 {offsets = [0, 0], sizes = [512, 256], strides = [1, 1]} : vector<1024x256xf32> to vector<512x256xf32>
    %slice3A_1040 = vector.extract_strided_slice %min3A_1038 {offsets = [512, 0], sizes = [512, 256], strides = [1, 1]} : vector<1024x256xf32> to vector<512x256xf32>
    %min3A_1041 = arith.minimumf %slice3A_1039, %slice3A_1040 : vector<512x256xf32>
    %slice3A_1042 = vector.extract_strided_slice %min3A_1041 {offsets = [0, 0], sizes = [256, 256], strides = [1, 1]} : vector<512x256xf32> to vector<256x256xf32>
    %slice3A_1043 = vector.extract_strided_slice %min3A_1041 {offsets = [256, 0], sizes = [256, 256], strides = [1, 1]} : vector<512x256xf32> to vector<256x256xf32>
    %min3A_1044 = arith.minimumf %slice3A_1042, %slice3A_1043 : vector<256x256xf32>
    %slice3A_1045 = vector.extract_strided_slice %min3A_1044 {offsets = [0, 0], sizes = [128, 256], strides = [1, 1]} : vector<256x256xf32> to vector<128x256xf32>
    %slice3A_1046 = vector.extract_strided_slice %min3A_1044 {offsets = [128, 0], sizes = [128, 256], strides = [1, 1]} : vector<256x256xf32> to vector<128x256xf32>
    %min3A_1047 = arith.minimumf %slice3A_1045, %slice3A_1046 : vector<128x256xf32>
    %slice3A_1048 = vector.extract_strided_slice %min3A_1047 {offsets = [0, 0], sizes = [64, 256], strides = [1, 1]} : vector<128x256xf32> to vector<64x256xf32>
    %slice3A_1049 = vector.extract_strided_slice %min3A_1047 {offsets = [64, 0], sizes = [64, 256], strides = [1, 1]} : vector<128x256xf32> to vector<64x256xf32>
    %min3A_1050 = arith.minimumf %slice3A_1048, %slice3A_1049 : vector<64x256xf32>
    %slice3A_1051 = vector.extract_strided_slice %min3A_1050 {offsets = [0, 0], sizes = [32, 256], strides = [1, 1]} : vector<64x256xf32> to vector<32x256xf32>
    %slice3A_1052 = vector.extract_strided_slice %min3A_1050 {offsets = [32, 0], sizes = [32, 256], strides = [1, 1]} : vector<64x256xf32> to vector<32x256xf32>
    %min3A_1053 = arith.minimumf %slice3A_1051, %slice3A_1052 : vector<32x256xf32>
    %slice3A_1054 = vector.extract_strided_slice %min3A_1053 {offsets = [0, 0], sizes = [16, 256], strides = [1, 1]} : vector<32x256xf32> to vector<16x256xf32>
    %slice3A_1055 = vector.extract_strided_slice %min3A_1053 {offsets = [16, 0], sizes = [16, 256], strides = [1, 1]} : vector<32x256xf32> to vector<16x256xf32>
    %min3A_1056 = arith.minimumf %slice3A_1054, %slice3A_1055 : vector<16x256xf32>
    %slice3A_1057 = vector.extract_strided_slice %min3A_1056 {offsets = [0, 0], sizes = [8, 256], strides = [1, 1]} : vector<16x256xf32> to vector<8x256xf32>
    %slice3A_1058 = vector.extract_strided_slice %min3A_1056 {offsets = [8, 0], sizes = [8, 256], strides = [1, 1]} : vector<16x256xf32> to vector<8x256xf32>
    %min3A_1059 = arith.minimumf %slice3A_1057, %slice3A_1058 : vector<8x256xf32>
    %reduce_min3A_1060 = arith.constant dense<0x7F800000> : vector<256xf32>
    %reduce_min3A_1061 = vector.multi_reduction <minimumf>, %min3A_1059, %reduce_min3A_1060 [0] : vector<8x256xf32> to vector<256xf32>
    %broadcast_in_dim3A_1062 = vector.shape_cast %reduce_min3A_1061 : vector<256xf32> to vector<1x256xf32>
    %slice3A_1063 = vector.extract_strided_slice %get3A_16 {offsets = [22, 0], sizes = [1, 256], strides = [1, 1]} : vector<64x256xf32> to vector<1x256xf32>
    %add3A_1064 = arith.addf %broadcast_in_dim3A_1062, %slice3A_1063 : vector<1x256xf32>
    %max3A_1065 = arith.constant 0.000000e+00 : f32
    %max3A_1066 = vector.broadcast %max3A_1065 : f32 to vector<1x256xf32>
    %max3A_1067 = arith.maximumf %add3A_1064, %max3A_1066 : vector<1x256xf32>
    %lt3A_1068 = arith.constant 5.000000e-02 : f32
    %lt3A_1069 = vector.broadcast %lt3A_1068 : f32 to vector<1x256xf32>
    %lt3A_1070 = arith.cmpf olt, %max3A_1067, %lt3A_1069 : vector<1x256xf32>
    %jit3A_1071 = arith.constant 0.000000e+00 : f32
    %broadcast_in_dim3A_1072 = vector.broadcast %jit3A_1071 : f32 to vector<1x256xf32>
    %select_n3A_1073 = arith.select %lt3A_1070, %max3A_1067, %broadcast_in_dim3A_1072 : vector<1x256xi1>, vector<1x256xf32>
    %add3A_1074 = arith.addf %add3A_1028, %select_n3A_1073 : vector<1x256xf32>
    %convert_element_type3A_1075 = arith.extui %lt3A_1070 : vector<1x256xi1> to vector<1x256xi32>
    %convert_element_type3A_1076 = arith.sitofp %convert_element_type3A_1075 : vector<1x256xi32> to vector<1x256xf32>
    %add3A_1077 = arith.addf %add3A_1031, %convert_element_type3A_1076 : vector<1x256xf32>
    %slice3A_1078 = vector.extract_strided_slice %get3A_11 {offsets = [0, 5888], sizes = [8, 256], strides = [1, 1]} : vector<8x16384xf32> to vector<8x256xf32>
    %dot_general3A_1079 = arith.constant dense<0.000000e+00> : vector<2048x256xf32>
    %dot_general3A_1080 = tpu.matmul %get3A_6, %slice3A_1078, %dot_general3A_1079 {dimension_numbers = #tpu.dot_dimension_numbers<[1], [0], [0], [1], [0, 0, 1, 1], [], []>, transpose_lhs_hint = false} : vector<2048x8xf32>, vector<8x256xf32>, vector<2048x256xf32> -> vector<2048x256xf32>
    %add3A_1081 = arith.addf %dot_general3A_1080, %get3A_24 : vector<2048x256xf32>
    %slice3A_1082 = vector.extract_strided_slice %add3A_1081 {offsets = [0, 0], sizes = [1024, 256], strides = [1, 1]} : vector<2048x256xf32> to vector<1024x256xf32>
    %slice3A_1083 = vector.extract_strided_slice %add3A_1081 {offsets = [1024, 0], sizes = [1024, 256], strides = [1, 1]} : vector<2048x256xf32> to vector<1024x256xf32>
    %min3A_1084 = arith.minimumf %slice3A_1082, %slice3A_1083 : vector<1024x256xf32>
    %slice3A_1085 = vector.extract_strided_slice %min3A_1084 {offsets = [0, 0], sizes = [512, 256], strides = [1, 1]} : vector<1024x256xf32> to vector<512x256xf32>
    %slice3A_1086 = vector.extract_strided_slice %min3A_1084 {offsets = [512, 0], sizes = [512, 256], strides = [1, 1]} : vector<1024x256xf32> to vector<512x256xf32>
    %min3A_1087 = arith.minimumf %slice3A_1085, %slice3A_1086 : vector<512x256xf32>
    %slice3A_1088 = vector.extract_strided_slice %min3A_1087 {offsets = [0, 0], sizes = [256, 256], strides = [1, 1]} : vector<512x256xf32> to vector<256x256xf32>
    %slice3A_1089 = vector.extract_strided_slice %min3A_1087 {offsets = [256, 0], sizes = [256, 256], strides = [1, 1]} : vector<512x256xf32> to vector<256x256xf32>
    %min3A_1090 = arith.minimumf %slice3A_1088, %slice3A_1089 : vector<256x256xf32>
    %slice3A_1091 = vector.extract_strided_slice %min3A_1090 {offsets = [0, 0], sizes = [128, 256], strides = [1, 1]} : vector<256x256xf32> to vector<128x256xf32>
    %slice3A_1092 = vector.extract_strided_slice %min3A_1090 {offsets = [128, 0], sizes = [128, 256], strides = [1, 1]} : vector<256x256xf32> to vector<128x256xf32>
    %min3A_1093 = arith.minimumf %slice3A_1091, %slice3A_1092 : vector<128x256xf32>
    %slice3A_1094 = vector.extract_strided_slice %min3A_1093 {offsets = [0, 0], sizes = [64, 256], strides = [1, 1]} : vector<128x256xf32> to vector<64x256xf32>
    %slice3A_1095 = vector.extract_strided_slice %min3A_1093 {offsets = [64, 0], sizes = [64, 256], strides = [1, 1]} : vector<128x256xf32> to vector<64x256xf32>
    %min3A_1096 = arith.minimumf %slice3A_1094, %slice3A_1095 : vector<64x256xf32>
    %slice3A_1097 = vector.extract_strided_slice %min3A_1096 {offsets = [0, 0], sizes = [32, 256], strides = [1, 1]} : vector<64x256xf32> to vector<32x256xf32>
    %slice3A_1098 = vector.extract_strided_slice %min3A_1096 {offsets = [32, 0], sizes = [32, 256], strides = [1, 1]} : vector<64x256xf32> to vector<32x256xf32>
    %min3A_1099 = arith.minimumf %slice3A_1097, %slice3A_1098 : vector<32x256xf32>
    %slice3A_1100 = vector.extract_strided_slice %min3A_1099 {offsets = [0, 0], sizes = [16, 256], strides = [1, 1]} : vector<32x256xf32> to vector<16x256xf32>
    %slice3A_1101 = vector.extract_strided_slice %min3A_1099 {offsets = [16, 0], sizes = [16, 256], strides = [1, 1]} : vector<32x256xf32> to vector<16x256xf32>
    %min3A_1102 = arith.minimumf %slice3A_1100, %slice3A_1101 : vector<16x256xf32>
    %slice3A_1103 = vector.extract_strided_slice %min3A_1102 {offsets = [0, 0], sizes = [8, 256], strides = [1, 1]} : vector<16x256xf32> to vector<8x256xf32>
    %slice3A_1104 = vector.extract_strided_slice %min3A_1102 {offsets = [8, 0], sizes = [8, 256], strides = [1, 1]} : vector<16x256xf32> to vector<8x256xf32>
    %min3A_1105 = arith.minimumf %slice3A_1103, %slice3A_1104 : vector<8x256xf32>
    %reduce_min3A_1106 = arith.constant dense<0x7F800000> : vector<256xf32>
    %reduce_min3A_1107 = vector.multi_reduction <minimumf>, %min3A_1105, %reduce_min3A_1106 [0] : vector<8x256xf32> to vector<256xf32>
    %broadcast_in_dim3A_1108 = vector.shape_cast %reduce_min3A_1107 : vector<256xf32> to vector<1x256xf32>
    %slice3A_1109 = vector.extract_strided_slice %get3A_16 {offsets = [23, 0], sizes = [1, 256], strides = [1, 1]} : vector<64x256xf32> to vector<1x256xf32>
    %add3A_1110 = arith.addf %broadcast_in_dim3A_1108, %slice3A_1109 : vector<1x256xf32>
    %max3A_1111 = arith.constant 0.000000e+00 : f32
    %max3A_1112 = vector.broadcast %max3A_1111 : f32 to vector<1x256xf32>
    %max3A_1113 = arith.maximumf %add3A_1110, %max3A_1112 : vector<1x256xf32>
    %lt3A_1114 = arith.constant 5.000000e-02 : f32
    %lt3A_1115 = vector.broadcast %lt3A_1114 : f32 to vector<1x256xf32>
    %lt3A_1116 = arith.cmpf olt, %max3A_1113, %lt3A_1115 : vector<1x256xf32>
    %jit3A_1117 = arith.constant 0.000000e+00 : f32
    %broadcast_in_dim3A_1118 = vector.broadcast %jit3A_1117 : f32 to vector<1x256xf32>
    %select_n3A_1119 = arith.select %lt3A_1116, %max3A_1113, %broadcast_in_dim3A_1118 : vector<1x256xi1>, vector<1x256xf32>
    %add3A_1120 = arith.addf %add3A_1074, %select_n3A_1119 : vector<1x256xf32>
    %convert_element_type3A_1121 = arith.extui %lt3A_1116 : vector<1x256xi1> to vector<1x256xi32>
    %convert_element_type3A_1122 = arith.sitofp %convert_element_type3A_1121 : vector<1x256xi32> to vector<1x256xf32>
    %add3A_1123 = arith.addf %add3A_1077, %convert_element_type3A_1122 : vector<1x256xf32>
    %slice3A_1124 = vector.extract_strided_slice %get3A_11 {offsets = [0, 6144], sizes = [8, 256], strides = [1, 1]} : vector<8x16384xf32> to vector<8x256xf32>
    %dot_general3A_1125 = arith.constant dense<0.000000e+00> : vector<2048x256xf32>
    %dot_general3A_1126 = tpu.matmul %get3A_6, %slice3A_1124, %dot_general3A_1125 {dimension_numbers = #tpu.dot_dimension_numbers<[1], [0], [0], [1], [0, 0, 1, 1], [], []>, transpose_lhs_hint = false} : vector<2048x8xf32>, vector<8x256xf32>, vector<2048x256xf32> -> vector<2048x256xf32>
    %add3A_1127 = arith.addf %dot_general3A_1126, %get3A_24 : vector<2048x256xf32>
    %slice3A_1128 = vector.extract_strided_slice %add3A_1127 {offsets = [0, 0], sizes = [1024, 256], strides = [1, 1]} : vector<2048x256xf32> to vector<1024x256xf32>
    %slice3A_1129 = vector.extract_strided_slice %add3A_1127 {offsets = [1024, 0], sizes = [1024, 256], strides = [1, 1]} : vector<2048x256xf32> to vector<1024x256xf32>
    %min3A_1130 = arith.minimumf %slice3A_1128, %slice3A_1129 : vector<1024x256xf32>
    %slice3A_1131 = vector.extract_strided_slice %min3A_1130 {offsets = [0, 0], sizes = [512, 256], strides = [1, 1]} : vector<1024x256xf32> to vector<512x256xf32>
    %slice3A_1132 = vector.extract_strided_slice %min3A_1130 {offsets = [512, 0], sizes = [512, 256], strides = [1, 1]} : vector<1024x256xf32> to vector<512x256xf32>
    %min3A_1133 = arith.minimumf %slice3A_1131, %slice3A_1132 : vector<512x256xf32>
    %slice3A_1134 = vector.extract_strided_slice %min3A_1133 {offsets = [0, 0], sizes = [256, 256], strides = [1, 1]} : vector<512x256xf32> to vector<256x256xf32>
    %slice3A_1135 = vector.extract_strided_slice %min3A_1133 {offsets = [256, 0], sizes = [256, 256], strides = [1, 1]} : vector<512x256xf32> to vector<256x256xf32>
    %min3A_1136 = arith.minimumf %slice3A_1134, %slice3A_1135 : vector<256x256xf32>
    %slice3A_1137 = vector.extract_strided_slice %min3A_1136 {offsets = [0, 0], sizes = [128, 256], strides = [1, 1]} : vector<256x256xf32> to vector<128x256xf32>
    %slice3A_1138 = vector.extract_strided_slice %min3A_1136 {offsets = [128, 0], sizes = [128, 256], strides = [1, 1]} : vector<256x256xf32> to vector<128x256xf32>
    %min3A_1139 = arith.minimumf %slice3A_1137, %slice3A_1138 : vector<128x256xf32>
    %slice3A_1140 = vector.extract_strided_slice %min3A_1139 {offsets = [0, 0], sizes = [64, 256], strides = [1, 1]} : vector<128x256xf32> to vector<64x256xf32>
    %slice3A_1141 = vector.extract_strided_slice %min3A_1139 {offsets = [64, 0], sizes = [64, 256], strides = [1, 1]} : vector<128x256xf32> to vector<64x256xf32>
    %min3A_1142 = arith.minimumf %slice3A_1140, %slice3A_1141 : vector<64x256xf32>
    %slice3A_1143 = vector.extract_strided_slice %min3A_1142 {offsets = [0, 0], sizes = [32, 256], strides = [1, 1]} : vector<64x256xf32> to vector<32x256xf32>
    %slice3A_1144 = vector.extract_strided_slice %min3A_1142 {offsets = [32, 0], sizes = [32, 256], strides = [1, 1]} : vector<64x256xf32> to vector<32x256xf32>
    %min3A_1145 = arith.minimumf %slice3A_1143, %slice3A_1144 : vector<32x256xf32>
    %slice3A_1146 = vector.extract_strided_slice %min3A_1145 {offsets = [0, 0], sizes = [16, 256], strides = [1, 1]} : vector<32x256xf32> to vector<16x256xf32>
    %slice3A_1147 = vector.extract_strided_slice %min3A_1145 {offsets = [16, 0], sizes = [16, 256], strides = [1, 1]} : vector<32x256xf32> to vector<16x256xf32>
    %min3A_1148 = arith.minimumf %slice3A_1146, %slice3A_1147 : vector<16x256xf32>
    %slice3A_1149 = vector.extract_strided_slice %min3A_1148 {offsets = [0, 0], sizes = [8, 256], strides = [1, 1]} : vector<16x256xf32> to vector<8x256xf32>
    %slice3A_1150 = vector.extract_strided_slice %min3A_1148 {offsets = [8, 0], sizes = [8, 256], strides = [1, 1]} : vector<16x256xf32> to vector<8x256xf32>
    %min3A_1151 = arith.minimumf %slice3A_1149, %slice3A_1150 : vector<8x256xf32>
    %reduce_min3A_1152 = arith.constant dense<0x7F800000> : vector<256xf32>
    %reduce_min3A_1153 = vector.multi_reduction <minimumf>, %min3A_1151, %reduce_min3A_1152 [0] : vector<8x256xf32> to vector<256xf32>
    %broadcast_in_dim3A_1154 = vector.shape_cast %reduce_min3A_1153 : vector<256xf32> to vector<1x256xf32>
    %slice3A_1155 = vector.extract_strided_slice %get3A_16 {offsets = [24, 0], sizes = [1, 256], strides = [1, 1]} : vector<64x256xf32> to vector<1x256xf32>
    %add3A_1156 = arith.addf %broadcast_in_dim3A_1154, %slice3A_1155 : vector<1x256xf32>
    %max3A_1157 = arith.constant 0.000000e+00 : f32
    %max3A_1158 = vector.broadcast %max3A_1157 : f32 to vector<1x256xf32>
    %max3A_1159 = arith.maximumf %add3A_1156, %max3A_1158 : vector<1x256xf32>
    %lt3A_1160 = arith.constant 5.000000e-02 : f32
    %lt3A_1161 = vector.broadcast %lt3A_1160 : f32 to vector<1x256xf32>
    %lt3A_1162 = arith.cmpf olt, %max3A_1159, %lt3A_1161 : vector<1x256xf32>
    %jit3A_1163 = arith.constant 0.000000e+00 : f32
    %broadcast_in_dim3A_1164 = vector.broadcast %jit3A_1163 : f32 to vector<1x256xf32>
    %select_n3A_1165 = arith.select %lt3A_1162, %max3A_1159, %broadcast_in_dim3A_1164 : vector<1x256xi1>, vector<1x256xf32>
    %add3A_1166 = arith.addf %add3A_1120, %select_n3A_1165 : vector<1x256xf32>
    %convert_element_type3A_1167 = arith.extui %lt3A_1162 : vector<1x256xi1> to vector<1x256xi32>
    %convert_element_type3A_1168 = arith.sitofp %convert_element_type3A_1167 : vector<1x256xi32> to vector<1x256xf32>
    %add3A_1169 = arith.addf %add3A_1123, %convert_element_type3A_1168 : vector<1x256xf32>
    %slice3A_1170 = vector.extract_strided_slice %get3A_11 {offsets = [0, 6400], sizes = [8, 256], strides = [1, 1]} : vector<8x16384xf32> to vector<8x256xf32>
    %dot_general3A_1171 = arith.constant dense<0.000000e+00> : vector<2048x256xf32>
    %dot_general3A_1172 = tpu.matmul %get3A_6, %slice3A_1170, %dot_general3A_1171 {dimension_numbers = #tpu.dot_dimension_numbers<[1], [0], [0], [1], [0, 0, 1, 1], [], []>, transpose_lhs_hint = false} : vector<2048x8xf32>, vector<8x256xf32>, vector<2048x256xf32> -> vector<2048x256xf32>
    %add3A_1173 = arith.addf %dot_general3A_1172, %get3A_24 : vector<2048x256xf32>
    %slice3A_1174 = vector.extract_strided_slice %add3A_1173 {offsets = [0, 0], sizes = [1024, 256], strides = [1, 1]} : vector<2048x256xf32> to vector<1024x256xf32>
    %slice3A_1175 = vector.extract_strided_slice %add3A_1173 {offsets = [1024, 0], sizes = [1024, 256], strides = [1, 1]} : vector<2048x256xf32> to vector<1024x256xf32>
    %min3A_1176 = arith.minimumf %slice3A_1174, %slice3A_1175 : vector<1024x256xf32>
    %slice3A_1177 = vector.extract_strided_slice %min3A_1176 {offsets = [0, 0], sizes = [512, 256], strides = [1, 1]} : vector<1024x256xf32> to vector<512x256xf32>
    %slice3A_1178 = vector.extract_strided_slice %min3A_1176 {offsets = [512, 0], sizes = [512, 256], strides = [1, 1]} : vector<1024x256xf32> to vector<512x256xf32>
    %min3A_1179 = arith.minimumf %slice3A_1177, %slice3A_1178 : vector<512x256xf32>
    %slice3A_1180 = vector.extract_strided_slice %min3A_1179 {offsets = [0, 0], sizes = [256, 256], strides = [1, 1]} : vector<512x256xf32> to vector<256x256xf32>
    %slice3A_1181 = vector.extract_strided_slice %min3A_1179 {offsets = [256, 0], sizes = [256, 256], strides = [1, 1]} : vector<512x256xf32> to vector<256x256xf32>
    %min3A_1182 = arith.minimumf %slice3A_1180, %slice3A_1181 : vector<256x256xf32>
    %slice3A_1183 = vector.extract_strided_slice %min3A_1182 {offsets = [0, 0], sizes = [128, 256], strides = [1, 1]} : vector<256x256xf32> to vector<128x256xf32>
    %slice3A_1184 = vector.extract_strided_slice %min3A_1182 {offsets = [128, 0], sizes = [128, 256], strides = [1, 1]} : vector<256x256xf32> to vector<128x256xf32>
    %min3A_1185 = arith.minimumf %slice3A_1183, %slice3A_1184 : vector<128x256xf32>
    %slice3A_1186 = vector.extract_strided_slice %min3A_1185 {offsets = [0, 0], sizes = [64, 256], strides = [1, 1]} : vector<128x256xf32> to vector<64x256xf32>
    %slice3A_1187 = vector.extract_strided_slice %min3A_1185 {offsets = [64, 0], sizes = [64, 256], strides = [1, 1]} : vector<128x256xf32> to vector<64x256xf32>
    %min3A_1188 = arith.minimumf %slice3A_1186, %slice3A_1187 : vector<64x256xf32>
    %slice3A_1189 = vector.extract_strided_slice %min3A_1188 {offsets = [0, 0], sizes = [32, 256], strides = [1, 1]} : vector<64x256xf32> to vector<32x256xf32>
    %slice3A_1190 = vector.extract_strided_slice %min3A_1188 {offsets = [32, 0], sizes = [32, 256], strides = [1, 1]} : vector<64x256xf32> to vector<32x256xf32>
    %min3A_1191 = arith.minimumf %slice3A_1189, %slice3A_1190 : vector<32x256xf32>
    %slice3A_1192 = vector.extract_strided_slice %min3A_1191 {offsets = [0, 0], sizes = [16, 256], strides = [1, 1]} : vector<32x256xf32> to vector<16x256xf32>
    %slice3A_1193 = vector.extract_strided_slice %min3A_1191 {offsets = [16, 0], sizes = [16, 256], strides = [1, 1]} : vector<32x256xf32> to vector<16x256xf32>
    %min3A_1194 = arith.minimumf %slice3A_1192, %slice3A_1193 : vector<16x256xf32>
    %slice3A_1195 = vector.extract_strided_slice %min3A_1194 {offsets = [0, 0], sizes = [8, 256], strides = [1, 1]} : vector<16x256xf32> to vector<8x256xf32>
    %slice3A_1196 = vector.extract_strided_slice %min3A_1194 {offsets = [8, 0], sizes = [8, 256], strides = [1, 1]} : vector<16x256xf32> to vector<8x256xf32>
    %min3A_1197 = arith.minimumf %slice3A_1195, %slice3A_1196 : vector<8x256xf32>
    %reduce_min3A_1198 = arith.constant dense<0x7F800000> : vector<256xf32>
    %reduce_min3A_1199 = vector.multi_reduction <minimumf>, %min3A_1197, %reduce_min3A_1198 [0] : vector<8x256xf32> to vector<256xf32>
    %broadcast_in_dim3A_1200 = vector.shape_cast %reduce_min3A_1199 : vector<256xf32> to vector<1x256xf32>
    %slice3A_1201 = vector.extract_strided_slice %get3A_16 {offsets = [25, 0], sizes = [1, 256], strides = [1, 1]} : vector<64x256xf32> to vector<1x256xf32>
    %add3A_1202 = arith.addf %broadcast_in_dim3A_1200, %slice3A_1201 : vector<1x256xf32>
    %max3A_1203 = arith.constant 0.000000e+00 : f32
    %max3A_1204 = vector.broadcast %max3A_1203 : f32 to vector<1x256xf32>
    %max3A_1205 = arith.maximumf %add3A_1202, %max3A_1204 : vector<1x256xf32>
    %lt3A_1206 = arith.constant 5.000000e-02 : f32
    %lt3A_1207 = vector.broadcast %lt3A_1206 : f32 to vector<1x256xf32>
    %lt3A_1208 = arith.cmpf olt, %max3A_1205, %lt3A_1207 : vector<1x256xf32>
    %jit3A_1209 = arith.constant 0.000000e+00 : f32
    %broadcast_in_dim3A_1210 = vector.broadcast %jit3A_1209 : f32 to vector<1x256xf32>
    %select_n3A_1211 = arith.select %lt3A_1208, %max3A_1205, %broadcast_in_dim3A_1210 : vector<1x256xi1>, vector<1x256xf32>
    %add3A_1212 = arith.addf %add3A_1166, %select_n3A_1211 : vector<1x256xf32>
    %convert_element_type3A_1213 = arith.extui %lt3A_1208 : vector<1x256xi1> to vector<1x256xi32>
    %convert_element_type3A_1214 = arith.sitofp %convert_element_type3A_1213 : vector<1x256xi32> to vector<1x256xf32>
    %add3A_1215 = arith.addf %add3A_1169, %convert_element_type3A_1214 : vector<1x256xf32>
    %slice3A_1216 = vector.extract_strided_slice %get3A_11 {offsets = [0, 6656], sizes = [8, 256], strides = [1, 1]} : vector<8x16384xf32> to vector<8x256xf32>
    %dot_general3A_1217 = arith.constant dense<0.000000e+00> : vector<2048x256xf32>
    %dot_general3A_1218 = tpu.matmul %get3A_6, %slice3A_1216, %dot_general3A_1217 {dimension_numbers = #tpu.dot_dimension_numbers<[1], [0], [0], [1], [0, 0, 1, 1], [], []>, transpose_lhs_hint = false} : vector<2048x8xf32>, vector<8x256xf32>, vector<2048x256xf32> -> vector<2048x256xf32>
    %add3A_1219 = arith.addf %dot_general3A_1218, %get3A_24 : vector<2048x256xf32>
    %slice3A_1220 = vector.extract_strided_slice %add3A_1219 {offsets = [0, 0], sizes = [1024, 256], strides = [1, 1]} : vector<2048x256xf32> to vector<1024x256xf32>
    %slice3A_1221 = vector.extract_strided_slice %add3A_1219 {offsets = [1024, 0], sizes = [1024, 256], strides = [1, 1]} : vector<2048x256xf32> to vector<1024x256xf32>
    %min3A_1222 = arith.minimumf %slice3A_1220, %slice3A_1221 : vector<1024x256xf32>
    %slice3A_1223 = vector.extract_strided_slice %min3A_1222 {offsets = [0, 0], sizes = [512, 256], strides = [1, 1]} : vector<1024x256xf32> to vector<512x256xf32>
    %slice3A_1224 = vector.extract_strided_slice %min3A_1222 {offsets = [512, 0], sizes = [512, 256], strides = [1, 1]} : vector<1024x256xf32> to vector<512x256xf32>
    %min3A_1225 = arith.minimumf %slice3A_1223, %slice3A_1224 : vector<512x256xf32>
    %slice3A_1226 = vector.extract_strided_slice %min3A_1225 {offsets = [0, 0], sizes = [256, 256], strides = [1, 1]} : vector<512x256xf32> to vector<256x256xf32>
    %slice3A_1227 = vector.extract_strided_slice %min3A_1225 {offsets = [256, 0], sizes = [256, 256], strides = [1, 1]} : vector<512x256xf32> to vector<256x256xf32>
    %min3A_1228 = arith.minimumf %slice3A_1226, %slice3A_1227 : vector<256x256xf32>
    %slice3A_1229 = vector.extract_strided_slice %min3A_1228 {offsets = [0, 0], sizes = [128, 256], strides = [1, 1]} : vector<256x256xf32> to vector<128x256xf32>
    %slice3A_1230 = vector.extract_strided_slice %min3A_1228 {offsets = [128, 0], sizes = [128, 256], strides = [1, 1]} : vector<256x256xf32> to vector<128x256xf32>
    %min3A_1231 = arith.minimumf %slice3A_1229, %slice3A_1230 : vector<128x256xf32>
    %slice3A_1232 = vector.extract_strided_slice %min3A_1231 {offsets = [0, 0], sizes = [64, 256], strides = [1, 1]} : vector<128x256xf32> to vector<64x256xf32>
    %slice3A_1233 = vector.extract_strided_slice %min3A_1231 {offsets = [64, 0], sizes = [64, 256], strides = [1, 1]} : vector<128x256xf32> to vector<64x256xf32>
    %min3A_1234 = arith.minimumf %slice3A_1232, %slice3A_1233 : vector<64x256xf32>
    %slice3A_1235 = vector.extract_strided_slice %min3A_1234 {offsets = [0, 0], sizes = [32, 256], strides = [1, 1]} : vector<64x256xf32> to vector<32x256xf32>
    %slice3A_1236 = vector.extract_strided_slice %min3A_1234 {offsets = [32, 0], sizes = [32, 256], strides = [1, 1]} : vector<64x256xf32> to vector<32x256xf32>
    %min3A_1237 = arith.minimumf %slice3A_1235, %slice3A_1236 : vector<32x256xf32>
    %slice3A_1238 = vector.extract_strided_slice %min3A_1237 {offsets = [0, 0], sizes = [16, 256], strides = [1, 1]} : vector<32x256xf32> to vector<16x256xf32>
    %slice3A_1239 = vector.extract_strided_slice %min3A_1237 {offsets = [16, 0], sizes = [16, 256], strides = [1, 1]} : vector<32x256xf32> to vector<16x256xf32>
    %min3A_1240 = arith.minimumf %slice3A_1238, %slice3A_1239 : vector<16x256xf32>
    %slice3A_1241 = vector.extract_strided_slice %min3A_1240 {offsets = [0, 0], sizes = [8, 256], strides = [1, 1]} : vector<16x256xf32> to vector<8x256xf32>
    %slice3A_1242 = vector.extract_strided_slice %min3A_1240 {offsets = [8, 0], sizes = [8, 256], strides = [1, 1]} : vector<16x256xf32> to vector<8x256xf32>
    %min3A_1243 = arith.minimumf %slice3A_1241, %slice3A_1242 : vector<8x256xf32>
    %reduce_min3A_1244 = arith.constant dense<0x7F800000> : vector<256xf32>
    %reduce_min3A_1245 = vector.multi_reduction <minimumf>, %min3A_1243, %reduce_min3A_1244 [0] : vector<8x256xf32> to vector<256xf32>
    %broadcast_in_dim3A_1246 = vector.shape_cast %reduce_min3A_1245 : vector<256xf32> to vector<1x256xf32>
    %slice3A_1247 = vector.extract_strided_slice %get3A_16 {offsets = [26, 0], sizes = [1, 256], strides = [1, 1]} : vector<64x256xf32> to vector<1x256xf32>
    %add3A_1248 = arith.addf %broadcast_in_dim3A_1246, %slice3A_1247 : vector<1x256xf32>
    %max3A_1249 = arith.constant 0.000000e+00 : f32
    %max3A_1250 = vector.broadcast %max3A_1249 : f32 to vector<1x256xf32>
    %max3A_1251 = arith.maximumf %add3A_1248, %max3A_1250 : vector<1x256xf32>
    %lt3A_1252 = arith.constant 5.000000e-02 : f32
    %lt3A_1253 = vector.broadcast %lt3A_1252 : f32 to vector<1x256xf32>
    %lt3A_1254 = arith.cmpf olt, %max3A_1251, %lt3A_1253 : vector<1x256xf32>
    %jit3A_1255 = arith.constant 0.000000e+00 : f32
    %broadcast_in_dim3A_1256 = vector.broadcast %jit3A_1255 : f32 to vector<1x256xf32>
    %select_n3A_1257 = arith.select %lt3A_1254, %max3A_1251, %broadcast_in_dim3A_1256 : vector<1x256xi1>, vector<1x256xf32>
    %add3A_1258 = arith.addf %add3A_1212, %select_n3A_1257 : vector<1x256xf32>
    %convert_element_type3A_1259 = arith.extui %lt3A_1254 : vector<1x256xi1> to vector<1x256xi32>
    %convert_element_type3A_1260 = arith.sitofp %convert_element_type3A_1259 : vector<1x256xi32> to vector<1x256xf32>
    %add3A_1261 = arith.addf %add3A_1215, %convert_element_type3A_1260 : vector<1x256xf32>
    %slice3A_1262 = vector.extract_strided_slice %get3A_11 {offsets = [0, 6912], sizes = [8, 256], strides = [1, 1]} : vector<8x16384xf32> to vector<8x256xf32>
    %dot_general3A_1263 = arith.constant dense<0.000000e+00> : vector<2048x256xf32>
    %dot_general3A_1264 = tpu.matmul %get3A_6, %slice3A_1262, %dot_general3A_1263 {dimension_numbers = #tpu.dot_dimension_numbers<[1], [0], [0], [1], [0, 0, 1, 1], [], []>, transpose_lhs_hint = false} : vector<2048x8xf32>, vector<8x256xf32>, vector<2048x256xf32> -> vector<2048x256xf32>
    %add3A_1265 = arith.addf %dot_general3A_1264, %get3A_24 : vector<2048x256xf32>
    %slice3A_1266 = vector.extract_strided_slice %add3A_1265 {offsets = [0, 0], sizes = [1024, 256], strides = [1, 1]} : vector<2048x256xf32> to vector<1024x256xf32>
    %slice3A_1267 = vector.extract_strided_slice %add3A_1265 {offsets = [1024, 0], sizes = [1024, 256], strides = [1, 1]} : vector<2048x256xf32> to vector<1024x256xf32>
    %min3A_1268 = arith.minimumf %slice3A_1266, %slice3A_1267 : vector<1024x256xf32>
    %slice3A_1269 = vector.extract_strided_slice %min3A_1268 {offsets = [0, 0], sizes = [512, 256], strides = [1, 1]} : vector<1024x256xf32> to vector<512x256xf32>
    %slice3A_1270 = vector.extract_strided_slice %min3A_1268 {offsets = [512, 0], sizes = [512, 256], strides = [1, 1]} : vector<1024x256xf32> to vector<512x256xf32>
    %min3A_1271 = arith.minimumf %slice3A_1269, %slice3A_1270 : vector<512x256xf32>
    %slice3A_1272 = vector.extract_strided_slice %min3A_1271 {offsets = [0, 0], sizes = [256, 256], strides = [1, 1]} : vector<512x256xf32> to vector<256x256xf32>
    %slice3A_1273 = vector.extract_strided_slice %min3A_1271 {offsets = [256, 0], sizes = [256, 256], strides = [1, 1]} : vector<512x256xf32> to vector<256x256xf32>
    %min3A_1274 = arith.minimumf %slice3A_1272, %slice3A_1273 : vector<256x256xf32>
    %slice3A_1275 = vector.extract_strided_slice %min3A_1274 {offsets = [0, 0], sizes = [128, 256], strides = [1, 1]} : vector<256x256xf32> to vector<128x256xf32>
    %slice3A_1276 = vector.extract_strided_slice %min3A_1274 {offsets = [128, 0], sizes = [128, 256], strides = [1, 1]} : vector<256x256xf32> to vector<128x256xf32>
    %min3A_1277 = arith.minimumf %slice3A_1275, %slice3A_1276 : vector<128x256xf32>
    %slice3A_1278 = vector.extract_strided_slice %min3A_1277 {offsets = [0, 0], sizes = [64, 256], strides = [1, 1]} : vector<128x256xf32> to vector<64x256xf32>
    %slice3A_1279 = vector.extract_strided_slice %min3A_1277 {offsets = [64, 0], sizes = [64, 256], strides = [1, 1]} : vector<128x256xf32> to vector<64x256xf32>
    %min3A_1280 = arith.minimumf %slice3A_1278, %slice3A_1279 : vector<64x256xf32>
    %slice3A_1281 = vector.extract_strided_slice %min3A_1280 {offsets = [0, 0], sizes = [32, 256], strides = [1, 1]} : vector<64x256xf32> to vector<32x256xf32>
    %slice3A_1282 = vector.extract_strided_slice %min3A_1280 {offsets = [32, 0], sizes = [32, 256], strides = [1, 1]} : vector<64x256xf32> to vector<32x256xf32>
    %min3A_1283 = arith.minimumf %slice3A_1281, %slice3A_1282 : vector<32x256xf32>
    %slice3A_1284 = vector.extract_strided_slice %min3A_1283 {offsets = [0, 0], sizes = [16, 256], strides = [1, 1]} : vector<32x256xf32> to vector<16x256xf32>
    %slice3A_1285 = vector.extract_strided_slice %min3A_1283 {offsets = [16, 0], sizes = [16, 256], strides = [1, 1]} : vector<32x256xf32> to vector<16x256xf32>
    %min3A_1286 = arith.minimumf %slice3A_1284, %slice3A_1285 : vector<16x256xf32>
    %slice3A_1287 = vector.extract_strided_slice %min3A_1286 {offsets = [0, 0], sizes = [8, 256], strides = [1, 1]} : vector<16x256xf32> to vector<8x256xf32>
    %slice3A_1288 = vector.extract_strided_slice %min3A_1286 {offsets = [8, 0], sizes = [8, 256], strides = [1, 1]} : vector<16x256xf32> to vector<8x256xf32>
    %min3A_1289 = arith.minimumf %slice3A_1287, %slice3A_1288 : vector<8x256xf32>
    %reduce_min3A_1290 = arith.constant dense<0x7F800000> : vector<256xf32>
    %reduce_min3A_1291 = vector.multi_reduction <minimumf>, %min3A_1289, %reduce_min3A_1290 [0] : vector<8x256xf32> to vector<256xf32>
    %broadcast_in_dim3A_1292 = vector.shape_cast %reduce_min3A_1291 : vector<256xf32> to vector<1x256xf32>
    %slice3A_1293 = vector.extract_strided_slice %get3A_16 {offsets = [27, 0], sizes = [1, 256], strides = [1, 1]} : vector<64x256xf32> to vector<1x256xf32>
    %add3A_1294 = arith.addf %broadcast_in_dim3A_1292, %slice3A_1293 : vector<1x256xf32>
    %max3A_1295 = arith.constant 0.000000e+00 : f32
    %max3A_1296 = vector.broadcast %max3A_1295 : f32 to vector<1x256xf32>
    %max3A_1297 = arith.maximumf %add3A_1294, %max3A_1296 : vector<1x256xf32>
    %lt3A_1298 = arith.constant 5.000000e-02 : f32
    %lt3A_1299 = vector.broadcast %lt3A_1298 : f32 to vector<1x256xf32>
    %lt3A_1300 = arith.cmpf olt, %max3A_1297, %lt3A_1299 : vector<1x256xf32>
    %jit3A_1301 = arith.constant 0.000000e+00 : f32
    %broadcast_in_dim3A_1302 = vector.broadcast %jit3A_1301 : f32 to vector<1x256xf32>
    %select_n3A_1303 = arith.select %lt3A_1300, %max3A_1297, %broadcast_in_dim3A_1302 : vector<1x256xi1>, vector<1x256xf32>
    %add3A_1304 = arith.addf %add3A_1258, %select_n3A_1303 : vector<1x256xf32>
    %convert_element_type3A_1305 = arith.extui %lt3A_1300 : vector<1x256xi1> to vector<1x256xi32>
    %convert_element_type3A_1306 = arith.sitofp %convert_element_type3A_1305 : vector<1x256xi32> to vector<1x256xf32>
    %add3A_1307 = arith.addf %add3A_1261, %convert_element_type3A_1306 : vector<1x256xf32>
    %slice3A_1308 = vector.extract_strided_slice %get3A_11 {offsets = [0, 7168], sizes = [8, 256], strides = [1, 1]} : vector<8x16384xf32> to vector<8x256xf32>
    %dot_general3A_1309 = arith.constant dense<0.000000e+00> : vector<2048x256xf32>
    %dot_general3A_1310 = tpu.matmul %get3A_6, %slice3A_1308, %dot_general3A_1309 {dimension_numbers = #tpu.dot_dimension_numbers<[1], [0], [0], [1], [0, 0, 1, 1], [], []>, transpose_lhs_hint = false} : vector<2048x8xf32>, vector<8x256xf32>, vector<2048x256xf32> -> vector<2048x256xf32>
    %add3A_1311 = arith.addf %dot_general3A_1310, %get3A_24 : vector<2048x256xf32>
    %slice3A_1312 = vector.extract_strided_slice %add3A_1311 {offsets = [0, 0], sizes = [1024, 256], strides = [1, 1]} : vector<2048x256xf32> to vector<1024x256xf32>
    %slice3A_1313 = vector.extract_strided_slice %add3A_1311 {offsets = [1024, 0], sizes = [1024, 256], strides = [1, 1]} : vector<2048x256xf32> to vector<1024x256xf32>
    %min3A_1314 = arith.minimumf %slice3A_1312, %slice3A_1313 : vector<1024x256xf32>
    %slice3A_1315 = vector.extract_strided_slice %min3A_1314 {offsets = [0, 0], sizes = [512, 256], strides = [1, 1]} : vector<1024x256xf32> to vector<512x256xf32>
    %slice3A_1316 = vector.extract_strided_slice %min3A_1314 {offsets = [512, 0], sizes = [512, 256], strides = [1, 1]} : vector<1024x256xf32> to vector<512x256xf32>
    %min3A_1317 = arith.minimumf %slice3A_1315, %slice3A_1316 : vector<512x256xf32>
    %slice3A_1318 = vector.extract_strided_slice %min3A_1317 {offsets = [0, 0], sizes = [256, 256], strides = [1, 1]} : vector<512x256xf32> to vector<256x256xf32>
    %slice3A_1319 = vector.extract_strided_slice %min3A_1317 {offsets = [256, 0], sizes = [256, 256], strides = [1, 1]} : vector<512x256xf32> to vector<256x256xf32>
    %min3A_1320 = arith.minimumf %slice3A_1318, %slice3A_1319 : vector<256x256xf32>
    %slice3A_1321 = vector.extract_strided_slice %min3A_1320 {offsets = [0, 0], sizes = [128, 256], strides = [1, 1]} : vector<256x256xf32> to vector<128x256xf32>
    %slice3A_1322 = vector.extract_strided_slice %min3A_1320 {offsets = [128, 0], sizes = [128, 256], strides = [1, 1]} : vector<256x256xf32> to vector<128x256xf32>
    %min3A_1323 = arith.minimumf %slice3A_1321, %slice3A_1322 : vector<128x256xf32>
    %slice3A_1324 = vector.extract_strided_slice %min3A_1323 {offsets = [0, 0], sizes = [64, 256], strides = [1, 1]} : vector<128x256xf32> to vector<64x256xf32>
    %slice3A_1325 = vector.extract_strided_slice %min3A_1323 {offsets = [64, 0], sizes = [64, 256], strides = [1, 1]} : vector<128x256xf32> to vector<64x256xf32>
    %min3A_1326 = arith.minimumf %slice3A_1324, %slice3A_1325 : vector<64x256xf32>
    %slice3A_1327 = vector.extract_strided_slice %min3A_1326 {offsets = [0, 0], sizes = [32, 256], strides = [1, 1]} : vector<64x256xf32> to vector<32x256xf32>
    %slice3A_1328 = vector.extract_strided_slice %min3A_1326 {offsets = [32, 0], sizes = [32, 256], strides = [1, 1]} : vector<64x256xf32> to vector<32x256xf32>
    %min3A_1329 = arith.minimumf %slice3A_1327, %slice3A_1328 : vector<32x256xf32>
    %slice3A_1330 = vector.extract_strided_slice %min3A_1329 {offsets = [0, 0], sizes = [16, 256], strides = [1, 1]} : vector<32x256xf32> to vector<16x256xf32>
    %slice3A_1331 = vector.extract_strided_slice %min3A_1329 {offsets = [16, 0], sizes = [16, 256], strides = [1, 1]} : vector<32x256xf32> to vector<16x256xf32>
    %min3A_1332 = arith.minimumf %slice3A_1330, %slice3A_1331 : vector<16x256xf32>
    %slice3A_1333 = vector.extract_strided_slice %min3A_1332 {offsets = [0, 0], sizes = [8, 256], strides = [1, 1]} : vector<16x256xf32> to vector<8x256xf32>
    %slice3A_1334 = vector.extract_strided_slice %min3A_1332 {offsets = [8, 0], sizes = [8, 256], strides = [1, 1]} : vector<16x256xf32> to vector<8x256xf32>
    %min3A_1335 = arith.minimumf %slice3A_1333, %slice3A_1334 : vector<8x256xf32>
    %reduce_min3A_1336 = arith.constant dense<0x7F800000> : vector<256xf32>
    %reduce_min3A_1337 = vector.multi_reduction <minimumf>, %min3A_1335, %reduce_min3A_1336 [0] : vector<8x256xf32> to vector<256xf32>
    %broadcast_in_dim3A_1338 = vector.shape_cast %reduce_min3A_1337 : vector<256xf32> to vector<1x256xf32>
    %slice3A_1339 = vector.extract_strided_slice %get3A_16 {offsets = [28, 0], sizes = [1, 256], strides = [1, 1]} : vector<64x256xf32> to vector<1x256xf32>
    %add3A_1340 = arith.addf %broadcast_in_dim3A_1338, %slice3A_1339 : vector<1x256xf32>
    %max3A_1341 = arith.constant 0.000000e+00 : f32
    %max3A_1342 = vector.broadcast %max3A_1341 : f32 to vector<1x256xf32>
    %max3A_1343 = arith.maximumf %add3A_1340, %max3A_1342 : vector<1x256xf32>
    %lt3A_1344 = arith.constant 5.000000e-02 : f32
    %lt3A_1345 = vector.broadcast %lt3A_1344 : f32 to vector<1x256xf32>
    %lt3A_1346 = arith.cmpf olt, %max3A_1343, %lt3A_1345 : vector<1x256xf32>
    %jit3A_1347 = arith.constant 0.000000e+00 : f32
    %broadcast_in_dim3A_1348 = vector.broadcast %jit3A_1347 : f32 to vector<1x256xf32>
    %select_n3A_1349 = arith.select %lt3A_1346, %max3A_1343, %broadcast_in_dim3A_1348 : vector<1x256xi1>, vector<1x256xf32>
    %add3A_1350 = arith.addf %add3A_1304, %select_n3A_1349 : vector<1x256xf32>
    %convert_element_type3A_1351 = arith.extui %lt3A_1346 : vector<1x256xi1> to vector<1x256xi32>
    %convert_element_type3A_1352 = arith.sitofp %convert_element_type3A_1351 : vector<1x256xi32> to vector<1x256xf32>
    %add3A_1353 = arith.addf %add3A_1307, %convert_element_type3A_1352 : vector<1x256xf32>
    %slice3A_1354 = vector.extract_strided_slice %get3A_11 {offsets = [0, 7424], sizes = [8, 256], strides = [1, 1]} : vector<8x16384xf32> to vector<8x256xf32>
    %dot_general3A_1355 = arith.constant dense<0.000000e+00> : vector<2048x256xf32>
    %dot_general3A_1356 = tpu.matmul %get3A_6, %slice3A_1354, %dot_general3A_1355 {dimension_numbers = #tpu.dot_dimension_numbers<[1], [0], [0], [1], [0, 0, 1, 1], [], []>, transpose_lhs_hint = false} : vector<2048x8xf32>, vector<8x256xf32>, vector<2048x256xf32> -> vector<2048x256xf32>
    %add3A_1357 = arith.addf %dot_general3A_1356, %get3A_24 : vector<2048x256xf32>
    %slice3A_1358 = vector.extract_strided_slice %add3A_1357 {offsets = [0, 0], sizes = [1024, 256], strides = [1, 1]} : vector<2048x256xf32> to vector<1024x256xf32>
    %slice3A_1359 = vector.extract_strided_slice %add3A_1357 {offsets = [1024, 0], sizes = [1024, 256], strides = [1, 1]} : vector<2048x256xf32> to vector<1024x256xf32>
    %min3A_1360 = arith.minimumf %slice3A_1358, %slice3A_1359 : vector<1024x256xf32>
    %slice3A_1361 = vector.extract_strided_slice %min3A_1360 {offsets = [0, 0], sizes = [512, 256], strides = [1, 1]} : vector<1024x256xf32> to vector<512x256xf32>
    %slice3A_1362 = vector.extract_strided_slice %min3A_1360 {offsets = [512, 0], sizes = [512, 256], strides = [1, 1]} : vector<1024x256xf32> to vector<512x256xf32>
    %min3A_1363 = arith.minimumf %slice3A_1361, %slice3A_1362 : vector<512x256xf32>
    %slice3A_1364 = vector.extract_strided_slice %min3A_1363 {offsets = [0, 0], sizes = [256, 256], strides = [1, 1]} : vector<512x256xf32> to vector<256x256xf32>
    %slice3A_1365 = vector.extract_strided_slice %min3A_1363 {offsets = [256, 0], sizes = [256, 256], strides = [1, 1]} : vector<512x256xf32> to vector<256x256xf32>
    %min3A_1366 = arith.minimumf %slice3A_1364, %slice3A_1365 : vector<256x256xf32>
    %slice3A_1367 = vector.extract_strided_slice %min3A_1366 {offsets = [0, 0], sizes = [128, 256], strides = [1, 1]} : vector<256x256xf32> to vector<128x256xf32>
    %slice3A_1368 = vector.extract_strided_slice %min3A_1366 {offsets = [128, 0], sizes = [128, 256], strides = [1, 1]} : vector<256x256xf32> to vector<128x256xf32>
    %min3A_1369 = arith.minimumf %slice3A_1367, %slice3A_1368 : vector<128x256xf32>
    %slice3A_1370 = vector.extract_strided_slice %min3A_1369 {offsets = [0, 0], sizes = [64, 256], strides = [1, 1]} : vector<128x256xf32> to vector<64x256xf32>
    %slice3A_1371 = vector.extract_strided_slice %min3A_1369 {offsets = [64, 0], sizes = [64, 256], strides = [1, 1]} : vector<128x256xf32> to vector<64x256xf32>
    %min3A_1372 = arith.minimumf %slice3A_1370, %slice3A_1371 : vector<64x256xf32>
    %slice3A_1373 = vector.extract_strided_slice %min3A_1372 {offsets = [0, 0], sizes = [32, 256], strides = [1, 1]} : vector<64x256xf32> to vector<32x256xf32>
    %slice3A_1374 = vector.extract_strided_slice %min3A_1372 {offsets = [32, 0], sizes = [32, 256], strides = [1, 1]} : vector<64x256xf32> to vector<32x256xf32>
    %min3A_1375 = arith.minimumf %slice3A_1373, %slice3A_1374 : vector<32x256xf32>
    %slice3A_1376 = vector.extract_strided_slice %min3A_1375 {offsets = [0, 0], sizes = [16, 256], strides = [1, 1]} : vector<32x256xf32> to vector<16x256xf32>
    %slice3A_1377 = vector.extract_strided_slice %min3A_1375 {offsets = [16, 0], sizes = [16, 256], strides = [1, 1]} : vector<32x256xf32> to vector<16x256xf32>
    %min3A_1378 = arith.minimumf %slice3A_1376, %slice3A_1377 : vector<16x256xf32>
    %slice3A_1379 = vector.extract_strided_slice %min3A_1378 {offsets = [0, 0], sizes = [8, 256], strides = [1, 1]} : vector<16x256xf32> to vector<8x256xf32>
    %slice3A_1380 = vector.extract_strided_slice %min3A_1378 {offsets = [8, 0], sizes = [8, 256], strides = [1, 1]} : vector<16x256xf32> to vector<8x256xf32>
    %min3A_1381 = arith.minimumf %slice3A_1379, %slice3A_1380 : vector<8x256xf32>
    %reduce_min3A_1382 = arith.constant dense<0x7F800000> : vector<256xf32>
    %reduce_min3A_1383 = vector.multi_reduction <minimumf>, %min3A_1381, %reduce_min3A_1382 [0] : vector<8x256xf32> to vector<256xf32>
    %broadcast_in_dim3A_1384 = vector.shape_cast %reduce_min3A_1383 : vector<256xf32> to vector<1x256xf32>
    %slice3A_1385 = vector.extract_strided_slice %get3A_16 {offsets = [29, 0], sizes = [1, 256], strides = [1, 1]} : vector<64x256xf32> to vector<1x256xf32>
    %add3A_1386 = arith.addf %broadcast_in_dim3A_1384, %slice3A_1385 : vector<1x256xf32>
    %max3A_1387 = arith.constant 0.000000e+00 : f32
    %max3A_1388 = vector.broadcast %max3A_1387 : f32 to vector<1x256xf32>
    %max3A_1389 = arith.maximumf %add3A_1386, %max3A_1388 : vector<1x256xf32>
    %lt3A_1390 = arith.constant 5.000000e-02 : f32
    %lt3A_1391 = vector.broadcast %lt3A_1390 : f32 to vector<1x256xf32>
    %lt3A_1392 = arith.cmpf olt, %max3A_1389, %lt3A_1391 : vector<1x256xf32>
    %jit3A_1393 = arith.constant 0.000000e+00 : f32
    %broadcast_in_dim3A_1394 = vector.broadcast %jit3A_1393 : f32 to vector<1x256xf32>
    %select_n3A_1395 = arith.select %lt3A_1392, %max3A_1389, %broadcast_in_dim3A_1394 : vector<1x256xi1>, vector<1x256xf32>
    %add3A_1396 = arith.addf %add3A_1350, %select_n3A_1395 : vector<1x256xf32>
    %convert_element_type3A_1397 = arith.extui %lt3A_1392 : vector<1x256xi1> to vector<1x256xi32>
    %convert_element_type3A_1398 = arith.sitofp %convert_element_type3A_1397 : vector<1x256xi32> to vector<1x256xf32>
    %add3A_1399 = arith.addf %add3A_1353, %convert_element_type3A_1398 : vector<1x256xf32>
    %slice3A_1400 = vector.extract_strided_slice %get3A_11 {offsets = [0, 7680], sizes = [8, 256], strides = [1, 1]} : vector<8x16384xf32> to vector<8x256xf32>
    %dot_general3A_1401 = arith.constant dense<0.000000e+00> : vector<2048x256xf32>
    %dot_general3A_1402 = tpu.matmul %get3A_6, %slice3A_1400, %dot_general3A_1401 {dimension_numbers = #tpu.dot_dimension_numbers<[1], [0], [0], [1], [0, 0, 1, 1], [], []>, transpose_lhs_hint = false} : vector<2048x8xf32>, vector<8x256xf32>, vector<2048x256xf32> -> vector<2048x256xf32>
    %add3A_1403 = arith.addf %dot_general3A_1402, %get3A_24 : vector<2048x256xf32>
    %slice3A_1404 = vector.extract_strided_slice %add3A_1403 {offsets = [0, 0], sizes = [1024, 256], strides = [1, 1]} : vector<2048x256xf32> to vector<1024x256xf32>
    %slice3A_1405 = vector.extract_strided_slice %add3A_1403 {offsets = [1024, 0], sizes = [1024, 256], strides = [1, 1]} : vector<2048x256xf32> to vector<1024x256xf32>
    %min3A_1406 = arith.minimumf %slice3A_1404, %slice3A_1405 : vector<1024x256xf32>
    %slice3A_1407 = vector.extract_strided_slice %min3A_1406 {offsets = [0, 0], sizes = [512, 256], strides = [1, 1]} : vector<1024x256xf32> to vector<512x256xf32>
    %slice3A_1408 = vector.extract_strided_slice %min3A_1406 {offsets = [512, 0], sizes = [512, 256], strides = [1, 1]} : vector<1024x256xf32> to vector<512x256xf32>
    %min3A_1409 = arith.minimumf %slice3A_1407, %slice3A_1408 : vector<512x256xf32>
    %slice3A_1410 = vector.extract_strided_slice %min3A_1409 {offsets = [0, 0], sizes = [256, 256], strides = [1, 1]} : vector<512x256xf32> to vector<256x256xf32>
    %slice3A_1411 = vector.extract_strided_slice %min3A_1409 {offsets = [256, 0], sizes = [256, 256], strides = [1, 1]} : vector<512x256xf32> to vector<256x256xf32>
    %min3A_1412 = arith.minimumf %slice3A_1410, %slice3A_1411 : vector<256x256xf32>
    %slice3A_1413 = vector.extract_strided_slice %min3A_1412 {offsets = [0, 0], sizes = [128, 256], strides = [1, 1]} : vector<256x256xf32> to vector<128x256xf32>
    %slice3A_1414 = vector.extract_strided_slice %min3A_1412 {offsets = [128, 0], sizes = [128, 256], strides = [1, 1]} : vector<256x256xf32> to vector<128x256xf32>
    %min3A_1415 = arith.minimumf %slice3A_1413, %slice3A_1414 : vector<128x256xf32>
    %slice3A_1416 = vector.extract_strided_slice %min3A_1415 {offsets = [0, 0], sizes = [64, 256], strides = [1, 1]} : vector<128x256xf32> to vector<64x256xf32>
    %slice3A_1417 = vector.extract_strided_slice %min3A_1415 {offsets = [64, 0], sizes = [64, 256], strides = [1, 1]} : vector<128x256xf32> to vector<64x256xf32>
    %min3A_1418 = arith.minimumf %slice3A_1416, %slice3A_1417 : vector<64x256xf32>
    %slice3A_1419 = vector.extract_strided_slice %min3A_1418 {offsets = [0, 0], sizes = [32, 256], strides = [1, 1]} : vector<64x256xf32> to vector<32x256xf32>
    %slice3A_1420 = vector.extract_strided_slice %min3A_1418 {offsets = [32, 0], sizes = [32, 256], strides = [1, 1]} : vector<64x256xf32> to vector<32x256xf32>
    %min3A_1421 = arith.minimumf %slice3A_1419, %slice3A_1420 : vector<32x256xf32>
    %slice3A_1422 = vector.extract_strided_slice %min3A_1421 {offsets = [0, 0], sizes = [16, 256], strides = [1, 1]} : vector<32x256xf32> to vector<16x256xf32>
    %slice3A_1423 = vector.extract_strided_slice %min3A_1421 {offsets = [16, 0], sizes = [16, 256], strides = [1, 1]} : vector<32x256xf32> to vector<16x256xf32>
    %min3A_1424 = arith.minimumf %slice3A_1422, %slice3A_1423 : vector<16x256xf32>
    %slice3A_1425 = vector.extract_strided_slice %min3A_1424 {offsets = [0, 0], sizes = [8, 256], strides = [1, 1]} : vector<16x256xf32> to vector<8x256xf32>
    %slice3A_1426 = vector.extract_strided_slice %min3A_1424 {offsets = [8, 0], sizes = [8, 256], strides = [1, 1]} : vector<16x256xf32> to vector<8x256xf32>
    %min3A_1427 = arith.minimumf %slice3A_1425, %slice3A_1426 : vector<8x256xf32>
    %reduce_min3A_1428 = arith.constant dense<0x7F800000> : vector<256xf32>
    %reduce_min3A_1429 = vector.multi_reduction <minimumf>, %min3A_1427, %reduce_min3A_1428 [0] : vector<8x256xf32> to vector<256xf32>
    %broadcast_in_dim3A_1430 = vector.shape_cast %reduce_min3A_1429 : vector<256xf32> to vector<1x256xf32>
    %slice3A_1431 = vector.extract_strided_slice %get3A_16 {offsets = [30, 0], sizes = [1, 256], strides = [1, 1]} : vector<64x256xf32> to vector<1x256xf32>
    %add3A_1432 = arith.addf %broadcast_in_dim3A_1430, %slice3A_1431 : vector<1x256xf32>
    %max3A_1433 = arith.constant 0.000000e+00 : f32
    %max3A_1434 = vector.broadcast %max3A_1433 : f32 to vector<1x256xf32>
    %max3A_1435 = arith.maximumf %add3A_1432, %max3A_1434 : vector<1x256xf32>
    %lt3A_1436 = arith.constant 5.000000e-02 : f32
    %lt3A_1437 = vector.broadcast %lt3A_1436 : f32 to vector<1x256xf32>
    %lt3A_1438 = arith.cmpf olt, %max3A_1435, %lt3A_1437 : vector<1x256xf32>
    %jit3A_1439 = arith.constant 0.000000e+00 : f32
    %broadcast_in_dim3A_1440 = vector.broadcast %jit3A_1439 : f32 to vector<1x256xf32>
    %select_n3A_1441 = arith.select %lt3A_1438, %max3A_1435, %broadcast_in_dim3A_1440 : vector<1x256xi1>, vector<1x256xf32>
    %add3A_1442 = arith.addf %add3A_1396, %select_n3A_1441 : vector<1x256xf32>
    %convert_element_type3A_1443 = arith.extui %lt3A_1438 : vector<1x256xi1> to vector<1x256xi32>
    %convert_element_type3A_1444 = arith.sitofp %convert_element_type3A_1443 : vector<1x256xi32> to vector<1x256xf32>
    %add3A_1445 = arith.addf %add3A_1399, %convert_element_type3A_1444 : vector<1x256xf32>
    %slice3A_1446 = vector.extract_strided_slice %get3A_11 {offsets = [0, 7936], sizes = [8, 256], strides = [1, 1]} : vector<8x16384xf32> to vector<8x256xf32>
    %dot_general3A_1447 = arith.constant dense<0.000000e+00> : vector<2048x256xf32>
    %dot_general3A_1448 = tpu.matmul %get3A_6, %slice3A_1446, %dot_general3A_1447 {dimension_numbers = #tpu.dot_dimension_numbers<[1], [0], [0], [1], [0, 0, 1, 1], [], []>, transpose_lhs_hint = false} : vector<2048x8xf32>, vector<8x256xf32>, vector<2048x256xf32> -> vector<2048x256xf32>
    %add3A_1449 = arith.addf %dot_general3A_1448, %get3A_24 : vector<2048x256xf32>
    %slice3A_1450 = vector.extract_strided_slice %add3A_1449 {offsets = [0, 0], sizes = [1024, 256], strides = [1, 1]} : vector<2048x256xf32> to vector<1024x256xf32>
    %slice3A_1451 = vector.extract_strided_slice %add3A_1449 {offsets = [1024, 0], sizes = [1024, 256], strides = [1, 1]} : vector<2048x256xf32> to vector<1024x256xf32>
    %min3A_1452 = arith.minimumf %slice3A_1450, %slice3A_1451 : vector<1024x256xf32>
    %slice3A_1453 = vector.extract_strided_slice %min3A_1452 {offsets = [0, 0], sizes = [512, 256], strides = [1, 1]} : vector<1024x256xf32> to vector<512x256xf32>
    %slice3A_1454 = vector.extract_strided_slice %min3A_1452 {offsets = [512, 0], sizes = [512, 256], strides = [1, 1]} : vector<1024x256xf32> to vector<512x256xf32>
    %min3A_1455 = arith.minimumf %slice3A_1453, %slice3A_1454 : vector<512x256xf32>
    %slice3A_1456 = vector.extract_strided_slice %min3A_1455 {offsets = [0, 0], sizes = [256, 256], strides = [1, 1]} : vector<512x256xf32> to vector<256x256xf32>
    %slice3A_1457 = vector.extract_strided_slice %min3A_1455 {offsets = [256, 0], sizes = [256, 256], strides = [1, 1]} : vector<512x256xf32> to vector<256x256xf32>
    %min3A_1458 = arith.minimumf %slice3A_1456, %slice3A_1457 : vector<256x256xf32>
    %slice3A_1459 = vector.extract_strided_slice %min3A_1458 {offsets = [0, 0], sizes = [128, 256], strides = [1, 1]} : vector<256x256xf32> to vector<128x256xf32>
    %slice3A_1460 = vector.extract_strided_slice %min3A_1458 {offsets = [128, 0], sizes = [128, 256], strides = [1, 1]} : vector<256x256xf32> to vector<128x256xf32>
    %min3A_1461 = arith.minimumf %slice3A_1459, %slice3A_1460 : vector<128x256xf32>
    %slice3A_1462 = vector.extract_strided_slice %min3A_1461 {offsets = [0, 0], sizes = [64, 256], strides = [1, 1]} : vector<128x256xf32> to vector<64x256xf32>
    %slice3A_1463 = vector.extract_strided_slice %min3A_1461 {offsets = [64, 0], sizes = [64, 256], strides = [1, 1]} : vector<128x256xf32> to vector<64x256xf32>
    %min3A_1464 = arith.minimumf %slice3A_1462, %slice3A_1463 : vector<64x256xf32>
    %slice3A_1465 = vector.extract_strided_slice %min3A_1464 {offsets = [0, 0], sizes = [32, 256], strides = [1, 1]} : vector<64x256xf32> to vector<32x256xf32>
    %slice3A_1466 = vector.extract_strided_slice %min3A_1464 {offsets = [32, 0], sizes = [32, 256], strides = [1, 1]} : vector<64x256xf32> to vector<32x256xf32>
    %min3A_1467 = arith.minimumf %slice3A_1465, %slice3A_1466 : vector<32x256xf32>
    %slice3A_1468 = vector.extract_strided_slice %min3A_1467 {offsets = [0, 0], sizes = [16, 256], strides = [1, 1]} : vector<32x256xf32> to vector<16x256xf32>
    %slice3A_1469 = vector.extract_strided_slice %min3A_1467 {offsets = [16, 0], sizes = [16, 256], strides = [1, 1]} : vector<32x256xf32> to vector<16x256xf32>
    %min3A_1470 = arith.minimumf %slice3A_1468, %slice3A_1469 : vector<16x256xf32>
    %slice3A_1471 = vector.extract_strided_slice %min3A_1470 {offsets = [0, 0], sizes = [8, 256], strides = [1, 1]} : vector<16x256xf32> to vector<8x256xf32>
    %slice3A_1472 = vector.extract_strided_slice %min3A_1470 {offsets = [8, 0], sizes = [8, 256], strides = [1, 1]} : vector<16x256xf32> to vector<8x256xf32>
    %min3A_1473 = arith.minimumf %slice3A_1471, %slice3A_1472 : vector<8x256xf32>
    %reduce_min3A_1474 = arith.constant dense<0x7F800000> : vector<256xf32>
    %reduce_min3A_1475 = vector.multi_reduction <minimumf>, %min3A_1473, %reduce_min3A_1474 [0] : vector<8x256xf32> to vector<256xf32>
    %broadcast_in_dim3A_1476 = vector.shape_cast %reduce_min3A_1475 : vector<256xf32> to vector<1x256xf32>
    %slice3A_1477 = vector.extract_strided_slice %get3A_16 {offsets = [31, 0], sizes = [1, 256], strides = [1, 1]} : vector<64x256xf32> to vector<1x256xf32>
    %add3A_1478 = arith.addf %broadcast_in_dim3A_1476, %slice3A_1477 : vector<1x256xf32>
    %max3A_1479 = arith.constant 0.000000e+00 : f32
    %max3A_1480 = vector.broadcast %max3A_1479 : f32 to vector<1x256xf32>
    %max3A_1481 = arith.maximumf %add3A_1478, %max3A_1480 : vector<1x256xf32>
    %lt3A_1482 = arith.constant 5.000000e-02 : f32
    %lt3A_1483 = vector.broadcast %lt3A_1482 : f32 to vector<1x256xf32>
    %lt3A_1484 = arith.cmpf olt, %max3A_1481, %lt3A_1483 : vector<1x256xf32>
    %jit3A_1485 = arith.constant 0.000000e+00 : f32
    %broadcast_in_dim3A_1486 = vector.broadcast %jit3A_1485 : f32 to vector<1x256xf32>
    %select_n3A_1487 = arith.select %lt3A_1484, %max3A_1481, %broadcast_in_dim3A_1486 : vector<1x256xi1>, vector<1x256xf32>
    %add3A_1488 = arith.addf %add3A_1442, %select_n3A_1487 : vector<1x256xf32>
    %convert_element_type3A_1489 = arith.extui %lt3A_1484 : vector<1x256xi1> to vector<1x256xi32>
    %convert_element_type3A_1490 = arith.sitofp %convert_element_type3A_1489 : vector<1x256xi32> to vector<1x256xf32>
    %add3A_1491 = arith.addf %add3A_1445, %convert_element_type3A_1490 : vector<1x256xf32>
    %slice3A_1492 = vector.extract_strided_slice %get3A_11 {offsets = [0, 8192], sizes = [8, 256], strides = [1, 1]} : vector<8x16384xf32> to vector<8x256xf32>
    %dot_general3A_1493 = arith.constant dense<0.000000e+00> : vector<2048x256xf32>
    %dot_general3A_1494 = tpu.matmul %get3A_6, %slice3A_1492, %dot_general3A_1493 {dimension_numbers = #tpu.dot_dimension_numbers<[1], [0], [0], [1], [0, 0, 1, 1], [], []>, transpose_lhs_hint = false} : vector<2048x8xf32>, vector<8x256xf32>, vector<2048x256xf32> -> vector<2048x256xf32>
    %add3A_1495 = arith.addf %dot_general3A_1494, %get3A_24 : vector<2048x256xf32>
    %slice3A_1496 = vector.extract_strided_slice %add3A_1495 {offsets = [0, 0], sizes = [1024, 256], strides = [1, 1]} : vector<2048x256xf32> to vector<1024x256xf32>
    %slice3A_1497 = vector.extract_strided_slice %add3A_1495 {offsets = [1024, 0], sizes = [1024, 256], strides = [1, 1]} : vector<2048x256xf32> to vector<1024x256xf32>
    %min3A_1498 = arith.minimumf %slice3A_1496, %slice3A_1497 : vector<1024x256xf32>
    %slice3A_1499 = vector.extract_strided_slice %min3A_1498 {offsets = [0, 0], sizes = [512, 256], strides = [1, 1]} : vector<1024x256xf32> to vector<512x256xf32>
    %slice3A_1500 = vector.extract_strided_slice %min3A_1498 {offsets = [512, 0], sizes = [512, 256], strides = [1, 1]} : vector<1024x256xf32> to vector<512x256xf32>
    %min3A_1501 = arith.minimumf %slice3A_1499, %slice3A_1500 : vector<512x256xf32>
    %slice3A_1502 = vector.extract_strided_slice %min3A_1501 {offsets = [0, 0], sizes = [256, 256], strides = [1, 1]} : vector<512x256xf32> to vector<256x256xf32>
    %slice3A_1503 = vector.extract_strided_slice %min3A_1501 {offsets = [256, 0], sizes = [256, 256], strides = [1, 1]} : vector<512x256xf32> to vector<256x256xf32>
    %min3A_1504 = arith.minimumf %slice3A_1502, %slice3A_1503 : vector<256x256xf32>
    %slice3A_1505 = vector.extract_strided_slice %min3A_1504 {offsets = [0, 0], sizes = [128, 256], strides = [1, 1]} : vector<256x256xf32> to vector<128x256xf32>
    %slice3A_1506 = vector.extract_strided_slice %min3A_1504 {offsets = [128, 0], sizes = [128, 256], strides = [1, 1]} : vector<256x256xf32> to vector<128x256xf32>
    %min3A_1507 = arith.minimumf %slice3A_1505, %slice3A_1506 : vector<128x256xf32>
    %slice3A_1508 = vector.extract_strided_slice %min3A_1507 {offsets = [0, 0], sizes = [64, 256], strides = [1, 1]} : vector<128x256xf32> to vector<64x256xf32>
    %slice3A_1509 = vector.extract_strided_slice %min3A_1507 {offsets = [64, 0], sizes = [64, 256], strides = [1, 1]} : vector<128x256xf32> to vector<64x256xf32>
    %min3A_1510 = arith.minimumf %slice3A_1508, %slice3A_1509 : vector<64x256xf32>
    %slice3A_1511 = vector.extract_strided_slice %min3A_1510 {offsets = [0, 0], sizes = [32, 256], strides = [1, 1]} : vector<64x256xf32> to vector<32x256xf32>
    %slice3A_1512 = vector.extract_strided_slice %min3A_1510 {offsets = [32, 0], sizes = [32, 256], strides = [1, 1]} : vector<64x256xf32> to vector<32x256xf32>
    %min3A_1513 = arith.minimumf %slice3A_1511, %slice3A_1512 : vector<32x256xf32>
    %slice3A_1514 = vector.extract_strided_slice %min3A_1513 {offsets = [0, 0], sizes = [16, 256], strides = [1, 1]} : vector<32x256xf32> to vector<16x256xf32>
    %slice3A_1515 = vector.extract_strided_slice %min3A_1513 {offsets = [16, 0], sizes = [16, 256], strides = [1, 1]} : vector<32x256xf32> to vector<16x256xf32>
    %min3A_1516 = arith.minimumf %slice3A_1514, %slice3A_1515 : vector<16x256xf32>
    %slice3A_1517 = vector.extract_strided_slice %min3A_1516 {offsets = [0, 0], sizes = [8, 256], strides = [1, 1]} : vector<16x256xf32> to vector<8x256xf32>
    %slice3A_1518 = vector.extract_strided_slice %min3A_1516 {offsets = [8, 0], sizes = [8, 256], strides = [1, 1]} : vector<16x256xf32> to vector<8x256xf32>
    %min3A_1519 = arith.minimumf %slice3A_1517, %slice3A_1518 : vector<8x256xf32>
    %reduce_min3A_1520 = arith.constant dense<0x7F800000> : vector<256xf32>
    %reduce_min3A_1521 = vector.multi_reduction <minimumf>, %min3A_1519, %reduce_min3A_1520 [0] : vector<8x256xf32> to vector<256xf32>
    %broadcast_in_dim3A_1522 = vector.shape_cast %reduce_min3A_1521 : vector<256xf32> to vector<1x256xf32>
    %slice3A_1523 = vector.extract_strided_slice %get3A_16 {offsets = [32, 0], sizes = [1, 256], strides = [1, 1]} : vector<64x256xf32> to vector<1x256xf32>
    %add3A_1524 = arith.addf %broadcast_in_dim3A_1522, %slice3A_1523 : vector<1x256xf32>
    %max3A_1525 = arith.constant 0.000000e+00 : f32
    %max3A_1526 = vector.broadcast %max3A_1525 : f32 to vector<1x256xf32>
    %max3A_1527 = arith.maximumf %add3A_1524, %max3A_1526 : vector<1x256xf32>
    %lt3A_1528 = arith.constant 5.000000e-02 : f32
    %lt3A_1529 = vector.broadcast %lt3A_1528 : f32 to vector<1x256xf32>
    %lt3A_1530 = arith.cmpf olt, %max3A_1527, %lt3A_1529 : vector<1x256xf32>
    %jit3A_1531 = arith.constant 0.000000e+00 : f32
    %broadcast_in_dim3A_1532 = vector.broadcast %jit3A_1531 : f32 to vector<1x256xf32>
    %select_n3A_1533 = arith.select %lt3A_1530, %max3A_1527, %broadcast_in_dim3A_1532 : vector<1x256xi1>, vector<1x256xf32>
    %add3A_1534 = arith.addf %add3A_1488, %select_n3A_1533 : vector<1x256xf32>
    %convert_element_type3A_1535 = arith.extui %lt3A_1530 : vector<1x256xi1> to vector<1x256xi32>
    %convert_element_type3A_1536 = arith.sitofp %convert_element_type3A_1535 : vector<1x256xi32> to vector<1x256xf32>
    %add3A_1537 = arith.addf %add3A_1491, %convert_element_type3A_1536 : vector<1x256xf32>
    %slice3A_1538 = vector.extract_strided_slice %get3A_11 {offsets = [0, 8448], sizes = [8, 256], strides = [1, 1]} : vector<8x16384xf32> to vector<8x256xf32>
    %dot_general3A_1539 = arith.constant dense<0.000000e+00> : vector<2048x256xf32>
    %dot_general3A_1540 = tpu.matmul %get3A_6, %slice3A_1538, %dot_general3A_1539 {dimension_numbers = #tpu.dot_dimension_numbers<[1], [0], [0], [1], [0, 0, 1, 1], [], []>, transpose_lhs_hint = false} : vector<2048x8xf32>, vector<8x256xf32>, vector<2048x256xf32> -> vector<2048x256xf32>
    %add3A_1541 = arith.addf %dot_general3A_1540, %get3A_24 : vector<2048x256xf32>
    %slice3A_1542 = vector.extract_strided_slice %add3A_1541 {offsets = [0, 0], sizes = [1024, 256], strides = [1, 1]} : vector<2048x256xf32> to vector<1024x256xf32>
    %slice3A_1543 = vector.extract_strided_slice %add3A_1541 {offsets = [1024, 0], sizes = [1024, 256], strides = [1, 1]} : vector<2048x256xf32> to vector<1024x256xf32>
    %min3A_1544 = arith.minimumf %slice3A_1542, %slice3A_1543 : vector<1024x256xf32>
    %slice3A_1545 = vector.extract_strided_slice %min3A_1544 {offsets = [0, 0], sizes = [512, 256], strides = [1, 1]} : vector<1024x256xf32> to vector<512x256xf32>
    %slice3A_1546 = vector.extract_strided_slice %min3A_1544 {offsets = [512, 0], sizes = [512, 256], strides = [1, 1]} : vector<1024x256xf32> to vector<512x256xf32>
    %min3A_1547 = arith.minimumf %slice3A_1545, %slice3A_1546 : vector<512x256xf32>
    %slice3A_1548 = vector.extract_strided_slice %min3A_1547 {offsets = [0, 0], sizes = [256, 256], strides = [1, 1]} : vector<512x256xf32> to vector<256x256xf32>
    %slice3A_1549 = vector.extract_strided_slice %min3A_1547 {offsets = [256, 0], sizes = [256, 256], strides = [1, 1]} : vector<512x256xf32> to vector<256x256xf32>
    %min3A_1550 = arith.minimumf %slice3A_1548, %slice3A_1549 : vector<256x256xf32>
    %slice3A_1551 = vector.extract_strided_slice %min3A_1550 {offsets = [0, 0], sizes = [128, 256], strides = [1, 1]} : vector<256x256xf32> to vector<128x256xf32>
    %slice3A_1552 = vector.extract_strided_slice %min3A_1550 {offsets = [128, 0], sizes = [128, 256], strides = [1, 1]} : vector<256x256xf32> to vector<128x256xf32>
    %min3A_1553 = arith.minimumf %slice3A_1551, %slice3A_1552 : vector<128x256xf32>
    %slice3A_1554 = vector.extract_strided_slice %min3A_1553 {offsets = [0, 0], sizes = [64, 256], strides = [1, 1]} : vector<128x256xf32> to vector<64x256xf32>
    %slice3A_1555 = vector.extract_strided_slice %min3A_1553 {offsets = [64, 0], sizes = [64, 256], strides = [1, 1]} : vector<128x256xf32> to vector<64x256xf32>
    %min3A_1556 = arith.minimumf %slice3A_1554, %slice3A_1555 : vector<64x256xf32>
    %slice3A_1557 = vector.extract_strided_slice %min3A_1556 {offsets = [0, 0], sizes = [32, 256], strides = [1, 1]} : vector<64x256xf32> to vector<32x256xf32>
    %slice3A_1558 = vector.extract_strided_slice %min3A_1556 {offsets = [32, 0], sizes = [32, 256], strides = [1, 1]} : vector<64x256xf32> to vector<32x256xf32>
    %min3A_1559 = arith.minimumf %slice3A_1557, %slice3A_1558 : vector<32x256xf32>
    %slice3A_1560 = vector.extract_strided_slice %min3A_1559 {offsets = [0, 0], sizes = [16, 256], strides = [1, 1]} : vector<32x256xf32> to vector<16x256xf32>
    %slice3A_1561 = vector.extract_strided_slice %min3A_1559 {offsets = [16, 0], sizes = [16, 256], strides = [1, 1]} : vector<32x256xf32> to vector<16x256xf32>
    %min3A_1562 = arith.minimumf %slice3A_1560, %slice3A_1561 : vector<16x256xf32>
    %slice3A_1563 = vector.extract_strided_slice %min3A_1562 {offsets = [0, 0], sizes = [8, 256], strides = [1, 1]} : vector<16x256xf32> to vector<8x256xf32>
    %slice3A_1564 = vector.extract_strided_slice %min3A_1562 {offsets = [8, 0], sizes = [8, 256], strides = [1, 1]} : vector<16x256xf32> to vector<8x256xf32>
    %min3A_1565 = arith.minimumf %slice3A_1563, %slice3A_1564 : vector<8x256xf32>
    %reduce_min3A_1566 = arith.constant dense<0x7F800000> : vector<256xf32>
    %reduce_min3A_1567 = vector.multi_reduction <minimumf>, %min3A_1565, %reduce_min3A_1566 [0] : vector<8x256xf32> to vector<256xf32>
    %broadcast_in_dim3A_1568 = vector.shape_cast %reduce_min3A_1567 : vector<256xf32> to vector<1x256xf32>
    %slice3A_1569 = vector.extract_strided_slice %get3A_16 {offsets = [33, 0], sizes = [1, 256], strides = [1, 1]} : vector<64x256xf32> to vector<1x256xf32>
    %add3A_1570 = arith.addf %broadcast_in_dim3A_1568, %slice3A_1569 : vector<1x256xf32>
    %max3A_1571 = arith.constant 0.000000e+00 : f32
    %max3A_1572 = vector.broadcast %max3A_1571 : f32 to vector<1x256xf32>
    %max3A_1573 = arith.maximumf %add3A_1570, %max3A_1572 : vector<1x256xf32>
    %lt3A_1574 = arith.constant 5.000000e-02 : f32
    %lt3A_1575 = vector.broadcast %lt3A_1574 : f32 to vector<1x256xf32>
    %lt3A_1576 = arith.cmpf olt, %max3A_1573, %lt3A_1575 : vector<1x256xf32>
    %jit3A_1577 = arith.constant 0.000000e+00 : f32
    %broadcast_in_dim3A_1578 = vector.broadcast %jit3A_1577 : f32 to vector<1x256xf32>
    %select_n3A_1579 = arith.select %lt3A_1576, %max3A_1573, %broadcast_in_dim3A_1578 : vector<1x256xi1>, vector<1x256xf32>
    %add3A_1580 = arith.addf %add3A_1534, %select_n3A_1579 : vector<1x256xf32>
    %convert_element_type3A_1581 = arith.extui %lt3A_1576 : vector<1x256xi1> to vector<1x256xi32>
    %convert_element_type3A_1582 = arith.sitofp %convert_element_type3A_1581 : vector<1x256xi32> to vector<1x256xf32>
    %add3A_1583 = arith.addf %add3A_1537, %convert_element_type3A_1582 : vector<1x256xf32>
    %slice3A_1584 = vector.extract_strided_slice %get3A_11 {offsets = [0, 8704], sizes = [8, 256], strides = [1, 1]} : vector<8x16384xf32> to vector<8x256xf32>
    %dot_general3A_1585 = arith.constant dense<0.000000e+00> : vector<2048x256xf32>
    %dot_general3A_1586 = tpu.matmul %get3A_6, %slice3A_1584, %dot_general3A_1585 {dimension_numbers = #tpu.dot_dimension_numbers<[1], [0], [0], [1], [0, 0, 1, 1], [], []>, transpose_lhs_hint = false} : vector<2048x8xf32>, vector<8x256xf32>, vector<2048x256xf32> -> vector<2048x256xf32>
    %add3A_1587 = arith.addf %dot_general3A_1586, %get3A_24 : vector<2048x256xf32>
    %slice3A_1588 = vector.extract_strided_slice %add3A_1587 {offsets = [0, 0], sizes = [1024, 256], strides = [1, 1]} : vector<2048x256xf32> to vector<1024x256xf32>
    %slice3A_1589 = vector.extract_strided_slice %add3A_1587 {offsets = [1024, 0], sizes = [1024, 256], strides = [1, 1]} : vector<2048x256xf32> to vector<1024x256xf32>
    %min3A_1590 = arith.minimumf %slice3A_1588, %slice3A_1589 : vector<1024x256xf32>
    %slice3A_1591 = vector.extract_strided_slice %min3A_1590 {offsets = [0, 0], sizes = [512, 256], strides = [1, 1]} : vector<1024x256xf32> to vector<512x256xf32>
    %slice3A_1592 = vector.extract_strided_slice %min3A_1590 {offsets = [512, 0], sizes = [512, 256], strides = [1, 1]} : vector<1024x256xf32> to vector<512x256xf32>
    %min3A_1593 = arith.minimumf %slice3A_1591, %slice3A_1592 : vector<512x256xf32>
    %slice3A_1594 = vector.extract_strided_slice %min3A_1593 {offsets = [0, 0], sizes = [256, 256], strides = [1, 1]} : vector<512x256xf32> to vector<256x256xf32>
    %slice3A_1595 = vector.extract_strided_slice %min3A_1593 {offsets = [256, 0], sizes = [256, 256], strides = [1, 1]} : vector<512x256xf32> to vector<256x256xf32>
    %min3A_1596 = arith.minimumf %slice3A_1594, %slice3A_1595 : vector<256x256xf32>
    %slice3A_1597 = vector.extract_strided_slice %min3A_1596 {offsets = [0, 0], sizes = [128, 256], strides = [1, 1]} : vector<256x256xf32> to vector<128x256xf32>
    %slice3A_1598 = vector.extract_strided_slice %min3A_1596 {offsets = [128, 0], sizes = [128, 256], strides = [1, 1]} : vector<256x256xf32> to vector<128x256xf32>
    %min3A_1599 = arith.minimumf %slice3A_1597, %slice3A_1598 : vector<128x256xf32>
    %slice3A_1600 = vector.extract_strided_slice %min3A_1599 {offsets = [0, 0], sizes = [64, 256], strides = [1, 1]} : vector<128x256xf32> to vector<64x256xf32>
    %slice3A_1601 = vector.extract_strided_slice %min3A_1599 {offsets = [64, 0], sizes = [64, 256], strides = [1, 1]} : vector<128x256xf32> to vector<64x256xf32>
    %min3A_1602 = arith.minimumf %slice3A_1600, %slice3A_1601 : vector<64x256xf32>
    %slice3A_1603 = vector.extract_strided_slice %min3A_1602 {offsets = [0, 0], sizes = [32, 256], strides = [1, 1]} : vector<64x256xf32> to vector<32x256xf32>
    %slice3A_1604 = vector.extract_strided_slice %min3A_1602 {offsets = [32, 0], sizes = [32, 256], strides = [1, 1]} : vector<64x256xf32> to vector<32x256xf32>
    %min3A_1605 = arith.minimumf %slice3A_1603, %slice3A_1604 : vector<32x256xf32>
    %slice3A_1606 = vector.extract_strided_slice %min3A_1605 {offsets = [0, 0], sizes = [16, 256], strides = [1, 1]} : vector<32x256xf32> to vector<16x256xf32>
    %slice3A_1607 = vector.extract_strided_slice %min3A_1605 {offsets = [16, 0], sizes = [16, 256], strides = [1, 1]} : vector<32x256xf32> to vector<16x256xf32>
    %min3A_1608 = arith.minimumf %slice3A_1606, %slice3A_1607 : vector<16x256xf32>
    %slice3A_1609 = vector.extract_strided_slice %min3A_1608 {offsets = [0, 0], sizes = [8, 256], strides = [1, 1]} : vector<16x256xf32> to vector<8x256xf32>
    %slice3A_1610 = vector.extract_strided_slice %min3A_1608 {offsets = [8, 0], sizes = [8, 256], strides = [1, 1]} : vector<16x256xf32> to vector<8x256xf32>
    %min3A_1611 = arith.minimumf %slice3A_1609, %slice3A_1610 : vector<8x256xf32>
    %reduce_min3A_1612 = arith.constant dense<0x7F800000> : vector<256xf32>
    %reduce_min3A_1613 = vector.multi_reduction <minimumf>, %min3A_1611, %reduce_min3A_1612 [0] : vector<8x256xf32> to vector<256xf32>
    %broadcast_in_dim3A_1614 = vector.shape_cast %reduce_min3A_1613 : vector<256xf32> to vector<1x256xf32>
    %slice3A_1615 = vector.extract_strided_slice %get3A_16 {offsets = [34, 0], sizes = [1, 256], strides = [1, 1]} : vector<64x256xf32> to vector<1x256xf32>
    %add3A_1616 = arith.addf %broadcast_in_dim3A_1614, %slice3A_1615 : vector<1x256xf32>
    %max3A_1617 = arith.constant 0.000000e+00 : f32
    %max3A_1618 = vector.broadcast %max3A_1617 : f32 to vector<1x256xf32>
    %max3A_1619 = arith.maximumf %add3A_1616, %max3A_1618 : vector<1x256xf32>
    %lt3A_1620 = arith.constant 5.000000e-02 : f32
    %lt3A_1621 = vector.broadcast %lt3A_1620 : f32 to vector<1x256xf32>
    %lt3A_1622 = arith.cmpf olt, %max3A_1619, %lt3A_1621 : vector<1x256xf32>
    %jit3A_1623 = arith.constant 0.000000e+00 : f32
    %broadcast_in_dim3A_1624 = vector.broadcast %jit3A_1623 : f32 to vector<1x256xf32>
    %select_n3A_1625 = arith.select %lt3A_1622, %max3A_1619, %broadcast_in_dim3A_1624 : vector<1x256xi1>, vector<1x256xf32>
    %add3A_1626 = arith.addf %add3A_1580, %select_n3A_1625 : vector<1x256xf32>
    %convert_element_type3A_1627 = arith.extui %lt3A_1622 : vector<1x256xi1> to vector<1x256xi32>
    %convert_element_type3A_1628 = arith.sitofp %convert_element_type3A_1627 : vector<1x256xi32> to vector<1x256xf32>
    %add3A_1629 = arith.addf %add3A_1583, %convert_element_type3A_1628 : vector<1x256xf32>
    %slice3A_1630 = vector.extract_strided_slice %get3A_11 {offsets = [0, 8960], sizes = [8, 256], strides = [1, 1]} : vector<8x16384xf32> to vector<8x256xf32>
    %dot_general3A_1631 = arith.constant dense<0.000000e+00> : vector<2048x256xf32>
    %dot_general3A_1632 = tpu.matmul %get3A_6, %slice3A_1630, %dot_general3A_1631 {dimension_numbers = #tpu.dot_dimension_numbers<[1], [0], [0], [1], [0, 0, 1, 1], [], []>, transpose_lhs_hint = false} : vector<2048x8xf32>, vector<8x256xf32>, vector<2048x256xf32> -> vector<2048x256xf32>
    %add3A_1633 = arith.addf %dot_general3A_1632, %get3A_24 : vector<2048x256xf32>
    %slice3A_1634 = vector.extract_strided_slice %add3A_1633 {offsets = [0, 0], sizes = [1024, 256], strides = [1, 1]} : vector<2048x256xf32> to vector<1024x256xf32>
    %slice3A_1635 = vector.extract_strided_slice %add3A_1633 {offsets = [1024, 0], sizes = [1024, 256], strides = [1, 1]} : vector<2048x256xf32> to vector<1024x256xf32>
    %min3A_1636 = arith.minimumf %slice3A_1634, %slice3A_1635 : vector<1024x256xf32>
    %slice3A_1637 = vector.extract_strided_slice %min3A_1636 {offsets = [0, 0], sizes = [512, 256], strides = [1, 1]} : vector<1024x256xf32> to vector<512x256xf32>
    %slice3A_1638 = vector.extract_strided_slice %min3A_1636 {offsets = [512, 0], sizes = [512, 256], strides = [1, 1]} : vector<1024x256xf32> to vector<512x256xf32>
    %min3A_1639 = arith.minimumf %slice3A_1637, %slice3A_1638 : vector<512x256xf32>
    %slice3A_1640 = vector.extract_strided_slice %min3A_1639 {offsets = [0, 0], sizes = [256, 256], strides = [1, 1]} : vector<512x256xf32> to vector<256x256xf32>
    %slice3A_1641 = vector.extract_strided_slice %min3A_1639 {offsets = [256, 0], sizes = [256, 256], strides = [1, 1]} : vector<512x256xf32> to vector<256x256xf32>
    %min3A_1642 = arith.minimumf %slice3A_1640, %slice3A_1641 : vector<256x256xf32>
    %slice3A_1643 = vector.extract_strided_slice %min3A_1642 {offsets = [0, 0], sizes = [128, 256], strides = [1, 1]} : vector<256x256xf32> to vector<128x256xf32>
    %slice3A_1644 = vector.extract_strided_slice %min3A_1642 {offsets = [128, 0], sizes = [128, 256], strides = [1, 1]} : vector<256x256xf32> to vector<128x256xf32>
    %min3A_1645 = arith.minimumf %slice3A_1643, %slice3A_1644 : vector<128x256xf32>
    %slice3A_1646 = vector.extract_strided_slice %min3A_1645 {offsets = [0, 0], sizes = [64, 256], strides = [1, 1]} : vector<128x256xf32> to vector<64x256xf32>
    %slice3A_1647 = vector.extract_strided_slice %min3A_1645 {offsets = [64, 0], sizes = [64, 256], strides = [1, 1]} : vector<128x256xf32> to vector<64x256xf32>
    %min3A_1648 = arith.minimumf %slice3A_1646, %slice3A_1647 : vector<64x256xf32>
    %slice3A_1649 = vector.extract_strided_slice %min3A_1648 {offsets = [0, 0], sizes = [32, 256], strides = [1, 1]} : vector<64x256xf32> to vector<32x256xf32>
    %slice3A_1650 = vector.extract_strided_slice %min3A_1648 {offsets = [32, 0], sizes = [32, 256], strides = [1, 1]} : vector<64x256xf32> to vector<32x256xf32>
    %min3A_1651 = arith.minimumf %slice3A_1649, %slice3A_1650 : vector<32x256xf32>
    %slice3A_1652 = vector.extract_strided_slice %min3A_1651 {offsets = [0, 0], sizes = [16, 256], strides = [1, 1]} : vector<32x256xf32> to vector<16x256xf32>
    %slice3A_1653 = vector.extract_strided_slice %min3A_1651 {offsets = [16, 0], sizes = [16, 256], strides = [1, 1]} : vector<32x256xf32> to vector<16x256xf32>
    %min3A_1654 = arith.minimumf %slice3A_1652, %slice3A_1653 : vector<16x256xf32>
    %slice3A_1655 = vector.extract_strided_slice %min3A_1654 {offsets = [0, 0], sizes = [8, 256], strides = [1, 1]} : vector<16x256xf32> to vector<8x256xf32>
    %slice3A_1656 = vector.extract_strided_slice %min3A_1654 {offsets = [8, 0], sizes = [8, 256], strides = [1, 1]} : vector<16x256xf32> to vector<8x256xf32>
    %min3A_1657 = arith.minimumf %slice3A_1655, %slice3A_1656 : vector<8x256xf32>
    %reduce_min3A_1658 = arith.constant dense<0x7F800000> : vector<256xf32>
    %reduce_min3A_1659 = vector.multi_reduction <minimumf>, %min3A_1657, %reduce_min3A_1658 [0] : vector<8x256xf32> to vector<256xf32>
    %broadcast_in_dim3A_1660 = vector.shape_cast %reduce_min3A_1659 : vector<256xf32> to vector<1x256xf32>
    %slice3A_1661 = vector.extract_strided_slice %get3A_16 {offsets = [35, 0], sizes = [1, 256], strides = [1, 1]} : vector<64x256xf32> to vector<1x256xf32>
    %add3A_1662 = arith.addf %broadcast_in_dim3A_1660, %slice3A_1661 : vector<1x256xf32>
    %max3A_1663 = arith.constant 0.000000e+00 : f32
    %max3A_1664 = vector.broadcast %max3A_1663 : f32 to vector<1x256xf32>
    %max3A_1665 = arith.maximumf %add3A_1662, %max3A_1664 : vector<1x256xf32>
    %lt3A_1666 = arith.constant 5.000000e-02 : f32
    %lt3A_1667 = vector.broadcast %lt3A_1666 : f32 to vector<1x256xf32>
    %lt3A_1668 = arith.cmpf olt, %max3A_1665, %lt3A_1667 : vector<1x256xf32>
    %jit3A_1669 = arith.constant 0.000000e+00 : f32
    %broadcast_in_dim3A_1670 = vector.broadcast %jit3A_1669 : f32 to vector<1x256xf32>
    %select_n3A_1671 = arith.select %lt3A_1668, %max3A_1665, %broadcast_in_dim3A_1670 : vector<1x256xi1>, vector<1x256xf32>
    %add3A_1672 = arith.addf %add3A_1626, %select_n3A_1671 : vector<1x256xf32>
    %convert_element_type3A_1673 = arith.extui %lt3A_1668 : vector<1x256xi1> to vector<1x256xi32>
    %convert_element_type3A_1674 = arith.sitofp %convert_element_type3A_1673 : vector<1x256xi32> to vector<1x256xf32>
    %add3A_1675 = arith.addf %add3A_1629, %convert_element_type3A_1674 : vector<1x256xf32>
    %slice3A_1676 = vector.extract_strided_slice %get3A_11 {offsets = [0, 9216], sizes = [8, 256], strides = [1, 1]} : vector<8x16384xf32> to vector<8x256xf32>
    %dot_general3A_1677 = arith.constant dense<0.000000e+00> : vector<2048x256xf32>
    %dot_general3A_1678 = tpu.matmul %get3A_6, %slice3A_1676, %dot_general3A_1677 {dimension_numbers = #tpu.dot_dimension_numbers<[1], [0], [0], [1], [0, 0, 1, 1], [], []>, transpose_lhs_hint = false} : vector<2048x8xf32>, vector<8x256xf32>, vector<2048x256xf32> -> vector<2048x256xf32>
    %add3A_1679 = arith.addf %dot_general3A_1678, %get3A_24 : vector<2048x256xf32>
    %slice3A_1680 = vector.extract_strided_slice %add3A_1679 {offsets = [0, 0], sizes = [1024, 256], strides = [1, 1]} : vector<2048x256xf32> to vector<1024x256xf32>
    %slice3A_1681 = vector.extract_strided_slice %add3A_1679 {offsets = [1024, 0], sizes = [1024, 256], strides = [1, 1]} : vector<2048x256xf32> to vector<1024x256xf32>
    %min3A_1682 = arith.minimumf %slice3A_1680, %slice3A_1681 : vector<1024x256xf32>
    %slice3A_1683 = vector.extract_strided_slice %min3A_1682 {offsets = [0, 0], sizes = [512, 256], strides = [1, 1]} : vector<1024x256xf32> to vector<512x256xf32>
    %slice3A_1684 = vector.extract_strided_slice %min3A_1682 {offsets = [512, 0], sizes = [512, 256], strides = [1, 1]} : vector<1024x256xf32> to vector<512x256xf32>
    %min3A_1685 = arith.minimumf %slice3A_1683, %slice3A_1684 : vector<512x256xf32>
    %slice3A_1686 = vector.extract_strided_slice %min3A_1685 {offsets = [0, 0], sizes = [256, 256], strides = [1, 1]} : vector<512x256xf32> to vector<256x256xf32>
    %slice3A_1687 = vector.extract_strided_slice %min3A_1685 {offsets = [256, 0], sizes = [256, 256], strides = [1, 1]} : vector<512x256xf32> to vector<256x256xf32>
    %min3A_1688 = arith.minimumf %slice3A_1686, %slice3A_1687 : vector<256x256xf32>
    %slice3A_1689 = vector.extract_strided_slice %min3A_1688 {offsets = [0, 0], sizes = [128, 256], strides = [1, 1]} : vector<256x256xf32> to vector<128x256xf32>
    %slice3A_1690 = vector.extract_strided_slice %min3A_1688 {offsets = [128, 0], sizes = [128, 256], strides = [1, 1]} : vector<256x256xf32> to vector<128x256xf32>
    %min3A_1691 = arith.minimumf %slice3A_1689, %slice3A_1690 : vector<128x256xf32>
    %slice3A_1692 = vector.extract_strided_slice %min3A_1691 {offsets = [0, 0], sizes = [64, 256], strides = [1, 1]} : vector<128x256xf32> to vector<64x256xf32>
    %slice3A_1693 = vector.extract_strided_slice %min3A_1691 {offsets = [64, 0], sizes = [64, 256], strides = [1, 1]} : vector<128x256xf32> to vector<64x256xf32>
    %min3A_1694 = arith.minimumf %slice3A_1692, %slice3A_1693 : vector<64x256xf32>
    %slice3A_1695 = vector.extract_strided_slice %min3A_1694 {offsets = [0, 0], sizes = [32, 256], strides = [1, 1]} : vector<64x256xf32> to vector<32x256xf32>
    %slice3A_1696 = vector.extract_strided_slice %min3A_1694 {offsets = [32, 0], sizes = [32, 256], strides = [1, 1]} : vector<64x256xf32> to vector<32x256xf32>
    %min3A_1697 = arith.minimumf %slice3A_1695, %slice3A_1696 : vector<32x256xf32>
    %slice3A_1698 = vector.extract_strided_slice %min3A_1697 {offsets = [0, 0], sizes = [16, 256], strides = [1, 1]} : vector<32x256xf32> to vector<16x256xf32>
    %slice3A_1699 = vector.extract_strided_slice %min3A_1697 {offsets = [16, 0], sizes = [16, 256], strides = [1, 1]} : vector<32x256xf32> to vector<16x256xf32>
    %min3A_1700 = arith.minimumf %slice3A_1698, %slice3A_1699 : vector<16x256xf32>
    %slice3A_1701 = vector.extract_strided_slice %min3A_1700 {offsets = [0, 0], sizes = [8, 256], strides = [1, 1]} : vector<16x256xf32> to vector<8x256xf32>
    %slice3A_1702 = vector.extract_strided_slice %min3A_1700 {offsets = [8, 0], sizes = [8, 256], strides = [1, 1]} : vector<16x256xf32> to vector<8x256xf32>
    %min3A_1703 = arith.minimumf %slice3A_1701, %slice3A_1702 : vector<8x256xf32>
    %reduce_min3A_1704 = arith.constant dense<0x7F800000> : vector<256xf32>
    %reduce_min3A_1705 = vector.multi_reduction <minimumf>, %min3A_1703, %reduce_min3A_1704 [0] : vector<8x256xf32> to vector<256xf32>
    %broadcast_in_dim3A_1706 = vector.shape_cast %reduce_min3A_1705 : vector<256xf32> to vector<1x256xf32>
    %slice3A_1707 = vector.extract_strided_slice %get3A_16 {offsets = [36, 0], sizes = [1, 256], strides = [1, 1]} : vector<64x256xf32> to vector<1x256xf32>
    %add3A_1708 = arith.addf %broadcast_in_dim3A_1706, %slice3A_1707 : vector<1x256xf32>
    %max3A_1709 = arith.constant 0.000000e+00 : f32
    %max3A_1710 = vector.broadcast %max3A_1709 : f32 to vector<1x256xf32>
    %max3A_1711 = arith.maximumf %add3A_1708, %max3A_1710 : vector<1x256xf32>
    %lt3A_1712 = arith.constant 5.000000e-02 : f32
    %lt3A_1713 = vector.broadcast %lt3A_1712 : f32 to vector<1x256xf32>
    %lt3A_1714 = arith.cmpf olt, %max3A_1711, %lt3A_1713 : vector<1x256xf32>
    %jit3A_1715 = arith.constant 0.000000e+00 : f32
    %broadcast_in_dim3A_1716 = vector.broadcast %jit3A_1715 : f32 to vector<1x256xf32>
    %select_n3A_1717 = arith.select %lt3A_1714, %max3A_1711, %broadcast_in_dim3A_1716 : vector<1x256xi1>, vector<1x256xf32>
    %add3A_1718 = arith.addf %add3A_1672, %select_n3A_1717 : vector<1x256xf32>
    %convert_element_type3A_1719 = arith.extui %lt3A_1714 : vector<1x256xi1> to vector<1x256xi32>
    %convert_element_type3A_1720 = arith.sitofp %convert_element_type3A_1719 : vector<1x256xi32> to vector<1x256xf32>
    %add3A_1721 = arith.addf %add3A_1675, %convert_element_type3A_1720 : vector<1x256xf32>
    %slice3A_1722 = vector.extract_strided_slice %get3A_11 {offsets = [0, 9472], sizes = [8, 256], strides = [1, 1]} : vector<8x16384xf32> to vector<8x256xf32>
    %dot_general3A_1723 = arith.constant dense<0.000000e+00> : vector<2048x256xf32>
    %dot_general3A_1724 = tpu.matmul %get3A_6, %slice3A_1722, %dot_general3A_1723 {dimension_numbers = #tpu.dot_dimension_numbers<[1], [0], [0], [1], [0, 0, 1, 1], [], []>, transpose_lhs_hint = false} : vector<2048x8xf32>, vector<8x256xf32>, vector<2048x256xf32> -> vector<2048x256xf32>
    %add3A_1725 = arith.addf %dot_general3A_1724, %get3A_24 : vector<2048x256xf32>
    %slice3A_1726 = vector.extract_strided_slice %add3A_1725 {offsets = [0, 0], sizes = [1024, 256], strides = [1, 1]} : vector<2048x256xf32> to vector<1024x256xf32>
    %slice3A_1727 = vector.extract_strided_slice %add3A_1725 {offsets = [1024, 0], sizes = [1024, 256], strides = [1, 1]} : vector<2048x256xf32> to vector<1024x256xf32>
    %min3A_1728 = arith.minimumf %slice3A_1726, %slice3A_1727 : vector<1024x256xf32>
    %slice3A_1729 = vector.extract_strided_slice %min3A_1728 {offsets = [0, 0], sizes = [512, 256], strides = [1, 1]} : vector<1024x256xf32> to vector<512x256xf32>
    %slice3A_1730 = vector.extract_strided_slice %min3A_1728 {offsets = [512, 0], sizes = [512, 256], strides = [1, 1]} : vector<1024x256xf32> to vector<512x256xf32>
    %min3A_1731 = arith.minimumf %slice3A_1729, %slice3A_1730 : vector<512x256xf32>
    %slice3A_1732 = vector.extract_strided_slice %min3A_1731 {offsets = [0, 0], sizes = [256, 256], strides = [1, 1]} : vector<512x256xf32> to vector<256x256xf32>
    %slice3A_1733 = vector.extract_strided_slice %min3A_1731 {offsets = [256, 0], sizes = [256, 256], strides = [1, 1]} : vector<512x256xf32> to vector<256x256xf32>
    %min3A_1734 = arith.minimumf %slice3A_1732, %slice3A_1733 : vector<256x256xf32>
    %slice3A_1735 = vector.extract_strided_slice %min3A_1734 {offsets = [0, 0], sizes = [128, 256], strides = [1, 1]} : vector<256x256xf32> to vector<128x256xf32>
    %slice3A_1736 = vector.extract_strided_slice %min3A_1734 {offsets = [128, 0], sizes = [128, 256], strides = [1, 1]} : vector<256x256xf32> to vector<128x256xf32>
    %min3A_1737 = arith.minimumf %slice3A_1735, %slice3A_1736 : vector<128x256xf32>
    %slice3A_1738 = vector.extract_strided_slice %min3A_1737 {offsets = [0, 0], sizes = [64, 256], strides = [1, 1]} : vector<128x256xf32> to vector<64x256xf32>
    %slice3A_1739 = vector.extract_strided_slice %min3A_1737 {offsets = [64, 0], sizes = [64, 256], strides = [1, 1]} : vector<128x256xf32> to vector<64x256xf32>
    %min3A_1740 = arith.minimumf %slice3A_1738, %slice3A_1739 : vector<64x256xf32>
    %slice3A_1741 = vector.extract_strided_slice %min3A_1740 {offsets = [0, 0], sizes = [32, 256], strides = [1, 1]} : vector<64x256xf32> to vector<32x256xf32>
    %slice3A_1742 = vector.extract_strided_slice %min3A_1740 {offsets = [32, 0], sizes = [32, 256], strides = [1, 1]} : vector<64x256xf32> to vector<32x256xf32>
    %min3A_1743 = arith.minimumf %slice3A_1741, %slice3A_1742 : vector<32x256xf32>
    %slice3A_1744 = vector.extract_strided_slice %min3A_1743 {offsets = [0, 0], sizes = [16, 256], strides = [1, 1]} : vector<32x256xf32> to vector<16x256xf32>
    %slice3A_1745 = vector.extract_strided_slice %min3A_1743 {offsets = [16, 0], sizes = [16, 256], strides = [1, 1]} : vector<32x256xf32> to vector<16x256xf32>
    %min3A_1746 = arith.minimumf %slice3A_1744, %slice3A_1745 : vector<16x256xf32>
    %slice3A_1747 = vector.extract_strided_slice %min3A_1746 {offsets = [0, 0], sizes = [8, 256], strides = [1, 1]} : vector<16x256xf32> to vector<8x256xf32>
    %slice3A_1748 = vector.extract_strided_slice %min3A_1746 {offsets = [8, 0], sizes = [8, 256], strides = [1, 1]} : vector<16x256xf32> to vector<8x256xf32>
    %min3A_1749 = arith.minimumf %slice3A_1747, %slice3A_1748 : vector<8x256xf32>
    %reduce_min3A_1750 = arith.constant dense<0x7F800000> : vector<256xf32>
    %reduce_min3A_1751 = vector.multi_reduction <minimumf>, %min3A_1749, %reduce_min3A_1750 [0] : vector<8x256xf32> to vector<256xf32>
    %broadcast_in_dim3A_1752 = vector.shape_cast %reduce_min3A_1751 : vector<256xf32> to vector<1x256xf32>
    %slice3A_1753 = vector.extract_strided_slice %get3A_16 {offsets = [37, 0], sizes = [1, 256], strides = [1, 1]} : vector<64x256xf32> to vector<1x256xf32>
    %add3A_1754 = arith.addf %broadcast_in_dim3A_1752, %slice3A_1753 : vector<1x256xf32>
    %max3A_1755 = arith.constant 0.000000e+00 : f32
    %max3A_1756 = vector.broadcast %max3A_1755 : f32 to vector<1x256xf32>
    %max3A_1757 = arith.maximumf %add3A_1754, %max3A_1756 : vector<1x256xf32>
    %lt3A_1758 = arith.constant 5.000000e-02 : f32
    %lt3A_1759 = vector.broadcast %lt3A_1758 : f32 to vector<1x256xf32>
    %lt3A_1760 = arith.cmpf olt, %max3A_1757, %lt3A_1759 : vector<1x256xf32>
    %jit3A_1761 = arith.constant 0.000000e+00 : f32
    %broadcast_in_dim3A_1762 = vector.broadcast %jit3A_1761 : f32 to vector<1x256xf32>
    %select_n3A_1763 = arith.select %lt3A_1760, %max3A_1757, %broadcast_in_dim3A_1762 : vector<1x256xi1>, vector<1x256xf32>
    %add3A_1764 = arith.addf %add3A_1718, %select_n3A_1763 : vector<1x256xf32>
    %convert_element_type3A_1765 = arith.extui %lt3A_1760 : vector<1x256xi1> to vector<1x256xi32>
    %convert_element_type3A_1766 = arith.sitofp %convert_element_type3A_1765 : vector<1x256xi32> to vector<1x256xf32>
    %add3A_1767 = arith.addf %add3A_1721, %convert_element_type3A_1766 : vector<1x256xf32>
    %slice3A_1768 = vector.extract_strided_slice %get3A_11 {offsets = [0, 9728], sizes = [8, 256], strides = [1, 1]} : vector<8x16384xf32> to vector<8x256xf32>
    %dot_general3A_1769 = arith.constant dense<0.000000e+00> : vector<2048x256xf32>
    %dot_general3A_1770 = tpu.matmul %get3A_6, %slice3A_1768, %dot_general3A_1769 {dimension_numbers = #tpu.dot_dimension_numbers<[1], [0], [0], [1], [0, 0, 1, 1], [], []>, transpose_lhs_hint = false} : vector<2048x8xf32>, vector<8x256xf32>, vector<2048x256xf32> -> vector<2048x256xf32>
    %add3A_1771 = arith.addf %dot_general3A_1770, %get3A_24 : vector<2048x256xf32>
    %slice3A_1772 = vector.extract_strided_slice %add3A_1771 {offsets = [0, 0], sizes = [1024, 256], strides = [1, 1]} : vector<2048x256xf32> to vector<1024x256xf32>
    %slice3A_1773 = vector.extract_strided_slice %add3A_1771 {offsets = [1024, 0], sizes = [1024, 256], strides = [1, 1]} : vector<2048x256xf32> to vector<1024x256xf32>
    %min3A_1774 = arith.minimumf %slice3A_1772, %slice3A_1773 : vector<1024x256xf32>
    %slice3A_1775 = vector.extract_strided_slice %min3A_1774 {offsets = [0, 0], sizes = [512, 256], strides = [1, 1]} : vector<1024x256xf32> to vector<512x256xf32>
    %slice3A_1776 = vector.extract_strided_slice %min3A_1774 {offsets = [512, 0], sizes = [512, 256], strides = [1, 1]} : vector<1024x256xf32> to vector<512x256xf32>
    %min3A_1777 = arith.minimumf %slice3A_1775, %slice3A_1776 : vector<512x256xf32>
    %slice3A_1778 = vector.extract_strided_slice %min3A_1777 {offsets = [0, 0], sizes = [256, 256], strides = [1, 1]} : vector<512x256xf32> to vector<256x256xf32>
    %slice3A_1779 = vector.extract_strided_slice %min3A_1777 {offsets = [256, 0], sizes = [256, 256], strides = [1, 1]} : vector<512x256xf32> to vector<256x256xf32>
    %min3A_1780 = arith.minimumf %slice3A_1778, %slice3A_1779 : vector<256x256xf32>
    %slice3A_1781 = vector.extract_strided_slice %min3A_1780 {offsets = [0, 0], sizes = [128, 256], strides = [1, 1]} : vector<256x256xf32> to vector<128x256xf32>
    %slice3A_1782 = vector.extract_strided_slice %min3A_1780 {offsets = [128, 0], sizes = [128, 256], strides = [1, 1]} : vector<256x256xf32> to vector<128x256xf32>
    %min3A_1783 = arith.minimumf %slice3A_1781, %slice3A_1782 : vector<128x256xf32>
    %slice3A_1784 = vector.extract_strided_slice %min3A_1783 {offsets = [0, 0], sizes = [64, 256], strides = [1, 1]} : vector<128x256xf32> to vector<64x256xf32>
    %slice3A_1785 = vector.extract_strided_slice %min3A_1783 {offsets = [64, 0], sizes = [64, 256], strides = [1, 1]} : vector<128x256xf32> to vector<64x256xf32>
    %min3A_1786 = arith.minimumf %slice3A_1784, %slice3A_1785 : vector<64x256xf32>
    %slice3A_1787 = vector.extract_strided_slice %min3A_1786 {offsets = [0, 0], sizes = [32, 256], strides = [1, 1]} : vector<64x256xf32> to vector<32x256xf32>
    %slice3A_1788 = vector.extract_strided_slice %min3A_1786 {offsets = [32, 0], sizes = [32, 256], strides = [1, 1]} : vector<64x256xf32> to vector<32x256xf32>
    %min3A_1789 = arith.minimumf %slice3A_1787, %slice3A_1788 : vector<32x256xf32>
    %slice3A_1790 = vector.extract_strided_slice %min3A_1789 {offsets = [0, 0], sizes = [16, 256], strides = [1, 1]} : vector<32x256xf32> to vector<16x256xf32>
    %slice3A_1791 = vector.extract_strided_slice %min3A_1789 {offsets = [16, 0], sizes = [16, 256], strides = [1, 1]} : vector<32x256xf32> to vector<16x256xf32>
    %min3A_1792 = arith.minimumf %slice3A_1790, %slice3A_1791 : vector<16x256xf32>
    %slice3A_1793 = vector.extract_strided_slice %min3A_1792 {offsets = [0, 0], sizes = [8, 256], strides = [1, 1]} : vector<16x256xf32> to vector<8x256xf32>
    %slice3A_1794 = vector.extract_strided_slice %min3A_1792 {offsets = [8, 0], sizes = [8, 256], strides = [1, 1]} : vector<16x256xf32> to vector<8x256xf32>
    %min3A_1795 = arith.minimumf %slice3A_1793, %slice3A_1794 : vector<8x256xf32>
    %reduce_min3A_1796 = arith.constant dense<0x7F800000> : vector<256xf32>
    %reduce_min3A_1797 = vector.multi_reduction <minimumf>, %min3A_1795, %reduce_min3A_1796 [0] : vector<8x256xf32> to vector<256xf32>
    %broadcast_in_dim3A_1798 = vector.shape_cast %reduce_min3A_1797 : vector<256xf32> to vector<1x256xf32>
    %slice3A_1799 = vector.extract_strided_slice %get3A_16 {offsets = [38, 0], sizes = [1, 256], strides = [1, 1]} : vector<64x256xf32> to vector<1x256xf32>
    %add3A_1800 = arith.addf %broadcast_in_dim3A_1798, %slice3A_1799 : vector<1x256xf32>
    %max3A_1801 = arith.constant 0.000000e+00 : f32
    %max3A_1802 = vector.broadcast %max3A_1801 : f32 to vector<1x256xf32>
    %max3A_1803 = arith.maximumf %add3A_1800, %max3A_1802 : vector<1x256xf32>
    %lt3A_1804 = arith.constant 5.000000e-02 : f32
    %lt3A_1805 = vector.broadcast %lt3A_1804 : f32 to vector<1x256xf32>
    %lt3A_1806 = arith.cmpf olt, %max3A_1803, %lt3A_1805 : vector<1x256xf32>
    %jit3A_1807 = arith.constant 0.000000e+00 : f32
    %broadcast_in_dim3A_1808 = vector.broadcast %jit3A_1807 : f32 to vector<1x256xf32>
    %select_n3A_1809 = arith.select %lt3A_1806, %max3A_1803, %broadcast_in_dim3A_1808 : vector<1x256xi1>, vector<1x256xf32>
    %add3A_1810 = arith.addf %add3A_1764, %select_n3A_1809 : vector<1x256xf32>
    %convert_element_type3A_1811 = arith.extui %lt3A_1806 : vector<1x256xi1> to vector<1x256xi32>
    %convert_element_type3A_1812 = arith.sitofp %convert_element_type3A_1811 : vector<1x256xi32> to vector<1x256xf32>
    %add3A_1813 = arith.addf %add3A_1767, %convert_element_type3A_1812 : vector<1x256xf32>
    %slice3A_1814 = vector.extract_strided_slice %get3A_11 {offsets = [0, 9984], sizes = [8, 256], strides = [1, 1]} : vector<8x16384xf32> to vector<8x256xf32>
    %dot_general3A_1815 = arith.constant dense<0.000000e+00> : vector<2048x256xf32>
    %dot_general3A_1816 = tpu.matmul %get3A_6, %slice3A_1814, %dot_general3A_1815 {dimension_numbers = #tpu.dot_dimension_numbers<[1], [0], [0], [1], [0, 0, 1, 1], [], []>, transpose_lhs_hint = false} : vector<2048x8xf32>, vector<8x256xf32>, vector<2048x256xf32> -> vector<2048x256xf32>
    %add3A_1817 = arith.addf %dot_general3A_1816, %get3A_24 : vector<2048x256xf32>
    %slice3A_1818 = vector.extract_strided_slice %add3A_1817 {offsets = [0, 0], sizes = [1024, 256], strides = [1, 1]} : vector<2048x256xf32> to vector<1024x256xf32>
    %slice3A_1819 = vector.extract_strided_slice %add3A_1817 {offsets = [1024, 0], sizes = [1024, 256], strides = [1, 1]} : vector<2048x256xf32> to vector<1024x256xf32>
    %min3A_1820 = arith.minimumf %slice3A_1818, %slice3A_1819 : vector<1024x256xf32>
    %slice3A_1821 = vector.extract_strided_slice %min3A_1820 {offsets = [0, 0], sizes = [512, 256], strides = [1, 1]} : vector<1024x256xf32> to vector<512x256xf32>
    %slice3A_1822 = vector.extract_strided_slice %min3A_1820 {offsets = [512, 0], sizes = [512, 256], strides = [1, 1]} : vector<1024x256xf32> to vector<512x256xf32>
    %min3A_1823 = arith.minimumf %slice3A_1821, %slice3A_1822 : vector<512x256xf32>
    %slice3A_1824 = vector.extract_strided_slice %min3A_1823 {offsets = [0, 0], sizes = [256, 256], strides = [1, 1]} : vector<512x256xf32> to vector<256x256xf32>
    %slice3A_1825 = vector.extract_strided_slice %min3A_1823 {offsets = [256, 0], sizes = [256, 256], strides = [1, 1]} : vector<512x256xf32> to vector<256x256xf32>
    %min3A_1826 = arith.minimumf %slice3A_1824, %slice3A_1825 : vector<256x256xf32>
    %slice3A_1827 = vector.extract_strided_slice %min3A_1826 {offsets = [0, 0], sizes = [128, 256], strides = [1, 1]} : vector<256x256xf32> to vector<128x256xf32>
    %slice3A_1828 = vector.extract_strided_slice %min3A_1826 {offsets = [128, 0], sizes = [128, 256], strides = [1, 1]} : vector<256x256xf32> to vector<128x256xf32>
    %min3A_1829 = arith.minimumf %slice3A_1827, %slice3A_1828 : vector<128x256xf32>
    %slice3A_1830 = vector.extract_strided_slice %min3A_1829 {offsets = [0, 0], sizes = [64, 256], strides = [1, 1]} : vector<128x256xf32> to vector<64x256xf32>
    %slice3A_1831 = vector.extract_strided_slice %min3A_1829 {offsets = [64, 0], sizes = [64, 256], strides = [1, 1]} : vector<128x256xf32> to vector<64x256xf32>
    %min3A_1832 = arith.minimumf %slice3A_1830, %slice3A_1831 : vector<64x256xf32>
    %slice3A_1833 = vector.extract_strided_slice %min3A_1832 {offsets = [0, 0], sizes = [32, 256], strides = [1, 1]} : vector<64x256xf32> to vector<32x256xf32>
    %slice3A_1834 = vector.extract_strided_slice %min3A_1832 {offsets = [32, 0], sizes = [32, 256], strides = [1, 1]} : vector<64x256xf32> to vector<32x256xf32>
    %min3A_1835 = arith.minimumf %slice3A_1833, %slice3A_1834 : vector<32x256xf32>
    %slice3A_1836 = vector.extract_strided_slice %min3A_1835 {offsets = [0, 0], sizes = [16, 256], strides = [1, 1]} : vector<32x256xf32> to vector<16x256xf32>
    %slice3A_1837 = vector.extract_strided_slice %min3A_1835 {offsets = [16, 0], sizes = [16, 256], strides = [1, 1]} : vector<32x256xf32> to vector<16x256xf32>
    %min3A_1838 = arith.minimumf %slice3A_1836, %slice3A_1837 : vector<16x256xf32>
    %slice3A_1839 = vector.extract_strided_slice %min3A_1838 {offsets = [0, 0], sizes = [8, 256], strides = [1, 1]} : vector<16x256xf32> to vector<8x256xf32>
    %slice3A_1840 = vector.extract_strided_slice %min3A_1838 {offsets = [8, 0], sizes = [8, 256], strides = [1, 1]} : vector<16x256xf32> to vector<8x256xf32>
    %min3A_1841 = arith.minimumf %slice3A_1839, %slice3A_1840 : vector<8x256xf32>
    %reduce_min3A_1842 = arith.constant dense<0x7F800000> : vector<256xf32>
    %reduce_min3A_1843 = vector.multi_reduction <minimumf>, %min3A_1841, %reduce_min3A_1842 [0] : vector<8x256xf32> to vector<256xf32>
    %broadcast_in_dim3A_1844 = vector.shape_cast %reduce_min3A_1843 : vector<256xf32> to vector<1x256xf32>
    %slice3A_1845 = vector.extract_strided_slice %get3A_16 {offsets = [39, 0], sizes = [1, 256], strides = [1, 1]} : vector<64x256xf32> to vector<1x256xf32>
    %add3A_1846 = arith.addf %broadcast_in_dim3A_1844, %slice3A_1845 : vector<1x256xf32>
    %max3A_1847 = arith.constant 0.000000e+00 : f32
    %max3A_1848 = vector.broadcast %max3A_1847 : f32 to vector<1x256xf32>
    %max3A_1849 = arith.maximumf %add3A_1846, %max3A_1848 : vector<1x256xf32>
    %lt3A_1850 = arith.constant 5.000000e-02 : f32
    %lt3A_1851 = vector.broadcast %lt3A_1850 : f32 to vector<1x256xf32>
    %lt3A_1852 = arith.cmpf olt, %max3A_1849, %lt3A_1851 : vector<1x256xf32>
    %jit3A_1853 = arith.constant 0.000000e+00 : f32
    %broadcast_in_dim3A_1854 = vector.broadcast %jit3A_1853 : f32 to vector<1x256xf32>
    %select_n3A_1855 = arith.select %lt3A_1852, %max3A_1849, %broadcast_in_dim3A_1854 : vector<1x256xi1>, vector<1x256xf32>
    %add3A_1856 = arith.addf %add3A_1810, %select_n3A_1855 : vector<1x256xf32>
    %convert_element_type3A_1857 = arith.extui %lt3A_1852 : vector<1x256xi1> to vector<1x256xi32>
    %convert_element_type3A_1858 = arith.sitofp %convert_element_type3A_1857 : vector<1x256xi32> to vector<1x256xf32>
    %add3A_1859 = arith.addf %add3A_1813, %convert_element_type3A_1858 : vector<1x256xf32>
    %slice3A_1860 = vector.extract_strided_slice %get3A_11 {offsets = [0, 10240], sizes = [8, 256], strides = [1, 1]} : vector<8x16384xf32> to vector<8x256xf32>
    %dot_general3A_1861 = arith.constant dense<0.000000e+00> : vector<2048x256xf32>
    %dot_general3A_1862 = tpu.matmul %get3A_6, %slice3A_1860, %dot_general3A_1861 {dimension_numbers = #tpu.dot_dimension_numbers<[1], [0], [0], [1], [0, 0, 1, 1], [], []>, transpose_lhs_hint = false} : vector<2048x8xf32>, vector<8x256xf32>, vector<2048x256xf32> -> vector<2048x256xf32>
    %add3A_1863 = arith.addf %dot_general3A_1862, %get3A_24 : vector<2048x256xf32>
    %slice3A_1864 = vector.extract_strided_slice %add3A_1863 {offsets = [0, 0], sizes = [1024, 256], strides = [1, 1]} : vector<2048x256xf32> to vector<1024x256xf32>
    %slice3A_1865 = vector.extract_strided_slice %add3A_1863 {offsets = [1024, 0], sizes = [1024, 256], strides = [1, 1]} : vector<2048x256xf32> to vector<1024x256xf32>
    %min3A_1866 = arith.minimumf %slice3A_1864, %slice3A_1865 : vector<1024x256xf32>
    %slice3A_1867 = vector.extract_strided_slice %min3A_1866 {offsets = [0, 0], sizes = [512, 256], strides = [1, 1]} : vector<1024x256xf32> to vector<512x256xf32>
    %slice3A_1868 = vector.extract_strided_slice %min3A_1866 {offsets = [512, 0], sizes = [512, 256], strides = [1, 1]} : vector<1024x256xf32> to vector<512x256xf32>
    %min3A_1869 = arith.minimumf %slice3A_1867, %slice3A_1868 : vector<512x256xf32>
    %slice3A_1870 = vector.extract_strided_slice %min3A_1869 {offsets = [0, 0], sizes = [256, 256], strides = [1, 1]} : vector<512x256xf32> to vector<256x256xf32>
    %slice3A_1871 = vector.extract_strided_slice %min3A_1869 {offsets = [256, 0], sizes = [256, 256], strides = [1, 1]} : vector<512x256xf32> to vector<256x256xf32>
    %min3A_1872 = arith.minimumf %slice3A_1870, %slice3A_1871 : vector<256x256xf32>
    %slice3A_1873 = vector.extract_strided_slice %min3A_1872 {offsets = [0, 0], sizes = [128, 256], strides = [1, 1]} : vector<256x256xf32> to vector<128x256xf32>
    %slice3A_1874 = vector.extract_strided_slice %min3A_1872 {offsets = [128, 0], sizes = [128, 256], strides = [1, 1]} : vector<256x256xf32> to vector<128x256xf32>
    %min3A_1875 = arith.minimumf %slice3A_1873, %slice3A_1874 : vector<128x256xf32>
    %slice3A_1876 = vector.extract_strided_slice %min3A_1875 {offsets = [0, 0], sizes = [64, 256], strides = [1, 1]} : vector<128x256xf32> to vector<64x256xf32>
    %slice3A_1877 = vector.extract_strided_slice %min3A_1875 {offsets = [64, 0], sizes = [64, 256], strides = [1, 1]} : vector<128x256xf32> to vector<64x256xf32>
    %min3A_1878 = arith.minimumf %slice3A_1876, %slice3A_1877 : vector<64x256xf32>
    %slice3A_1879 = vector.extract_strided_slice %min3A_1878 {offsets = [0, 0], sizes = [32, 256], strides = [1, 1]} : vector<64x256xf32> to vector<32x256xf32>
    %slice3A_1880 = vector.extract_strided_slice %min3A_1878 {offsets = [32, 0], sizes = [32, 256], strides = [1, 1]} : vector<64x256xf32> to vector<32x256xf32>
    %min3A_1881 = arith.minimumf %slice3A_1879, %slice3A_1880 : vector<32x256xf32>
    %slice3A_1882 = vector.extract_strided_slice %min3A_1881 {offsets = [0, 0], sizes = [16, 256], strides = [1, 1]} : vector<32x256xf32> to vector<16x256xf32>
    %slice3A_1883 = vector.extract_strided_slice %min3A_1881 {offsets = [16, 0], sizes = [16, 256], strides = [1, 1]} : vector<32x256xf32> to vector<16x256xf32>
    %min3A_1884 = arith.minimumf %slice3A_1882, %slice3A_1883 : vector<16x256xf32>
    %slice3A_1885 = vector.extract_strided_slice %min3A_1884 {offsets = [0, 0], sizes = [8, 256], strides = [1, 1]} : vector<16x256xf32> to vector<8x256xf32>
    %slice3A_1886 = vector.extract_strided_slice %min3A_1884 {offsets = [8, 0], sizes = [8, 256], strides = [1, 1]} : vector<16x256xf32> to vector<8x256xf32>
    %min3A_1887 = arith.minimumf %slice3A_1885, %slice3A_1886 : vector<8x256xf32>
    %reduce_min3A_1888 = arith.constant dense<0x7F800000> : vector<256xf32>
    %reduce_min3A_1889 = vector.multi_reduction <minimumf>, %min3A_1887, %reduce_min3A_1888 [0] : vector<8x256xf32> to vector<256xf32>
    %broadcast_in_dim3A_1890 = vector.shape_cast %reduce_min3A_1889 : vector<256xf32> to vector<1x256xf32>
    %slice3A_1891 = vector.extract_strided_slice %get3A_16 {offsets = [40, 0], sizes = [1, 256], strides = [1, 1]} : vector<64x256xf32> to vector<1x256xf32>
    %add3A_1892 = arith.addf %broadcast_in_dim3A_1890, %slice3A_1891 : vector<1x256xf32>
    %max3A_1893 = arith.constant 0.000000e+00 : f32
    %max3A_1894 = vector.broadcast %max3A_1893 : f32 to vector<1x256xf32>
    %max3A_1895 = arith.maximumf %add3A_1892, %max3A_1894 : vector<1x256xf32>
    %lt3A_1896 = arith.constant 5.000000e-02 : f32
    %lt3A_1897 = vector.broadcast %lt3A_1896 : f32 to vector<1x256xf32>
    %lt3A_1898 = arith.cmpf olt, %max3A_1895, %lt3A_1897 : vector<1x256xf32>
    %jit3A_1899 = arith.constant 0.000000e+00 : f32
    %broadcast_in_dim3A_1900 = vector.broadcast %jit3A_1899 : f32 to vector<1x256xf32>
    %select_n3A_1901 = arith.select %lt3A_1898, %max3A_1895, %broadcast_in_dim3A_1900 : vector<1x256xi1>, vector<1x256xf32>
    %add3A_1902 = arith.addf %add3A_1856, %select_n3A_1901 : vector<1x256xf32>
    %convert_element_type3A_1903 = arith.extui %lt3A_1898 : vector<1x256xi1> to vector<1x256xi32>
    %convert_element_type3A_1904 = arith.sitofp %convert_element_type3A_1903 : vector<1x256xi32> to vector<1x256xf32>
    %add3A_1905 = arith.addf %add3A_1859, %convert_element_type3A_1904 : vector<1x256xf32>
    %slice3A_1906 = vector.extract_strided_slice %get3A_11 {offsets = [0, 10496], sizes = [8, 256], strides = [1, 1]} : vector<8x16384xf32> to vector<8x256xf32>
    %dot_general3A_1907 = arith.constant dense<0.000000e+00> : vector<2048x256xf32>
    %dot_general3A_1908 = tpu.matmul %get3A_6, %slice3A_1906, %dot_general3A_1907 {dimension_numbers = #tpu.dot_dimension_numbers<[1], [0], [0], [1], [0, 0, 1, 1], [], []>, transpose_lhs_hint = false} : vector<2048x8xf32>, vector<8x256xf32>, vector<2048x256xf32> -> vector<2048x256xf32>
    %add3A_1909 = arith.addf %dot_general3A_1908, %get3A_24 : vector<2048x256xf32>
    %slice3A_1910 = vector.extract_strided_slice %add3A_1909 {offsets = [0, 0], sizes = [1024, 256], strides = [1, 1]} : vector<2048x256xf32> to vector<1024x256xf32>
    %slice3A_1911 = vector.extract_strided_slice %add3A_1909 {offsets = [1024, 0], sizes = [1024, 256], strides = [1, 1]} : vector<2048x256xf32> to vector<1024x256xf32>
    %min3A_1912 = arith.minimumf %slice3A_1910, %slice3A_1911 : vector<1024x256xf32>
    %slice3A_1913 = vector.extract_strided_slice %min3A_1912 {offsets = [0, 0], sizes = [512, 256], strides = [1, 1]} : vector<1024x256xf32> to vector<512x256xf32>
    %slice3A_1914 = vector.extract_strided_slice %min3A_1912 {offsets = [512, 0], sizes = [512, 256], strides = [1, 1]} : vector<1024x256xf32> to vector<512x256xf32>
    %min3A_1915 = arith.minimumf %slice3A_1913, %slice3A_1914 : vector<512x256xf32>
    %slice3A_1916 = vector.extract_strided_slice %min3A_1915 {offsets = [0, 0], sizes = [256, 256], strides = [1, 1]} : vector<512x256xf32> to vector<256x256xf32>
    %slice3A_1917 = vector.extract_strided_slice %min3A_1915 {offsets = [256, 0], sizes = [256, 256], strides = [1, 1]} : vector<512x256xf32> to vector<256x256xf32>
    %min3A_1918 = arith.minimumf %slice3A_1916, %slice3A_1917 : vector<256x256xf32>
    %slice3A_1919 = vector.extract_strided_slice %min3A_1918 {offsets = [0, 0], sizes = [128, 256], strides = [1, 1]} : vector<256x256xf32> to vector<128x256xf32>
    %slice3A_1920 = vector.extract_strided_slice %min3A_1918 {offsets = [128, 0], sizes = [128, 256], strides = [1, 1]} : vector<256x256xf32> to vector<128x256xf32>
    %min3A_1921 = arith.minimumf %slice3A_1919, %slice3A_1920 : vector<128x256xf32>
    %slice3A_1922 = vector.extract_strided_slice %min3A_1921 {offsets = [0, 0], sizes = [64, 256], strides = [1, 1]} : vector<128x256xf32> to vector<64x256xf32>
    %slice3A_1923 = vector.extract_strided_slice %min3A_1921 {offsets = [64, 0], sizes = [64, 256], strides = [1, 1]} : vector<128x256xf32> to vector<64x256xf32>
    %min3A_1924 = arith.minimumf %slice3A_1922, %slice3A_1923 : vector<64x256xf32>
    %slice3A_1925 = vector.extract_strided_slice %min3A_1924 {offsets = [0, 0], sizes = [32, 256], strides = [1, 1]} : vector<64x256xf32> to vector<32x256xf32>
    %slice3A_1926 = vector.extract_strided_slice %min3A_1924 {offsets = [32, 0], sizes = [32, 256], strides = [1, 1]} : vector<64x256xf32> to vector<32x256xf32>
    %min3A_1927 = arith.minimumf %slice3A_1925, %slice3A_1926 : vector<32x256xf32>
    %slice3A_1928 = vector.extract_strided_slice %min3A_1927 {offsets = [0, 0], sizes = [16, 256], strides = [1, 1]} : vector<32x256xf32> to vector<16x256xf32>
    %slice3A_1929 = vector.extract_strided_slice %min3A_1927 {offsets = [16, 0], sizes = [16, 256], strides = [1, 1]} : vector<32x256xf32> to vector<16x256xf32>
    %min3A_1930 = arith.minimumf %slice3A_1928, %slice3A_1929 : vector<16x256xf32>
    %slice3A_1931 = vector.extract_strided_slice %min3A_1930 {offsets = [0, 0], sizes = [8, 256], strides = [1, 1]} : vector<16x256xf32> to vector<8x256xf32>
    %slice3A_1932 = vector.extract_strided_slice %min3A_1930 {offsets = [8, 0], sizes = [8, 256], strides = [1, 1]} : vector<16x256xf32> to vector<8x256xf32>
    %min3A_1933 = arith.minimumf %slice3A_1931, %slice3A_1932 : vector<8x256xf32>
    %reduce_min3A_1934 = arith.constant dense<0x7F800000> : vector<256xf32>
    %reduce_min3A_1935 = vector.multi_reduction <minimumf>, %min3A_1933, %reduce_min3A_1934 [0] : vector<8x256xf32> to vector<256xf32>
    %broadcast_in_dim3A_1936 = vector.shape_cast %reduce_min3A_1935 : vector<256xf32> to vector<1x256xf32>
    %slice3A_1937 = vector.extract_strided_slice %get3A_16 {offsets = [41, 0], sizes = [1, 256], strides = [1, 1]} : vector<64x256xf32> to vector<1x256xf32>
    %add3A_1938 = arith.addf %broadcast_in_dim3A_1936, %slice3A_1937 : vector<1x256xf32>
    %max3A_1939 = arith.constant 0.000000e+00 : f32
    %max3A_1940 = vector.broadcast %max3A_1939 : f32 to vector<1x256xf32>
    %max3A_1941 = arith.maximumf %add3A_1938, %max3A_1940 : vector<1x256xf32>
    %lt3A_1942 = arith.constant 5.000000e-02 : f32
    %lt3A_1943 = vector.broadcast %lt3A_1942 : f32 to vector<1x256xf32>
    %lt3A_1944 = arith.cmpf olt, %max3A_1941, %lt3A_1943 : vector<1x256xf32>
    %jit3A_1945 = arith.constant 0.000000e+00 : f32
    %broadcast_in_dim3A_1946 = vector.broadcast %jit3A_1945 : f32 to vector<1x256xf32>
    %select_n3A_1947 = arith.select %lt3A_1944, %max3A_1941, %broadcast_in_dim3A_1946 : vector<1x256xi1>, vector<1x256xf32>
    %add3A_1948 = arith.addf %add3A_1902, %select_n3A_1947 : vector<1x256xf32>
    %convert_element_type3A_1949 = arith.extui %lt3A_1944 : vector<1x256xi1> to vector<1x256xi32>
    %convert_element_type3A_1950 = arith.sitofp %convert_element_type3A_1949 : vector<1x256xi32> to vector<1x256xf32>
    %add3A_1951 = arith.addf %add3A_1905, %convert_element_type3A_1950 : vector<1x256xf32>
    %slice3A_1952 = vector.extract_strided_slice %get3A_11 {offsets = [0, 10752], sizes = [8, 256], strides = [1, 1]} : vector<8x16384xf32> to vector<8x256xf32>
    %dot_general3A_1953 = arith.constant dense<0.000000e+00> : vector<2048x256xf32>
    %dot_general3A_1954 = tpu.matmul %get3A_6, %slice3A_1952, %dot_general3A_1953 {dimension_numbers = #tpu.dot_dimension_numbers<[1], [0], [0], [1], [0, 0, 1, 1], [], []>, transpose_lhs_hint = false} : vector<2048x8xf32>, vector<8x256xf32>, vector<2048x256xf32> -> vector<2048x256xf32>
    %add3A_1955 = arith.addf %dot_general3A_1954, %get3A_24 : vector<2048x256xf32>
    %slice3A_1956 = vector.extract_strided_slice %add3A_1955 {offsets = [0, 0], sizes = [1024, 256], strides = [1, 1]} : vector<2048x256xf32> to vector<1024x256xf32>
    %slice3A_1957 = vector.extract_strided_slice %add3A_1955 {offsets = [1024, 0], sizes = [1024, 256], strides = [1, 1]} : vector<2048x256xf32> to vector<1024x256xf32>
    %min3A_1958 = arith.minimumf %slice3A_1956, %slice3A_1957 : vector<1024x256xf32>
    %slice3A_1959 = vector.extract_strided_slice %min3A_1958 {offsets = [0, 0], sizes = [512, 256], strides = [1, 1]} : vector<1024x256xf32> to vector<512x256xf32>
    %slice3A_1960 = vector.extract_strided_slice %min3A_1958 {offsets = [512, 0], sizes = [512, 256], strides = [1, 1]} : vector<1024x256xf32> to vector<512x256xf32>
    %min3A_1961 = arith.minimumf %slice3A_1959, %slice3A_1960 : vector<512x256xf32>
    %slice3A_1962 = vector.extract_strided_slice %min3A_1961 {offsets = [0, 0], sizes = [256, 256], strides = [1, 1]} : vector<512x256xf32> to vector<256x256xf32>
    %slice3A_1963 = vector.extract_strided_slice %min3A_1961 {offsets = [256, 0], sizes = [256, 256], strides = [1, 1]} : vector<512x256xf32> to vector<256x256xf32>
    %min3A_1964 = arith.minimumf %slice3A_1962, %slice3A_1963 : vector<256x256xf32>
    %slice3A_1965 = vector.extract_strided_slice %min3A_1964 {offsets = [0, 0], sizes = [128, 256], strides = [1, 1]} : vector<256x256xf32> to vector<128x256xf32>
    %slice3A_1966 = vector.extract_strided_slice %min3A_1964 {offsets = [128, 0], sizes = [128, 256], strides = [1, 1]} : vector<256x256xf32> to vector<128x256xf32>
    %min3A_1967 = arith.minimumf %slice3A_1965, %slice3A_1966 : vector<128x256xf32>
    %slice3A_1968 = vector.extract_strided_slice %min3A_1967 {offsets = [0, 0], sizes = [64, 256], strides = [1, 1]} : vector<128x256xf32> to vector<64x256xf32>
    %slice3A_1969 = vector.extract_strided_slice %min3A_1967 {offsets = [64, 0], sizes = [64, 256], strides = [1, 1]} : vector<128x256xf32> to vector<64x256xf32>
    %min3A_1970 = arith.minimumf %slice3A_1968, %slice3A_1969 : vector<64x256xf32>
    %slice3A_1971 = vector.extract_strided_slice %min3A_1970 {offsets = [0, 0], sizes = [32, 256], strides = [1, 1]} : vector<64x256xf32> to vector<32x256xf32>
    %slice3A_1972 = vector.extract_strided_slice %min3A_1970 {offsets = [32, 0], sizes = [32, 256], strides = [1, 1]} : vector<64x256xf32> to vector<32x256xf32>
    %min3A_1973 = arith.minimumf %slice3A_1971, %slice3A_1972 : vector<32x256xf32>
    %slice3A_1974 = vector.extract_strided_slice %min3A_1973 {offsets = [0, 0], sizes = [16, 256], strides = [1, 1]} : vector<32x256xf32> to vector<16x256xf32>
    %slice3A_1975 = vector.extract_strided_slice %min3A_1973 {offsets = [16, 0], sizes = [16, 256], strides = [1, 1]} : vector<32x256xf32> to vector<16x256xf32>
    %min3A_1976 = arith.minimumf %slice3A_1974, %slice3A_1975 : vector<16x256xf32>
    %slice3A_1977 = vector.extract_strided_slice %min3A_1976 {offsets = [0, 0], sizes = [8, 256], strides = [1, 1]} : vector<16x256xf32> to vector<8x256xf32>
    %slice3A_1978 = vector.extract_strided_slice %min3A_1976 {offsets = [8, 0], sizes = [8, 256], strides = [1, 1]} : vector<16x256xf32> to vector<8x256xf32>
    %min3A_1979 = arith.minimumf %slice3A_1977, %slice3A_1978 : vector<8x256xf32>
    %reduce_min3A_1980 = arith.constant dense<0x7F800000> : vector<256xf32>
    %reduce_min3A_1981 = vector.multi_reduction <minimumf>, %min3A_1979, %reduce_min3A_1980 [0] : vector<8x256xf32> to vector<256xf32>
    %broadcast_in_dim3A_1982 = vector.shape_cast %reduce_min3A_1981 : vector<256xf32> to vector<1x256xf32>
    %slice3A_1983 = vector.extract_strided_slice %get3A_16 {offsets = [42, 0], sizes = [1, 256], strides = [1, 1]} : vector<64x256xf32> to vector<1x256xf32>
    %add3A_1984 = arith.addf %broadcast_in_dim3A_1982, %slice3A_1983 : vector<1x256xf32>
    %max3A_1985 = arith.constant 0.000000e+00 : f32
    %max3A_1986 = vector.broadcast %max3A_1985 : f32 to vector<1x256xf32>
    %max3A_1987 = arith.maximumf %add3A_1984, %max3A_1986 : vector<1x256xf32>
    %lt3A_1988 = arith.constant 5.000000e-02 : f32
    %lt3A_1989 = vector.broadcast %lt3A_1988 : f32 to vector<1x256xf32>
    %lt3A_1990 = arith.cmpf olt, %max3A_1987, %lt3A_1989 : vector<1x256xf32>
    %jit3A_1991 = arith.constant 0.000000e+00 : f32
    %broadcast_in_dim3A_1992 = vector.broadcast %jit3A_1991 : f32 to vector<1x256xf32>
    %select_n3A_1993 = arith.select %lt3A_1990, %max3A_1987, %broadcast_in_dim3A_1992 : vector<1x256xi1>, vector<1x256xf32>
    %add3A_1994 = arith.addf %add3A_1948, %select_n3A_1993 : vector<1x256xf32>
    %convert_element_type3A_1995 = arith.extui %lt3A_1990 : vector<1x256xi1> to vector<1x256xi32>
    %convert_element_type3A_1996 = arith.sitofp %convert_element_type3A_1995 : vector<1x256xi32> to vector<1x256xf32>
    %add3A_1997 = arith.addf %add3A_1951, %convert_element_type3A_1996 : vector<1x256xf32>
    %slice3A_1998 = vector.extract_strided_slice %get3A_11 {offsets = [0, 11008], sizes = [8, 256], strides = [1, 1]} : vector<8x16384xf32> to vector<8x256xf32>
    %dot_general3A_1999 = arith.constant dense<0.000000e+00> : vector<2048x256xf32>
    %dot_general3A_2000 = tpu.matmul %get3A_6, %slice3A_1998, %dot_general3A_1999 {dimension_numbers = #tpu.dot_dimension_numbers<[1], [0], [0], [1], [0, 0, 1, 1], [], []>, transpose_lhs_hint = false} : vector<2048x8xf32>, vector<8x256xf32>, vector<2048x256xf32> -> vector<2048x256xf32>
    %add3A_2001 = arith.addf %dot_general3A_2000, %get3A_24 : vector<2048x256xf32>
    %slice3A_2002 = vector.extract_strided_slice %add3A_2001 {offsets = [0, 0], sizes = [1024, 256], strides = [1, 1]} : vector<2048x256xf32> to vector<1024x256xf32>
    %slice3A_2003 = vector.extract_strided_slice %add3A_2001 {offsets = [1024, 0], sizes = [1024, 256], strides = [1, 1]} : vector<2048x256xf32> to vector<1024x256xf32>
    %min3A_2004 = arith.minimumf %slice3A_2002, %slice3A_2003 : vector<1024x256xf32>
    %slice3A_2005 = vector.extract_strided_slice %min3A_2004 {offsets = [0, 0], sizes = [512, 256], strides = [1, 1]} : vector<1024x256xf32> to vector<512x256xf32>
    %slice3A_2006 = vector.extract_strided_slice %min3A_2004 {offsets = [512, 0], sizes = [512, 256], strides = [1, 1]} : vector<1024x256xf32> to vector<512x256xf32>
    %min3A_2007 = arith.minimumf %slice3A_2005, %slice3A_2006 : vector<512x256xf32>
    %slice3A_2008 = vector.extract_strided_slice %min3A_2007 {offsets = [0, 0], sizes = [256, 256], strides = [1, 1]} : vector<512x256xf32> to vector<256x256xf32>
    %slice3A_2009 = vector.extract_strided_slice %min3A_2007 {offsets = [256, 0], sizes = [256, 256], strides = [1, 1]} : vector<512x256xf32> to vector<256x256xf32>
    %min3A_2010 = arith.minimumf %slice3A_2008, %slice3A_2009 : vector<256x256xf32>
    %slice3A_2011 = vector.extract_strided_slice %min3A_2010 {offsets = [0, 0], sizes = [128, 256], strides = [1, 1]} : vector<256x256xf32> to vector<128x256xf32>
    %slice3A_2012 = vector.extract_strided_slice %min3A_2010 {offsets = [128, 0], sizes = [128, 256], strides = [1, 1]} : vector<256x256xf32> to vector<128x256xf32>
    %min3A_2013 = arith.minimumf %slice3A_2011, %slice3A_2012 : vector<128x256xf32>
    %slice3A_2014 = vector.extract_strided_slice %min3A_2013 {offsets = [0, 0], sizes = [64, 256], strides = [1, 1]} : vector<128x256xf32> to vector<64x256xf32>
    %slice3A_2015 = vector.extract_strided_slice %min3A_2013 {offsets = [64, 0], sizes = [64, 256], strides = [1, 1]} : vector<128x256xf32> to vector<64x256xf32>
    %min3A_2016 = arith.minimumf %slice3A_2014, %slice3A_2015 : vector<64x256xf32>
    %slice3A_2017 = vector.extract_strided_slice %min3A_2016 {offsets = [0, 0], sizes = [32, 256], strides = [1, 1]} : vector<64x256xf32> to vector<32x256xf32>
    %slice3A_2018 = vector.extract_strided_slice %min3A_2016 {offsets = [32, 0], sizes = [32, 256], strides = [1, 1]} : vector<64x256xf32> to vector<32x256xf32>
    %min3A_2019 = arith.minimumf %slice3A_2017, %slice3A_2018 : vector<32x256xf32>
    %slice3A_2020 = vector.extract_strided_slice %min3A_2019 {offsets = [0, 0], sizes = [16, 256], strides = [1, 1]} : vector<32x256xf32> to vector<16x256xf32>
    %slice3A_2021 = vector.extract_strided_slice %min3A_2019 {offsets = [16, 0], sizes = [16, 256], strides = [1, 1]} : vector<32x256xf32> to vector<16x256xf32>
    %min3A_2022 = arith.minimumf %slice3A_2020, %slice3A_2021 : vector<16x256xf32>
    %slice3A_2023 = vector.extract_strided_slice %min3A_2022 {offsets = [0, 0], sizes = [8, 256], strides = [1, 1]} : vector<16x256xf32> to vector<8x256xf32>
    %slice3A_2024 = vector.extract_strided_slice %min3A_2022 {offsets = [8, 0], sizes = [8, 256], strides = [1, 1]} : vector<16x256xf32> to vector<8x256xf32>
    %min3A_2025 = arith.minimumf %slice3A_2023, %slice3A_2024 : vector<8x256xf32>
    %reduce_min3A_2026 = arith.constant dense<0x7F800000> : vector<256xf32>
    %reduce_min3A_2027 = vector.multi_reduction <minimumf>, %min3A_2025, %reduce_min3A_2026 [0] : vector<8x256xf32> to vector<256xf32>
    %broadcast_in_dim3A_2028 = vector.shape_cast %reduce_min3A_2027 : vector<256xf32> to vector<1x256xf32>
    %slice3A_2029 = vector.extract_strided_slice %get3A_16 {offsets = [43, 0], sizes = [1, 256], strides = [1, 1]} : vector<64x256xf32> to vector<1x256xf32>
    %add3A_2030 = arith.addf %broadcast_in_dim3A_2028, %slice3A_2029 : vector<1x256xf32>
    %max3A_2031 = arith.constant 0.000000e+00 : f32
    %max3A_2032 = vector.broadcast %max3A_2031 : f32 to vector<1x256xf32>
    %max3A_2033 = arith.maximumf %add3A_2030, %max3A_2032 : vector<1x256xf32>
    %lt3A_2034 = arith.constant 5.000000e-02 : f32
    %lt3A_2035 = vector.broadcast %lt3A_2034 : f32 to vector<1x256xf32>
    %lt3A_2036 = arith.cmpf olt, %max3A_2033, %lt3A_2035 : vector<1x256xf32>
    %jit3A_2037 = arith.constant 0.000000e+00 : f32
    %broadcast_in_dim3A_2038 = vector.broadcast %jit3A_2037 : f32 to vector<1x256xf32>
    %select_n3A_2039 = arith.select %lt3A_2036, %max3A_2033, %broadcast_in_dim3A_2038 : vector<1x256xi1>, vector<1x256xf32>
    %add3A_2040 = arith.addf %add3A_1994, %select_n3A_2039 : vector<1x256xf32>
    %convert_element_type3A_2041 = arith.extui %lt3A_2036 : vector<1x256xi1> to vector<1x256xi32>
    %convert_element_type3A_2042 = arith.sitofp %convert_element_type3A_2041 : vector<1x256xi32> to vector<1x256xf32>
    %add3A_2043 = arith.addf %add3A_1997, %convert_element_type3A_2042 : vector<1x256xf32>
    %slice3A_2044 = vector.extract_strided_slice %get3A_11 {offsets = [0, 11264], sizes = [8, 256], strides = [1, 1]} : vector<8x16384xf32> to vector<8x256xf32>
    %dot_general3A_2045 = arith.constant dense<0.000000e+00> : vector<2048x256xf32>
    %dot_general3A_2046 = tpu.matmul %get3A_6, %slice3A_2044, %dot_general3A_2045 {dimension_numbers = #tpu.dot_dimension_numbers<[1], [0], [0], [1], [0, 0, 1, 1], [], []>, transpose_lhs_hint = false} : vector<2048x8xf32>, vector<8x256xf32>, vector<2048x256xf32> -> vector<2048x256xf32>
    %add3A_2047 = arith.addf %dot_general3A_2046, %get3A_24 : vector<2048x256xf32>
    %slice3A_2048 = vector.extract_strided_slice %add3A_2047 {offsets = [0, 0], sizes = [1024, 256], strides = [1, 1]} : vector<2048x256xf32> to vector<1024x256xf32>
    %slice3A_2049 = vector.extract_strided_slice %add3A_2047 {offsets = [1024, 0], sizes = [1024, 256], strides = [1, 1]} : vector<2048x256xf32> to vector<1024x256xf32>
    %min3A_2050 = arith.minimumf %slice3A_2048, %slice3A_2049 : vector<1024x256xf32>
    %slice3A_2051 = vector.extract_strided_slice %min3A_2050 {offsets = [0, 0], sizes = [512, 256], strides = [1, 1]} : vector<1024x256xf32> to vector<512x256xf32>
    %slice3A_2052 = vector.extract_strided_slice %min3A_2050 {offsets = [512, 0], sizes = [512, 256], strides = [1, 1]} : vector<1024x256xf32> to vector<512x256xf32>
    %min3A_2053 = arith.minimumf %slice3A_2051, %slice3A_2052 : vector<512x256xf32>
    %slice3A_2054 = vector.extract_strided_slice %min3A_2053 {offsets = [0, 0], sizes = [256, 256], strides = [1, 1]} : vector<512x256xf32> to vector<256x256xf32>
    %slice3A_2055 = vector.extract_strided_slice %min3A_2053 {offsets = [256, 0], sizes = [256, 256], strides = [1, 1]} : vector<512x256xf32> to vector<256x256xf32>
    %min3A_2056 = arith.minimumf %slice3A_2054, %slice3A_2055 : vector<256x256xf32>
    %slice3A_2057 = vector.extract_strided_slice %min3A_2056 {offsets = [0, 0], sizes = [128, 256], strides = [1, 1]} : vector<256x256xf32> to vector<128x256xf32>
    %slice3A_2058 = vector.extract_strided_slice %min3A_2056 {offsets = [128, 0], sizes = [128, 256], strides = [1, 1]} : vector<256x256xf32> to vector<128x256xf32>
    %min3A_2059 = arith.minimumf %slice3A_2057, %slice3A_2058 : vector<128x256xf32>
    %slice3A_2060 = vector.extract_strided_slice %min3A_2059 {offsets = [0, 0], sizes = [64, 256], strides = [1, 1]} : vector<128x256xf32> to vector<64x256xf32>
    %slice3A_2061 = vector.extract_strided_slice %min3A_2059 {offsets = [64, 0], sizes = [64, 256], strides = [1, 1]} : vector<128x256xf32> to vector<64x256xf32>
    %min3A_2062 = arith.minimumf %slice3A_2060, %slice3A_2061 : vector<64x256xf32>
    %slice3A_2063 = vector.extract_strided_slice %min3A_2062 {offsets = [0, 0], sizes = [32, 256], strides = [1, 1]} : vector<64x256xf32> to vector<32x256xf32>
    %slice3A_2064 = vector.extract_strided_slice %min3A_2062 {offsets = [32, 0], sizes = [32, 256], strides = [1, 1]} : vector<64x256xf32> to vector<32x256xf32>
    %min3A_2065 = arith.minimumf %slice3A_2063, %slice3A_2064 : vector<32x256xf32>
    %slice3A_2066 = vector.extract_strided_slice %min3A_2065 {offsets = [0, 0], sizes = [16, 256], strides = [1, 1]} : vector<32x256xf32> to vector<16x256xf32>
    %slice3A_2067 = vector.extract_strided_slice %min3A_2065 {offsets = [16, 0], sizes = [16, 256], strides = [1, 1]} : vector<32x256xf32> to vector<16x256xf32>
    %min3A_2068 = arith.minimumf %slice3A_2066, %slice3A_2067 : vector<16x256xf32>
    %slice3A_2069 = vector.extract_strided_slice %min3A_2068 {offsets = [0, 0], sizes = [8, 256], strides = [1, 1]} : vector<16x256xf32> to vector<8x256xf32>
    %slice3A_2070 = vector.extract_strided_slice %min3A_2068 {offsets = [8, 0], sizes = [8, 256], strides = [1, 1]} : vector<16x256xf32> to vector<8x256xf32>
    %min3A_2071 = arith.minimumf %slice3A_2069, %slice3A_2070 : vector<8x256xf32>
    %reduce_min3A_2072 = arith.constant dense<0x7F800000> : vector<256xf32>
    %reduce_min3A_2073 = vector.multi_reduction <minimumf>, %min3A_2071, %reduce_min3A_2072 [0] : vector<8x256xf32> to vector<256xf32>
    %broadcast_in_dim3A_2074 = vector.shape_cast %reduce_min3A_2073 : vector<256xf32> to vector<1x256xf32>
    %slice3A_2075 = vector.extract_strided_slice %get3A_16 {offsets = [44, 0], sizes = [1, 256], strides = [1, 1]} : vector<64x256xf32> to vector<1x256xf32>
    %add3A_2076 = arith.addf %broadcast_in_dim3A_2074, %slice3A_2075 : vector<1x256xf32>
    %max3A_2077 = arith.constant 0.000000e+00 : f32
    %max3A_2078 = vector.broadcast %max3A_2077 : f32 to vector<1x256xf32>
    %max3A_2079 = arith.maximumf %add3A_2076, %max3A_2078 : vector<1x256xf32>
    %lt3A_2080 = arith.constant 5.000000e-02 : f32
    %lt3A_2081 = vector.broadcast %lt3A_2080 : f32 to vector<1x256xf32>
    %lt3A_2082 = arith.cmpf olt, %max3A_2079, %lt3A_2081 : vector<1x256xf32>
    %jit3A_2083 = arith.constant 0.000000e+00 : f32
    %broadcast_in_dim3A_2084 = vector.broadcast %jit3A_2083 : f32 to vector<1x256xf32>
    %select_n3A_2085 = arith.select %lt3A_2082, %max3A_2079, %broadcast_in_dim3A_2084 : vector<1x256xi1>, vector<1x256xf32>
    %add3A_2086 = arith.addf %add3A_2040, %select_n3A_2085 : vector<1x256xf32>
    %convert_element_type3A_2087 = arith.extui %lt3A_2082 : vector<1x256xi1> to vector<1x256xi32>
    %convert_element_type3A_2088 = arith.sitofp %convert_element_type3A_2087 : vector<1x256xi32> to vector<1x256xf32>
    %add3A_2089 = arith.addf %add3A_2043, %convert_element_type3A_2088 : vector<1x256xf32>
    %slice3A_2090 = vector.extract_strided_slice %get3A_11 {offsets = [0, 11520], sizes = [8, 256], strides = [1, 1]} : vector<8x16384xf32> to vector<8x256xf32>
    %dot_general3A_2091 = arith.constant dense<0.000000e+00> : vector<2048x256xf32>
    %dot_general3A_2092 = tpu.matmul %get3A_6, %slice3A_2090, %dot_general3A_2091 {dimension_numbers = #tpu.dot_dimension_numbers<[1], [0], [0], [1], [0, 0, 1, 1], [], []>, transpose_lhs_hint = false} : vector<2048x8xf32>, vector<8x256xf32>, vector<2048x256xf32> -> vector<2048x256xf32>
    %add3A_2093 = arith.addf %dot_general3A_2092, %get3A_24 : vector<2048x256xf32>
    %slice3A_2094 = vector.extract_strided_slice %add3A_2093 {offsets = [0, 0], sizes = [1024, 256], strides = [1, 1]} : vector<2048x256xf32> to vector<1024x256xf32>
    %slice3A_2095 = vector.extract_strided_slice %add3A_2093 {offsets = [1024, 0], sizes = [1024, 256], strides = [1, 1]} : vector<2048x256xf32> to vector<1024x256xf32>
    %min3A_2096 = arith.minimumf %slice3A_2094, %slice3A_2095 : vector<1024x256xf32>
    %slice3A_2097 = vector.extract_strided_slice %min3A_2096 {offsets = [0, 0], sizes = [512, 256], strides = [1, 1]} : vector<1024x256xf32> to vector<512x256xf32>
    %slice3A_2098 = vector.extract_strided_slice %min3A_2096 {offsets = [512, 0], sizes = [512, 256], strides = [1, 1]} : vector<1024x256xf32> to vector<512x256xf32>
    %min3A_2099 = arith.minimumf %slice3A_2097, %slice3A_2098 : vector<512x256xf32>
    %slice3A_2100 = vector.extract_strided_slice %min3A_2099 {offsets = [0, 0], sizes = [256, 256], strides = [1, 1]} : vector<512x256xf32> to vector<256x256xf32>
    %slice3A_2101 = vector.extract_strided_slice %min3A_2099 {offsets = [256, 0], sizes = [256, 256], strides = [1, 1]} : vector<512x256xf32> to vector<256x256xf32>
    %min3A_2102 = arith.minimumf %slice3A_2100, %slice3A_2101 : vector<256x256xf32>
    %slice3A_2103 = vector.extract_strided_slice %min3A_2102 {offsets = [0, 0], sizes = [128, 256], strides = [1, 1]} : vector<256x256xf32> to vector<128x256xf32>
    %slice3A_2104 = vector.extract_strided_slice %min3A_2102 {offsets = [128, 0], sizes = [128, 256], strides = [1, 1]} : vector<256x256xf32> to vector<128x256xf32>
    %min3A_2105 = arith.minimumf %slice3A_2103, %slice3A_2104 : vector<128x256xf32>
    %slice3A_2106 = vector.extract_strided_slice %min3A_2105 {offsets = [0, 0], sizes = [64, 256], strides = [1, 1]} : vector<128x256xf32> to vector<64x256xf32>
    %slice3A_2107 = vector.extract_strided_slice %min3A_2105 {offsets = [64, 0], sizes = [64, 256], strides = [1, 1]} : vector<128x256xf32> to vector<64x256xf32>
    %min3A_2108 = arith.minimumf %slice3A_2106, %slice3A_2107 : vector<64x256xf32>
    %slice3A_2109 = vector.extract_strided_slice %min3A_2108 {offsets = [0, 0], sizes = [32, 256], strides = [1, 1]} : vector<64x256xf32> to vector<32x256xf32>
    %slice3A_2110 = vector.extract_strided_slice %min3A_2108 {offsets = [32, 0], sizes = [32, 256], strides = [1, 1]} : vector<64x256xf32> to vector<32x256xf32>
    %min3A_2111 = arith.minimumf %slice3A_2109, %slice3A_2110 : vector<32x256xf32>
    %slice3A_2112 = vector.extract_strided_slice %min3A_2111 {offsets = [0, 0], sizes = [16, 256], strides = [1, 1]} : vector<32x256xf32> to vector<16x256xf32>
    %slice3A_2113 = vector.extract_strided_slice %min3A_2111 {offsets = [16, 0], sizes = [16, 256], strides = [1, 1]} : vector<32x256xf32> to vector<16x256xf32>
    %min3A_2114 = arith.minimumf %slice3A_2112, %slice3A_2113 : vector<16x256xf32>
    %slice3A_2115 = vector.extract_strided_slice %min3A_2114 {offsets = [0, 0], sizes = [8, 256], strides = [1, 1]} : vector<16x256xf32> to vector<8x256xf32>
    %slice3A_2116 = vector.extract_strided_slice %min3A_2114 {offsets = [8, 0], sizes = [8, 256], strides = [1, 1]} : vector<16x256xf32> to vector<8x256xf32>
    %min3A_2117 = arith.minimumf %slice3A_2115, %slice3A_2116 : vector<8x256xf32>
    %reduce_min3A_2118 = arith.constant dense<0x7F800000> : vector<256xf32>
    %reduce_min3A_2119 = vector.multi_reduction <minimumf>, %min3A_2117, %reduce_min3A_2118 [0] : vector<8x256xf32> to vector<256xf32>
    %broadcast_in_dim3A_2120 = vector.shape_cast %reduce_min3A_2119 : vector<256xf32> to vector<1x256xf32>
    %slice3A_2121 = vector.extract_strided_slice %get3A_16 {offsets = [45, 0], sizes = [1, 256], strides = [1, 1]} : vector<64x256xf32> to vector<1x256xf32>
    %add3A_2122 = arith.addf %broadcast_in_dim3A_2120, %slice3A_2121 : vector<1x256xf32>
    %max3A_2123 = arith.constant 0.000000e+00 : f32
    %max3A_2124 = vector.broadcast %max3A_2123 : f32 to vector<1x256xf32>
    %max3A_2125 = arith.maximumf %add3A_2122, %max3A_2124 : vector<1x256xf32>
    %lt3A_2126 = arith.constant 5.000000e-02 : f32
    %lt3A_2127 = vector.broadcast %lt3A_2126 : f32 to vector<1x256xf32>
    %lt3A_2128 = arith.cmpf olt, %max3A_2125, %lt3A_2127 : vector<1x256xf32>
    %jit3A_2129 = arith.constant 0.000000e+00 : f32
    %broadcast_in_dim3A_2130 = vector.broadcast %jit3A_2129 : f32 to vector<1x256xf32>
    %select_n3A_2131 = arith.select %lt3A_2128, %max3A_2125, %broadcast_in_dim3A_2130 : vector<1x256xi1>, vector<1x256xf32>
    %add3A_2132 = arith.addf %add3A_2086, %select_n3A_2131 : vector<1x256xf32>
    %convert_element_type3A_2133 = arith.extui %lt3A_2128 : vector<1x256xi1> to vector<1x256xi32>
    %convert_element_type3A_2134 = arith.sitofp %convert_element_type3A_2133 : vector<1x256xi32> to vector<1x256xf32>
    %add3A_2135 = arith.addf %add3A_2089, %convert_element_type3A_2134 : vector<1x256xf32>
    %slice3A_2136 = vector.extract_strided_slice %get3A_11 {offsets = [0, 11776], sizes = [8, 256], strides = [1, 1]} : vector<8x16384xf32> to vector<8x256xf32>
    %dot_general3A_2137 = arith.constant dense<0.000000e+00> : vector<2048x256xf32>
    %dot_general3A_2138 = tpu.matmul %get3A_6, %slice3A_2136, %dot_general3A_2137 {dimension_numbers = #tpu.dot_dimension_numbers<[1], [0], [0], [1], [0, 0, 1, 1], [], []>, transpose_lhs_hint = false} : vector<2048x8xf32>, vector<8x256xf32>, vector<2048x256xf32> -> vector<2048x256xf32>
    %add3A_2139 = arith.addf %dot_general3A_2138, %get3A_24 : vector<2048x256xf32>
    %slice3A_2140 = vector.extract_strided_slice %add3A_2139 {offsets = [0, 0], sizes = [1024, 256], strides = [1, 1]} : vector<2048x256xf32> to vector<1024x256xf32>
    %slice3A_2141 = vector.extract_strided_slice %add3A_2139 {offsets = [1024, 0], sizes = [1024, 256], strides = [1, 1]} : vector<2048x256xf32> to vector<1024x256xf32>
    %min3A_2142 = arith.minimumf %slice3A_2140, %slice3A_2141 : vector<1024x256xf32>
    %slice3A_2143 = vector.extract_strided_slice %min3A_2142 {offsets = [0, 0], sizes = [512, 256], strides = [1, 1]} : vector<1024x256xf32> to vector<512x256xf32>
    %slice3A_2144 = vector.extract_strided_slice %min3A_2142 {offsets = [512, 0], sizes = [512, 256], strides = [1, 1]} : vector<1024x256xf32> to vector<512x256xf32>
    %min3A_2145 = arith.minimumf %slice3A_2143, %slice3A_2144 : vector<512x256xf32>
    %slice3A_2146 = vector.extract_strided_slice %min3A_2145 {offsets = [0, 0], sizes = [256, 256], strides = [1, 1]} : vector<512x256xf32> to vector<256x256xf32>
    %slice3A_2147 = vector.extract_strided_slice %min3A_2145 {offsets = [256, 0], sizes = [256, 256], strides = [1, 1]} : vector<512x256xf32> to vector<256x256xf32>
    %min3A_2148 = arith.minimumf %slice3A_2146, %slice3A_2147 : vector<256x256xf32>
    %slice3A_2149 = vector.extract_strided_slice %min3A_2148 {offsets = [0, 0], sizes = [128, 256], strides = [1, 1]} : vector<256x256xf32> to vector<128x256xf32>
    %slice3A_2150 = vector.extract_strided_slice %min3A_2148 {offsets = [128, 0], sizes = [128, 256], strides = [1, 1]} : vector<256x256xf32> to vector<128x256xf32>
    %min3A_2151 = arith.minimumf %slice3A_2149, %slice3A_2150 : vector<128x256xf32>
    %slice3A_2152 = vector.extract_strided_slice %min3A_2151 {offsets = [0, 0], sizes = [64, 256], strides = [1, 1]} : vector<128x256xf32> to vector<64x256xf32>
    %slice3A_2153 = vector.extract_strided_slice %min3A_2151 {offsets = [64, 0], sizes = [64, 256], strides = [1, 1]} : vector<128x256xf32> to vector<64x256xf32>
    %min3A_2154 = arith.minimumf %slice3A_2152, %slice3A_2153 : vector<64x256xf32>
    %slice3A_2155 = vector.extract_strided_slice %min3A_2154 {offsets = [0, 0], sizes = [32, 256], strides = [1, 1]} : vector<64x256xf32> to vector<32x256xf32>
    %slice3A_2156 = vector.extract_strided_slice %min3A_2154 {offsets = [32, 0], sizes = [32, 256], strides = [1, 1]} : vector<64x256xf32> to vector<32x256xf32>
    %min3A_2157 = arith.minimumf %slice3A_2155, %slice3A_2156 : vector<32x256xf32>
    %slice3A_2158 = vector.extract_strided_slice %min3A_2157 {offsets = [0, 0], sizes = [16, 256], strides = [1, 1]} : vector<32x256xf32> to vector<16x256xf32>
    %slice3A_2159 = vector.extract_strided_slice %min3A_2157 {offsets = [16, 0], sizes = [16, 256], strides = [1, 1]} : vector<32x256xf32> to vector<16x256xf32>
    %min3A_2160 = arith.minimumf %slice3A_2158, %slice3A_2159 : vector<16x256xf32>
    %slice3A_2161 = vector.extract_strided_slice %min3A_2160 {offsets = [0, 0], sizes = [8, 256], strides = [1, 1]} : vector<16x256xf32> to vector<8x256xf32>
    %slice3A_2162 = vector.extract_strided_slice %min3A_2160 {offsets = [8, 0], sizes = [8, 256], strides = [1, 1]} : vector<16x256xf32> to vector<8x256xf32>
    %min3A_2163 = arith.minimumf %slice3A_2161, %slice3A_2162 : vector<8x256xf32>
    %reduce_min3A_2164 = arith.constant dense<0x7F800000> : vector<256xf32>
    %reduce_min3A_2165 = vector.multi_reduction <minimumf>, %min3A_2163, %reduce_min3A_2164 [0] : vector<8x256xf32> to vector<256xf32>
    %broadcast_in_dim3A_2166 = vector.shape_cast %reduce_min3A_2165 : vector<256xf32> to vector<1x256xf32>
    %slice3A_2167 = vector.extract_strided_slice %get3A_16 {offsets = [46, 0], sizes = [1, 256], strides = [1, 1]} : vector<64x256xf32> to vector<1x256xf32>
    %add3A_2168 = arith.addf %broadcast_in_dim3A_2166, %slice3A_2167 : vector<1x256xf32>
    %max3A_2169 = arith.constant 0.000000e+00 : f32
    %max3A_2170 = vector.broadcast %max3A_2169 : f32 to vector<1x256xf32>
    %max3A_2171 = arith.maximumf %add3A_2168, %max3A_2170 : vector<1x256xf32>
    %lt3A_2172 = arith.constant 5.000000e-02 : f32
    %lt3A_2173 = vector.broadcast %lt3A_2172 : f32 to vector<1x256xf32>
    %lt3A_2174 = arith.cmpf olt, %max3A_2171, %lt3A_2173 : vector<1x256xf32>
    %jit3A_2175 = arith.constant 0.000000e+00 : f32
    %broadcast_in_dim3A_2176 = vector.broadcast %jit3A_2175 : f32 to vector<1x256xf32>
    %select_n3A_2177 = arith.select %lt3A_2174, %max3A_2171, %broadcast_in_dim3A_2176 : vector<1x256xi1>, vector<1x256xf32>
    %add3A_2178 = arith.addf %add3A_2132, %select_n3A_2177 : vector<1x256xf32>
    %convert_element_type3A_2179 = arith.extui %lt3A_2174 : vector<1x256xi1> to vector<1x256xi32>
    %convert_element_type3A_2180 = arith.sitofp %convert_element_type3A_2179 : vector<1x256xi32> to vector<1x256xf32>
    %add3A_2181 = arith.addf %add3A_2135, %convert_element_type3A_2180 : vector<1x256xf32>
    %slice3A_2182 = vector.extract_strided_slice %get3A_11 {offsets = [0, 12032], sizes = [8, 256], strides = [1, 1]} : vector<8x16384xf32> to vector<8x256xf32>
    %dot_general3A_2183 = arith.constant dense<0.000000e+00> : vector<2048x256xf32>
    %dot_general3A_2184 = tpu.matmul %get3A_6, %slice3A_2182, %dot_general3A_2183 {dimension_numbers = #tpu.dot_dimension_numbers<[1], [0], [0], [1], [0, 0, 1, 1], [], []>, transpose_lhs_hint = false} : vector<2048x8xf32>, vector<8x256xf32>, vector<2048x256xf32> -> vector<2048x256xf32>
    %add3A_2185 = arith.addf %dot_general3A_2184, %get3A_24 : vector<2048x256xf32>
    %slice3A_2186 = vector.extract_strided_slice %add3A_2185 {offsets = [0, 0], sizes = [1024, 256], strides = [1, 1]} : vector<2048x256xf32> to vector<1024x256xf32>
    %slice3A_2187 = vector.extract_strided_slice %add3A_2185 {offsets = [1024, 0], sizes = [1024, 256], strides = [1, 1]} : vector<2048x256xf32> to vector<1024x256xf32>
    %min3A_2188 = arith.minimumf %slice3A_2186, %slice3A_2187 : vector<1024x256xf32>
    %slice3A_2189 = vector.extract_strided_slice %min3A_2188 {offsets = [0, 0], sizes = [512, 256], strides = [1, 1]} : vector<1024x256xf32> to vector<512x256xf32>
    %slice3A_2190 = vector.extract_strided_slice %min3A_2188 {offsets = [512, 0], sizes = [512, 256], strides = [1, 1]} : vector<1024x256xf32> to vector<512x256xf32>
    %min3A_2191 = arith.minimumf %slice3A_2189, %slice3A_2190 : vector<512x256xf32>
    %slice3A_2192 = vector.extract_strided_slice %min3A_2191 {offsets = [0, 0], sizes = [256, 256], strides = [1, 1]} : vector<512x256xf32> to vector<256x256xf32>
    %slice3A_2193 = vector.extract_strided_slice %min3A_2191 {offsets = [256, 0], sizes = [256, 256], strides = [1, 1]} : vector<512x256xf32> to vector<256x256xf32>
    %min3A_2194 = arith.minimumf %slice3A_2192, %slice3A_2193 : vector<256x256xf32>
    %slice3A_2195 = vector.extract_strided_slice %min3A_2194 {offsets = [0, 0], sizes = [128, 256], strides = [1, 1]} : vector<256x256xf32> to vector<128x256xf32>
    %slice3A_2196 = vector.extract_strided_slice %min3A_2194 {offsets = [128, 0], sizes = [128, 256], strides = [1, 1]} : vector<256x256xf32> to vector<128x256xf32>
    %min3A_2197 = arith.minimumf %slice3A_2195, %slice3A_2196 : vector<128x256xf32>
    %slice3A_2198 = vector.extract_strided_slice %min3A_2197 {offsets = [0, 0], sizes = [64, 256], strides = [1, 1]} : vector<128x256xf32> to vector<64x256xf32>
    %slice3A_2199 = vector.extract_strided_slice %min3A_2197 {offsets = [64, 0], sizes = [64, 256], strides = [1, 1]} : vector<128x256xf32> to vector<64x256xf32>
    %min3A_2200 = arith.minimumf %slice3A_2198, %slice3A_2199 : vector<64x256xf32>
    %slice3A_2201 = vector.extract_strided_slice %min3A_2200 {offsets = [0, 0], sizes = [32, 256], strides = [1, 1]} : vector<64x256xf32> to vector<32x256xf32>
    %slice3A_2202 = vector.extract_strided_slice %min3A_2200 {offsets = [32, 0], sizes = [32, 256], strides = [1, 1]} : vector<64x256xf32> to vector<32x256xf32>
    %min3A_2203 = arith.minimumf %slice3A_2201, %slice3A_2202 : vector<32x256xf32>
    %slice3A_2204 = vector.extract_strided_slice %min3A_2203 {offsets = [0, 0], sizes = [16, 256], strides = [1, 1]} : vector<32x256xf32> to vector<16x256xf32>
    %slice3A_2205 = vector.extract_strided_slice %min3A_2203 {offsets = [16, 0], sizes = [16, 256], strides = [1, 1]} : vector<32x256xf32> to vector<16x256xf32>
    %min3A_2206 = arith.minimumf %slice3A_2204, %slice3A_2205 : vector<16x256xf32>
    %slice3A_2207 = vector.extract_strided_slice %min3A_2206 {offsets = [0, 0], sizes = [8, 256], strides = [1, 1]} : vector<16x256xf32> to vector<8x256xf32>
    %slice3A_2208 = vector.extract_strided_slice %min3A_2206 {offsets = [8, 0], sizes = [8, 256], strides = [1, 1]} : vector<16x256xf32> to vector<8x256xf32>
    %min3A_2209 = arith.minimumf %slice3A_2207, %slice3A_2208 : vector<8x256xf32>
    %reduce_min3A_2210 = arith.constant dense<0x7F800000> : vector<256xf32>
    %reduce_min3A_2211 = vector.multi_reduction <minimumf>, %min3A_2209, %reduce_min3A_2210 [0] : vector<8x256xf32> to vector<256xf32>
    %broadcast_in_dim3A_2212 = vector.shape_cast %reduce_min3A_2211 : vector<256xf32> to vector<1x256xf32>
    %slice3A_2213 = vector.extract_strided_slice %get3A_16 {offsets = [47, 0], sizes = [1, 256], strides = [1, 1]} : vector<64x256xf32> to vector<1x256xf32>
    %add3A_2214 = arith.addf %broadcast_in_dim3A_2212, %slice3A_2213 : vector<1x256xf32>
    %max3A_2215 = arith.constant 0.000000e+00 : f32
    %max3A_2216 = vector.broadcast %max3A_2215 : f32 to vector<1x256xf32>
    %max3A_2217 = arith.maximumf %add3A_2214, %max3A_2216 : vector<1x256xf32>
    %lt3A_2218 = arith.constant 5.000000e-02 : f32
    %lt3A_2219 = vector.broadcast %lt3A_2218 : f32 to vector<1x256xf32>
    %lt3A_2220 = arith.cmpf olt, %max3A_2217, %lt3A_2219 : vector<1x256xf32>
    %jit3A_2221 = arith.constant 0.000000e+00 : f32
    %broadcast_in_dim3A_2222 = vector.broadcast %jit3A_2221 : f32 to vector<1x256xf32>
    %select_n3A_2223 = arith.select %lt3A_2220, %max3A_2217, %broadcast_in_dim3A_2222 : vector<1x256xi1>, vector<1x256xf32>
    %add3A_2224 = arith.addf %add3A_2178, %select_n3A_2223 : vector<1x256xf32>
    %convert_element_type3A_2225 = arith.extui %lt3A_2220 : vector<1x256xi1> to vector<1x256xi32>
    %convert_element_type3A_2226 = arith.sitofp %convert_element_type3A_2225 : vector<1x256xi32> to vector<1x256xf32>
    %add3A_2227 = arith.addf %add3A_2181, %convert_element_type3A_2226 : vector<1x256xf32>
    %slice3A_2228 = vector.extract_strided_slice %get3A_11 {offsets = [0, 12288], sizes = [8, 256], strides = [1, 1]} : vector<8x16384xf32> to vector<8x256xf32>
    %dot_general3A_2229 = arith.constant dense<0.000000e+00> : vector<2048x256xf32>
    %dot_general3A_2230 = tpu.matmul %get3A_6, %slice3A_2228, %dot_general3A_2229 {dimension_numbers = #tpu.dot_dimension_numbers<[1], [0], [0], [1], [0, 0, 1, 1], [], []>, transpose_lhs_hint = false} : vector<2048x8xf32>, vector<8x256xf32>, vector<2048x256xf32> -> vector<2048x256xf32>
    %add3A_2231 = arith.addf %dot_general3A_2230, %get3A_24 : vector<2048x256xf32>
    %slice3A_2232 = vector.extract_strided_slice %add3A_2231 {offsets = [0, 0], sizes = [1024, 256], strides = [1, 1]} : vector<2048x256xf32> to vector<1024x256xf32>
    %slice3A_2233 = vector.extract_strided_slice %add3A_2231 {offsets = [1024, 0], sizes = [1024, 256], strides = [1, 1]} : vector<2048x256xf32> to vector<1024x256xf32>
    %min3A_2234 = arith.minimumf %slice3A_2232, %slice3A_2233 : vector<1024x256xf32>
    %slice3A_2235 = vector.extract_strided_slice %min3A_2234 {offsets = [0, 0], sizes = [512, 256], strides = [1, 1]} : vector<1024x256xf32> to vector<512x256xf32>
    %slice3A_2236 = vector.extract_strided_slice %min3A_2234 {offsets = [512, 0], sizes = [512, 256], strides = [1, 1]} : vector<1024x256xf32> to vector<512x256xf32>
    %min3A_2237 = arith.minimumf %slice3A_2235, %slice3A_2236 : vector<512x256xf32>
    %slice3A_2238 = vector.extract_strided_slice %min3A_2237 {offsets = [0, 0], sizes = [256, 256], strides = [1, 1]} : vector<512x256xf32> to vector<256x256xf32>
    %slice3A_2239 = vector.extract_strided_slice %min3A_2237 {offsets = [256, 0], sizes = [256, 256], strides = [1, 1]} : vector<512x256xf32> to vector<256x256xf32>
    %min3A_2240 = arith.minimumf %slice3A_2238, %slice3A_2239 : vector<256x256xf32>
    %slice3A_2241 = vector.extract_strided_slice %min3A_2240 {offsets = [0, 0], sizes = [128, 256], strides = [1, 1]} : vector<256x256xf32> to vector<128x256xf32>
    %slice3A_2242 = vector.extract_strided_slice %min3A_2240 {offsets = [128, 0], sizes = [128, 256], strides = [1, 1]} : vector<256x256xf32> to vector<128x256xf32>
    %min3A_2243 = arith.minimumf %slice3A_2241, %slice3A_2242 : vector<128x256xf32>
    %slice3A_2244 = vector.extract_strided_slice %min3A_2243 {offsets = [0, 0], sizes = [64, 256], strides = [1, 1]} : vector<128x256xf32> to vector<64x256xf32>
    %slice3A_2245 = vector.extract_strided_slice %min3A_2243 {offsets = [64, 0], sizes = [64, 256], strides = [1, 1]} : vector<128x256xf32> to vector<64x256xf32>
    %min3A_2246 = arith.minimumf %slice3A_2244, %slice3A_2245 : vector<64x256xf32>
    %slice3A_2247 = vector.extract_strided_slice %min3A_2246 {offsets = [0, 0], sizes = [32, 256], strides = [1, 1]} : vector<64x256xf32> to vector<32x256xf32>
    %slice3A_2248 = vector.extract_strided_slice %min3A_2246 {offsets = [32, 0], sizes = [32, 256], strides = [1, 1]} : vector<64x256xf32> to vector<32x256xf32>
    %min3A_2249 = arith.minimumf %slice3A_2247, %slice3A_2248 : vector<32x256xf32>
    %slice3A_2250 = vector.extract_strided_slice %min3A_2249 {offsets = [0, 0], sizes = [16, 256], strides = [1, 1]} : vector<32x256xf32> to vector<16x256xf32>
    %slice3A_2251 = vector.extract_strided_slice %min3A_2249 {offsets = [16, 0], sizes = [16, 256], strides = [1, 1]} : vector<32x256xf32> to vector<16x256xf32>
    %min3A_2252 = arith.minimumf %slice3A_2250, %slice3A_2251 : vector<16x256xf32>
    %slice3A_2253 = vector.extract_strided_slice %min3A_2252 {offsets = [0, 0], sizes = [8, 256], strides = [1, 1]} : vector<16x256xf32> to vector<8x256xf32>
    %slice3A_2254 = vector.extract_strided_slice %min3A_2252 {offsets = [8, 0], sizes = [8, 256], strides = [1, 1]} : vector<16x256xf32> to vector<8x256xf32>
    %min3A_2255 = arith.minimumf %slice3A_2253, %slice3A_2254 : vector<8x256xf32>
    %reduce_min3A_2256 = arith.constant dense<0x7F800000> : vector<256xf32>
    %reduce_min3A_2257 = vector.multi_reduction <minimumf>, %min3A_2255, %reduce_min3A_2256 [0] : vector<8x256xf32> to vector<256xf32>
    %broadcast_in_dim3A_2258 = vector.shape_cast %reduce_min3A_2257 : vector<256xf32> to vector<1x256xf32>
    %slice3A_2259 = vector.extract_strided_slice %get3A_16 {offsets = [48, 0], sizes = [1, 256], strides = [1, 1]} : vector<64x256xf32> to vector<1x256xf32>
    %add3A_2260 = arith.addf %broadcast_in_dim3A_2258, %slice3A_2259 : vector<1x256xf32>
    %max3A_2261 = arith.constant 0.000000e+00 : f32
    %max3A_2262 = vector.broadcast %max3A_2261 : f32 to vector<1x256xf32>
    %max3A_2263 = arith.maximumf %add3A_2260, %max3A_2262 : vector<1x256xf32>
    %lt3A_2264 = arith.constant 5.000000e-02 : f32
    %lt3A_2265 = vector.broadcast %lt3A_2264 : f32 to vector<1x256xf32>
    %lt3A_2266 = arith.cmpf olt, %max3A_2263, %lt3A_2265 : vector<1x256xf32>
    %jit3A_2267 = arith.constant 0.000000e+00 : f32
    %broadcast_in_dim3A_2268 = vector.broadcast %jit3A_2267 : f32 to vector<1x256xf32>
    %select_n3A_2269 = arith.select %lt3A_2266, %max3A_2263, %broadcast_in_dim3A_2268 : vector<1x256xi1>, vector<1x256xf32>
    %add3A_2270 = arith.addf %add3A_2224, %select_n3A_2269 : vector<1x256xf32>
    %convert_element_type3A_2271 = arith.extui %lt3A_2266 : vector<1x256xi1> to vector<1x256xi32>
    %convert_element_type3A_2272 = arith.sitofp %convert_element_type3A_2271 : vector<1x256xi32> to vector<1x256xf32>
    %add3A_2273 = arith.addf %add3A_2227, %convert_element_type3A_2272 : vector<1x256xf32>
    %slice3A_2274 = vector.extract_strided_slice %get3A_11 {offsets = [0, 12544], sizes = [8, 256], strides = [1, 1]} : vector<8x16384xf32> to vector<8x256xf32>
    %dot_general3A_2275 = arith.constant dense<0.000000e+00> : vector<2048x256xf32>
    %dot_general3A_2276 = tpu.matmul %get3A_6, %slice3A_2274, %dot_general3A_2275 {dimension_numbers = #tpu.dot_dimension_numbers<[1], [0], [0], [1], [0, 0, 1, 1], [], []>, transpose_lhs_hint = false} : vector<2048x8xf32>, vector<8x256xf32>, vector<2048x256xf32> -> vector<2048x256xf32>
    %add3A_2277 = arith.addf %dot_general3A_2276, %get3A_24 : vector<2048x256xf32>
    %slice3A_2278 = vector.extract_strided_slice %add3A_2277 {offsets = [0, 0], sizes = [1024, 256], strides = [1, 1]} : vector<2048x256xf32> to vector<1024x256xf32>
    %slice3A_2279 = vector.extract_strided_slice %add3A_2277 {offsets = [1024, 0], sizes = [1024, 256], strides = [1, 1]} : vector<2048x256xf32> to vector<1024x256xf32>
    %min3A_2280 = arith.minimumf %slice3A_2278, %slice3A_2279 : vector<1024x256xf32>
    %slice3A_2281 = vector.extract_strided_slice %min3A_2280 {offsets = [0, 0], sizes = [512, 256], strides = [1, 1]} : vector<1024x256xf32> to vector<512x256xf32>
    %slice3A_2282 = vector.extract_strided_slice %min3A_2280 {offsets = [512, 0], sizes = [512, 256], strides = [1, 1]} : vector<1024x256xf32> to vector<512x256xf32>
    %min3A_2283 = arith.minimumf %slice3A_2281, %slice3A_2282 : vector<512x256xf32>
    %slice3A_2284 = vector.extract_strided_slice %min3A_2283 {offsets = [0, 0], sizes = [256, 256], strides = [1, 1]} : vector<512x256xf32> to vector<256x256xf32>
    %slice3A_2285 = vector.extract_strided_slice %min3A_2283 {offsets = [256, 0], sizes = [256, 256], strides = [1, 1]} : vector<512x256xf32> to vector<256x256xf32>
    %min3A_2286 = arith.minimumf %slice3A_2284, %slice3A_2285 : vector<256x256xf32>
    %slice3A_2287 = vector.extract_strided_slice %min3A_2286 {offsets = [0, 0], sizes = [128, 256], strides = [1, 1]} : vector<256x256xf32> to vector<128x256xf32>
    %slice3A_2288 = vector.extract_strided_slice %min3A_2286 {offsets = [128, 0], sizes = [128, 256], strides = [1, 1]} : vector<256x256xf32> to vector<128x256xf32>
    %min3A_2289 = arith.minimumf %slice3A_2287, %slice3A_2288 : vector<128x256xf32>
    %slice3A_2290 = vector.extract_strided_slice %min3A_2289 {offsets = [0, 0], sizes = [64, 256], strides = [1, 1]} : vector<128x256xf32> to vector<64x256xf32>
    %slice3A_2291 = vector.extract_strided_slice %min3A_2289 {offsets = [64, 0], sizes = [64, 256], strides = [1, 1]} : vector<128x256xf32> to vector<64x256xf32>
    %min3A_2292 = arith.minimumf %slice3A_2290, %slice3A_2291 : vector<64x256xf32>
    %slice3A_2293 = vector.extract_strided_slice %min3A_2292 {offsets = [0, 0], sizes = [32, 256], strides = [1, 1]} : vector<64x256xf32> to vector<32x256xf32>
    %slice3A_2294 = vector.extract_strided_slice %min3A_2292 {offsets = [32, 0], sizes = [32, 256], strides = [1, 1]} : vector<64x256xf32> to vector<32x256xf32>
    %min3A_2295 = arith.minimumf %slice3A_2293, %slice3A_2294 : vector<32x256xf32>
    %slice3A_2296 = vector.extract_strided_slice %min3A_2295 {offsets = [0, 0], sizes = [16, 256], strides = [1, 1]} : vector<32x256xf32> to vector<16x256xf32>
    %slice3A_2297 = vector.extract_strided_slice %min3A_2295 {offsets = [16, 0], sizes = [16, 256], strides = [1, 1]} : vector<32x256xf32> to vector<16x256xf32>
    %min3A_2298 = arith.minimumf %slice3A_2296, %slice3A_2297 : vector<16x256xf32>
    %slice3A_2299 = vector.extract_strided_slice %min3A_2298 {offsets = [0, 0], sizes = [8, 256], strides = [1, 1]} : vector<16x256xf32> to vector<8x256xf32>
    %slice3A_2300 = vector.extract_strided_slice %min3A_2298 {offsets = [8, 0], sizes = [8, 256], strides = [1, 1]} : vector<16x256xf32> to vector<8x256xf32>
    %min3A_2301 = arith.minimumf %slice3A_2299, %slice3A_2300 : vector<8x256xf32>
    %reduce_min3A_2302 = arith.constant dense<0x7F800000> : vector<256xf32>
    %reduce_min3A_2303 = vector.multi_reduction <minimumf>, %min3A_2301, %reduce_min3A_2302 [0] : vector<8x256xf32> to vector<256xf32>
    %broadcast_in_dim3A_2304 = vector.shape_cast %reduce_min3A_2303 : vector<256xf32> to vector<1x256xf32>
    %slice3A_2305 = vector.extract_strided_slice %get3A_16 {offsets = [49, 0], sizes = [1, 256], strides = [1, 1]} : vector<64x256xf32> to vector<1x256xf32>
    %add3A_2306 = arith.addf %broadcast_in_dim3A_2304, %slice3A_2305 : vector<1x256xf32>
    %max3A_2307 = arith.constant 0.000000e+00 : f32
    %max3A_2308 = vector.broadcast %max3A_2307 : f32 to vector<1x256xf32>
    %max3A_2309 = arith.maximumf %add3A_2306, %max3A_2308 : vector<1x256xf32>
    %lt3A_2310 = arith.constant 5.000000e-02 : f32
    %lt3A_2311 = vector.broadcast %lt3A_2310 : f32 to vector<1x256xf32>
    %lt3A_2312 = arith.cmpf olt, %max3A_2309, %lt3A_2311 : vector<1x256xf32>
    %jit3A_2313 = arith.constant 0.000000e+00 : f32
    %broadcast_in_dim3A_2314 = vector.broadcast %jit3A_2313 : f32 to vector<1x256xf32>
    %select_n3A_2315 = arith.select %lt3A_2312, %max3A_2309, %broadcast_in_dim3A_2314 : vector<1x256xi1>, vector<1x256xf32>
    %add3A_2316 = arith.addf %add3A_2270, %select_n3A_2315 : vector<1x256xf32>
    %convert_element_type3A_2317 = arith.extui %lt3A_2312 : vector<1x256xi1> to vector<1x256xi32>
    %convert_element_type3A_2318 = arith.sitofp %convert_element_type3A_2317 : vector<1x256xi32> to vector<1x256xf32>
    %add3A_2319 = arith.addf %add3A_2273, %convert_element_type3A_2318 : vector<1x256xf32>
    %slice3A_2320 = vector.extract_strided_slice %get3A_11 {offsets = [0, 12800], sizes = [8, 256], strides = [1, 1]} : vector<8x16384xf32> to vector<8x256xf32>
    %dot_general3A_2321 = arith.constant dense<0.000000e+00> : vector<2048x256xf32>
    %dot_general3A_2322 = tpu.matmul %get3A_6, %slice3A_2320, %dot_general3A_2321 {dimension_numbers = #tpu.dot_dimension_numbers<[1], [0], [0], [1], [0, 0, 1, 1], [], []>, transpose_lhs_hint = false} : vector<2048x8xf32>, vector<8x256xf32>, vector<2048x256xf32> -> vector<2048x256xf32>
    %add3A_2323 = arith.addf %dot_general3A_2322, %get3A_24 : vector<2048x256xf32>
    %slice3A_2324 = vector.extract_strided_slice %add3A_2323 {offsets = [0, 0], sizes = [1024, 256], strides = [1, 1]} : vector<2048x256xf32> to vector<1024x256xf32>
    %slice3A_2325 = vector.extract_strided_slice %add3A_2323 {offsets = [1024, 0], sizes = [1024, 256], strides = [1, 1]} : vector<2048x256xf32> to vector<1024x256xf32>
    %min3A_2326 = arith.minimumf %slice3A_2324, %slice3A_2325 : vector<1024x256xf32>
    %slice3A_2327 = vector.extract_strided_slice %min3A_2326 {offsets = [0, 0], sizes = [512, 256], strides = [1, 1]} : vector<1024x256xf32> to vector<512x256xf32>
    %slice3A_2328 = vector.extract_strided_slice %min3A_2326 {offsets = [512, 0], sizes = [512, 256], strides = [1, 1]} : vector<1024x256xf32> to vector<512x256xf32>
    %min3A_2329 = arith.minimumf %slice3A_2327, %slice3A_2328 : vector<512x256xf32>
    %slice3A_2330 = vector.extract_strided_slice %min3A_2329 {offsets = [0, 0], sizes = [256, 256], strides = [1, 1]} : vector<512x256xf32> to vector<256x256xf32>
    %slice3A_2331 = vector.extract_strided_slice %min3A_2329 {offsets = [256, 0], sizes = [256, 256], strides = [1, 1]} : vector<512x256xf32> to vector<256x256xf32>
    %min3A_2332 = arith.minimumf %slice3A_2330, %slice3A_2331 : vector<256x256xf32>
    %slice3A_2333 = vector.extract_strided_slice %min3A_2332 {offsets = [0, 0], sizes = [128, 256], strides = [1, 1]} : vector<256x256xf32> to vector<128x256xf32>
    %slice3A_2334 = vector.extract_strided_slice %min3A_2332 {offsets = [128, 0], sizes = [128, 256], strides = [1, 1]} : vector<256x256xf32> to vector<128x256xf32>
    %min3A_2335 = arith.minimumf %slice3A_2333, %slice3A_2334 : vector<128x256xf32>
    %slice3A_2336 = vector.extract_strided_slice %min3A_2335 {offsets = [0, 0], sizes = [64, 256], strides = [1, 1]} : vector<128x256xf32> to vector<64x256xf32>
    %slice3A_2337 = vector.extract_strided_slice %min3A_2335 {offsets = [64, 0], sizes = [64, 256], strides = [1, 1]} : vector<128x256xf32> to vector<64x256xf32>
    %min3A_2338 = arith.minimumf %slice3A_2336, %slice3A_2337 : vector<64x256xf32>
    %slice3A_2339 = vector.extract_strided_slice %min3A_2338 {offsets = [0, 0], sizes = [32, 256], strides = [1, 1]} : vector<64x256xf32> to vector<32x256xf32>
    %slice3A_2340 = vector.extract_strided_slice %min3A_2338 {offsets = [32, 0], sizes = [32, 256], strides = [1, 1]} : vector<64x256xf32> to vector<32x256xf32>
    %min3A_2341 = arith.minimumf %slice3A_2339, %slice3A_2340 : vector<32x256xf32>
    %slice3A_2342 = vector.extract_strided_slice %min3A_2341 {offsets = [0, 0], sizes = [16, 256], strides = [1, 1]} : vector<32x256xf32> to vector<16x256xf32>
    %slice3A_2343 = vector.extract_strided_slice %min3A_2341 {offsets = [16, 0], sizes = [16, 256], strides = [1, 1]} : vector<32x256xf32> to vector<16x256xf32>
    %min3A_2344 = arith.minimumf %slice3A_2342, %slice3A_2343 : vector<16x256xf32>
    %slice3A_2345 = vector.extract_strided_slice %min3A_2344 {offsets = [0, 0], sizes = [8, 256], strides = [1, 1]} : vector<16x256xf32> to vector<8x256xf32>
    %slice3A_2346 = vector.extract_strided_slice %min3A_2344 {offsets = [8, 0], sizes = [8, 256], strides = [1, 1]} : vector<16x256xf32> to vector<8x256xf32>
    %min3A_2347 = arith.minimumf %slice3A_2345, %slice3A_2346 : vector<8x256xf32>
    %reduce_min3A_2348 = arith.constant dense<0x7F800000> : vector<256xf32>
    %reduce_min3A_2349 = vector.multi_reduction <minimumf>, %min3A_2347, %reduce_min3A_2348 [0] : vector<8x256xf32> to vector<256xf32>
    %broadcast_in_dim3A_2350 = vector.shape_cast %reduce_min3A_2349 : vector<256xf32> to vector<1x256xf32>
    %slice3A_2351 = vector.extract_strided_slice %get3A_16 {offsets = [50, 0], sizes = [1, 256], strides = [1, 1]} : vector<64x256xf32> to vector<1x256xf32>
    %add3A_2352 = arith.addf %broadcast_in_dim3A_2350, %slice3A_2351 : vector<1x256xf32>
    %max3A_2353 = arith.constant 0.000000e+00 : f32
    %max3A_2354 = vector.broadcast %max3A_2353 : f32 to vector<1x256xf32>
    %max3A_2355 = arith.maximumf %add3A_2352, %max3A_2354 : vector<1x256xf32>
    %lt3A_2356 = arith.constant 5.000000e-02 : f32
    %lt3A_2357 = vector.broadcast %lt3A_2356 : f32 to vector<1x256xf32>
    %lt3A_2358 = arith.cmpf olt, %max3A_2355, %lt3A_2357 : vector<1x256xf32>
    %jit3A_2359 = arith.constant 0.000000e+00 : f32
    %broadcast_in_dim3A_2360 = vector.broadcast %jit3A_2359 : f32 to vector<1x256xf32>
    %select_n3A_2361 = arith.select %lt3A_2358, %max3A_2355, %broadcast_in_dim3A_2360 : vector<1x256xi1>, vector<1x256xf32>
    %add3A_2362 = arith.addf %add3A_2316, %select_n3A_2361 : vector<1x256xf32>
    %convert_element_type3A_2363 = arith.extui %lt3A_2358 : vector<1x256xi1> to vector<1x256xi32>
    %convert_element_type3A_2364 = arith.sitofp %convert_element_type3A_2363 : vector<1x256xi32> to vector<1x256xf32>
    %add3A_2365 = arith.addf %add3A_2319, %convert_element_type3A_2364 : vector<1x256xf32>
    %slice3A_2366 = vector.extract_strided_slice %get3A_11 {offsets = [0, 13056], sizes = [8, 256], strides = [1, 1]} : vector<8x16384xf32> to vector<8x256xf32>
    %dot_general3A_2367 = arith.constant dense<0.000000e+00> : vector<2048x256xf32>
    %dot_general3A_2368 = tpu.matmul %get3A_6, %slice3A_2366, %dot_general3A_2367 {dimension_numbers = #tpu.dot_dimension_numbers<[1], [0], [0], [1], [0, 0, 1, 1], [], []>, transpose_lhs_hint = false} : vector<2048x8xf32>, vector<8x256xf32>, vector<2048x256xf32> -> vector<2048x256xf32>
    %add3A_2369 = arith.addf %dot_general3A_2368, %get3A_24 : vector<2048x256xf32>
    %slice3A_2370 = vector.extract_strided_slice %add3A_2369 {offsets = [0, 0], sizes = [1024, 256], strides = [1, 1]} : vector<2048x256xf32> to vector<1024x256xf32>
    %slice3A_2371 = vector.extract_strided_slice %add3A_2369 {offsets = [1024, 0], sizes = [1024, 256], strides = [1, 1]} : vector<2048x256xf32> to vector<1024x256xf32>
    %min3A_2372 = arith.minimumf %slice3A_2370, %slice3A_2371 : vector<1024x256xf32>
    %slice3A_2373 = vector.extract_strided_slice %min3A_2372 {offsets = [0, 0], sizes = [512, 256], strides = [1, 1]} : vector<1024x256xf32> to vector<512x256xf32>
    %slice3A_2374 = vector.extract_strided_slice %min3A_2372 {offsets = [512, 0], sizes = [512, 256], strides = [1, 1]} : vector<1024x256xf32> to vector<512x256xf32>
    %min3A_2375 = arith.minimumf %slice3A_2373, %slice3A_2374 : vector<512x256xf32>
    %slice3A_2376 = vector.extract_strided_slice %min3A_2375 {offsets = [0, 0], sizes = [256, 256], strides = [1, 1]} : vector<512x256xf32> to vector<256x256xf32>
    %slice3A_2377 = vector.extract_strided_slice %min3A_2375 {offsets = [256, 0], sizes = [256, 256], strides = [1, 1]} : vector<512x256xf32> to vector<256x256xf32>
    %min3A_2378 = arith.minimumf %slice3A_2376, %slice3A_2377 : vector<256x256xf32>
    %slice3A_2379 = vector.extract_strided_slice %min3A_2378 {offsets = [0, 0], sizes = [128, 256], strides = [1, 1]} : vector<256x256xf32> to vector<128x256xf32>
    %slice3A_2380 = vector.extract_strided_slice %min3A_2378 {offsets = [128, 0], sizes = [128, 256], strides = [1, 1]} : vector<256x256xf32> to vector<128x256xf32>
    %min3A_2381 = arith.minimumf %slice3A_2379, %slice3A_2380 : vector<128x256xf32>
    %slice3A_2382 = vector.extract_strided_slice %min3A_2381 {offsets = [0, 0], sizes = [64, 256], strides = [1, 1]} : vector<128x256xf32> to vector<64x256xf32>
    %slice3A_2383 = vector.extract_strided_slice %min3A_2381 {offsets = [64, 0], sizes = [64, 256], strides = [1, 1]} : vector<128x256xf32> to vector<64x256xf32>
    %min3A_2384 = arith.minimumf %slice3A_2382, %slice3A_2383 : vector<64x256xf32>
    %slice3A_2385 = vector.extract_strided_slice %min3A_2384 {offsets = [0, 0], sizes = [32, 256], strides = [1, 1]} : vector<64x256xf32> to vector<32x256xf32>
    %slice3A_2386 = vector.extract_strided_slice %min3A_2384 {offsets = [32, 0], sizes = [32, 256], strides = [1, 1]} : vector<64x256xf32> to vector<32x256xf32>
    %min3A_2387 = arith.minimumf %slice3A_2385, %slice3A_2386 : vector<32x256xf32>
    %slice3A_2388 = vector.extract_strided_slice %min3A_2387 {offsets = [0, 0], sizes = [16, 256], strides = [1, 1]} : vector<32x256xf32> to vector<16x256xf32>
    %slice3A_2389 = vector.extract_strided_slice %min3A_2387 {offsets = [16, 0], sizes = [16, 256], strides = [1, 1]} : vector<32x256xf32> to vector<16x256xf32>
    %min3A_2390 = arith.minimumf %slice3A_2388, %slice3A_2389 : vector<16x256xf32>
    %slice3A_2391 = vector.extract_strided_slice %min3A_2390 {offsets = [0, 0], sizes = [8, 256], strides = [1, 1]} : vector<16x256xf32> to vector<8x256xf32>
    %slice3A_2392 = vector.extract_strided_slice %min3A_2390 {offsets = [8, 0], sizes = [8, 256], strides = [1, 1]} : vector<16x256xf32> to vector<8x256xf32>
    %min3A_2393 = arith.minimumf %slice3A_2391, %slice3A_2392 : vector<8x256xf32>
    %reduce_min3A_2394 = arith.constant dense<0x7F800000> : vector<256xf32>
    %reduce_min3A_2395 = vector.multi_reduction <minimumf>, %min3A_2393, %reduce_min3A_2394 [0] : vector<8x256xf32> to vector<256xf32>
    %broadcast_in_dim3A_2396 = vector.shape_cast %reduce_min3A_2395 : vector<256xf32> to vector<1x256xf32>
    %slice3A_2397 = vector.extract_strided_slice %get3A_16 {offsets = [51, 0], sizes = [1, 256], strides = [1, 1]} : vector<64x256xf32> to vector<1x256xf32>
    %add3A_2398 = arith.addf %broadcast_in_dim3A_2396, %slice3A_2397 : vector<1x256xf32>
    %max3A_2399 = arith.constant 0.000000e+00 : f32
    %max3A_2400 = vector.broadcast %max3A_2399 : f32 to vector<1x256xf32>
    %max3A_2401 = arith.maximumf %add3A_2398, %max3A_2400 : vector<1x256xf32>
    %lt3A_2402 = arith.constant 5.000000e-02 : f32
    %lt3A_2403 = vector.broadcast %lt3A_2402 : f32 to vector<1x256xf32>
    %lt3A_2404 = arith.cmpf olt, %max3A_2401, %lt3A_2403 : vector<1x256xf32>
    %jit3A_2405 = arith.constant 0.000000e+00 : f32
    %broadcast_in_dim3A_2406 = vector.broadcast %jit3A_2405 : f32 to vector<1x256xf32>
    %select_n3A_2407 = arith.select %lt3A_2404, %max3A_2401, %broadcast_in_dim3A_2406 : vector<1x256xi1>, vector<1x256xf32>
    %add3A_2408 = arith.addf %add3A_2362, %select_n3A_2407 : vector<1x256xf32>
    %convert_element_type3A_2409 = arith.extui %lt3A_2404 : vector<1x256xi1> to vector<1x256xi32>
    %convert_element_type3A_2410 = arith.sitofp %convert_element_type3A_2409 : vector<1x256xi32> to vector<1x256xf32>
    %add3A_2411 = arith.addf %add3A_2365, %convert_element_type3A_2410 : vector<1x256xf32>
    %slice3A_2412 = vector.extract_strided_slice %get3A_11 {offsets = [0, 13312], sizes = [8, 256], strides = [1, 1]} : vector<8x16384xf32> to vector<8x256xf32>
    %dot_general3A_2413 = arith.constant dense<0.000000e+00> : vector<2048x256xf32>
    %dot_general3A_2414 = tpu.matmul %get3A_6, %slice3A_2412, %dot_general3A_2413 {dimension_numbers = #tpu.dot_dimension_numbers<[1], [0], [0], [1], [0, 0, 1, 1], [], []>, transpose_lhs_hint = false} : vector<2048x8xf32>, vector<8x256xf32>, vector<2048x256xf32> -> vector<2048x256xf32>
    %add3A_2415 = arith.addf %dot_general3A_2414, %get3A_24 : vector<2048x256xf32>
    %slice3A_2416 = vector.extract_strided_slice %add3A_2415 {offsets = [0, 0], sizes = [1024, 256], strides = [1, 1]} : vector<2048x256xf32> to vector<1024x256xf32>
    %slice3A_2417 = vector.extract_strided_slice %add3A_2415 {offsets = [1024, 0], sizes = [1024, 256], strides = [1, 1]} : vector<2048x256xf32> to vector<1024x256xf32>
    %min3A_2418 = arith.minimumf %slice3A_2416, %slice3A_2417 : vector<1024x256xf32>
    %slice3A_2419 = vector.extract_strided_slice %min3A_2418 {offsets = [0, 0], sizes = [512, 256], strides = [1, 1]} : vector<1024x256xf32> to vector<512x256xf32>
    %slice3A_2420 = vector.extract_strided_slice %min3A_2418 {offsets = [512, 0], sizes = [512, 256], strides = [1, 1]} : vector<1024x256xf32> to vector<512x256xf32>
    %min3A_2421 = arith.minimumf %slice3A_2419, %slice3A_2420 : vector<512x256xf32>
    %slice3A_2422 = vector.extract_strided_slice %min3A_2421 {offsets = [0, 0], sizes = [256, 256], strides = [1, 1]} : vector<512x256xf32> to vector<256x256xf32>
    %slice3A_2423 = vector.extract_strided_slice %min3A_2421 {offsets = [256, 0], sizes = [256, 256], strides = [1, 1]} : vector<512x256xf32> to vector<256x256xf32>
    %min3A_2424 = arith.minimumf %slice3A_2422, %slice3A_2423 : vector<256x256xf32>
    %slice3A_2425 = vector.extract_strided_slice %min3A_2424 {offsets = [0, 0], sizes = [128, 256], strides = [1, 1]} : vector<256x256xf32> to vector<128x256xf32>
    %slice3A_2426 = vector.extract_strided_slice %min3A_2424 {offsets = [128, 0], sizes = [128, 256], strides = [1, 1]} : vector<256x256xf32> to vector<128x256xf32>
    %min3A_2427 = arith.minimumf %slice3A_2425, %slice3A_2426 : vector<128x256xf32>
    %slice3A_2428 = vector.extract_strided_slice %min3A_2427 {offsets = [0, 0], sizes = [64, 256], strides = [1, 1]} : vector<128x256xf32> to vector<64x256xf32>
    %slice3A_2429 = vector.extract_strided_slice %min3A_2427 {offsets = [64, 0], sizes = [64, 256], strides = [1, 1]} : vector<128x256xf32> to vector<64x256xf32>
    %min3A_2430 = arith.minimumf %slice3A_2428, %slice3A_2429 : vector<64x256xf32>
    %slice3A_2431 = vector.extract_strided_slice %min3A_2430 {offsets = [0, 0], sizes = [32, 256], strides = [1, 1]} : vector<64x256xf32> to vector<32x256xf32>
    %slice3A_2432 = vector.extract_strided_slice %min3A_2430 {offsets = [32, 0], sizes = [32, 256], strides = [1, 1]} : vector<64x256xf32> to vector<32x256xf32>
    %min3A_2433 = arith.minimumf %slice3A_2431, %slice3A_2432 : vector<32x256xf32>
    %slice3A_2434 = vector.extract_strided_slice %min3A_2433 {offsets = [0, 0], sizes = [16, 256], strides = [1, 1]} : vector<32x256xf32> to vector<16x256xf32>
    %slice3A_2435 = vector.extract_strided_slice %min3A_2433 {offsets = [16, 0], sizes = [16, 256], strides = [1, 1]} : vector<32x256xf32> to vector<16x256xf32>
    %min3A_2436 = arith.minimumf %slice3A_2434, %slice3A_2435 : vector<16x256xf32>
    %slice3A_2437 = vector.extract_strided_slice %min3A_2436 {offsets = [0, 0], sizes = [8, 256], strides = [1, 1]} : vector<16x256xf32> to vector<8x256xf32>
    %slice3A_2438 = vector.extract_strided_slice %min3A_2436 {offsets = [8, 0], sizes = [8, 256], strides = [1, 1]} : vector<16x256xf32> to vector<8x256xf32>
    %min3A_2439 = arith.minimumf %slice3A_2437, %slice3A_2438 : vector<8x256xf32>
    %reduce_min3A_2440 = arith.constant dense<0x7F800000> : vector<256xf32>
    %reduce_min3A_2441 = vector.multi_reduction <minimumf>, %min3A_2439, %reduce_min3A_2440 [0] : vector<8x256xf32> to vector<256xf32>
    %broadcast_in_dim3A_2442 = vector.shape_cast %reduce_min3A_2441 : vector<256xf32> to vector<1x256xf32>
    %slice3A_2443 = vector.extract_strided_slice %get3A_16 {offsets = [52, 0], sizes = [1, 256], strides = [1, 1]} : vector<64x256xf32> to vector<1x256xf32>
    %add3A_2444 = arith.addf %broadcast_in_dim3A_2442, %slice3A_2443 : vector<1x256xf32>
    %max3A_2445 = arith.constant 0.000000e+00 : f32
    %max3A_2446 = vector.broadcast %max3A_2445 : f32 to vector<1x256xf32>
    %max3A_2447 = arith.maximumf %add3A_2444, %max3A_2446 : vector<1x256xf32>
    %lt3A_2448 = arith.constant 5.000000e-02 : f32
    %lt3A_2449 = vector.broadcast %lt3A_2448 : f32 to vector<1x256xf32>
    %lt3A_2450 = arith.cmpf olt, %max3A_2447, %lt3A_2449 : vector<1x256xf32>
    %jit3A_2451 = arith.constant 0.000000e+00 : f32
    %broadcast_in_dim3A_2452 = vector.broadcast %jit3A_2451 : f32 to vector<1x256xf32>
    %select_n3A_2453 = arith.select %lt3A_2450, %max3A_2447, %broadcast_in_dim3A_2452 : vector<1x256xi1>, vector<1x256xf32>
    %add3A_2454 = arith.addf %add3A_2408, %select_n3A_2453 : vector<1x256xf32>
    %convert_element_type3A_2455 = arith.extui %lt3A_2450 : vector<1x256xi1> to vector<1x256xi32>
    %convert_element_type3A_2456 = arith.sitofp %convert_element_type3A_2455 : vector<1x256xi32> to vector<1x256xf32>
    %add3A_2457 = arith.addf %add3A_2411, %convert_element_type3A_2456 : vector<1x256xf32>
    %slice3A_2458 = vector.extract_strided_slice %get3A_11 {offsets = [0, 13568], sizes = [8, 256], strides = [1, 1]} : vector<8x16384xf32> to vector<8x256xf32>
    %dot_general3A_2459 = arith.constant dense<0.000000e+00> : vector<2048x256xf32>
    %dot_general3A_2460 = tpu.matmul %get3A_6, %slice3A_2458, %dot_general3A_2459 {dimension_numbers = #tpu.dot_dimension_numbers<[1], [0], [0], [1], [0, 0, 1, 1], [], []>, transpose_lhs_hint = false} : vector<2048x8xf32>, vector<8x256xf32>, vector<2048x256xf32> -> vector<2048x256xf32>
    %add3A_2461 = arith.addf %dot_general3A_2460, %get3A_24 : vector<2048x256xf32>
    %slice3A_2462 = vector.extract_strided_slice %add3A_2461 {offsets = [0, 0], sizes = [1024, 256], strides = [1, 1]} : vector<2048x256xf32> to vector<1024x256xf32>
    %slice3A_2463 = vector.extract_strided_slice %add3A_2461 {offsets = [1024, 0], sizes = [1024, 256], strides = [1, 1]} : vector<2048x256xf32> to vector<1024x256xf32>
    %min3A_2464 = arith.minimumf %slice3A_2462, %slice3A_2463 : vector<1024x256xf32>
    %slice3A_2465 = vector.extract_strided_slice %min3A_2464 {offsets = [0, 0], sizes = [512, 256], strides = [1, 1]} : vector<1024x256xf32> to vector<512x256xf32>
    %slice3A_2466 = vector.extract_strided_slice %min3A_2464 {offsets = [512, 0], sizes = [512, 256], strides = [1, 1]} : vector<1024x256xf32> to vector<512x256xf32>
    %min3A_2467 = arith.minimumf %slice3A_2465, %slice3A_2466 : vector<512x256xf32>
    %slice3A_2468 = vector.extract_strided_slice %min3A_2467 {offsets = [0, 0], sizes = [256, 256], strides = [1, 1]} : vector<512x256xf32> to vector<256x256xf32>
    %slice3A_2469 = vector.extract_strided_slice %min3A_2467 {offsets = [256, 0], sizes = [256, 256], strides = [1, 1]} : vector<512x256xf32> to vector<256x256xf32>
    %min3A_2470 = arith.minimumf %slice3A_2468, %slice3A_2469 : vector<256x256xf32>
    %slice3A_2471 = vector.extract_strided_slice %min3A_2470 {offsets = [0, 0], sizes = [128, 256], strides = [1, 1]} : vector<256x256xf32> to vector<128x256xf32>
    %slice3A_2472 = vector.extract_strided_slice %min3A_2470 {offsets = [128, 0], sizes = [128, 256], strides = [1, 1]} : vector<256x256xf32> to vector<128x256xf32>
    %min3A_2473 = arith.minimumf %slice3A_2471, %slice3A_2472 : vector<128x256xf32>
    %slice3A_2474 = vector.extract_strided_slice %min3A_2473 {offsets = [0, 0], sizes = [64, 256], strides = [1, 1]} : vector<128x256xf32> to vector<64x256xf32>
    %slice3A_2475 = vector.extract_strided_slice %min3A_2473 {offsets = [64, 0], sizes = [64, 256], strides = [1, 1]} : vector<128x256xf32> to vector<64x256xf32>
    %min3A_2476 = arith.minimumf %slice3A_2474, %slice3A_2475 : vector<64x256xf32>
    %slice3A_2477 = vector.extract_strided_slice %min3A_2476 {offsets = [0, 0], sizes = [32, 256], strides = [1, 1]} : vector<64x256xf32> to vector<32x256xf32>
    %slice3A_2478 = vector.extract_strided_slice %min3A_2476 {offsets = [32, 0], sizes = [32, 256], strides = [1, 1]} : vector<64x256xf32> to vector<32x256xf32>
    %min3A_2479 = arith.minimumf %slice3A_2477, %slice3A_2478 : vector<32x256xf32>
    %slice3A_2480 = vector.extract_strided_slice %min3A_2479 {offsets = [0, 0], sizes = [16, 256], strides = [1, 1]} : vector<32x256xf32> to vector<16x256xf32>
    %slice3A_2481 = vector.extract_strided_slice %min3A_2479 {offsets = [16, 0], sizes = [16, 256], strides = [1, 1]} : vector<32x256xf32> to vector<16x256xf32>
    %min3A_2482 = arith.minimumf %slice3A_2480, %slice3A_2481 : vector<16x256xf32>
    %slice3A_2483 = vector.extract_strided_slice %min3A_2482 {offsets = [0, 0], sizes = [8, 256], strides = [1, 1]} : vector<16x256xf32> to vector<8x256xf32>
    %slice3A_2484 = vector.extract_strided_slice %min3A_2482 {offsets = [8, 0], sizes = [8, 256], strides = [1, 1]} : vector<16x256xf32> to vector<8x256xf32>
    %min3A_2485 = arith.minimumf %slice3A_2483, %slice3A_2484 : vector<8x256xf32>
    %reduce_min3A_2486 = arith.constant dense<0x7F800000> : vector<256xf32>
    %reduce_min3A_2487 = vector.multi_reduction <minimumf>, %min3A_2485, %reduce_min3A_2486 [0] : vector<8x256xf32> to vector<256xf32>
    %broadcast_in_dim3A_2488 = vector.shape_cast %reduce_min3A_2487 : vector<256xf32> to vector<1x256xf32>
    %slice3A_2489 = vector.extract_strided_slice %get3A_16 {offsets = [53, 0], sizes = [1, 256], strides = [1, 1]} : vector<64x256xf32> to vector<1x256xf32>
    %add3A_2490 = arith.addf %broadcast_in_dim3A_2488, %slice3A_2489 : vector<1x256xf32>
    %max3A_2491 = arith.constant 0.000000e+00 : f32
    %max3A_2492 = vector.broadcast %max3A_2491 : f32 to vector<1x256xf32>
    %max3A_2493 = arith.maximumf %add3A_2490, %max3A_2492 : vector<1x256xf32>
    %lt3A_2494 = arith.constant 5.000000e-02 : f32
    %lt3A_2495 = vector.broadcast %lt3A_2494 : f32 to vector<1x256xf32>
    %lt3A_2496 = arith.cmpf olt, %max3A_2493, %lt3A_2495 : vector<1x256xf32>
    %jit3A_2497 = arith.constant 0.000000e+00 : f32
    %broadcast_in_dim3A_2498 = vector.broadcast %jit3A_2497 : f32 to vector<1x256xf32>
    %select_n3A_2499 = arith.select %lt3A_2496, %max3A_2493, %broadcast_in_dim3A_2498 : vector<1x256xi1>, vector<1x256xf32>
    %add3A_2500 = arith.addf %add3A_2454, %select_n3A_2499 : vector<1x256xf32>
    %convert_element_type3A_2501 = arith.extui %lt3A_2496 : vector<1x256xi1> to vector<1x256xi32>
    %convert_element_type3A_2502 = arith.sitofp %convert_element_type3A_2501 : vector<1x256xi32> to vector<1x256xf32>
    %add3A_2503 = arith.addf %add3A_2457, %convert_element_type3A_2502 : vector<1x256xf32>
    %slice3A_2504 = vector.extract_strided_slice %get3A_11 {offsets = [0, 13824], sizes = [8, 256], strides = [1, 1]} : vector<8x16384xf32> to vector<8x256xf32>
    %dot_general3A_2505 = arith.constant dense<0.000000e+00> : vector<2048x256xf32>
    %dot_general3A_2506 = tpu.matmul %get3A_6, %slice3A_2504, %dot_general3A_2505 {dimension_numbers = #tpu.dot_dimension_numbers<[1], [0], [0], [1], [0, 0, 1, 1], [], []>, transpose_lhs_hint = false} : vector<2048x8xf32>, vector<8x256xf32>, vector<2048x256xf32> -> vector<2048x256xf32>
    %add3A_2507 = arith.addf %dot_general3A_2506, %get3A_24 : vector<2048x256xf32>
    %slice3A_2508 = vector.extract_strided_slice %add3A_2507 {offsets = [0, 0], sizes = [1024, 256], strides = [1, 1]} : vector<2048x256xf32> to vector<1024x256xf32>
    %slice3A_2509 = vector.extract_strided_slice %add3A_2507 {offsets = [1024, 0], sizes = [1024, 256], strides = [1, 1]} : vector<2048x256xf32> to vector<1024x256xf32>
    %min3A_2510 = arith.minimumf %slice3A_2508, %slice3A_2509 : vector<1024x256xf32>
    %slice3A_2511 = vector.extract_strided_slice %min3A_2510 {offsets = [0, 0], sizes = [512, 256], strides = [1, 1]} : vector<1024x256xf32> to vector<512x256xf32>
    %slice3A_2512 = vector.extract_strided_slice %min3A_2510 {offsets = [512, 0], sizes = [512, 256], strides = [1, 1]} : vector<1024x256xf32> to vector<512x256xf32>
    %min3A_2513 = arith.minimumf %slice3A_2511, %slice3A_2512 : vector<512x256xf32>
    %slice3A_2514 = vector.extract_strided_slice %min3A_2513 {offsets = [0, 0], sizes = [256, 256], strides = [1, 1]} : vector<512x256xf32> to vector<256x256xf32>
    %slice3A_2515 = vector.extract_strided_slice %min3A_2513 {offsets = [256, 0], sizes = [256, 256], strides = [1, 1]} : vector<512x256xf32> to vector<256x256xf32>
    %min3A_2516 = arith.minimumf %slice3A_2514, %slice3A_2515 : vector<256x256xf32>
    %slice3A_2517 = vector.extract_strided_slice %min3A_2516 {offsets = [0, 0], sizes = [128, 256], strides = [1, 1]} : vector<256x256xf32> to vector<128x256xf32>
    %slice3A_2518 = vector.extract_strided_slice %min3A_2516 {offsets = [128, 0], sizes = [128, 256], strides = [1, 1]} : vector<256x256xf32> to vector<128x256xf32>
    %min3A_2519 = arith.minimumf %slice3A_2517, %slice3A_2518 : vector<128x256xf32>
    %slice3A_2520 = vector.extract_strided_slice %min3A_2519 {offsets = [0, 0], sizes = [64, 256], strides = [1, 1]} : vector<128x256xf32> to vector<64x256xf32>
    %slice3A_2521 = vector.extract_strided_slice %min3A_2519 {offsets = [64, 0], sizes = [64, 256], strides = [1, 1]} : vector<128x256xf32> to vector<64x256xf32>
    %min3A_2522 = arith.minimumf %slice3A_2520, %slice3A_2521 : vector<64x256xf32>
    %slice3A_2523 = vector.extract_strided_slice %min3A_2522 {offsets = [0, 0], sizes = [32, 256], strides = [1, 1]} : vector<64x256xf32> to vector<32x256xf32>
    %slice3A_2524 = vector.extract_strided_slice %min3A_2522 {offsets = [32, 0], sizes = [32, 256], strides = [1, 1]} : vector<64x256xf32> to vector<32x256xf32>
    %min3A_2525 = arith.minimumf %slice3A_2523, %slice3A_2524 : vector<32x256xf32>
    %slice3A_2526 = vector.extract_strided_slice %min3A_2525 {offsets = [0, 0], sizes = [16, 256], strides = [1, 1]} : vector<32x256xf32> to vector<16x256xf32>
    %slice3A_2527 = vector.extract_strided_slice %min3A_2525 {offsets = [16, 0], sizes = [16, 256], strides = [1, 1]} : vector<32x256xf32> to vector<16x256xf32>
    %min3A_2528 = arith.minimumf %slice3A_2526, %slice3A_2527 : vector<16x256xf32>
    %slice3A_2529 = vector.extract_strided_slice %min3A_2528 {offsets = [0, 0], sizes = [8, 256], strides = [1, 1]} : vector<16x256xf32> to vector<8x256xf32>
    %slice3A_2530 = vector.extract_strided_slice %min3A_2528 {offsets = [8, 0], sizes = [8, 256], strides = [1, 1]} : vector<16x256xf32> to vector<8x256xf32>
    %min3A_2531 = arith.minimumf %slice3A_2529, %slice3A_2530 : vector<8x256xf32>
    %reduce_min3A_2532 = arith.constant dense<0x7F800000> : vector<256xf32>
    %reduce_min3A_2533 = vector.multi_reduction <minimumf>, %min3A_2531, %reduce_min3A_2532 [0] : vector<8x256xf32> to vector<256xf32>
    %broadcast_in_dim3A_2534 = vector.shape_cast %reduce_min3A_2533 : vector<256xf32> to vector<1x256xf32>
    %slice3A_2535 = vector.extract_strided_slice %get3A_16 {offsets = [54, 0], sizes = [1, 256], strides = [1, 1]} : vector<64x256xf32> to vector<1x256xf32>
    %add3A_2536 = arith.addf %broadcast_in_dim3A_2534, %slice3A_2535 : vector<1x256xf32>
    %max3A_2537 = arith.constant 0.000000e+00 : f32
    %max3A_2538 = vector.broadcast %max3A_2537 : f32 to vector<1x256xf32>
    %max3A_2539 = arith.maximumf %add3A_2536, %max3A_2538 : vector<1x256xf32>
    %lt3A_2540 = arith.constant 5.000000e-02 : f32
    %lt3A_2541 = vector.broadcast %lt3A_2540 : f32 to vector<1x256xf32>
    %lt3A_2542 = arith.cmpf olt, %max3A_2539, %lt3A_2541 : vector<1x256xf32>
    %jit3A_2543 = arith.constant 0.000000e+00 : f32
    %broadcast_in_dim3A_2544 = vector.broadcast %jit3A_2543 : f32 to vector<1x256xf32>
    %select_n3A_2545 = arith.select %lt3A_2542, %max3A_2539, %broadcast_in_dim3A_2544 : vector<1x256xi1>, vector<1x256xf32>
    %add3A_2546 = arith.addf %add3A_2500, %select_n3A_2545 : vector<1x256xf32>
    %convert_element_type3A_2547 = arith.extui %lt3A_2542 : vector<1x256xi1> to vector<1x256xi32>
    %convert_element_type3A_2548 = arith.sitofp %convert_element_type3A_2547 : vector<1x256xi32> to vector<1x256xf32>
    %add3A_2549 = arith.addf %add3A_2503, %convert_element_type3A_2548 : vector<1x256xf32>
    %slice3A_2550 = vector.extract_strided_slice %get3A_11 {offsets = [0, 14080], sizes = [8, 256], strides = [1, 1]} : vector<8x16384xf32> to vector<8x256xf32>
    %dot_general3A_2551 = arith.constant dense<0.000000e+00> : vector<2048x256xf32>
    %dot_general3A_2552 = tpu.matmul %get3A_6, %slice3A_2550, %dot_general3A_2551 {dimension_numbers = #tpu.dot_dimension_numbers<[1], [0], [0], [1], [0, 0, 1, 1], [], []>, transpose_lhs_hint = false} : vector<2048x8xf32>, vector<8x256xf32>, vector<2048x256xf32> -> vector<2048x256xf32>
    %add3A_2553 = arith.addf %dot_general3A_2552, %get3A_24 : vector<2048x256xf32>
    %slice3A_2554 = vector.extract_strided_slice %add3A_2553 {offsets = [0, 0], sizes = [1024, 256], strides = [1, 1]} : vector<2048x256xf32> to vector<1024x256xf32>
    %slice3A_2555 = vector.extract_strided_slice %add3A_2553 {offsets = [1024, 0], sizes = [1024, 256], strides = [1, 1]} : vector<2048x256xf32> to vector<1024x256xf32>
    %min3A_2556 = arith.minimumf %slice3A_2554, %slice3A_2555 : vector<1024x256xf32>
    %slice3A_2557 = vector.extract_strided_slice %min3A_2556 {offsets = [0, 0], sizes = [512, 256], strides = [1, 1]} : vector<1024x256xf32> to vector<512x256xf32>
    %slice3A_2558 = vector.extract_strided_slice %min3A_2556 {offsets = [512, 0], sizes = [512, 256], strides = [1, 1]} : vector<1024x256xf32> to vector<512x256xf32>
    %min3A_2559 = arith.minimumf %slice3A_2557, %slice3A_2558 : vector<512x256xf32>
    %slice3A_2560 = vector.extract_strided_slice %min3A_2559 {offsets = [0, 0], sizes = [256, 256], strides = [1, 1]} : vector<512x256xf32> to vector<256x256xf32>
    %slice3A_2561 = vector.extract_strided_slice %min3A_2559 {offsets = [256, 0], sizes = [256, 256], strides = [1, 1]} : vector<512x256xf32> to vector<256x256xf32>
    %min3A_2562 = arith.minimumf %slice3A_2560, %slice3A_2561 : vector<256x256xf32>
    %slice3A_2563 = vector.extract_strided_slice %min3A_2562 {offsets = [0, 0], sizes = [128, 256], strides = [1, 1]} : vector<256x256xf32> to vector<128x256xf32>
    %slice3A_2564 = vector.extract_strided_slice %min3A_2562 {offsets = [128, 0], sizes = [128, 256], strides = [1, 1]} : vector<256x256xf32> to vector<128x256xf32>
    %min3A_2565 = arith.minimumf %slice3A_2563, %slice3A_2564 : vector<128x256xf32>
    %slice3A_2566 = vector.extract_strided_slice %min3A_2565 {offsets = [0, 0], sizes = [64, 256], strides = [1, 1]} : vector<128x256xf32> to vector<64x256xf32>
    %slice3A_2567 = vector.extract_strided_slice %min3A_2565 {offsets = [64, 0], sizes = [64, 256], strides = [1, 1]} : vector<128x256xf32> to vector<64x256xf32>
    %min3A_2568 = arith.minimumf %slice3A_2566, %slice3A_2567 : vector<64x256xf32>
    %slice3A_2569 = vector.extract_strided_slice %min3A_2568 {offsets = [0, 0], sizes = [32, 256], strides = [1, 1]} : vector<64x256xf32> to vector<32x256xf32>
    %slice3A_2570 = vector.extract_strided_slice %min3A_2568 {offsets = [32, 0], sizes = [32, 256], strides = [1, 1]} : vector<64x256xf32> to vector<32x256xf32>
    %min3A_2571 = arith.minimumf %slice3A_2569, %slice3A_2570 : vector<32x256xf32>
    %slice3A_2572 = vector.extract_strided_slice %min3A_2571 {offsets = [0, 0], sizes = [16, 256], strides = [1, 1]} : vector<32x256xf32> to vector<16x256xf32>
    %slice3A_2573 = vector.extract_strided_slice %min3A_2571 {offsets = [16, 0], sizes = [16, 256], strides = [1, 1]} : vector<32x256xf32> to vector<16x256xf32>
    %min3A_2574 = arith.minimumf %slice3A_2572, %slice3A_2573 : vector<16x256xf32>
    %slice3A_2575 = vector.extract_strided_slice %min3A_2574 {offsets = [0, 0], sizes = [8, 256], strides = [1, 1]} : vector<16x256xf32> to vector<8x256xf32>
    %slice3A_2576 = vector.extract_strided_slice %min3A_2574 {offsets = [8, 0], sizes = [8, 256], strides = [1, 1]} : vector<16x256xf32> to vector<8x256xf32>
    %min3A_2577 = arith.minimumf %slice3A_2575, %slice3A_2576 : vector<8x256xf32>
    %reduce_min3A_2578 = arith.constant dense<0x7F800000> : vector<256xf32>
    %reduce_min3A_2579 = vector.multi_reduction <minimumf>, %min3A_2577, %reduce_min3A_2578 [0] : vector<8x256xf32> to vector<256xf32>
    %broadcast_in_dim3A_2580 = vector.shape_cast %reduce_min3A_2579 : vector<256xf32> to vector<1x256xf32>
    %slice3A_2581 = vector.extract_strided_slice %get3A_16 {offsets = [55, 0], sizes = [1, 256], strides = [1, 1]} : vector<64x256xf32> to vector<1x256xf32>
    %add3A_2582 = arith.addf %broadcast_in_dim3A_2580, %slice3A_2581 : vector<1x256xf32>
    %max3A_2583 = arith.constant 0.000000e+00 : f32
    %max3A_2584 = vector.broadcast %max3A_2583 : f32 to vector<1x256xf32>
    %max3A_2585 = arith.maximumf %add3A_2582, %max3A_2584 : vector<1x256xf32>
    %lt3A_2586 = arith.constant 5.000000e-02 : f32
    %lt3A_2587 = vector.broadcast %lt3A_2586 : f32 to vector<1x256xf32>
    %lt3A_2588 = arith.cmpf olt, %max3A_2585, %lt3A_2587 : vector<1x256xf32>
    %jit3A_2589 = arith.constant 0.000000e+00 : f32
    %broadcast_in_dim3A_2590 = vector.broadcast %jit3A_2589 : f32 to vector<1x256xf32>
    %select_n3A_2591 = arith.select %lt3A_2588, %max3A_2585, %broadcast_in_dim3A_2590 : vector<1x256xi1>, vector<1x256xf32>
    %add3A_2592 = arith.addf %add3A_2546, %select_n3A_2591 : vector<1x256xf32>
    %convert_element_type3A_2593 = arith.extui %lt3A_2588 : vector<1x256xi1> to vector<1x256xi32>
    %convert_element_type3A_2594 = arith.sitofp %convert_element_type3A_2593 : vector<1x256xi32> to vector<1x256xf32>
    %add3A_2595 = arith.addf %add3A_2549, %convert_element_type3A_2594 : vector<1x256xf32>
    %slice3A_2596 = vector.extract_strided_slice %get3A_11 {offsets = [0, 14336], sizes = [8, 256], strides = [1, 1]} : vector<8x16384xf32> to vector<8x256xf32>
    %dot_general3A_2597 = arith.constant dense<0.000000e+00> : vector<2048x256xf32>
    %dot_general3A_2598 = tpu.matmul %get3A_6, %slice3A_2596, %dot_general3A_2597 {dimension_numbers = #tpu.dot_dimension_numbers<[1], [0], [0], [1], [0, 0, 1, 1], [], []>, transpose_lhs_hint = false} : vector<2048x8xf32>, vector<8x256xf32>, vector<2048x256xf32> -> vector<2048x256xf32>
    %add3A_2599 = arith.addf %dot_general3A_2598, %get3A_24 : vector<2048x256xf32>
    %slice3A_2600 = vector.extract_strided_slice %add3A_2599 {offsets = [0, 0], sizes = [1024, 256], strides = [1, 1]} : vector<2048x256xf32> to vector<1024x256xf32>
    %slice3A_2601 = vector.extract_strided_slice %add3A_2599 {offsets = [1024, 0], sizes = [1024, 256], strides = [1, 1]} : vector<2048x256xf32> to vector<1024x256xf32>
    %min3A_2602 = arith.minimumf %slice3A_2600, %slice3A_2601 : vector<1024x256xf32>
    %slice3A_2603 = vector.extract_strided_slice %min3A_2602 {offsets = [0, 0], sizes = [512, 256], strides = [1, 1]} : vector<1024x256xf32> to vector<512x256xf32>
    %slice3A_2604 = vector.extract_strided_slice %min3A_2602 {offsets = [512, 0], sizes = [512, 256], strides = [1, 1]} : vector<1024x256xf32> to vector<512x256xf32>
    %min3A_2605 = arith.minimumf %slice3A_2603, %slice3A_2604 : vector<512x256xf32>
    %slice3A_2606 = vector.extract_strided_slice %min3A_2605 {offsets = [0, 0], sizes = [256, 256], strides = [1, 1]} : vector<512x256xf32> to vector<256x256xf32>
    %slice3A_2607 = vector.extract_strided_slice %min3A_2605 {offsets = [256, 0], sizes = [256, 256], strides = [1, 1]} : vector<512x256xf32> to vector<256x256xf32>
    %min3A_2608 = arith.minimumf %slice3A_2606, %slice3A_2607 : vector<256x256xf32>
    %slice3A_2609 = vector.extract_strided_slice %min3A_2608 {offsets = [0, 0], sizes = [128, 256], strides = [1, 1]} : vector<256x256xf32> to vector<128x256xf32>
    %slice3A_2610 = vector.extract_strided_slice %min3A_2608 {offsets = [128, 0], sizes = [128, 256], strides = [1, 1]} : vector<256x256xf32> to vector<128x256xf32>
    %min3A_2611 = arith.minimumf %slice3A_2609, %slice3A_2610 : vector<128x256xf32>
    %slice3A_2612 = vector.extract_strided_slice %min3A_2611 {offsets = [0, 0], sizes = [64, 256], strides = [1, 1]} : vector<128x256xf32> to vector<64x256xf32>
    %slice3A_2613 = vector.extract_strided_slice %min3A_2611 {offsets = [64, 0], sizes = [64, 256], strides = [1, 1]} : vector<128x256xf32> to vector<64x256xf32>
    %min3A_2614 = arith.minimumf %slice3A_2612, %slice3A_2613 : vector<64x256xf32>
    %slice3A_2615 = vector.extract_strided_slice %min3A_2614 {offsets = [0, 0], sizes = [32, 256], strides = [1, 1]} : vector<64x256xf32> to vector<32x256xf32>
    %slice3A_2616 = vector.extract_strided_slice %min3A_2614 {offsets = [32, 0], sizes = [32, 256], strides = [1, 1]} : vector<64x256xf32> to vector<32x256xf32>
    %min3A_2617 = arith.minimumf %slice3A_2615, %slice3A_2616 : vector<32x256xf32>
    %slice3A_2618 = vector.extract_strided_slice %min3A_2617 {offsets = [0, 0], sizes = [16, 256], strides = [1, 1]} : vector<32x256xf32> to vector<16x256xf32>
    %slice3A_2619 = vector.extract_strided_slice %min3A_2617 {offsets = [16, 0], sizes = [16, 256], strides = [1, 1]} : vector<32x256xf32> to vector<16x256xf32>
    %min3A_2620 = arith.minimumf %slice3A_2618, %slice3A_2619 : vector<16x256xf32>
    %slice3A_2621 = vector.extract_strided_slice %min3A_2620 {offsets = [0, 0], sizes = [8, 256], strides = [1, 1]} : vector<16x256xf32> to vector<8x256xf32>
    %slice3A_2622 = vector.extract_strided_slice %min3A_2620 {offsets = [8, 0], sizes = [8, 256], strides = [1, 1]} : vector<16x256xf32> to vector<8x256xf32>
    %min3A_2623 = arith.minimumf %slice3A_2621, %slice3A_2622 : vector<8x256xf32>
    %reduce_min3A_2624 = arith.constant dense<0x7F800000> : vector<256xf32>
    %reduce_min3A_2625 = vector.multi_reduction <minimumf>, %min3A_2623, %reduce_min3A_2624 [0] : vector<8x256xf32> to vector<256xf32>
    %broadcast_in_dim3A_2626 = vector.shape_cast %reduce_min3A_2625 : vector<256xf32> to vector<1x256xf32>
    %slice3A_2627 = vector.extract_strided_slice %get3A_16 {offsets = [56, 0], sizes = [1, 256], strides = [1, 1]} : vector<64x256xf32> to vector<1x256xf32>
    %add3A_2628 = arith.addf %broadcast_in_dim3A_2626, %slice3A_2627 : vector<1x256xf32>
    %max3A_2629 = arith.constant 0.000000e+00 : f32
    %max3A_2630 = vector.broadcast %max3A_2629 : f32 to vector<1x256xf32>
    %max3A_2631 = arith.maximumf %add3A_2628, %max3A_2630 : vector<1x256xf32>
    %lt3A_2632 = arith.constant 5.000000e-02 : f32
    %lt3A_2633 = vector.broadcast %lt3A_2632 : f32 to vector<1x256xf32>
    %lt3A_2634 = arith.cmpf olt, %max3A_2631, %lt3A_2633 : vector<1x256xf32>
    %jit3A_2635 = arith.constant 0.000000e+00 : f32
    %broadcast_in_dim3A_2636 = vector.broadcast %jit3A_2635 : f32 to vector<1x256xf32>
    %select_n3A_2637 = arith.select %lt3A_2634, %max3A_2631, %broadcast_in_dim3A_2636 : vector<1x256xi1>, vector<1x256xf32>
    %add3A_2638 = arith.addf %add3A_2592, %select_n3A_2637 : vector<1x256xf32>
    %convert_element_type3A_2639 = arith.extui %lt3A_2634 : vector<1x256xi1> to vector<1x256xi32>
    %convert_element_type3A_2640 = arith.sitofp %convert_element_type3A_2639 : vector<1x256xi32> to vector<1x256xf32>
    %add3A_2641 = arith.addf %add3A_2595, %convert_element_type3A_2640 : vector<1x256xf32>
    %slice3A_2642 = vector.extract_strided_slice %get3A_11 {offsets = [0, 14592], sizes = [8, 256], strides = [1, 1]} : vector<8x16384xf32> to vector<8x256xf32>
    %dot_general3A_2643 = arith.constant dense<0.000000e+00> : vector<2048x256xf32>
    %dot_general3A_2644 = tpu.matmul %get3A_6, %slice3A_2642, %dot_general3A_2643 {dimension_numbers = #tpu.dot_dimension_numbers<[1], [0], [0], [1], [0, 0, 1, 1], [], []>, transpose_lhs_hint = false} : vector<2048x8xf32>, vector<8x256xf32>, vector<2048x256xf32> -> vector<2048x256xf32>
    %add3A_2645 = arith.addf %dot_general3A_2644, %get3A_24 : vector<2048x256xf32>
    %slice3A_2646 = vector.extract_strided_slice %add3A_2645 {offsets = [0, 0], sizes = [1024, 256], strides = [1, 1]} : vector<2048x256xf32> to vector<1024x256xf32>
    %slice3A_2647 = vector.extract_strided_slice %add3A_2645 {offsets = [1024, 0], sizes = [1024, 256], strides = [1, 1]} : vector<2048x256xf32> to vector<1024x256xf32>
    %min3A_2648 = arith.minimumf %slice3A_2646, %slice3A_2647 : vector<1024x256xf32>
    %slice3A_2649 = vector.extract_strided_slice %min3A_2648 {offsets = [0, 0], sizes = [512, 256], strides = [1, 1]} : vector<1024x256xf32> to vector<512x256xf32>
    %slice3A_2650 = vector.extract_strided_slice %min3A_2648 {offsets = [512, 0], sizes = [512, 256], strides = [1, 1]} : vector<1024x256xf32> to vector<512x256xf32>
    %min3A_2651 = arith.minimumf %slice3A_2649, %slice3A_2650 : vector<512x256xf32>
    %slice3A_2652 = vector.extract_strided_slice %min3A_2651 {offsets = [0, 0], sizes = [256, 256], strides = [1, 1]} : vector<512x256xf32> to vector<256x256xf32>
    %slice3A_2653 = vector.extract_strided_slice %min3A_2651 {offsets = [256, 0], sizes = [256, 256], strides = [1, 1]} : vector<512x256xf32> to vector<256x256xf32>
    %min3A_2654 = arith.minimumf %slice3A_2652, %slice3A_2653 : vector<256x256xf32>
    %slice3A_2655 = vector.extract_strided_slice %min3A_2654 {offsets = [0, 0], sizes = [128, 256], strides = [1, 1]} : vector<256x256xf32> to vector<128x256xf32>
    %slice3A_2656 = vector.extract_strided_slice %min3A_2654 {offsets = [128, 0], sizes = [128, 256], strides = [1, 1]} : vector<256x256xf32> to vector<128x256xf32>
    %min3A_2657 = arith.minimumf %slice3A_2655, %slice3A_2656 : vector<128x256xf32>
    %slice3A_2658 = vector.extract_strided_slice %min3A_2657 {offsets = [0, 0], sizes = [64, 256], strides = [1, 1]} : vector<128x256xf32> to vector<64x256xf32>
    %slice3A_2659 = vector.extract_strided_slice %min3A_2657 {offsets = [64, 0], sizes = [64, 256], strides = [1, 1]} : vector<128x256xf32> to vector<64x256xf32>
    %min3A_2660 = arith.minimumf %slice3A_2658, %slice3A_2659 : vector<64x256xf32>
    %slice3A_2661 = vector.extract_strided_slice %min3A_2660 {offsets = [0, 0], sizes = [32, 256], strides = [1, 1]} : vector<64x256xf32> to vector<32x256xf32>
    %slice3A_2662 = vector.extract_strided_slice %min3A_2660 {offsets = [32, 0], sizes = [32, 256], strides = [1, 1]} : vector<64x256xf32> to vector<32x256xf32>
    %min3A_2663 = arith.minimumf %slice3A_2661, %slice3A_2662 : vector<32x256xf32>
    %slice3A_2664 = vector.extract_strided_slice %min3A_2663 {offsets = [0, 0], sizes = [16, 256], strides = [1, 1]} : vector<32x256xf32> to vector<16x256xf32>
    %slice3A_2665 = vector.extract_strided_slice %min3A_2663 {offsets = [16, 0], sizes = [16, 256], strides = [1, 1]} : vector<32x256xf32> to vector<16x256xf32>
    %min3A_2666 = arith.minimumf %slice3A_2664, %slice3A_2665 : vector<16x256xf32>
    %slice3A_2667 = vector.extract_strided_slice %min3A_2666 {offsets = [0, 0], sizes = [8, 256], strides = [1, 1]} : vector<16x256xf32> to vector<8x256xf32>
    %slice3A_2668 = vector.extract_strided_slice %min3A_2666 {offsets = [8, 0], sizes = [8, 256], strides = [1, 1]} : vector<16x256xf32> to vector<8x256xf32>
    %min3A_2669 = arith.minimumf %slice3A_2667, %slice3A_2668 : vector<8x256xf32>
    %reduce_min3A_2670 = arith.constant dense<0x7F800000> : vector<256xf32>
    %reduce_min3A_2671 = vector.multi_reduction <minimumf>, %min3A_2669, %reduce_min3A_2670 [0] : vector<8x256xf32> to vector<256xf32>
    %broadcast_in_dim3A_2672 = vector.shape_cast %reduce_min3A_2671 : vector<256xf32> to vector<1x256xf32>
    %slice3A_2673 = vector.extract_strided_slice %get3A_16 {offsets = [57, 0], sizes = [1, 256], strides = [1, 1]} : vector<64x256xf32> to vector<1x256xf32>
    %add3A_2674 = arith.addf %broadcast_in_dim3A_2672, %slice3A_2673 : vector<1x256xf32>
    %max3A_2675 = arith.constant 0.000000e+00 : f32
    %max3A_2676 = vector.broadcast %max3A_2675 : f32 to vector<1x256xf32>
    %max3A_2677 = arith.maximumf %add3A_2674, %max3A_2676 : vector<1x256xf32>
    %lt3A_2678 = arith.constant 5.000000e-02 : f32
    %lt3A_2679 = vector.broadcast %lt3A_2678 : f32 to vector<1x256xf32>
    %lt3A_2680 = arith.cmpf olt, %max3A_2677, %lt3A_2679 : vector<1x256xf32>
    %jit3A_2681 = arith.constant 0.000000e+00 : f32
    %broadcast_in_dim3A_2682 = vector.broadcast %jit3A_2681 : f32 to vector<1x256xf32>
    %select_n3A_2683 = arith.select %lt3A_2680, %max3A_2677, %broadcast_in_dim3A_2682 : vector<1x256xi1>, vector<1x256xf32>
    %add3A_2684 = arith.addf %add3A_2638, %select_n3A_2683 : vector<1x256xf32>
    %convert_element_type3A_2685 = arith.extui %lt3A_2680 : vector<1x256xi1> to vector<1x256xi32>
    %convert_element_type3A_2686 = arith.sitofp %convert_element_type3A_2685 : vector<1x256xi32> to vector<1x256xf32>
    %add3A_2687 = arith.addf %add3A_2641, %convert_element_type3A_2686 : vector<1x256xf32>
    %slice3A_2688 = vector.extract_strided_slice %get3A_11 {offsets = [0, 14848], sizes = [8, 256], strides = [1, 1]} : vector<8x16384xf32> to vector<8x256xf32>
    %dot_general3A_2689 = arith.constant dense<0.000000e+00> : vector<2048x256xf32>
    %dot_general3A_2690 = tpu.matmul %get3A_6, %slice3A_2688, %dot_general3A_2689 {dimension_numbers = #tpu.dot_dimension_numbers<[1], [0], [0], [1], [0, 0, 1, 1], [], []>, transpose_lhs_hint = false} : vector<2048x8xf32>, vector<8x256xf32>, vector<2048x256xf32> -> vector<2048x256xf32>
    %add3A_2691 = arith.addf %dot_general3A_2690, %get3A_24 : vector<2048x256xf32>
    %slice3A_2692 = vector.extract_strided_slice %add3A_2691 {offsets = [0, 0], sizes = [1024, 256], strides = [1, 1]} : vector<2048x256xf32> to vector<1024x256xf32>
    %slice3A_2693 = vector.extract_strided_slice %add3A_2691 {offsets = [1024, 0], sizes = [1024, 256], strides = [1, 1]} : vector<2048x256xf32> to vector<1024x256xf32>
    %min3A_2694 = arith.minimumf %slice3A_2692, %slice3A_2693 : vector<1024x256xf32>
    %slice3A_2695 = vector.extract_strided_slice %min3A_2694 {offsets = [0, 0], sizes = [512, 256], strides = [1, 1]} : vector<1024x256xf32> to vector<512x256xf32>
    %slice3A_2696 = vector.extract_strided_slice %min3A_2694 {offsets = [512, 0], sizes = [512, 256], strides = [1, 1]} : vector<1024x256xf32> to vector<512x256xf32>
    %min3A_2697 = arith.minimumf %slice3A_2695, %slice3A_2696 : vector<512x256xf32>
    %slice3A_2698 = vector.extract_strided_slice %min3A_2697 {offsets = [0, 0], sizes = [256, 256], strides = [1, 1]} : vector<512x256xf32> to vector<256x256xf32>
    %slice3A_2699 = vector.extract_strided_slice %min3A_2697 {offsets = [256, 0], sizes = [256, 256], strides = [1, 1]} : vector<512x256xf32> to vector<256x256xf32>
    %min3A_2700 = arith.minimumf %slice3A_2698, %slice3A_2699 : vector<256x256xf32>
    %slice3A_2701 = vector.extract_strided_slice %min3A_2700 {offsets = [0, 0], sizes = [128, 256], strides = [1, 1]} : vector<256x256xf32> to vector<128x256xf32>
    %slice3A_2702 = vector.extract_strided_slice %min3A_2700 {offsets = [128, 0], sizes = [128, 256], strides = [1, 1]} : vector<256x256xf32> to vector<128x256xf32>
    %min3A_2703 = arith.minimumf %slice3A_2701, %slice3A_2702 : vector<128x256xf32>
    %slice3A_2704 = vector.extract_strided_slice %min3A_2703 {offsets = [0, 0], sizes = [64, 256], strides = [1, 1]} : vector<128x256xf32> to vector<64x256xf32>
    %slice3A_2705 = vector.extract_strided_slice %min3A_2703 {offsets = [64, 0], sizes = [64, 256], strides = [1, 1]} : vector<128x256xf32> to vector<64x256xf32>
    %min3A_2706 = arith.minimumf %slice3A_2704, %slice3A_2705 : vector<64x256xf32>
    %slice3A_2707 = vector.extract_strided_slice %min3A_2706 {offsets = [0, 0], sizes = [32, 256], strides = [1, 1]} : vector<64x256xf32> to vector<32x256xf32>
    %slice3A_2708 = vector.extract_strided_slice %min3A_2706 {offsets = [32, 0], sizes = [32, 256], strides = [1, 1]} : vector<64x256xf32> to vector<32x256xf32>
    %min3A_2709 = arith.minimumf %slice3A_2707, %slice3A_2708 : vector<32x256xf32>
    %slice3A_2710 = vector.extract_strided_slice %min3A_2709 {offsets = [0, 0], sizes = [16, 256], strides = [1, 1]} : vector<32x256xf32> to vector<16x256xf32>
    %slice3A_2711 = vector.extract_strided_slice %min3A_2709 {offsets = [16, 0], sizes = [16, 256], strides = [1, 1]} : vector<32x256xf32> to vector<16x256xf32>
    %min3A_2712 = arith.minimumf %slice3A_2710, %slice3A_2711 : vector<16x256xf32>
    %slice3A_2713 = vector.extract_strided_slice %min3A_2712 {offsets = [0, 0], sizes = [8, 256], strides = [1, 1]} : vector<16x256xf32> to vector<8x256xf32>
    %slice3A_2714 = vector.extract_strided_slice %min3A_2712 {offsets = [8, 0], sizes = [8, 256], strides = [1, 1]} : vector<16x256xf32> to vector<8x256xf32>
    %min3A_2715 = arith.minimumf %slice3A_2713, %slice3A_2714 : vector<8x256xf32>
    %reduce_min3A_2716 = arith.constant dense<0x7F800000> : vector<256xf32>
    %reduce_min3A_2717 = vector.multi_reduction <minimumf>, %min3A_2715, %reduce_min3A_2716 [0] : vector<8x256xf32> to vector<256xf32>
    %broadcast_in_dim3A_2718 = vector.shape_cast %reduce_min3A_2717 : vector<256xf32> to vector<1x256xf32>
    %slice3A_2719 = vector.extract_strided_slice %get3A_16 {offsets = [58, 0], sizes = [1, 256], strides = [1, 1]} : vector<64x256xf32> to vector<1x256xf32>
    %add3A_2720 = arith.addf %broadcast_in_dim3A_2718, %slice3A_2719 : vector<1x256xf32>
    %max3A_2721 = arith.constant 0.000000e+00 : f32
    %max3A_2722 = vector.broadcast %max3A_2721 : f32 to vector<1x256xf32>
    %max3A_2723 = arith.maximumf %add3A_2720, %max3A_2722 : vector<1x256xf32>
    %lt3A_2724 = arith.constant 5.000000e-02 : f32
    %lt3A_2725 = vector.broadcast %lt3A_2724 : f32 to vector<1x256xf32>
    %lt3A_2726 = arith.cmpf olt, %max3A_2723, %lt3A_2725 : vector<1x256xf32>
    %jit3A_2727 = arith.constant 0.000000e+00 : f32
    %broadcast_in_dim3A_2728 = vector.broadcast %jit3A_2727 : f32 to vector<1x256xf32>
    %select_n3A_2729 = arith.select %lt3A_2726, %max3A_2723, %broadcast_in_dim3A_2728 : vector<1x256xi1>, vector<1x256xf32>
    %add3A_2730 = arith.addf %add3A_2684, %select_n3A_2729 : vector<1x256xf32>
    %convert_element_type3A_2731 = arith.extui %lt3A_2726 : vector<1x256xi1> to vector<1x256xi32>
    %convert_element_type3A_2732 = arith.sitofp %convert_element_type3A_2731 : vector<1x256xi32> to vector<1x256xf32>
    %add3A_2733 = arith.addf %add3A_2687, %convert_element_type3A_2732 : vector<1x256xf32>
    %slice3A_2734 = vector.extract_strided_slice %get3A_11 {offsets = [0, 15104], sizes = [8, 256], strides = [1, 1]} : vector<8x16384xf32> to vector<8x256xf32>
    %dot_general3A_2735 = arith.constant dense<0.000000e+00> : vector<2048x256xf32>
    %dot_general3A_2736 = tpu.matmul %get3A_6, %slice3A_2734, %dot_general3A_2735 {dimension_numbers = #tpu.dot_dimension_numbers<[1], [0], [0], [1], [0, 0, 1, 1], [], []>, transpose_lhs_hint = false} : vector<2048x8xf32>, vector<8x256xf32>, vector<2048x256xf32> -> vector<2048x256xf32>
    %add3A_2737 = arith.addf %dot_general3A_2736, %get3A_24 : vector<2048x256xf32>
    %slice3A_2738 = vector.extract_strided_slice %add3A_2737 {offsets = [0, 0], sizes = [1024, 256], strides = [1, 1]} : vector<2048x256xf32> to vector<1024x256xf32>
    %slice3A_2739 = vector.extract_strided_slice %add3A_2737 {offsets = [1024, 0], sizes = [1024, 256], strides = [1, 1]} : vector<2048x256xf32> to vector<1024x256xf32>
    %min3A_2740 = arith.minimumf %slice3A_2738, %slice3A_2739 : vector<1024x256xf32>
    %slice3A_2741 = vector.extract_strided_slice %min3A_2740 {offsets = [0, 0], sizes = [512, 256], strides = [1, 1]} : vector<1024x256xf32> to vector<512x256xf32>
    %slice3A_2742 = vector.extract_strided_slice %min3A_2740 {offsets = [512, 0], sizes = [512, 256], strides = [1, 1]} : vector<1024x256xf32> to vector<512x256xf32>
    %min3A_2743 = arith.minimumf %slice3A_2741, %slice3A_2742 : vector<512x256xf32>
    %slice3A_2744 = vector.extract_strided_slice %min3A_2743 {offsets = [0, 0], sizes = [256, 256], strides = [1, 1]} : vector<512x256xf32> to vector<256x256xf32>
    %slice3A_2745 = vector.extract_strided_slice %min3A_2743 {offsets = [256, 0], sizes = [256, 256], strides = [1, 1]} : vector<512x256xf32> to vector<256x256xf32>
    %min3A_2746 = arith.minimumf %slice3A_2744, %slice3A_2745 : vector<256x256xf32>
    %slice3A_2747 = vector.extract_strided_slice %min3A_2746 {offsets = [0, 0], sizes = [128, 256], strides = [1, 1]} : vector<256x256xf32> to vector<128x256xf32>
    %slice3A_2748 = vector.extract_strided_slice %min3A_2746 {offsets = [128, 0], sizes = [128, 256], strides = [1, 1]} : vector<256x256xf32> to vector<128x256xf32>
    %min3A_2749 = arith.minimumf %slice3A_2747, %slice3A_2748 : vector<128x256xf32>
    %slice3A_2750 = vector.extract_strided_slice %min3A_2749 {offsets = [0, 0], sizes = [64, 256], strides = [1, 1]} : vector<128x256xf32> to vector<64x256xf32>
    %slice3A_2751 = vector.extract_strided_slice %min3A_2749 {offsets = [64, 0], sizes = [64, 256], strides = [1, 1]} : vector<128x256xf32> to vector<64x256xf32>
    %min3A_2752 = arith.minimumf %slice3A_2750, %slice3A_2751 : vector<64x256xf32>
    %slice3A_2753 = vector.extract_strided_slice %min3A_2752 {offsets = [0, 0], sizes = [32, 256], strides = [1, 1]} : vector<64x256xf32> to vector<32x256xf32>
    %slice3A_2754 = vector.extract_strided_slice %min3A_2752 {offsets = [32, 0], sizes = [32, 256], strides = [1, 1]} : vector<64x256xf32> to vector<32x256xf32>
    %min3A_2755 = arith.minimumf %slice3A_2753, %slice3A_2754 : vector<32x256xf32>
    %slice3A_2756 = vector.extract_strided_slice %min3A_2755 {offsets = [0, 0], sizes = [16, 256], strides = [1, 1]} : vector<32x256xf32> to vector<16x256xf32>
    %slice3A_2757 = vector.extract_strided_slice %min3A_2755 {offsets = [16, 0], sizes = [16, 256], strides = [1, 1]} : vector<32x256xf32> to vector<16x256xf32>
    %min3A_2758 = arith.minimumf %slice3A_2756, %slice3A_2757 : vector<16x256xf32>
    %slice3A_2759 = vector.extract_strided_slice %min3A_2758 {offsets = [0, 0], sizes = [8, 256], strides = [1, 1]} : vector<16x256xf32> to vector<8x256xf32>
    %slice3A_2760 = vector.extract_strided_slice %min3A_2758 {offsets = [8, 0], sizes = [8, 256], strides = [1, 1]} : vector<16x256xf32> to vector<8x256xf32>
    %min3A_2761 = arith.minimumf %slice3A_2759, %slice3A_2760 : vector<8x256xf32>
    %reduce_min3A_2762 = arith.constant dense<0x7F800000> : vector<256xf32>
    %reduce_min3A_2763 = vector.multi_reduction <minimumf>, %min3A_2761, %reduce_min3A_2762 [0] : vector<8x256xf32> to vector<256xf32>
    %broadcast_in_dim3A_2764 = vector.shape_cast %reduce_min3A_2763 : vector<256xf32> to vector<1x256xf32>
    %slice3A_2765 = vector.extract_strided_slice %get3A_16 {offsets = [59, 0], sizes = [1, 256], strides = [1, 1]} : vector<64x256xf32> to vector<1x256xf32>
    %add3A_2766 = arith.addf %broadcast_in_dim3A_2764, %slice3A_2765 : vector<1x256xf32>
    %max3A_2767 = arith.constant 0.000000e+00 : f32
    %max3A_2768 = vector.broadcast %max3A_2767 : f32 to vector<1x256xf32>
    %max3A_2769 = arith.maximumf %add3A_2766, %max3A_2768 : vector<1x256xf32>
    %lt3A_2770 = arith.constant 5.000000e-02 : f32
    %lt3A_2771 = vector.broadcast %lt3A_2770 : f32 to vector<1x256xf32>
    %lt3A_2772 = arith.cmpf olt, %max3A_2769, %lt3A_2771 : vector<1x256xf32>
    %jit3A_2773 = arith.constant 0.000000e+00 : f32
    %broadcast_in_dim3A_2774 = vector.broadcast %jit3A_2773 : f32 to vector<1x256xf32>
    %select_n3A_2775 = arith.select %lt3A_2772, %max3A_2769, %broadcast_in_dim3A_2774 : vector<1x256xi1>, vector<1x256xf32>
    %add3A_2776 = arith.addf %add3A_2730, %select_n3A_2775 : vector<1x256xf32>
    %convert_element_type3A_2777 = arith.extui %lt3A_2772 : vector<1x256xi1> to vector<1x256xi32>
    %convert_element_type3A_2778 = arith.sitofp %convert_element_type3A_2777 : vector<1x256xi32> to vector<1x256xf32>
    %add3A_2779 = arith.addf %add3A_2733, %convert_element_type3A_2778 : vector<1x256xf32>
    %slice3A_2780 = vector.extract_strided_slice %get3A_11 {offsets = [0, 15360], sizes = [8, 256], strides = [1, 1]} : vector<8x16384xf32> to vector<8x256xf32>
    %dot_general3A_2781 = arith.constant dense<0.000000e+00> : vector<2048x256xf32>
    %dot_general3A_2782 = tpu.matmul %get3A_6, %slice3A_2780, %dot_general3A_2781 {dimension_numbers = #tpu.dot_dimension_numbers<[1], [0], [0], [1], [0, 0, 1, 1], [], []>, transpose_lhs_hint = false} : vector<2048x8xf32>, vector<8x256xf32>, vector<2048x256xf32> -> vector<2048x256xf32>
    %add3A_2783 = arith.addf %dot_general3A_2782, %get3A_24 : vector<2048x256xf32>
    %slice3A_2784 = vector.extract_strided_slice %add3A_2783 {offsets = [0, 0], sizes = [1024, 256], strides = [1, 1]} : vector<2048x256xf32> to vector<1024x256xf32>
    %slice3A_2785 = vector.extract_strided_slice %add3A_2783 {offsets = [1024, 0], sizes = [1024, 256], strides = [1, 1]} : vector<2048x256xf32> to vector<1024x256xf32>
    %min3A_2786 = arith.minimumf %slice3A_2784, %slice3A_2785 : vector<1024x256xf32>
    %slice3A_2787 = vector.extract_strided_slice %min3A_2786 {offsets = [0, 0], sizes = [512, 256], strides = [1, 1]} : vector<1024x256xf32> to vector<512x256xf32>
    %slice3A_2788 = vector.extract_strided_slice %min3A_2786 {offsets = [512, 0], sizes = [512, 256], strides = [1, 1]} : vector<1024x256xf32> to vector<512x256xf32>
    %min3A_2789 = arith.minimumf %slice3A_2787, %slice3A_2788 : vector<512x256xf32>
    %slice3A_2790 = vector.extract_strided_slice %min3A_2789 {offsets = [0, 0], sizes = [256, 256], strides = [1, 1]} : vector<512x256xf32> to vector<256x256xf32>
    %slice3A_2791 = vector.extract_strided_slice %min3A_2789 {offsets = [256, 0], sizes = [256, 256], strides = [1, 1]} : vector<512x256xf32> to vector<256x256xf32>
    %min3A_2792 = arith.minimumf %slice3A_2790, %slice3A_2791 : vector<256x256xf32>
    %slice3A_2793 = vector.extract_strided_slice %min3A_2792 {offsets = [0, 0], sizes = [128, 256], strides = [1, 1]} : vector<256x256xf32> to vector<128x256xf32>
    %slice3A_2794 = vector.extract_strided_slice %min3A_2792 {offsets = [128, 0], sizes = [128, 256], strides = [1, 1]} : vector<256x256xf32> to vector<128x256xf32>
    %min3A_2795 = arith.minimumf %slice3A_2793, %slice3A_2794 : vector<128x256xf32>
    %slice3A_2796 = vector.extract_strided_slice %min3A_2795 {offsets = [0, 0], sizes = [64, 256], strides = [1, 1]} : vector<128x256xf32> to vector<64x256xf32>
    %slice3A_2797 = vector.extract_strided_slice %min3A_2795 {offsets = [64, 0], sizes = [64, 256], strides = [1, 1]} : vector<128x256xf32> to vector<64x256xf32>
    %min3A_2798 = arith.minimumf %slice3A_2796, %slice3A_2797 : vector<64x256xf32>
    %slice3A_2799 = vector.extract_strided_slice %min3A_2798 {offsets = [0, 0], sizes = [32, 256], strides = [1, 1]} : vector<64x256xf32> to vector<32x256xf32>
    %slice3A_2800 = vector.extract_strided_slice %min3A_2798 {offsets = [32, 0], sizes = [32, 256], strides = [1, 1]} : vector<64x256xf32> to vector<32x256xf32>
    %min3A_2801 = arith.minimumf %slice3A_2799, %slice3A_2800 : vector<32x256xf32>
    %slice3A_2802 = vector.extract_strided_slice %min3A_2801 {offsets = [0, 0], sizes = [16, 256], strides = [1, 1]} : vector<32x256xf32> to vector<16x256xf32>
    %slice3A_2803 = vector.extract_strided_slice %min3A_2801 {offsets = [16, 0], sizes = [16, 256], strides = [1, 1]} : vector<32x256xf32> to vector<16x256xf32>
    %min3A_2804 = arith.minimumf %slice3A_2802, %slice3A_2803 : vector<16x256xf32>
    %slice3A_2805 = vector.extract_strided_slice %min3A_2804 {offsets = [0, 0], sizes = [8, 256], strides = [1, 1]} : vector<16x256xf32> to vector<8x256xf32>
    %slice3A_2806 = vector.extract_strided_slice %min3A_2804 {offsets = [8, 0], sizes = [8, 256], strides = [1, 1]} : vector<16x256xf32> to vector<8x256xf32>
    %min3A_2807 = arith.minimumf %slice3A_2805, %slice3A_2806 : vector<8x256xf32>
    %reduce_min3A_2808 = arith.constant dense<0x7F800000> : vector<256xf32>
    %reduce_min3A_2809 = vector.multi_reduction <minimumf>, %min3A_2807, %reduce_min3A_2808 [0] : vector<8x256xf32> to vector<256xf32>
    %broadcast_in_dim3A_2810 = vector.shape_cast %reduce_min3A_2809 : vector<256xf32> to vector<1x256xf32>
    %slice3A_2811 = vector.extract_strided_slice %get3A_16 {offsets = [60, 0], sizes = [1, 256], strides = [1, 1]} : vector<64x256xf32> to vector<1x256xf32>
    %add3A_2812 = arith.addf %broadcast_in_dim3A_2810, %slice3A_2811 : vector<1x256xf32>
    %max3A_2813 = arith.constant 0.000000e+00 : f32
    %max3A_2814 = vector.broadcast %max3A_2813 : f32 to vector<1x256xf32>
    %max3A_2815 = arith.maximumf %add3A_2812, %max3A_2814 : vector<1x256xf32>
    %lt3A_2816 = arith.constant 5.000000e-02 : f32
    %lt3A_2817 = vector.broadcast %lt3A_2816 : f32 to vector<1x256xf32>
    %lt3A_2818 = arith.cmpf olt, %max3A_2815, %lt3A_2817 : vector<1x256xf32>
    %jit3A_2819 = arith.constant 0.000000e+00 : f32
    %broadcast_in_dim3A_2820 = vector.broadcast %jit3A_2819 : f32 to vector<1x256xf32>
    %select_n3A_2821 = arith.select %lt3A_2818, %max3A_2815, %broadcast_in_dim3A_2820 : vector<1x256xi1>, vector<1x256xf32>
    %add3A_2822 = arith.addf %add3A_2776, %select_n3A_2821 : vector<1x256xf32>
    %convert_element_type3A_2823 = arith.extui %lt3A_2818 : vector<1x256xi1> to vector<1x256xi32>
    %convert_element_type3A_2824 = arith.sitofp %convert_element_type3A_2823 : vector<1x256xi32> to vector<1x256xf32>
    %add3A_2825 = arith.addf %add3A_2779, %convert_element_type3A_2824 : vector<1x256xf32>
    %slice3A_2826 = vector.extract_strided_slice %get3A_11 {offsets = [0, 15616], sizes = [8, 256], strides = [1, 1]} : vector<8x16384xf32> to vector<8x256xf32>
    %dot_general3A_2827 = arith.constant dense<0.000000e+00> : vector<2048x256xf32>
    %dot_general3A_2828 = tpu.matmul %get3A_6, %slice3A_2826, %dot_general3A_2827 {dimension_numbers = #tpu.dot_dimension_numbers<[1], [0], [0], [1], [0, 0, 1, 1], [], []>, transpose_lhs_hint = false} : vector<2048x8xf32>, vector<8x256xf32>, vector<2048x256xf32> -> vector<2048x256xf32>
    %add3A_2829 = arith.addf %dot_general3A_2828, %get3A_24 : vector<2048x256xf32>
    %slice3A_2830 = vector.extract_strided_slice %add3A_2829 {offsets = [0, 0], sizes = [1024, 256], strides = [1, 1]} : vector<2048x256xf32> to vector<1024x256xf32>
    %slice3A_2831 = vector.extract_strided_slice %add3A_2829 {offsets = [1024, 0], sizes = [1024, 256], strides = [1, 1]} : vector<2048x256xf32> to vector<1024x256xf32>
    %min3A_2832 = arith.minimumf %slice3A_2830, %slice3A_2831 : vector<1024x256xf32>
    %slice3A_2833 = vector.extract_strided_slice %min3A_2832 {offsets = [0, 0], sizes = [512, 256], strides = [1, 1]} : vector<1024x256xf32> to vector<512x256xf32>
    %slice3A_2834 = vector.extract_strided_slice %min3A_2832 {offsets = [512, 0], sizes = [512, 256], strides = [1, 1]} : vector<1024x256xf32> to vector<512x256xf32>
    %min3A_2835 = arith.minimumf %slice3A_2833, %slice3A_2834 : vector<512x256xf32>
    %slice3A_2836 = vector.extract_strided_slice %min3A_2835 {offsets = [0, 0], sizes = [256, 256], strides = [1, 1]} : vector<512x256xf32> to vector<256x256xf32>
    %slice3A_2837 = vector.extract_strided_slice %min3A_2835 {offsets = [256, 0], sizes = [256, 256], strides = [1, 1]} : vector<512x256xf32> to vector<256x256xf32>
    %min3A_2838 = arith.minimumf %slice3A_2836, %slice3A_2837 : vector<256x256xf32>
    %slice3A_2839 = vector.extract_strided_slice %min3A_2838 {offsets = [0, 0], sizes = [128, 256], strides = [1, 1]} : vector<256x256xf32> to vector<128x256xf32>
    %slice3A_2840 = vector.extract_strided_slice %min3A_2838 {offsets = [128, 0], sizes = [128, 256], strides = [1, 1]} : vector<256x256xf32> to vector<128x256xf32>
    %min3A_2841 = arith.minimumf %slice3A_2839, %slice3A_2840 : vector<128x256xf32>
    %slice3A_2842 = vector.extract_strided_slice %min3A_2841 {offsets = [0, 0], sizes = [64, 256], strides = [1, 1]} : vector<128x256xf32> to vector<64x256xf32>
    %slice3A_2843 = vector.extract_strided_slice %min3A_2841 {offsets = [64, 0], sizes = [64, 256], strides = [1, 1]} : vector<128x256xf32> to vector<64x256xf32>
    %min3A_2844 = arith.minimumf %slice3A_2842, %slice3A_2843 : vector<64x256xf32>
    %slice3A_2845 = vector.extract_strided_slice %min3A_2844 {offsets = [0, 0], sizes = [32, 256], strides = [1, 1]} : vector<64x256xf32> to vector<32x256xf32>
    %slice3A_2846 = vector.extract_strided_slice %min3A_2844 {offsets = [32, 0], sizes = [32, 256], strides = [1, 1]} : vector<64x256xf32> to vector<32x256xf32>
    %min3A_2847 = arith.minimumf %slice3A_2845, %slice3A_2846 : vector<32x256xf32>
    %slice3A_2848 = vector.extract_strided_slice %min3A_2847 {offsets = [0, 0], sizes = [16, 256], strides = [1, 1]} : vector<32x256xf32> to vector<16x256xf32>
    %slice3A_2849 = vector.extract_strided_slice %min3A_2847 {offsets = [16, 0], sizes = [16, 256], strides = [1, 1]} : vector<32x256xf32> to vector<16x256xf32>
    %min3A_2850 = arith.minimumf %slice3A_2848, %slice3A_2849 : vector<16x256xf32>
    %slice3A_2851 = vector.extract_strided_slice %min3A_2850 {offsets = [0, 0], sizes = [8, 256], strides = [1, 1]} : vector<16x256xf32> to vector<8x256xf32>
    %slice3A_2852 = vector.extract_strided_slice %min3A_2850 {offsets = [8, 0], sizes = [8, 256], strides = [1, 1]} : vector<16x256xf32> to vector<8x256xf32>
    %min3A_2853 = arith.minimumf %slice3A_2851, %slice3A_2852 : vector<8x256xf32>
    %reduce_min3A_2854 = arith.constant dense<0x7F800000> : vector<256xf32>
    %reduce_min3A_2855 = vector.multi_reduction <minimumf>, %min3A_2853, %reduce_min3A_2854 [0] : vector<8x256xf32> to vector<256xf32>
    %broadcast_in_dim3A_2856 = vector.shape_cast %reduce_min3A_2855 : vector<256xf32> to vector<1x256xf32>
    %slice3A_2857 = vector.extract_strided_slice %get3A_16 {offsets = [61, 0], sizes = [1, 256], strides = [1, 1]} : vector<64x256xf32> to vector<1x256xf32>
    %add3A_2858 = arith.addf %broadcast_in_dim3A_2856, %slice3A_2857 : vector<1x256xf32>
    %max3A_2859 = arith.constant 0.000000e+00 : f32
    %max3A_2860 = vector.broadcast %max3A_2859 : f32 to vector<1x256xf32>
    %max3A_2861 = arith.maximumf %add3A_2858, %max3A_2860 : vector<1x256xf32>
    %lt3A_2862 = arith.constant 5.000000e-02 : f32
    %lt3A_2863 = vector.broadcast %lt3A_2862 : f32 to vector<1x256xf32>
    %lt3A_2864 = arith.cmpf olt, %max3A_2861, %lt3A_2863 : vector<1x256xf32>
    %jit3A_2865 = arith.constant 0.000000e+00 : f32
    %broadcast_in_dim3A_2866 = vector.broadcast %jit3A_2865 : f32 to vector<1x256xf32>
    %select_n3A_2867 = arith.select %lt3A_2864, %max3A_2861, %broadcast_in_dim3A_2866 : vector<1x256xi1>, vector<1x256xf32>
    %add3A_2868 = arith.addf %add3A_2822, %select_n3A_2867 : vector<1x256xf32>
    %convert_element_type3A_2869 = arith.extui %lt3A_2864 : vector<1x256xi1> to vector<1x256xi32>
    %convert_element_type3A_2870 = arith.sitofp %convert_element_type3A_2869 : vector<1x256xi32> to vector<1x256xf32>
    %add3A_2871 = arith.addf %add3A_2825, %convert_element_type3A_2870 : vector<1x256xf32>
    %slice3A_2872 = vector.extract_strided_slice %get3A_11 {offsets = [0, 15872], sizes = [8, 256], strides = [1, 1]} : vector<8x16384xf32> to vector<8x256xf32>
    %dot_general3A_2873 = arith.constant dense<0.000000e+00> : vector<2048x256xf32>
    %dot_general3A_2874 = tpu.matmul %get3A_6, %slice3A_2872, %dot_general3A_2873 {dimension_numbers = #tpu.dot_dimension_numbers<[1], [0], [0], [1], [0, 0, 1, 1], [], []>, transpose_lhs_hint = false} : vector<2048x8xf32>, vector<8x256xf32>, vector<2048x256xf32> -> vector<2048x256xf32>
    %add3A_2875 = arith.addf %dot_general3A_2874, %get3A_24 : vector<2048x256xf32>
    %slice3A_2876 = vector.extract_strided_slice %add3A_2875 {offsets = [0, 0], sizes = [1024, 256], strides = [1, 1]} : vector<2048x256xf32> to vector<1024x256xf32>
    %slice3A_2877 = vector.extract_strided_slice %add3A_2875 {offsets = [1024, 0], sizes = [1024, 256], strides = [1, 1]} : vector<2048x256xf32> to vector<1024x256xf32>
    %min3A_2878 = arith.minimumf %slice3A_2876, %slice3A_2877 : vector<1024x256xf32>
    %slice3A_2879 = vector.extract_strided_slice %min3A_2878 {offsets = [0, 0], sizes = [512, 256], strides = [1, 1]} : vector<1024x256xf32> to vector<512x256xf32>
    %slice3A_2880 = vector.extract_strided_slice %min3A_2878 {offsets = [512, 0], sizes = [512, 256], strides = [1, 1]} : vector<1024x256xf32> to vector<512x256xf32>
    %min3A_2881 = arith.minimumf %slice3A_2879, %slice3A_2880 : vector<512x256xf32>
    %slice3A_2882 = vector.extract_strided_slice %min3A_2881 {offsets = [0, 0], sizes = [256, 256], strides = [1, 1]} : vector<512x256xf32> to vector<256x256xf32>
    %slice3A_2883 = vector.extract_strided_slice %min3A_2881 {offsets = [256, 0], sizes = [256, 256], strides = [1, 1]} : vector<512x256xf32> to vector<256x256xf32>
    %min3A_2884 = arith.minimumf %slice3A_2882, %slice3A_2883 : vector<256x256xf32>
    %slice3A_2885 = vector.extract_strided_slice %min3A_2884 {offsets = [0, 0], sizes = [128, 256], strides = [1, 1]} : vector<256x256xf32> to vector<128x256xf32>
    %slice3A_2886 = vector.extract_strided_slice %min3A_2884 {offsets = [128, 0], sizes = [128, 256], strides = [1, 1]} : vector<256x256xf32> to vector<128x256xf32>
    %min3A_2887 = arith.minimumf %slice3A_2885, %slice3A_2886 : vector<128x256xf32>
    %slice3A_2888 = vector.extract_strided_slice %min3A_2887 {offsets = [0, 0], sizes = [64, 256], strides = [1, 1]} : vector<128x256xf32> to vector<64x256xf32>
    %slice3A_2889 = vector.extract_strided_slice %min3A_2887 {offsets = [64, 0], sizes = [64, 256], strides = [1, 1]} : vector<128x256xf32> to vector<64x256xf32>
    %min3A_2890 = arith.minimumf %slice3A_2888, %slice3A_2889 : vector<64x256xf32>
    %slice3A_2891 = vector.extract_strided_slice %min3A_2890 {offsets = [0, 0], sizes = [32, 256], strides = [1, 1]} : vector<64x256xf32> to vector<32x256xf32>
    %slice3A_2892 = vector.extract_strided_slice %min3A_2890 {offsets = [32, 0], sizes = [32, 256], strides = [1, 1]} : vector<64x256xf32> to vector<32x256xf32>
    %min3A_2893 = arith.minimumf %slice3A_2891, %slice3A_2892 : vector<32x256xf32>
    %slice3A_2894 = vector.extract_strided_slice %min3A_2893 {offsets = [0, 0], sizes = [16, 256], strides = [1, 1]} : vector<32x256xf32> to vector<16x256xf32>
    %slice3A_2895 = vector.extract_strided_slice %min3A_2893 {offsets = [16, 0], sizes = [16, 256], strides = [1, 1]} : vector<32x256xf32> to vector<16x256xf32>
    %min3A_2896 = arith.minimumf %slice3A_2894, %slice3A_2895 : vector<16x256xf32>
    %slice3A_2897 = vector.extract_strided_slice %min3A_2896 {offsets = [0, 0], sizes = [8, 256], strides = [1, 1]} : vector<16x256xf32> to vector<8x256xf32>
    %slice3A_2898 = vector.extract_strided_slice %min3A_2896 {offsets = [8, 0], sizes = [8, 256], strides = [1, 1]} : vector<16x256xf32> to vector<8x256xf32>
    %min3A_2899 = arith.minimumf %slice3A_2897, %slice3A_2898 : vector<8x256xf32>
    %reduce_min3A_2900 = arith.constant dense<0x7F800000> : vector<256xf32>
    %reduce_min3A_2901 = vector.multi_reduction <minimumf>, %min3A_2899, %reduce_min3A_2900 [0] : vector<8x256xf32> to vector<256xf32>
    %broadcast_in_dim3A_2902 = vector.shape_cast %reduce_min3A_2901 : vector<256xf32> to vector<1x256xf32>
    %slice3A_2903 = vector.extract_strided_slice %get3A_16 {offsets = [62, 0], sizes = [1, 256], strides = [1, 1]} : vector<64x256xf32> to vector<1x256xf32>
    %add3A_2904 = arith.addf %broadcast_in_dim3A_2902, %slice3A_2903 : vector<1x256xf32>
    %max3A_2905 = arith.constant 0.000000e+00 : f32
    %max3A_2906 = vector.broadcast %max3A_2905 : f32 to vector<1x256xf32>
    %max3A_2907 = arith.maximumf %add3A_2904, %max3A_2906 : vector<1x256xf32>
    %lt3A_2908 = arith.constant 5.000000e-02 : f32
    %lt3A_2909 = vector.broadcast %lt3A_2908 : f32 to vector<1x256xf32>
    %lt3A_2910 = arith.cmpf olt, %max3A_2907, %lt3A_2909 : vector<1x256xf32>
    %jit3A_2911 = arith.constant 0.000000e+00 : f32
    %broadcast_in_dim3A_2912 = vector.broadcast %jit3A_2911 : f32 to vector<1x256xf32>
    %select_n3A_2913 = arith.select %lt3A_2910, %max3A_2907, %broadcast_in_dim3A_2912 : vector<1x256xi1>, vector<1x256xf32>
    %add3A_2914 = arith.addf %add3A_2868, %select_n3A_2913 : vector<1x256xf32>
    %convert_element_type3A_2915 = arith.extui %lt3A_2910 : vector<1x256xi1> to vector<1x256xi32>
    %convert_element_type3A_2916 = arith.sitofp %convert_element_type3A_2915 : vector<1x256xi32> to vector<1x256xf32>
    %add3A_2917 = arith.addf %add3A_2871, %convert_element_type3A_2916 : vector<1x256xf32>
    %slice3A_2918 = vector.extract_strided_slice %get3A_11 {offsets = [0, 16128], sizes = [8, 256], strides = [1, 1]} : vector<8x16384xf32> to vector<8x256xf32>
    %dot_general3A_2919 = arith.constant dense<0.000000e+00> : vector<2048x256xf32>
    %dot_general3A_2920 = tpu.matmul %get3A_6, %slice3A_2918, %dot_general3A_2919 {dimension_numbers = #tpu.dot_dimension_numbers<[1], [0], [0], [1], [0, 0, 1, 1], [], []>, transpose_lhs_hint = false} : vector<2048x8xf32>, vector<8x256xf32>, vector<2048x256xf32> -> vector<2048x256xf32>
    %add3A_2921 = arith.addf %dot_general3A_2920, %get3A_24 : vector<2048x256xf32>
    %slice3A_2922 = vector.extract_strided_slice %add3A_2921 {offsets = [0, 0], sizes = [1024, 256], strides = [1, 1]} : vector<2048x256xf32> to vector<1024x256xf32>
    %slice3A_2923 = vector.extract_strided_slice %add3A_2921 {offsets = [1024, 0], sizes = [1024, 256], strides = [1, 1]} : vector<2048x256xf32> to vector<1024x256xf32>
    %min3A_2924 = arith.minimumf %slice3A_2922, %slice3A_2923 : vector<1024x256xf32>
    %slice3A_2925 = vector.extract_strided_slice %min3A_2924 {offsets = [0, 0], sizes = [512, 256], strides = [1, 1]} : vector<1024x256xf32> to vector<512x256xf32>
    %slice3A_2926 = vector.extract_strided_slice %min3A_2924 {offsets = [512, 0], sizes = [512, 256], strides = [1, 1]} : vector<1024x256xf32> to vector<512x256xf32>
    %min3A_2927 = arith.minimumf %slice3A_2925, %slice3A_2926 : vector<512x256xf32>
    %slice3A_2928 = vector.extract_strided_slice %min3A_2927 {offsets = [0, 0], sizes = [256, 256], strides = [1, 1]} : vector<512x256xf32> to vector<256x256xf32>
    %slice3A_2929 = vector.extract_strided_slice %min3A_2927 {offsets = [256, 0], sizes = [256, 256], strides = [1, 1]} : vector<512x256xf32> to vector<256x256xf32>
    %min3A_2930 = arith.minimumf %slice3A_2928, %slice3A_2929 : vector<256x256xf32>
    %slice3A_2931 = vector.extract_strided_slice %min3A_2930 {offsets = [0, 0], sizes = [128, 256], strides = [1, 1]} : vector<256x256xf32> to vector<128x256xf32>
    %slice3A_2932 = vector.extract_strided_slice %min3A_2930 {offsets = [128, 0], sizes = [128, 256], strides = [1, 1]} : vector<256x256xf32> to vector<128x256xf32>
    %min3A_2933 = arith.minimumf %slice3A_2931, %slice3A_2932 : vector<128x256xf32>
    %slice3A_2934 = vector.extract_strided_slice %min3A_2933 {offsets = [0, 0], sizes = [64, 256], strides = [1, 1]} : vector<128x256xf32> to vector<64x256xf32>
    %slice3A_2935 = vector.extract_strided_slice %min3A_2933 {offsets = [64, 0], sizes = [64, 256], strides = [1, 1]} : vector<128x256xf32> to vector<64x256xf32>
    %min3A_2936 = arith.minimumf %slice3A_2934, %slice3A_2935 : vector<64x256xf32>
    %slice3A_2937 = vector.extract_strided_slice %min3A_2936 {offsets = [0, 0], sizes = [32, 256], strides = [1, 1]} : vector<64x256xf32> to vector<32x256xf32>
    %slice3A_2938 = vector.extract_strided_slice %min3A_2936 {offsets = [32, 0], sizes = [32, 256], strides = [1, 1]} : vector<64x256xf32> to vector<32x256xf32>
    %min3A_2939 = arith.minimumf %slice3A_2937, %slice3A_2938 : vector<32x256xf32>
    %slice3A_2940 = vector.extract_strided_slice %min3A_2939 {offsets = [0, 0], sizes = [16, 256], strides = [1, 1]} : vector<32x256xf32> to vector<16x256xf32>
    %slice3A_2941 = vector.extract_strided_slice %min3A_2939 {offsets = [16, 0], sizes = [16, 256], strides = [1, 1]} : vector<32x256xf32> to vector<16x256xf32>
    %min3A_2942 = arith.minimumf %slice3A_2940, %slice3A_2941 : vector<16x256xf32>
    %slice3A_2943 = vector.extract_strided_slice %min3A_2942 {offsets = [0, 0], sizes = [8, 256], strides = [1, 1]} : vector<16x256xf32> to vector<8x256xf32>
    %slice3A_2944 = vector.extract_strided_slice %min3A_2942 {offsets = [8, 0], sizes = [8, 256], strides = [1, 1]} : vector<16x256xf32> to vector<8x256xf32>
    %min3A_2945 = arith.minimumf %slice3A_2943, %slice3A_2944 : vector<8x256xf32>
    %reduce_min3A_2946 = arith.constant dense<0x7F800000> : vector<256xf32>
    %reduce_min3A_2947 = vector.multi_reduction <minimumf>, %min3A_2945, %reduce_min3A_2946 [0] : vector<8x256xf32> to vector<256xf32>
    %broadcast_in_dim3A_2948 = vector.shape_cast %reduce_min3A_2947 : vector<256xf32> to vector<1x256xf32>
    %slice3A_2949 = vector.extract_strided_slice %get3A_16 {offsets = [63, 0], sizes = [1, 256], strides = [1, 1]} : vector<64x256xf32> to vector<1x256xf32>
    %add3A_2950 = arith.addf %broadcast_in_dim3A_2948, %slice3A_2949 : vector<1x256xf32>
    %max3A_2951 = arith.constant 0.000000e+00 : f32
    %max3A_2952 = vector.broadcast %max3A_2951 : f32 to vector<1x256xf32>
    %max3A_2953 = arith.maximumf %add3A_2950, %max3A_2952 : vector<1x256xf32>
    %lt3A_2954 = arith.constant 5.000000e-02 : f32
    %lt3A_2955 = vector.broadcast %lt3A_2954 : f32 to vector<1x256xf32>
    %lt3A_2956 = arith.cmpf olt, %max3A_2953, %lt3A_2955 : vector<1x256xf32>
    %jit3A_2957 = arith.constant 0.000000e+00 : f32
    %broadcast_in_dim3A_2958 = vector.broadcast %jit3A_2957 : f32 to vector<1x256xf32>
    %select_n3A_2959 = arith.select %lt3A_2956, %max3A_2953, %broadcast_in_dim3A_2958 : vector<1x256xi1>, vector<1x256xf32>
    %add3A_2960 = arith.addf %add3A_2914, %select_n3A_2959 : vector<1x256xf32>
    %convert_element_type3A_2961 = arith.extui %lt3A_2956 : vector<1x256xi1> to vector<1x256xi32>
    %convert_element_type3A_2962 = arith.sitofp %convert_element_type3A_2961 : vector<1x256xi32> to vector<1x256xf32>
    %add3A_2963 = arith.addf %add3A_2917, %convert_element_type3A_2962 : vector<1x256xf32>
    %get3A_2964 = arith.constant 0 : index
    %get3A_2965 = arith.constant 0 : index
    %get3A_2966 = vector.load %arg6[%get3A_2964, %get3A_2965] : memref<1x256xf32, #tpu.memory_space<vmem>>, vector<1x256xf32>
    %add3A_2967 = arith.addf %get3A_2966, %add3A_2960 : vector<1x256xf32>
    %swap3A = arith.constant 0 : index
    %swap3A_2968 = arith.constant 0 : index
    %swap3A_2969 = vector.load %arg6[%swap3A, %swap3A_2968] : memref<1x256xf32, #tpu.memory_space<vmem>>, vector<1x256xf32>
    tpu.vector_store %arg6[%swap3A, %swap3A_2968], %add3A_2967 {strides = array<i32>} : memref<1x256xf32, #tpu.memory_space<vmem>>, vector<1x256xf32>,
    %get3A_2970 = arith.constant 0 : index
    %get3A_2971 = arith.constant 0 : index
    %get3A_2972 = vector.load %arg7[%get3A_2970, %get3A_2971] : memref<1x256xf32, #tpu.memory_space<vmem>>, vector<1x256xf32>
    %add3A_2973 = arith.addf %get3A_2972, %add3A_2963 : vector<1x256xf32>
    %swap3A_2974 = arith.constant 0 : index
    %swap3A_2975 = arith.constant 0 : index
    %swap3A_2976 = vector.load %arg7[%swap3A_2974, %swap3A_2975] : memref<1x256xf32, #tpu.memory_space<vmem>>, vector<1x256xf32>
    tpu.vector_store %arg7[%swap3A_2974, %swap3A_2975], %add3A_2973 {strides = array<i32>} : memref<1x256xf32, #tpu.memory_space<vmem>>, vector<1x256xf32>,
    %eq3A_2977 = arith.constant 7 : i32
    %eq3A_2978 = arith.cmpi eq, %add3A, %eq3A_2977 : i32
    %convert_element_type3A_2979 = arith.extui %eq3A_2978 : i1 to i32
    %cond3A_2980 = arith.constant 0 : i32
    %cond3A_2981 = arith.cmpi ne, %convert_element_type3A_2979, %cond3A_2980 : i32
    scf.if %cond3A_2981 {
      %get3A_2982 = arith.constant 0 : index
      %get3A_2983 = arith.constant 0 : index
      %get3A_2984 = vector.load %arg6[%get3A_2982, %get3A_2983] : memref<1x256xf32, #tpu.memory_space<vmem>>, vector<1x256xf32>
      %reduce_sum3A = vector.shape_cast %get3A_2984 : vector<1x256xf32> to vector<1x1x256xf32>
      %reduce_sum3A_2985 = arith.constant dense<0.000000e+00> : vector<1xf32>
      %reduce_sum3A_2986 = vector.multi_reduction <add>, %reduce_sum3A, %reduce_sum3A_2985 [1, 2] : vector<1x1x256xf32> to vector<1xf32>
      %reduce_sum3A_2987 = vector.shape_cast %reduce_sum3A_2986 : vector<1xf32> to vector<1x1x1xf32>
      %reduce_sum3A_2988 = vector.extract %reduce_sum3A_2987[0, 0, 0] : f32 from vector<1x1x1xf32>
      %get3A_2989 = arith.constant 0 : index
      %get3A_2990 = arith.constant 0 : index
      %get3A_2991 = vector.load %arg7[%get3A_2989, %get3A_2990] : memref<1x256xf32, #tpu.memory_space<vmem>>, vector<1x256xf32>
      %reduce_sum3A_2992 = vector.shape_cast %get3A_2991 : vector<1x256xf32> to vector<1x1x256xf32>
      %reduce_sum3A_2993 = arith.constant dense<0.000000e+00> : vector<1xf32>
      %reduce_sum3A_2994 = vector.multi_reduction <add>, %reduce_sum3A_2992, %reduce_sum3A_2993 [1, 2] : vector<1x1x256xf32> to vector<1xf32>
      %reduce_sum3A_2995 = vector.shape_cast %reduce_sum3A_2994 : vector<1xf32> to vector<1x1x1xf32>
      %reduce_sum3A_2996 = vector.extract %reduce_sum3A_2995[0, 0, 0] : f32 from vector<1x1x1xf32>
      %gt3A = arith.constant 0.000000e+00 : f32
      %gt3A_2997 = arith.cmpf ogt, %reduce_sum3A_2996, %gt3A : f32
      %add3A_2998 = arith.constant 9.99999997E-7 : f32
      %add3A_2999 = arith.addf %reduce_sum3A_2996, %add3A_2998 : f32
      %div3A = arith.divf %reduce_sum3A_2988, %add3A_2999 : f32
      %jit3A_3000 = arith.constant 0.000000e+00 : f32
      %select_n3A_3001 = arith.select %gt3A_2997, %div3A, %jit3A_3000 : f32
      %swap3A_3002 = arith.constant 0 : index
      %swap3A_3003 = arith.constant 0 : index
      %swap3A_3004 = memref.load %arg5[%swap3A_3002, %swap3A_3003] : memref<1x1xf32, #tpu.memory_space<smem>>
      memref.store %select_n3A_3001, %arg5[%swap3A_3002, %swap3A_3003] : memref<1x1xf32, #tpu.memory_space<smem>>
    } else {
    }
    return
  }
  func.func @transform_0(%arg0: i32, %arg1: i32) -> (i32, i32, i32) {
    %c0_i32 = arith.constant 0 : i32
    %c0_i32_0 = arith.constant 0 : i32
    %c0_i32_1 = arith.constant 0 : i32
    return %arg0, %c0_i32, %c0_i32_0 : i32, i32, i32
  }
  func.func @transform_1(%arg0: i32, %arg1: i32) -> (i32, i32, i32) {
    %c0_i32 = arith.constant 0 : i32
    %c0_i32_0 = arith.constant 0 : i32
    return %arg0, %c0_i32, %arg1 : i32, i32, i32
  }
  func.func @transform_2(%arg0: i32, %arg1: i32) -> (i32, i32, i32) {
    %c0_i32 = arith.constant 0 : i32
    %c0_i32_0 = arith.constant 0 : i32
    return %arg0, %arg1, %c0_i32 : i32, i32, i32
  }
  func.func @transform_3(%arg0: i32, %arg1: i32) -> (i32, i32) {
    %c0_i32 = arith.constant 0 : i32
    %c0_i32_0 = arith.constant 0 : i32
    %c0_i32_1 = arith.constant 0 : i32
    return %c0_i32, %c0_i32_0 : i32, i32
  }
}

</mosaic_0001>

<sc_bundles>
// kernel: gather_offload_async_start.1
scs
__scs_entry_jumppad:
0x0: {  	(pc) =	sbr.rel $0x88, $3  }
0x1: {  	(tag) =	ssettag $0x0;
	lr =	simm.s32 $0x1  }
0x2: {  	[smem:$0x3F9F] =	sst lr;
	_ =	strace $0xD0000000  }
0x3: {  	_ = 	snop  }
0x4: {  	_ = 	snop  }
0x5: {  	_ = 	snop  }
0x6: {  	_ = 	snop  }
0x7: {  	_ = 	snop  }
__scs_overlays_trampoline_lowered:
0x8: {  	[smem:$0x3FAE] =	sst s0  }
0x9: {  	[smem:$0x3FAF] =	sst s1  }
0xa: {  	[smem:$0x3FB0] =	sst s2  }
0xb: {  	[smem:$0x3FB1] =	sst s3  }
0xc: {  	[smem:$0x3FB2] =	sst s4  }
0xd: {  	[smem:$0x3FB3] =	sst s5  }
0xe: {  	[smem:$0x3FB4] =	sst s6  }
0xf: {  	[smem:$0x3FB5] =	sst s7  }
0x10: {  	[smem:$0x3FB6] =	sst s8  }
0x11: {  	[smem:$0x3FB7] =	sst s9;
	s0 =	simm.s32 @!p0 $0x0  }
0x12: {  	s1 =	sld [smem:$0x3F9D];
	s0 =	simm.s32 @p0 $0x1  }
0x13: {  	[smem:$0x3FB8] =	sst s0;
	s0 =	simm.s32 @!p1 $0x0  }
0x14: {  	s2 =	sld [smem:$0x3F9C];
	s0 =	simm.s32 @p1 $0x1  }
0x15: {  	[smem:$0x3FB9] =	sst s0;
	s0 =	simm.s32 @!p2 $0x0  }
0x16: {  	s3 =	sld [smem:$0x3FDB];
	s0 =	simm.s32 @p2 $0x1  }
0x17: {  	s4 =	simm.s32 $0x1BF5;
	[smem:$0x3FBB] =	sst s0  }
0x18: {  	s0 =	sld [smem:$0x3F9E];
	_ =	swait.ge [sflag:s4], $0x0  }
0x19: {  	s7 =	sld [smem:$0x3F9F]  }
0x1a: {  	s8 =	sadd.s32 $0xFFFFE003, lr  }
0x1b: {  	s9 =	sadd.s32 $0xFFFFFEF7, lr;
	s5 =	simm.s32 $0xFFFFFFFF;
	p2 =	slt.u32 s8, $0xFFFFF086  }
0x1c: {  	p1 =	slt.u32 s9, $0xF7A;
	s5 =	simm.s32 @!p2 $0x0  }
0x1d: {  	s5 =	simm.s32 @p1 $0x1;
	p0 =	seq.s32 s7, s2  }
0x1e: {  	s7 =	smul.u32 @!p0 $0xF7A, s2;
	p2 =	seq.s32 @!p0 s5, $0x0  }
0x1f: {  	s9 =	smul.u32 $0xF7A, s1;
	s8 =	simm.s32 @!p0 $0x1BF5;
	p2 =	por !p2, p0  }
0x20: {  	[sflag:s8] =	ssyncset.s32 @!p0 $0xFFFFF086;
	s6 =	sadd.s32 @!p0 s3, s7;
	s7 =	simm.s32 @!p0 $0x108  }
0x21: {  	s3 =	sadd.s32 s3, s9;
	s6 =	sadd.s32 @!p0 $0x88, s6;
	s7 =	simm.s32 @p2 $0x1082  }
0x22: {  	[simem:s7], [sflag:s8] =	dma.local @!p0 [hbm:s6], $0xF7A  }
0x23: {  	s9 =	sor.u32 $0xD0000000, s2;
	s6 =	simm.s32 $0x108;
	_ =	swait.ge @!p0 [sflag:s8], $0x0  }
0x24: {  	s3 =	sadd.s32 $0x88, s3;
	s6 =	simm.s32 @!p1 $0x1082;
	[sflag:s4] =	ssyncset.s32 $0xFFFFF086  }
0x25: {  	[simem:s6], [sflag:s4] =	dma.local [hbm:s3], $0xF7A  }
0x26: {  	[smem:$0x3F9F] =	sst s1;
	(tag) =	ssettag s2;
	_ =	strace s9  }
0x27: {  	s1 =	sld [smem:$0x3FAF]  }
0x28: {  	s2 =	sld [smem:$0x3FB0]  }
0x29: {  	s4 =	sld [smem:$0x3FB2]  }
0x2a: {  	p0 =	seq.s32 s5, $0x0;
	s5 =	sld [smem:$0x3FB3]  }
0x2b: {  	s6 =	sld [smem:$0x3FB4]  }
0x2c: {  	s7 =	sld [smem:$0x3FB5]  }
0x2d: {  	s3 =	simm.s32 $0x108;
	s8 =	sld [smem:$0x3FB6]  }
0x2e: {  	s3 =	simm.s32 @!p0 $0x1082;
	s9 =	sld [smem:$0x3FB7]  }
0x2f: {  	lr =	sadd.s32 s0, s3;
	s0 =	sld [smem:$0x3FAE]  }
0x30: {  	s3 =	sld [smem:$0x3FB1]  }
0x31: {  	[smem:$0x3FBA] =	sst s10  }
0x32: {  	s10 =	sld [smem:$0x3FB8];
	_ =	sdelay $0x3  }
0x33: {  	p0 =	seq.s32 s10, $0x1;
	s10 =	sld [smem:$0x3FBA];
	_ =	sdelay $0x3  }
0x34: {  	[smem:$0x3FBA] =	sst s10  }
0x35: {  	s10 =	sld [smem:$0x3FB9];
	_ =	sdelay $0x3  }
0x36: {  	p1 =	seq.s32 s10, $0x1;
	s10 =	sld [smem:$0x3FBA];
	_ =	sdelay $0x3  }
0x37: {  	[smem:$0x3FBA] =	sst s10  }
0x38: {  	s10 =	sld [smem:$0x3FBB]  }
0x39: {  	_ = 	snop;
	(pc) =	sbr.ind lr, $3  }
0x3a: {  	_ = 	snop  }
0x3b: {  	_ = 	snop  }
0x3c: {  	p2 =	seq.s32 s10, $0x1;
	s10 =	sld [smem:$0x3FBA]  }
0x3d: {  	_ =	shalt  }
0x3e: {  	_ =	shalt  }
0x3f: {  	_ =	shalt  }
0x40: {  	_ =	shalt  }
0x41: {  	_ =	shalt  }
0x42: {  	_ =	shalt  }
0x43: {  	_ =	shalt  }
0x44: {  	_ =	shalt  }
0x45: {  	_ =	shalt  }
0x46: {  	_ =	shalt  }
0x47: {  	_ =	shalt  }
0x48: {  	_ =	shalt  }
0x49: {  	_ =	shalt  }
0x4a: {  	_ =	shalt  }
0x4b: {  	_ =	shalt  }
0x4c: {  	_ =	shalt  }
0x4d: {  	_ =	shalt  }
0x4e: {  	_ =	shalt  }
0x4f: {  	_ =	shalt  }
0x50: {  	_ =	shalt  }
0x51: {  	_ =	shalt  }
0x52: {  	_ =	shalt  }
0x53: {  	_ =	shalt  }
0x54: {  	_ =	shalt  }
0x55: {  	_ =	shalt  }
0x56: {  	_ =	shalt  }
0x57: {  	_ =	shalt  }
0x58: {  	_ =	shalt  }
0x59: {  	_ =	shalt  }
0x5a: {  	_ =	shalt  }
0x5b: {  	_ =	shalt  }
0x5c: {  	_ =	shalt  }
0x5d: {  	_ =	shalt  }
0x5e: {  	_ =	shalt  }
0x5f: {  	_ =	shalt  }
0x60: {  	_ =	shalt  }
0x61: {  	_ =	shalt  }
0x62: {  	_ =	shalt  }
0x63: {  	_ =	shalt  }
0x64: {  	_ =	shalt  }
0x65: {  	_ =	shalt  }
0x66: {  	_ =	shalt  }
0x67: {  	_ =	shalt  }
0x68: {  	_ =	shalt  }
0x69: {  	_ =	shalt  }
0x6a: {  	_ =	shalt  }
0x6b: {  	_ =	shalt  }
0x6c: {  	_ =	shalt  }
0x6d: {  	_ =	shalt  }
0x6e: {  	_ =	shalt  }
0x6f: {  	_ =	shalt  }
0x70: {  	_ =	shalt  }
0x71: {  	_ =	shalt  }
0x72: {  	_ =	shalt  }
0x73: {  	_ =	shalt  }
0x74: {  	_ =	shalt  }
0x75: {  	_ =	shalt  }
0x76: {  	_ =	shalt  }
0x77: {  	_ =	shalt  }
0x78: {  	_ =	shalt  }
0x79: {  	_ =	shalt  }
0x7a: {  	_ =	shalt  }
0x7b: {  	_ =	shalt  }
0x7c: {  	_ =	shalt  }
0x7d: {  	_ =	shalt  }
0x7e: {  	_ =	shalt  }
0x7f: {  	_ =	shalt  }
0x80: {  	_ =	shalt  }
0x81: {  	_ =	shalt  }
0x82: {  	_ =	shalt  }
0x83: {  	_ =	shalt  }
0x84: {  	_ =	shalt  }
0x85: {  	_ =	shalt  }
0x86: {  	_ =	shalt  }
0x87: {  	_ =	shalt  }
.Lfunc_end0:
.L_simem_size_0:
called_computation.1_lowered:
.L_overlay_start_0:
0x88: {  	s2 =	sld [smem:$0x3FD9]  }
0x89: {  	s3 =	sld [smem:$0x3FFE];
	_ =	sdelay $0x1  }
0x8a: {  	s1 =	srdreg.scid  }
0x8b: {  	s0 =	sand.u32 $0x1, s1  }
0x8c: {  	s17 =	sshll.u32 s0, $0xA;
	s2 =	sadd.s32 s3, s2  }
0x8d: {  	s2 =	sadd.s32 s2, s17  }
0x8e: {  	[smem:$0x3FC6] =	sst s2  }
0x8f: {  	_ = 	snop  }
0x90: {  	(tm) =	ssettm $0x1  }
0x91: {  	s18 =	sld [smem:$0x3FFB];
	_ =	sdelay $0x3  }
0x92: {  	_ =	strace s18  }
0x93: {  	s2 =	sld [smem:$0x3FFC];
	_ =	sdelay $0x3  }
0x94: {  	_ =	strace s2  }
0x95: {  	s2 =	sld [smem:$0x3FFD];
	_ =	sdelay $0x3  }
0x96: {  	_ =	strace s2  }
0x97: {  	_ =	strace $0x8FFFFFFF  }
0x98: {  	s19 =	sld [smem:$0x3FDB];
	_ =	sdelay $0x1  }
0x99: {  	s20 =	simm.s32 $_scs_section_size  }
0x9a: {  	s4 =	simm.s32 $_size__tile_overlayer_lowered;
	s5 =	simm.s32 $_tile_overlayer_lowered  }
0x9b: {  	s6 =	simm.s32 $0x1BFF;
	s21 =	sshll.u32 s5, $0x1;
	s3 =	sadd.s32 s20, s19  }
0x9c: {  	s22 =	simm.s32 $0x0;
	s4 =	sshll.u32 s4, $0x1;
	s5 =	sadd.s32 s21, s3  }
0x9d: {  	[timem:s22], [sflag:s6] =	dma.local [hbm:s5], s4  }
0x9e: {  	_ =	swait.ge [sflag:s6], s4  }
0x9f: {  	s4 =	ssub.s32 $0x0, s4;
	[sflag:s6] =	ssyncset.done $0x0  }
0xa0: {  	[sflag:s6] =	ssyncadd.s32 s4;
	_ =	sdelay $0x1  }
0xa1: {  	s23 =	simm.s32 $0x1B8B  }
0xa2: {  	_ =	swait.ge [sflag:s23], $0x1  }
0xa3: {  	[sflag:s23] =	ssyncset.done $0x0  }
0xa4: {  	[sflag:s23] =	ssyncadd.s32 $0xFFFFFFFF  }
0xa5: {  	s4 =	sld [smem:$0x0]  }
0xa6: {  	s5 =	sand.u32 $0xFFFFFFFE, s1  }
0xa7: {  	p0 =	sne.s32 s1, s5  }
0xa8: {  	s5 =	sshll.u32 @p0 s5, $0xE  }
0xa9: {  	s5 =	sadd.s32 @p0 $0x11B8D, s5;
	s6 =	sshll.u32 @p0 s4, $0x11  }
0xaa: {  	s5 =	sor.u32 @p0 s6, s5  }
0xab: {  	[sflag:s5] =	ssyncadd.remote.s32 @p0 $0x1;
	_ =	sdelay $0x1  }
0xac: {  	s5 =	simm.s32 @p0 $0x1B8D  }
0xad: {  	_ =	swait.eq @p0 [sflag:s5], $0x1  }
0xae: {  	[sflag:s5] =	ssyncadd.s32 @p0 $0xFFFFFFFF  }
0xaf: {  	s6 =	sshll.u32 @!p0 s1, $0xE  }
0xb0: {  	s6 =	sor.u32 @!p0 $0x4000, s6;
	s5 =	simm.s32 @!p0 $0x1B8D  }
0xb1: {  	s4 =	sshll.u32 @!p0 s4, $0x11;
	s6 =	sadd.s32 @!p0 $0x11B8D, s6;
	_ =	swait.eq @!p0 [sflag:s5], $0x1  }
0xb2: {  	s4 =	sor.u32 @!p0 s4, s6;
	[sflag:s5] =	ssyncadd.s32 @!p0 $0xFFFFFFFF  }
0xb3: {  	s25 =	simm.s32 $0x1B8E;
	s24 =	sld [smem:$0x3FFE];
	[sflag:s4] =	ssyncadd.remote.s32 @!p0 $0x1  }
0xb4: {  	s26 =	simm.s32 $execute0_lowered;
	[smem:$0x3FD2] =	sst s25  }
0xb5: {  	s5 =	sshll.u32 s26, $0x1;
	_ =	strace $0x80000049;
	[dreg:$0x1] =	wrdreg $0xFFFFFFFF  }
0xb6: {  	s28 =	simm.s32 $_size_execute0_lowered;
	s3 =	sadd.s32 s3, s5;
	[dreg:$0x0] =	wrdreg $0x0  }
0xb7: {  	s5 =	sshll.u32 s28, $0x1;
	[dreg:$0x2] =	wrdreg s3  }
0xb8: {  	[dreg:$0x3] =	wrdreg s5  }
0xb9: {  	[dreg:$0x4] =	wrdreg $0xC0  }
0xba: {  	_ =	task [dreg:s22], $0x5FFFF  }
0xbb: {  	[dreg:$0x1] =	wrdreg $0xFFFFFFFF  }
0xbc: {  	[dreg:$0x0] =	wrdreg $0x60  }
0xbd: {  	[dreg:$0x2] =	wrdreg s24  }
0xbe: {  	[dreg:$0x3] =	wrdreg $0xA  }
0xbf: {  	_ =	task.clear_ibuf [dreg:s22], $0x4FFFF;
	_ =	strace $0x90000049  }
0xc0: {  	s29 =	simm.s32 $0xA;
	_ =	strace $0x8000004B  }
0xc1: {  	_ =	swait.ge [sflag:s29], $0x1  }
0xc2: {  	[sflag:s29] =	ssyncadd.s32 $0xFFFFFFFF  }
0xc3: {  	_ =	strace $0x9000004B  }
0xc4: {  	_ =	sfence  }
0xc5: {  	s30 =	sld [smem:$0x0];
	_ =	sdelay $0x2  }
0xc6: {  	s31 =	sshll.u32 s1, $0xD;
	s1 =	sshrl.u32 s1, $0x2  }
0xc7: {  	s4 =	sand.u32 $0x4000, s31;
	s1 =	sadd.s32 s1, s30  }
0xc8: {  	s0 =	sor.u32 s4, s0;
	s1 =	sshll.u32 s1, $0x11  }
0xc9: {  	s0 =	sor.u32 s1, s0  }
0xca: {  	s0 =	sadd.s32 $0x8F2B, s0  }
0xcb: {  	[sflag:s0] =	ssyncadd.remote.s32 $0x1  }
0xcc: {  	_ =	sfence.sel $0xFFFF  }
0xcd: {  	[dreg:$0x0] =	wrdreg $0xFFFFFFFF;
	(pc) =	sbr.abs _section_cstart, $3  }
0xce: {  	[dreg:$0x1] =	wrdreg $0xFFFFFFFF  }
0xcf: {  	_ =	task.clear_ibuf [dreg:s22], $0x2FFFF;
	_ =	strace $0x9FFFFFFF  }
0xd0: {  	(tm) =	ssettm $0x7FFFFFFF  }
0xd1: {  	_ =	shalt  }
tec
execute0_lowered:
.L_overlay_start_1:
0x0: {  	(tag) =	ssettag $0x1  }
0x1: {  	s7 =	rddreg [dreg:$0x0]  }
0x2: {  	s0 =	rddreg [dreg:$0x1];
	_ =	strace $0x8000004A  }
0x3: {  	s1 =	srdreg.scid;
	s4 =	simm.s32 $0x1;
	s9 =	simm.s32 $0x3  }
0x4: {  	s11 =	simm.s32 $0x0;
	p0 =	por $0x0, $0x0;
	s5 =	sshll.u32 s1, $0x4  }
.Ltmp0:
0x5: {  	s1 =	stileid.u32;
	s5 =	sand.u32 $0x10, s5;
	(pc) =	sbr.rel .LBB2_1-.Ltmp0, $4  }
0x6: {  	s2 =	sadd.s32 $0x81A00, s7;
	s3 =	sadd.s32 $0x281A00, s7;
	s6 =	sor.u32 s1, s5  }
0x7: {  	[sflag:s4] =	ssyncpa.u1 $0x0;
	s5 =	simm.s32 $0x2;
	s6 =	sshll.u32 s6, $0xC  }
0x8: {  	s7 =	sadd.s32 $0x285A00, s7;
	[sflag:s5] =	ssyncpa.u1 $0x0;
	s8 =	sadd.s32 $0x1000, s6  }
0x9: {  	vm0 =	vmmov $0xff;
	vm1 =	vcmask $0x3F20;
	[sflag:s9] =	ssyncpa.u1 $0x0;
	s10 =	smov.u32 s6;
	s9 =	simm.s32 $0x0  }
.LBB2_7:
0xa: {  	p1 =	slt.u32 s9, $0x2;
	s11 =	sadd.s32 $0x100, s10  }
0xb: {  	s13 =	smov.u32 s6;
	s9 =	sadd.s32 $0x1, s9;
	p2 =	slt.s32 s11, s8  }
0xc: {  	s13 =	smov.u32 @p2 s11;
	p2 =	sne.s32 s9, $0x12  }
.Ltmp1:
0xd: {  	_ = 	snop;
	(pc) =	sbr.rel @!p2 .LBB2_8-.Ltmp1, $4  }
0xe: {  	s12 =	simm.s32 @!p1 $0x3  }
0xf: {  	_ =	swait.ge @!p1 [sflag:s12], $0x8000  }
0x10: {  	p0 =	por !p0, !p0;
	[sflag:s12] =	ssyncset.done @!p1 $0x0  }
0x11: {  	s11 =	smov.u32 s10;
	s10 =	smov.u32 s13;
	[sflag:s12] =	ssyncadd.s32 @!p1 $0xFFFF8000  }
.LBB2_1:
0x12: {  	p1 =	sgt.u32 s9, $0xF  }
0x13: {  	s12 =	sxor.u32 @!p1 $0xFFFFFFFF, s9  }
0x14: {  	s13 =	sshrl.u32 @!p1 s10, $0x3;
	s12 =	sshll.u32 @!p1 s12, $0x8  }
0x15: {  	s14 =	sand.u32 @!p1 $0x7, s10;
	s13 =	sadd.s32 @!p1 s3, s13;
	s12 =	sand.u32 @!p1 $0x100, s12  }
0x16: {  	[tilespmem:s12], [sflag:$0x2] =	stream.linear.gather @!p1 [hbm4b:s13+s14], $0x100, $0x38;
	[tilespmem:$0x10200] =	vst v63  }
0x17: {  	p1 =	seq.s32 s9, $0x0  }
0x18: {  	p2 =	seq.s32 @!p1 s9, $0x11  }
0x19: {  	p1 =	por p1, p2  }
.Ltmp2:
0x1a: {  	_ = 	snop;
	(pc) =	sbr.rel @p1 .LBB2_7-.Ltmp2, $1  }
0x1b: {  	_ =	sdelay $0x3  }
0x1c: {  	s12 =	simm.s32 $0x1  }
0x1d: {  	_ =	swait.ge [sflag:s5], $0x100;
	s12 =	simm.s32 @!p0 $0x0  }
0x1e: {  	[sflag:s5] =	ssyncset.done $0x0;
	s14 =	sshll.u32 s12, $0x8  }
0x1f: {  	[sflag:s5] =	ssyncadd.s32 $0xFFFFFF00;
	s13 =	sadd.s32 $0x0, s14  }
0x20: {  	v0 =	vld.msk [tilespmem:s13+$0x0 ss:$0x1], $0xffff;
	_ =	sdelay $0x4  }
0x21: {  	v1 =	vshll.u32 v0, $0x4  }
0x22: {  	vm2 =	veq.s32 v0, $0x80000000;
	v0 =	vshll.u32 v0, $0x15;
	v1 =	vand.u32 $0x1FFF80, v1  }
0x23: {  	v0 =	vand.u32 $0xE00000, v0;
	v1 =	vsel vm2, $0xFFFFFF80, v1  }
0x24: {  	v0 =	vsel vm2, $0xFFE00000, v0;
	v2 =	vand.u32 $0xFFFFFC00, v1  }
0x25: {  	v1 =	vand.u32 $0x380, v1;
	v0 =	vadd.s32 v0, v2  }
0x26: {  	v0 =	vor.u32 v1, v0  }
0x27: {  	v0 =	vshrl.u32 v0, $0x3;
	_ =	sdelay $0x2  }
0x28: {  	s12 =	sshll.u32 s12, $0xF  }
0x29: {  	s12 =	sor.u32 $0x200, s12  }
0x2a: {  	[tilespmem:s12], [sflag:$0x1] =	stream.indirect_vreg.gather [hbm:s2], $0x80, v0, vm0, $0x38;
	[tilespmem:$0x10200] =	vst v63  }
0x2b: {  	s15 =	sadd.s32 $0x10, s14;
	s13 =	sadd.s32 $0x400, s12  }
0x2c: {  	[tilespmem:s13], [sflag:$0x1] =	stream.indirect_vreg.gather [hbm:s2], $0x80, v0, vm1, $0x38;
	[tilespmem:$0x10200] =	vst v63  }
0x2d: {  	s16 =	simm.s32 $0x80;
	v0 =	vld.msk [tilespmem:s15+$0x0 ss:$0x1], $0xffff;
	s15 =	smov.u32 s12  }
.LBB2_3:
0x2e: {  	p1 =	sne.s32 s16, $0x3C0;
	_ =	sdelay $0x4  }
0x2f: {  	v1 =	vshll.u32 v0, $0x4  }
0x30: {  	vm2 =	veq.s32 v0, $0x80000000;
	v0 =	vshll.u32 v0, $0x15;
	v1 =	vand.u32 $0x1FFF80, v1  }
0x31: {  	v0 =	vand.u32 $0xE00000, v0;
	v1 =	vsel vm2, $0xFFFFFF80, v1  }
0x32: {  	v0 =	vsel vm2, $0xFFE00000, v0;
	v2 =	vand.u32 $0xFFFFFC00, v1  }
0x33: {  	v1 =	vand.u32 $0x380, v1;
	v0 =	vadd.s32 v0, v2  }
0x34: {  	v0 =	vor.u32 v1, v0  }
0x35: {  	v0 =	vshrl.u32 v0, $0x3;
	_ =	sdelay $0x3  }
.Ltmp3:
0x36: {  	s17 =	sshra.s32 s16, $0x2;
	s15 =	sadd.s32 $0x800, s15;
	(pc) =	sbr.rel @p1 .LBB2_3-.Ltmp3, $4  }
0x37: {  	[tilespmem:s15], [sflag:$0x1] =	stream.indirect_vreg.gather [hbm:s2], $0x80, v0, vm0, $0x38;
	[tilespmem:$0x10200] =	vst v63  }
0x38: {  	s17 =	sadd.s32 s17, s14;
	s18 =	sadd.s32 $0x400, s15  }
0x39: {  	[tilespmem:s18], [sflag:$0x1] =	stream.indirect_vreg.gather [hbm:s2], $0x80, v0, vm1, $0x38;
	[tilespmem:$0x10200] =	vst v63  }
0x3a: {  	s16 =	sadd.s32 $0x40, s16;
	v0 =	vld.msk [tilespmem:s17+$0x0 ss:$0x1], $0xffff  }
0x3b: {  	_ =	sdelay $0x3  }
0x3c: {  	v1 =	vshll.u32 v0, $0x4  }
0x3d: {  	vm2 =	veq.s32 v0, $0x80000000;
	v63 =	vshll.u32 v0, $0x15;
	v1 =	vand.u32 $0x1FFF80, v1  }
0x3e: {  	v0 =	vand.u32 $0xE00000, v63;
	v1 =	vsel vm2, $0xFFFFFF80, v1  }
0x3f: {  	v0 =	vsel vm2, $0xFFE00000, v0;
	v2 =	vand.u32 $0xFFFFFC00, v1  }
0x40: {  	v1 =	vand.u32 $0x380, v1;
	v0 =	vadd.s32 v0, v2  }
0x41: {  	v0 =	vor.u32 v1, v0  }
0x42: {  	v0 =	vshrl.u32 v0, $0x3;
	_ =	sdelay $0x3  }
0x43: {  	s14 =	sadd.s32 $0x800, s15  }
0x44: {  	[tilespmem:s14], [sflag:$0x1] =	stream.indirect_vreg.gather [hbm:s2], $0x80, v0, vm0, $0x38;
	[tilespmem:$0x10200] =	vst v63  }
0x45: {  	s14 =	sadd.s32 $0x400, s14  }
0x46: {  	[tilespmem:s14], [sflag:$0x1] =	stream.indirect_vreg.gather [hbm:s2], $0x80, v0, vm1, $0x38;
	[tilespmem:$0x10200] =	vst v63  }
0x47: {  	s11 =	sshll.u32 s11, $0x4;
	_ =	swait.ge [sflag:s4], $0x8000  }
0x48: {  	s11 =	sadd.s32 s11, s7;
	[sflag:s4] =	ssyncset.done $0x0  }
0x49: {  	s15 =	sadd.s32 $0x0, s11;
	s14 =	simm.s32 $0x80;
	[sflag:s4] =	ssyncadd.s32 $0xFFFF8000  }
.LBB2_5:
0x4a: {  	[hbm:s15] =	stream.linear.scatter [tilespmem:s12], [sflag:$0x3], $0x400, $0x38;
	[tilespmem:$0x10200] =	vst v63  }
0x4b: {  	s15 =	smov.u32 s14;
	s12 =	smov.u32 s13;
	p1 =	sne.s32 s14, $0xF80  }
.Ltmp4:
0x4c: {  	s14 =	sadd.s32 $0x80, s14;
	(pc) =	sbr.rel @p1 .LBB2_5-.Ltmp4, $2  }
0x4d: {  	_ =	sdelay $0x2  }
0x4e: {  	s13 =	sadd.s32 $0x400, s13;
	s15 =	sadd.s32 s15, s11  }
.Ltmp5:
0x4f: {  	(pc) =	sbr.rel .LBB2_7-.Ltmp5, $2  }
0x50: {  	_ =	sdelay $0x2  }
0x51: {  	[hbm:s15] =	stream.linear.scatter [tilespmem:s12], [sflag:$0x3], $0x400, $0x38;
	[tilespmem:$0x10200] =	vst v63  }
.LBB2_8:
0x52: {  	_ =	sfence.sel $0x180000  }
0x53: {  	s2 =	simm.s32 $0x2;
	[bflag:$0x0] =	sbarrier.arrive $0xFFFF  }
0x54: {  	s30 =	simm.s32 $0x3;
	[sflag:s2] =	ssyncpa.u1 $0x1  }
0x55: {  	s31 =	simm.s32 $0x1;
	[sflag:s30] =	ssyncpa.u1 $0x1  }
0x56: {  	[sflag:s31] =	ssyncpa.u1 $0x1  }
0x57: {  	p0 =	sne.s32 s1, $0x0;
	_ =	strace $0x9000004A  }
0x58: {  	s0 =	sadd.s32 @!p0 $0x100000, s0;
	[bflag:$0x2] =	sbarrier.arrive $0xFFFF  }
0x59: {  	[sflag:s0] =	ssyncadd.tile.s32 @!p0 $0x1;
	_ =	shalt  }
.Lfunc_end2:
_tile_overlayer_lowered:
.L_overlay_start_2:
0x5a: {  	(tag) =	ssettag $0x2  }
0x5b: {  	s0 =	rddreg [dreg:$0x0];
	s2 =	stileid.u32  }
0x5c: {  	s1 =	rddreg [dreg:$0x1];
	p0 =	sne.s32 s2, $0x0  }
0x5d: {  	s3 =	rddreg [dreg:$0x2];
	[bflag:$0x3] =	sbarrier.arrive $0xFFFF;
	s2 =	simm.s32 @!p0 $0x1C01  }
0x5e: {  	[timem:s3], [sflag:s2] =	dma.local @!p0 [hbm:s0], s1  }
0x5f: {  	s0 =	simm.s32 @!p0 $0x1  }
0x60: {  	_ =	swait.ge @!p0 [sflag:s0], s1  }
0x61: {  	s1 =	ssub.s32 @!p0 $0x0, s1;
	[sflag:s0] =	ssyncset.done @!p0 $0x0  }
0x62: {  	[sflag:s0] =	ssyncadd.s32 @!p0 s1  }
0x63: {  	[bflag:$0x3] =	sbarrier.arrive $0xFFFF  }
0x64: {  	_ =	shalt  }

// kernel: gather_offload_async_start
scs
__scs_entry_jumppad:
0x0: {  	(pc) =	sbr.rel $0x88, $3  }
0x1: {  	(tag) =	ssettag $0x0;
	lr =	simm.s32 $0x1  }
0x2: {  	[smem:$0x3F9F] =	sst lr;
	_ =	strace $0xD0000000  }
0x3: {  	_ = 	snop  }
0x4: {  	_ = 	snop  }
0x5: {  	_ = 	snop  }
0x6: {  	_ = 	snop  }
0x7: {  	_ = 	snop  }
__scs_overlays_trampoline_lowered:
0x8: {  	[smem:$0x3FAE] =	sst s0  }
0x9: {  	[smem:$0x3FAF] =	sst s1  }
0xa: {  	[smem:$0x3FB0] =	sst s2  }
0xb: {  	[smem:$0x3FB1] =	sst s3  }
0xc: {  	[smem:$0x3FB2] =	sst s4  }
0xd: {  	[smem:$0x3FB3] =	sst s5  }
0xe: {  	[smem:$0x3FB4] =	sst s6  }
0xf: {  	[smem:$0x3FB5] =	sst s7  }
0x10: {  	[smem:$0x3FB6] =	sst s8  }
0x11: {  	[smem:$0x3FB7] =	sst s9;
	s0 =	simm.s32 @!p0 $0x0  }
0x12: {  	s1 =	sld [smem:$0x3F9D];
	s0 =	simm.s32 @p0 $0x1  }
0x13: {  	[smem:$0x3FB8] =	sst s0;
	s0 =	simm.s32 @!p1 $0x0  }
0x14: {  	s2 =	sld [smem:$0x3F9C];
	s0 =	simm.s32 @p1 $0x1  }
0x15: {  	[smem:$0x3FB9] =	sst s0;
	s0 =	simm.s32 @!p2 $0x0  }
0x16: {  	s3 =	sld [smem:$0x3FDB];
	s0 =	simm.s32 @p2 $0x1  }
0x17: {  	s4 =	simm.s32 $0x1BF5;
	[smem:$0x3FBB] =	sst s0  }
0x18: {  	s0 =	sld [smem:$0x3F9E];
	_ =	swait.ge [sflag:s4], $0x0  }
0x19: {  	s7 =	sld [smem:$0x3F9F]  }
0x1a: {  	s8 =	sadd.s32 $0xFFFFE003, lr  }
0x1b: {  	s9 =	sadd.s32 $0xFFFFFEF7, lr;
	s5 =	simm.s32 $0xFFFFFFFF;
	p2 =	slt.u32 s8, $0xFFFFF086  }
0x1c: {  	p1 =	slt.u32 s9, $0xF7A;
	s5 =	simm.s32 @!p2 $0x0  }
0x1d: {  	s5 =	simm.s32 @p1 $0x1;
	p0 =	seq.s32 s7, s2  }
0x1e: {  	s7 =	smul.u32 @!p0 $0xF7A, s2;
	p2 =	seq.s32 @!p0 s5, $0x0  }
0x1f: {  	s9 =	smul.u32 $0xF7A, s1;
	s8 =	simm.s32 @!p0 $0x1BF5;
	p2 =	por !p2, p0  }
0x20: {  	[sflag:s8] =	ssyncset.s32 @!p0 $0xFFFFF086;
	s6 =	sadd.s32 @!p0 s3, s7;
	s7 =	simm.s32 @!p0 $0x108  }
0x21: {  	s3 =	sadd.s32 s3, s9;
	s6 =	sadd.s32 @!p0 $0x88, s6;
	s7 =	simm.s32 @p2 $0x1082  }
0x22: {  	[simem:s7], [sflag:s8] =	dma.local @!p0 [hbm:s6], $0xF7A  }
0x23: {  	s9 =	sor.u32 $0xD0000000, s2;
	s6 =	simm.s32 $0x108;
	_ =	swait.ge @!p0 [sflag:s8], $0x0  }
0x24: {  	s3 =	sadd.s32 $0x88, s3;
	s6 =	simm.s32 @!p1 $0x1082;
	[sflag:s4] =	ssyncset.s32 $0xFFFFF086  }
0x25: {  	[simem:s6], [sflag:s4] =	dma.local [hbm:s3], $0xF7A  }
0x26: {  	[smem:$0x3F9F] =	sst s1;
	(tag) =	ssettag s2;
	_ =	strace s9  }
0x27: {  	s1 =	sld [smem:$0x3FAF]  }
0x28: {  	s2 =	sld [smem:$0x3FB0]  }
0x29: {  	s4 =	sld [smem:$0x3FB2]  }
0x2a: {  	p0 =	seq.s32 s5, $0x0;
	s5 =	sld [smem:$0x3FB3]  }
0x2b: {  	s6 =	sld [smem:$0x3FB4]  }
0x2c: {  	s7 =	sld [smem:$0x3FB5]  }
0x2d: {  	s3 =	simm.s32 $0x108;
	s8 =	sld [smem:$0x3FB6]  }
0x2e: {  	s3 =	simm.s32 @!p0 $0x1082;
	s9 =	sld [smem:$0x3FB7]  }
0x2f: {  	lr =	sadd.s32 s0, s3;
	s0 =	sld [smem:$0x3FAE]  }
0x30: {  	s3 =	sld [smem:$0x3FB1]  }
0x31: {  	[smem:$0x3FBA] =	sst s10  }
0x32: {  	s10 =	sld [smem:$0x3FB8];
	_ =	sdelay $0x3  }
0x33: {  	p0 =	seq.s32 s10, $0x1;
	s10 =	sld [smem:$0x3FBA];
	_ =	sdelay $0x3  }
0x34: {  	[smem:$0x3FBA] =	sst s10  }
0x35: {  	s10 =	sld [smem:$0x3FB9];
	_ =	sdelay $0x3  }
0x36: {  	p1 =	seq.s32 s10, $0x1;
	s10 =	sld [smem:$0x3FBA];
	_ =	sdelay $0x3  }
0x37: {  	[smem:$0x3FBA] =	sst s10  }
0x38: {  	s10 =	sld [smem:$0x3FBB]  }
0x39: {  	_ = 	snop;
	(pc) =	sbr.ind lr, $3  }
0x3a: {  	_ = 	snop  }
0x3b: {  	_ = 	snop  }
0x3c: {  	p2 =	seq.s32 s10, $0x1;
	s10 =	sld [smem:$0x3FBA]  }
0x3d: {  	_ =	shalt  }
0x3e: {  	_ =	shalt  }
0x3f: {  	_ =	shalt  }
0x40: {  	_ =	shalt  }
0x41: {  	_ =	shalt  }
0x42: {  	_ =	shalt  }
0x43: {  	_ =	shalt  }
0x44: {  	_ =	shalt  }
0x45: {  	_ =	shalt  }
0x46: {  	_ =	shalt  }
0x47: {  	_ =	shalt  }
0x48: {  	_ =	shalt  }
0x49: {  	_ =	shalt  }
0x4a: {  	_ =	shalt  }
0x4b: {  	_ =	shalt  }
0x4c: {  	_ =	shalt  }
0x4d: {  	_ =	shalt  }
0x4e: {  	_ =	shalt  }
0x4f: {  	_ =	shalt  }
0x50: {  	_ =	shalt  }
0x51: {  	_ =	shalt  }
0x52: {  	_ =	shalt  }
0x53: {  	_ =	shalt  }
0x54: {  	_ =	shalt  }
0x55: {  	_ =	shalt  }
0x56: {  	_ =	shalt  }
0x57: {  	_ =	shalt  }
0x58: {  	_ =	shalt  }
0x59: {  	_ =	shalt  }
0x5a: {  	_ =	shalt  }
0x5b: {  	_ =	shalt  }
0x5c: {  	_ =	shalt  }
0x5d: {  	_ =	shalt  }
0x5e: {  	_ =	shalt  }
0x5f: {  	_ =	shalt  }
0x60: {  	_ =	shalt  }
0x61: {  	_ =	shalt  }
0x62: {  	_ =	shalt  }
0x63: {  	_ =	shalt  }
0x64: {  	_ =	shalt  }
0x65: {  	_ =	shalt  }
0x66: {  	_ =	shalt  }
0x67: {  	_ =	shalt  }
0x68: {  	_ =	shalt  }
0x69: {  	_ =	shalt  }
0x6a: {  	_ =	shalt  }
0x6b: {  	_ =	shalt  }
0x6c: {  	_ =	shalt  }
0x6d: {  	_ =	shalt  }
0x6e: {  	_ =	shalt  }
0x6f: {  	_ =	shalt  }
0x70: {  	_ =	shalt  }
0x71: {  	_ =	shalt  }
0x72: {  	_ =	shalt  }
0x73: {  	_ =	shalt  }
0x74: {  	_ =	shalt  }
0x75: {  	_ =	shalt  }
0x76: {  	_ =	shalt  }
0x77: {  	_ =	shalt  }
0x78: {  	_ =	shalt  }
0x79: {  	_ =	shalt  }
0x7a: {  	_ =	shalt  }
0x7b: {  	_ =	shalt  }
0x7c: {  	_ =	shalt  }
0x7d: {  	_ =	shalt  }
0x7e: {  	_ =	shalt  }
0x7f: {  	_ =	shalt  }
0x80: {  	_ =	shalt  }
0x81: {  	_ =	shalt  }
0x82: {  	_ =	shalt  }
0x83: {  	_ =	shalt  }
0x84: {  	_ =	shalt  }
0x85: {  	_ =	shalt  }
0x86: {  	_ =	shalt  }
0x87: {  	_ =	shalt  }
.Lfunc_end0:
.L_simem_size_0:
called_computation_lowered:
.L_overlay_start_0:
0x88: {  	s2 =	sld [smem:$0x3FD9]  }
0x89: {  	s3 =	sld [smem:$0x3FFE];
	_ =	sdelay $0x1  }
0x8a: {  	s1 =	srdreg.scid  }
0x8b: {  	s0 =	sand.u32 $0x1, s1  }
0x8c: {  	s16 =	sshll.u32 s0, $0xA;
	s2 =	sadd.s32 s3, s2  }
0x8d: {  	s2 =	sadd.s32 s2, s16  }
0x8e: {  	[smem:$0x3FC6] =	sst s2  }
0x8f: {  	_ = 	snop  }
0x90: {  	(tm) =	ssettm $0x1  }
0x91: {  	s17 =	sld [smem:$0x3FFB];
	_ =	sdelay $0x3  }
0x92: {  	_ =	strace s17  }
0x93: {  	s2 =	sld [smem:$0x3FFC];
	_ =	sdelay $0x3  }
0x94: {  	_ =	strace s2  }
0x95: {  	s2 =	sld [smem:$0x3FFD];
	_ =	sdelay $0x3  }
0x96: {  	_ =	strace s2  }
0x97: {  	_ =	strace $0x8FFFFFFF  }
0x98: {  	s18 =	sld [smem:$0x3FDB];
	_ =	sdelay $0x1  }
0x99: {  	s19 =	simm.s32 $_scs_section_size  }
0x9a: {  	s4 =	simm.s32 $_size__tile_overlayer_lowered;
	s5 =	simm.s32 $_tile_overlayer_lowered  }
0x9b: {  	s22 =	simm.s32 $0x1BFF;
	s21 =	sshll.u32 s5, $0x1;
	s2 =	sadd.s32 s19, s18  }
0x9c: {  	s6 =	simm.s32 $0x0;
	s20 =	sshll.u32 s4, $0x1;
	s4 =	sadd.s32 s21, s2  }
0x9d: {  	[timem:s6], [sflag:s22] =	dma.local [hbm:s4], s20  }
0x9e: {  	_ =	swait.ge [sflag:s22], s20  }
0x9f: {  	s3 =	ssub.s32 $0x0, s20;
	[sflag:s22] =	ssyncset.done $0x0  }
0xa0: {  	[sflag:s22] =	ssyncadd.s32 s3;
	_ =	sdelay $0x1  }
0xa1: {  	s23 =	simm.s32 $0x1B8B  }
0xa2: {  	_ =	swait.ge [sflag:s23], $0x1  }
0xa3: {  	[sflag:s23] =	ssyncset.done $0x0  }
0xa4: {  	s25 =	simm.s32 $0x1B8E;
	s24 =	sld [smem:$0x3FFE];
	[sflag:s23] =	ssyncadd.s32 $0xFFFFFFFF  }
0xa5: {  	s26 =	simm.s32 $execute0_lowered;
	[smem:$0x3FD2] =	sst s25  }
0xa6: {  	s4 =	sshll.u32 s26, $0x1;
	_ =	strace $0x80000046;
	[dreg:$0x1] =	wrdreg $0xFFFFFFFF  }
0xa7: {  	s28 =	simm.s32 $_size_execute0_lowered;
	s2 =	sadd.s32 s2, s4;
	[dreg:$0x0] =	wrdreg $0x0  }
0xa8: {  	s4 =	sshll.u32 s28, $0x1;
	[dreg:$0x2] =	wrdreg s2  }
0xa9: {  	[dreg:$0x3] =	wrdreg s4  }
0xaa: {  	[dreg:$0x4] =	wrdreg $0xC0  }
0xab: {  	_ =	task [dreg:s6], $0x5FFFF  }
0xac: {  	[dreg:$0x1] =	wrdreg $0xFFFFFFFF  }
0xad: {  	[dreg:$0x0] =	wrdreg $0x60  }
0xae: {  	[dreg:$0x2] =	wrdreg s24  }
0xaf: {  	[dreg:$0x3] =	wrdreg $0x9  }
0xb0: {  	_ =	task.clear_ibuf [dreg:s6], $0x4FFFF;
	_ =	strace $0x90000046  }
0xb1: {  	s29 =	simm.s32 $0x9;
	_ =	strace $0x80000048  }
0xb2: {  	_ =	swait.ge [sflag:s29], $0x1  }
0xb3: {  	[sflag:s29] =	ssyncadd.s32 $0xFFFFFFFF  }
0xb4: {  	_ =	strace $0x90000048  }
0xb5: {  	_ =	sfence  }
0xb6: {  	s30 =	sld [smem:$0x0];
	_ =	sdelay $0x2  }
0xb7: {  	s31 =	sshll.u32 s1, $0xD;
	s1 =	sshrl.u32 s1, $0x2  }
0xb8: {  	s3 =	sand.u32 $0x4000, s31;
	s1 =	sadd.s32 s1, s30  }
0xb9: {  	s0 =	sor.u32 s3, s0;
	s1 =	sshll.u32 s1, $0x11  }
0xba: {  	s0 =	sor.u32 s1, s0  }
0xbb: {  	s0 =	sadd.s32 $0x8F2B, s0  }
0xbc: {  	[sflag:s0] =	ssyncadd.remote.s32 $0x1  }
0xbd: {  	_ =	sfence.sel $0xFFFF  }
0xbe: {  	[dreg:$0x0] =	wrdreg $0xFFFFFFFF;
	(pc) =	sbr.abs _section_cstart, $3  }
0xbf: {  	[dreg:$0x1] =	wrdreg $0xFFFFFFFF  }
0xc0: {  	_ =	task.clear_ibuf [dreg:s6], $0x2FFFF;
	_ =	strace $0x9FFFFFFF  }
0xc1: {  	(tm) =	ssettm $0x7FFFFFFF  }
tec
execute0_lowered:
.L_overlay_start_1:
0x0: {  	(tag) =	ssettag $0x1  }
0x1: {  	s2 =	rddreg [dreg:$0x0]  }
0x2: {  	s0 =	rddreg [dreg:$0x1]  }
0x3: {  	s1 =	srdreg.scid;
	_ =	strace $0x80000047;
	s4 =	simm.s32 $0x1  }
0x4: {  	s9 =	simm.s32 $0x3;
	s11 =	simm.s32 $0x0;
	s5 =	sshll.u32 s1, $0x4  }
.Ltmp0:
0x5: {  	s1 =	stileid.u32;
	s5 =	sand.u32 $0x10, s5;
	(pc) =	sbr.rel .LBB2_1-.Ltmp0, $4  }
0x6: {  	p0 =	por $0x0, $0x0;
	s3 =	sadd.s32 $0x41200, s2;
	s6 =	sor.u32 s1, s5  }
0x7: {  	[sflag:s4] =	ssyncpa.u1 $0x0;
	s5 =	simm.s32 $0x2;
	s6 =	sshll.u32 s6, $0x9  }
0x8: {  	s7 =	sadd.s32 $0x41A00, s2;
	[sflag:s5] =	ssyncpa.u1 $0x0;
	s8 =	sadd.s32 $0x200, s6  }
0x9: {  	vm0 =	vmmov $0xff;
	vm1 =	vcmask $0x3F20;
	[sflag:s9] =	ssyncpa.u1 $0x0;
	s10 =	smov.u32 s6;
	s9 =	simm.s32 $0x0  }
.LBB2_7:
0xa: {  	p1 =	slt.u32 s9, $0x2;
	s11 =	sadd.s32 $0x100, s10  }
0xb: {  	s13 =	smov.u32 s6;
	s9 =	sadd.s32 $0x1, s9;
	p2 =	slt.s32 s11, s8  }
0xc: {  	s13 =	smov.u32 @p2 s11;
	p2 =	sne.s32 s9, $0x4  }
.Ltmp1:
0xd: {  	_ = 	snop;
	(pc) =	sbr.rel @!p2 .LBB2_8-.Ltmp1, $4  }
0xe: {  	s12 =	simm.s32 @!p1 $0x3  }
0xf: {  	_ =	swait.ge @!p1 [sflag:s12], $0x8000  }
0x10: {  	p0 =	por !p0, !p0;
	[sflag:s12] =	ssyncset.done @!p1 $0x0  }
0x11: {  	s11 =	smov.u32 s10;
	s10 =	smov.u32 s13;
	[sflag:s12] =	ssyncadd.s32 @!p1 $0xFFFF8000  }
.LBB2_1:
0x12: {  	p1 =	sgt.u32 s9, $0x1  }
0x13: {  	s12 =	sshll.u32 @!p1 s9, $0x8;
	s13 =	sshrl.u32 @!p1 s10, $0x3  }
0x14: {  	s14 =	sand.u32 @!p1 $0x7, s10;
	s12 =	sxor.u32 @!p1 $0x100, s12;
	s13 =	sadd.s32 @!p1 s3, s13  }
0x15: {  	[tilespmem:s12], [sflag:$0x2] =	stream.linear.gather @!p1 [hbm4b:s13+s14], $0x100, $0x38;
	[tilespmem:$0x10200] =	vst v63  }
0x16: {  	p1 =	seq.s32 s9, $0x0  }
0x17: {  	p2 =	seq.s32 @!p1 s9, $0x3  }
0x18: {  	p1 =	por p1, p2  }
.Ltmp2:
0x19: {  	_ = 	snop;
	(pc) =	sbr.rel @p1 .LBB2_7-.Ltmp2, $1  }
0x1a: {  	_ =	sdelay $0x3  }
0x1b: {  	s12 =	simm.s32 $0x1  }
0x1c: {  	_ =	swait.ge [sflag:s5], $0x100;
	s12 =	simm.s32 @!p0 $0x0  }
0x1d: {  	[sflag:s5] =	ssyncset.done $0x0;
	s14 =	sshll.u32 s12, $0x8  }
0x1e: {  	[sflag:s5] =	ssyncadd.s32 $0xFFFFFF00;
	s13 =	sadd.s32 $0x0, s14  }
0x1f: {  	v0 =	vld.msk [tilespmem:s13+$0x0 ss:$0x1], $0xffff;
	_ =	sdelay $0x4  }
0x20: {  	v1 =	vshll.u32 v0, $0x4  }
0x21: {  	vm2 =	veq.s32 v0, $0x80000000;
	v0 =	vshll.u32 v0, $0x12;
	v1 =	vand.u32 $0x3FF80, v1  }
0x22: {  	v0 =	vand.u32 $0x1C0000, v0;
	v1 =	vsel vm2, $0xFFFFFF80, v1  }
0x23: {  	v0 =	vsel vm2, $0xFFFC0000, v0;
	v2 =	vand.u32 $0xFFFFFC00, v1  }
0x24: {  	v1 =	vand.u32 $0x380, v1;
	v0 =	vadd.s32 v0, v2  }
0x25: {  	v0 =	vor.u32 v1, v0  }
0x26: {  	v0 =	vshrl.u32 v0, $0x3;
	_ =	sdelay $0x2  }
0x27: {  	s12 =	sshll.u32 s12, $0xF  }
0x28: {  	s12 =	sor.u32 $0x200, s12  }
0x29: {  	[tilespmem:s12], [sflag:$0x1] =	stream.indirect_vreg.gather [hbm:s2], $0x80, v0, vm0, $0x38;
	[tilespmem:$0x10200] =	vst v63  }
0x2a: {  	s15 =	sadd.s32 $0x10, s14;
	s13 =	sadd.s32 $0x400, s12  }
0x2b: {  	[tilespmem:s13], [sflag:$0x1] =	stream.indirect_vreg.gather [hbm:s2], $0x80, v0, vm1, $0x38;
	[tilespmem:$0x10200] =	vst v63  }
0x2c: {  	s16 =	simm.s32 $0x80;
	v0 =	vld.msk [tilespmem:s15+$0x0 ss:$0x1], $0xffff;
	s15 =	smov.u32 s12  }
.LBB2_3:
0x2d: {  	p1 =	sne.s32 s16, $0x3C0;
	_ =	sdelay $0x4  }
0x2e: {  	v1 =	vshll.u32 v0, $0x4  }
0x2f: {  	vm2 =	veq.s32 v0, $0x80000000;
	v0 =	vshll.u32 v0, $0x12;
	v1 =	vand.u32 $0x3FF80, v1  }
0x30: {  	v0 =	vand.u32 $0x1C0000, v0;
	v1 =	vsel vm2, $0xFFFFFF80, v1  }
0x31: {  	v0 =	vsel vm2, $0xFFFC0000, v0;
	v2 =	vand.u32 $0xFFFFFC00, v1  }
0x32: {  	v1 =	vand.u32 $0x380, v1;
	v0 =	vadd.s32 v0, v2  }
0x33: {  	v0 =	vor.u32 v1, v0  }
0x34: {  	v0 =	vshrl.u32 v0, $0x3;
	_ =	sdelay $0x3  }
.Ltmp3:
0x35: {  	s17 =	sshra.s32 s16, $0x2;
	s15 =	sadd.s32 $0x800, s15;
	(pc) =	sbr.rel @p1 .LBB2_3-.Ltmp3, $4  }
0x36: {  	[tilespmem:s15], [sflag:$0x1] =	stream.indirect_vreg.gather [hbm:s2], $0x80, v0, vm0, $0x38;
	[tilespmem:$0x10200] =	vst v63  }
0x37: {  	s17 =	sadd.s32 s17, s14;
	s18 =	sadd.s32 $0x400, s15  }
0x38: {  	[tilespmem:s18], [sflag:$0x1] =	stream.indirect_vreg.gather [hbm:s2], $0x80, v0, vm1, $0x38;
	[tilespmem:$0x10200] =	vst v63  }
0x39: {  	s16 =	sadd.s32 $0x40, s16;
	v0 =	vld.msk [tilespmem:s17+$0x0 ss:$0x1], $0xffff  }
0x3a: {  	_ =	sdelay $0x3  }
0x3b: {  	v1 =	vshll.u32 v0, $0x4  }
0x3c: {  	vm2 =	veq.s32 v0, $0x80000000;
	v63 =	vshll.u32 v0, $0x12;
	v1 =	vand.u32 $0x3FF80, v1  }
0x3d: {  	v0 =	vand.u32 $0x1C0000, v63;
	v1 =	vsel vm2, $0xFFFFFF80, v1  }
0x3e: {  	v0 =	vsel vm2, $0xFFFC0000, v0;
	v2 =	vand.u32 $0xFFFFFC00, v1  }
0x3f: {  	v1 =	vand.u32 $0x380, v1;
	v0 =	vadd.s32 v0, v2  }
0x40: {  	v0 =	vor.u32 v1, v0  }
0x41: {  	v0 =	vshrl.u32 v0, $0x3;
	_ =	sdelay $0x3  }
0x42: {  	s14 =	sadd.s32 $0x800, s15  }
0x43: {  	[tilespmem:s14], [sflag:$0x1] =	stream.indirect_vreg.gather [hbm:s2], $0x80, v0, vm0, $0x38;
	[tilespmem:$0x10200] =	vst v63  }
0x44: {  	s14 =	sadd.s32 $0x400, s14  }
0x45: {  	[tilespmem:s14], [sflag:$0x1] =	stream.indirect_vreg.gather [hbm:s2], $0x80, v0, vm1, $0x38;
	[tilespmem:$0x10200] =	vst v63  }
0x46: {  	s11 =	sshll.u32 s11, $0x4;
	_ =	swait.ge [sflag:s4], $0x8000  }
0x47: {  	s11 =	sadd.s32 s11, s7;
	[sflag:s4] =	ssyncset.done $0x0  }
0x48: {  	s15 =	sadd.s32 $0x0, s11;
	s14 =	simm.s32 $0x80;
	[sflag:s4] =	ssyncadd.s32 $0xFFFF8000  }
.LBB2_5:
0x49: {  	[hbm:s15] =	stream.linear.scatter [tilespmem:s12], [sflag:$0x3], $0x400, $0x38;
	[tilespmem:$0x10200] =	vst v63  }
0x4a: {  	s15 =	smov.u32 s14;
	s12 =	smov.u32 s13;
	p1 =	sne.s32 s14, $0xF80  }
.Ltmp4:
0x4b: {  	s14 =	sadd.s32 $0x80, s14;
	(pc) =	sbr.rel @p1 .LBB2_5-.Ltmp4, $2  }
0x4c: {  	_ =	sdelay $0x2  }
0x4d: {  	s13 =	sadd.s32 $0x400, s13;
	s15 =	sadd.s32 s15, s11  }
.Ltmp5:
0x4e: {  	(pc) =	sbr.rel .LBB2_7-.Ltmp5, $2  }
0x4f: {  	_ =	sdelay $0x2  }
0x50: {  	[hbm:s15] =	stream.linear.scatter [tilespmem:s12], [sflag:$0x3], $0x400, $0x38;
	[tilespmem:$0x10200] =	vst v63  }
.LBB2_8:
0x51: {  	_ =	sfence.sel $0x180000  }
0x52: {  	s2 =	simm.s32 $0x2;
	[bflag:$0x0] =	sbarrier.arrive $0xFFFF  }
0x53: {  	s30 =	simm.s32 $0x3;
	[sflag:s2] =	ssyncpa.u1 $0x1  }
0x54: {  	s31 =	simm.s32 $0x1;
	[sflag:s30] =	ssyncpa.u1 $0x1  }
0x55: {  	[sflag:s31] =	ssyncpa.u1 $0x1  }
0x56: {  	p0 =	sne.s32 s1, $0x0;
	_ =	strace $0x90000047  }
0x57: {  	s0 =	sadd.s32 @!p0 $0x100000, s0;
	[bflag:$0x2] =	sbarrier.arrive $0xFFFF  }
0x58: {  	[sflag:s0] =	ssyncadd.tile.s32 @!p0 $0x1;
	_ =	shalt  }
.Lfunc_end2:
_tile_overlayer_lowered:
.L_overlay_start_2:
0x59: {  	(tag) =	ssettag $0x2  }
0x5a: {  	s0 =	rddreg [dreg:$0x0];
	s2 =	stileid.u32  }
0x5b: {  	s1 =	rddreg [dreg:$0x1];
	p0 =	sne.s32 s2, $0x0  }
0x5c: {  	s3 =	rddreg [dreg:$0x2];
	[bflag:$0x3] =	sbarrier.arrive $0xFFFF;
	s2 =	simm.s32 @!p0 $0x1C01  }
0x5d: {  	[timem:s3], [sflag:s2] =	dma.local @!p0 [hbm:s0], s1  }
0x5e: {  	s0 =	simm.s32 @!p0 $0x1  }
0x5f: {  	_ =	swait.ge @!p0 [sflag:s0], s1  }
0x60: {  	s1 =	ssub.s32 @!p0 $0x0, s1;
	[sflag:s0] =	ssyncset.done @!p0 $0x0  }
0x61: {  	[sflag:s0] =	ssyncadd.s32 @!p0 s1  }
0x62: {  	[bflag:$0x3] =	sbarrier.arrive $0xFFFF  }
0x63: {  	_ =	shalt  }

</sc_bundles>
